<compile_context>
chip_gen: v7x
topology: tpu7x:2x2x1
jax: 0.10.2.dev20260603
libtpu: 0.0.44.dev20260713+nightly
codegen_flags: <defaults>
</compile_context>

<pallas_src>
import functools

import jax
import jax.numpy as jnp
from jax import lax
from jax.experimental import pallas as pl
from jax.experimental.pallas import tpu as pltpu
from jax.experimental.pallas import tpu_sc as plsc

N = 10000
E = 320000
D = 128
H = 128
C = 64
F = 128

NC = 2
NS = 16
NW = NC * NS
CHUNK = 96
NCHUNK = 112
NBUF = 3
GROUP = 16
E_PAD = NW * NCHUNK * CHUNK
RPT = 632
NROW = NS * RPT


def _sc_agg_body(h_hbm, src_hbm, dst_hbm, z_hbm, agg_hbm,
                 src_g, dst_v, rows0, rows1, rows2,
                 acc, sem0, sem1, sem2):
    cid = lax.axis_index("c")
    sid = lax.axis_index("s")
    wid = sid * NC + cid
    rows = (rows0, rows1, rows2)
    sems = (sem0, sem1, sem2)

    pltpu.sync_copy(z_hbm, acc.at[pl.ds(sid * RPT, RPT)])

    plsc.subcore_barrier()

    def gather(idx, b):
        return pltpu.make_async_copy(h_hbm.at[idx], rows[b], sems[b])

    def group(i, carry):
        c0 = i * GROUP
        pltpu.sync_copy(src_hbm.at[wid, pl.ds(c0, GROUP)], src_g)
        pltpu.sync_copy(dst_hbm.at[wid, pl.ds(c0, GROUP)], dst_v)
        for b in range(NBUF):
            gather(src_g.at[b], b).start()
        for k in range(GROUP):
            gather(src_g.at[k], k % NBUF).wait()
            pltpu.sync_copy(rows[k % NBUF], acc.at[dst_v.at[k]], add=True)
            if k < GROUP - NBUF:
                gather(src_g.at[k + NBUF], k % NBUF).start()
        return carry

    lax.fori_loop(0, NCHUNK // GROUP, group, 0)

    plsc.subcore_barrier()

    pltpu.sync_copy(acc.at[pl.ds(sid * RPT, RPT)],
                    agg_hbm.at[cid, pl.ds(sid * RPT, RPT)])


_sc_agg = pl.kernel(
    _sc_agg_body,
    out_type=[jax.ShapeDtypeStruct((NC, NROW, F), jnp.float32)],
    mesh=plsc.VectorSubcoreMesh(core_axis_name="c", subcore_axis_name="s"),
    scratch_types=[
        pltpu.VMEM((GROUP, CHUNK), jnp.int32),
        pltpu.VMEM((GROUP, CHUNK), jnp.int32),
        pltpu.VMEM((CHUNK, F), jnp.float32),
        pltpu.VMEM((CHUNK, F), jnp.float32),
        pltpu.VMEM((CHUNK, F), jnp.float32),
        pltpu.VMEM_SHARED((NROW, F), jnp.float32),
        pltpu.SemaphoreType.DMA,
        pltpu.SemaphoreType.DMA,
        pltpu.SemaphoreType.DMA,
    ],
)


DW = 128


def _sc_deg_body(ones_hbm, dst_hbm, z8_hbm, deg_hbm,
                 ones_v, dst_v, acc2):
    cid = lax.axis_index("c")
    sid = lax.axis_index("s")
    wid = sid * NC + cid

    pltpu.sync_copy(z8_hbm, acc2.at[pl.ds(sid * RPT, RPT)])
    pltpu.sync_copy(ones_hbm, ones_v)
    pltpu.sync_copy(dst_hbm.at[wid], dst_v)

    plsc.subcore_barrier()

    def chunk(c, carry):
        pltpu.sync_copy(ones_v, acc2.at[dst_v.at[c]], add=True)
        return carry

    lax.fori_loop(0, NCHUNK, chunk, 0)

    plsc.subcore_barrier()

    pltpu.sync_copy(acc2.at[pl.ds(sid * RPT, RPT)],
                    deg_hbm.at[cid, pl.ds(sid * RPT, RPT)])


_sc_deg = pl.kernel(
    _sc_deg_body,
    out_type=[jax.ShapeDtypeStruct((NC, NROW, DW), jnp.float32)],
    mesh=plsc.VectorSubcoreMesh(core_axis_name="c", subcore_axis_name="s"),
    scratch_types=[
        pltpu.VMEM((CHUNK, DW), jnp.float32),
        pltpu.VMEM((NCHUNK, CHUNK), jnp.int32),
        pltpu.VMEM_SHARED((NROW, DW), jnp.float32),
    ],
)


def _tc1_body(aggp, degp, x, wl, wr, b, g, be, out, dinv_out):
    agg = aggp[0, :N] + aggp[1, :N]
    deg = degp[0, :N, 0:1] + degp[1, :N, 0:1]
    dinv = 1.0 / jnp.maximum(deg, 1.0)
    h = (jnp.dot(agg * dinv, wl[...], preferred_element_type=jnp.float32)
         + jnp.dot(x[...], wr[...], preferred_element_type=jnp.float32)
         + b[...])
    m = jnp.mean(h, axis=0)
    v = jnp.mean((h - m) ** 2, axis=0)
    hn = (h - m) * lax.rsqrt(v + 1e-5) * g[...] + be[...]
    out[...] = jnp.maximum(hn, 0.0)
    dinv_out[...] = dinv


def _tc2_body(aggp, dinv, h1, wl, wr, b, g, be, wl2, wr2, b2, p2, r2):
    agg = (aggp[0, :N] + aggp[1, :N]) * dinv[...]
    h = (jnp.dot(agg, wl[...], preferred_element_type=jnp.float32)
         + jnp.dot(h1[...], wr[...], preferred_element_type=jnp.float32)
         + b[...])
    m = jnp.mean(h, axis=0)
    v = jnp.mean((h - m) ** 2, axis=0)
    hn = (h - m) * lax.rsqrt(v + 1e-5) * g[...] + be[...]
    h2 = jnp.maximum(hn, 0.0)
    p2[...] = jnp.dot(h2, wl2[...], preferred_element_type=jnp.float32)
    r2[...] = jnp.dot(h2, wr2[...], preferred_element_type=jnp.float32) + b2[...]


def _tc3_body(aggp, dinv, r2, out):
    z = (aggp[0, :N, :C] + aggp[1, :N, :C]) * dinv[...] + r2[...]
    m = jnp.max(z, axis=1, keepdims=True)
    e = jnp.exp(z - m)
    s = jnp.sum(e, axis=1, keepdims=True)
    out[...] = z - m - jnp.log(s)


def kernel(x, edge_index, W_l0, W_r0, b0, g0, be0,
           W_l1, W_r1, b1, g1, be1, W_l2, W_r2, b2):
    src = edge_index[0]
    dst = edge_index[1]
    pad = E_PAD - E
    pad_i = jnp.arange(pad, dtype=jnp.int32)
    src_p = jnp.concatenate([src, pad_i % N])
    dst_p = jnp.concatenate([dst, N + pad_i % (NROW - N)])
    src_r = src_p.reshape(NW, NCHUNK, CHUNK)
    dst_r = dst_p.reshape(NW, NCHUNK, CHUNK)
    z = jnp.zeros((RPT, F), jnp.float32)
    wl2p = jnp.concatenate([W_l2, jnp.zeros((H, F - C), jnp.float32)], axis=1)

    b0r, g0r, be0r = b0[None, :], g0[None, :], be0[None, :]
    b1r, g1r, be1r = b1[None, :], g1[None, :], be1[None, :]
    b2r = b2[None, :]

    z8 = jnp.zeros((RPT, DW), jnp.float32)
    ones8 = jnp.ones((CHUNK, DW), jnp.float32)
    degp, = _sc_deg(ones8, dst_r, z8)
    aggp0, = _sc_agg(x, src_r, dst_r, z)

    h1, dinv = pl.pallas_call(
        _tc1_body,
        out_shape=(jax.ShapeDtypeStruct((N, H), jnp.float32),
                   jax.ShapeDtypeStruct((N, 1), jnp.float32)),
    )(aggp0, degp, x, W_l0, W_r0, b0r, g0r, be0r)

    aggp1, = _sc_agg(h1, src_r, dst_r, z)

    p2, r2 = pl.pallas_call(
        _tc2_body,
        out_shape=(jax.ShapeDtypeStruct((N, F), jnp.float32),
                   jax.ShapeDtypeStruct((N, C), jnp.float32)),
    )(aggp1, dinv, h1, W_l1, W_r1, b1r, g1r, be1r, wl2p, W_r2, b2r)

    aggp2, = _sc_agg(p2, src_r, dst_r, z)

    out = pl.pallas_call(
        _tc3_body,
        out_shape=jax.ShapeDtypeStruct((N, C), jnp.float32),
    )(aggp2, dinv, r2)

    return out

# --- scband reference (transcript-rebuilt; emitter-appended) ---
"""Pipeline reference for scband-cluster-gcn-87926570483779 (READ-ONLY COPY).

The authoritative reference and input builder live on the scoring server;
editing this copy changes nothing except your own understanding.
"""

import jax, jax.numpy as jnp
import numpy as np

N = 10000
E = 320000
D = 128
H = 128
C = 64


def setup_inputs(seed: int = 0) -> dict:
    key = jax.random.key(seed)
    ks = jax.random.split(key, 16)
    x = jax.random.normal(ks[0], (N, D), dtype=jnp.float32)
    edge_index = jax.random.randint(ks[1], (2, E), 0, N, dtype=jnp.int32)
    s_d = 1.0 / np.sqrt(D)
    s_h = 1.0 / np.sqrt(H)
    return {
        "x": x,
        "edge_index": edge_index,
        "W_l0": jax.random.normal(ks[2], (D, H), dtype=jnp.float32) * s_d,
        "W_r0": jax.random.normal(ks[3], (D, H), dtype=jnp.float32) * s_d,
        "b0": jnp.zeros((H,), dtype=jnp.float32),
        "g0": jnp.ones((H,), dtype=jnp.float32),
        "be0": jnp.zeros((H,), dtype=jnp.float32),
        "W_l1": jax.random.normal(ks[4], (H, H), dtype=jnp.float32) * s_h,
        "W_r1": jax.random.normal(ks[5], (H, H), dtype=jnp.float32) * s_h,
        "b1": jnp.zeros((H,), dtype=jnp.float32),
        "g1": jnp.ones((H,), dtype=jnp.float32),
        "be1": jnp.zeros((H,), dtype=jnp.float32),
        "W_l2": jax.random.normal(ks[6], (H, C), dtype=jnp.float32) * s_h,
        "W_r2": jax.random.normal(ks[7], (H, C), dtype=jnp.float32) * s_h,
        "b2": jnp.zeros((C,), dtype=jnp.float32),
    }


def _bn(h, g, b, eps=1e-5):
    m = h.mean(axis=0)
    v = h.var(axis=0)
    return (h - m) / jnp.sqrt(v + eps) * g + b


def _sage(h, src, dst, Wl, Wr, b):
    # mean aggregation of source-node features into destination nodes
    agg = jax.ops.segment_sum(h[src], dst, num_segments=N)
    deg = jax.ops.segment_sum(jnp.ones((src.shape[0],), h.dtype), dst, num_segments=N)
    agg = agg / jnp.clip(deg, 1.0)[:, None]
    return agg @ Wl + h @ Wr + b


def reference(x, edge_index, W_l0, W_r0, b0, g0, be0, W_l1, W_r1, b1, g1, be1, W_l2, W_r2, b2):
    src = edge_index[0]
    dst = edge_index[1]
    h = _sage(x, src, dst, W_l0, W_r0, b0)
    h = _bn(h, g0, be0)
    h = jax.nn.relu(h)
    # dropout treated as identity (eval-mode deterministic reference)
    h = _sage(h, src, dst, W_l1, W_r1, b1)
    h = _bn(h, g1, be1)
    h = jax.nn.relu(h)
    h = _sage(h, src, dst, W_l2, W_r2, b2)
    return jax.nn.log_softmax(h, axis=-1)

if __name__ == "__main__":
    import jax
    _d = setup_inputs()
    print(jax.jit(kernel)(*tuple(_d.values())))

</pallas_src>

<mosaic_0001>
#map = affine_map<(d0, d1) -> (0, 0)>
#map1 = affine_map<(d0, d1) -> (0, 0, 0)>
module attributes {stable_mosaic.version = 14 : i64} {
  func.func @_sc_agg_body(%arg0: i32, %arg1: i32, %arg2: memref<10000x128xf32, #tpu.memory_space<hbm>>, %arg3: memref<32x112x96xi32, #tpu.memory_space<hbm>>, %arg4: memref<32x112x96xi32, #tpu.memory_space<hbm>>, %arg5: memref<632x128xf32, #tpu.memory_space<hbm>>, %arg6: memref<2x10112x128xf32, #tpu.memory_space<hbm>>, %arg7: memref<16x96xi32, #tpu.memory_space<vmem>>, %arg8: memref<16x96xi32, #tpu.memory_space<vmem>>, %arg9: memref<96x128xf32, #tpu.memory_space<vmem>>, %arg10: memref<96x128xf32, #tpu.memory_space<vmem>>, %arg11: memref<96x128xf32, #tpu.memory_space<vmem>>, %arg12: memref<10112x128xf32, #tpu.memory_space<vmem_shared>>, %arg13: memref<!tpu.dma_semaphore, #tpu.memory_space<semaphore_mem>>, %arg14: memref<!tpu.dma_semaphore, #tpu.memory_space<semaphore_mem>>, %arg15: memref<!tpu.dma_semaphore, #tpu.memory_space<semaphore_mem>>) attributes {dimension_semantics = [#tpu.dimension_semantics<core_parallel>, #tpu.dimension_semantics<subcore_parallel>], iteration_bounds = array<i64: 2, 16>, scalar_prefetch = 0 : i64, scratch_operands = 9 : i64, tpu.core_type = #tpu.core_type<sc_vector_subcore>, window_params = [{transform_indices = #map}, {transform_indices = #map1}, {transform_indices = #map1}, {transform_indices = #map}, {transform_indices = #map1}]} {
    %mul3A = arith.constant 2 : i32
    %mul3A_0 = arith.muli %arg1, %mul3A : i32
    %add3A = arith.addi %mul3A_0, %arg0 : i32
    %mul3A_1 = arith.constant 632 : i32
    %mul3A_2 = arith.muli %arg1, %mul3A_1 : i32
    "tpu.region"() ({
      %run_scoped3A = tpu.sem_alloc : memref<!tpu.dma_semaphore, #tpu.memory_space<semaphore_mem>>
      %dma_start3A = arith.constant 0 : i32
      %dma_start3A_13 = tpu.memref_slice %arg12[%mul3A_2, %dma_start3A] : memref<10112x128xf32, #tpu.memory_space<vmem_shared>> -> memref<632x128xf32, #tpu.memory_space<vmem_shared>>
      tpu.enqueue_dma source(%arg5 : memref<632x128xf32, #tpu.memory_space<hbm>>) target(%dma_start3A_13 : memref<632x128xf32, #tpu.memory_space<vmem_shared>>) target_semaphore(%run_scoped3A : memref<!tpu.dma_semaphore, #tpu.memory_space<semaphore_mem>>)
      %dma_wait3A = arith.constant 0 : i32
      %dma_wait3A_14 = tpu.memref_slice %arg12[%mul3A_2, %dma_wait3A] : memref<10112x128xf32, #tpu.memory_space<vmem_shared>> -> memref<632x128xf32, #tpu.memory_space<vmem_shared>>
      tpu.wait_dma2 semaphore(%run_scoped3A : memref<!tpu.dma_semaphore, #tpu.memory_space<semaphore_mem>>) src(%arg5 : memref<632x128xf32, #tpu.memory_space<hbm>>) dst(%dma_wait3A_14 : memref<632x128xf32, #tpu.memory_space<vmem_shared>>)
      tpu.yield
    }) : () -> ()
    %barrier3A = arith.constant 0 : index
    tpu.barrier barrier_id(%barrier3A)
    %scan3A = arith.constant 0 : i32
    %scan3A_3 = arith.constant 0 : i32
    %scan3A_4 = arith.constant 7 : i32
    %scan3A_5 = arith.addi %scan3A_3, %scan3A_4 : i32
    %scan3A_6 = arith.constant 1 : i32
    scf.for %scan3A_13 = %scan3A_3 to %scan3A_5 step %scan3A_6  : i32 {
      %mul3A_14 = arith.constant 16 : i32
      %mul3A_15 = arith.muli %scan3A_13, %mul3A_14 : i32
      "tpu.region"() ({
        %run_scoped3A_253 = tpu.sem_alloc : memref<!tpu.dma_semaphore, #tpu.memory_space<semaphore_mem>>
        %dma_start3A_254 = arith.constant 0 : i32
        %dma_start3A_255 = tpu.memref_slice %arg3[%add3A, %mul3A_15, %dma_start3A_254] : memref<32x112x96xi32, #tpu.memory_space<hbm>> -> memref<1x16x96xi32, #tpu.memory_space<hbm>>
        %dma_start3A_256 = tpu.memref_squeeze %dma_start3A_255 : memref<1x16x96xi32, #tpu.memory_space<hbm>> -> memref<16x96xi32, #tpu.memory_space<hbm>>
        %dma_start3A_257 = arith.constant 0 : i32
        %dma_start3A_258 = tpu.memref_slice %arg3[%add3A, %mul3A_15, %dma_start3A_257] : memref<32x112x96xi32, #tpu.memory_space<hbm>> -> memref<1x16x96xi32, #tpu.memory_space<hbm>>
        %dma_start3A_259 = tpu.memref_squeeze %dma_start3A_258 : memref<1x16x96xi32, #tpu.memory_space<hbm>> -> memref<16x96xi32, #tpu.memory_space<hbm>>
        tpu.enqueue_dma source(%dma_start3A_259 : memref<16x96xi32, #tpu.memory_space<hbm>>) target(%arg7 : memref<16x96xi32, #tpu.memory_space<vmem>>) target_semaphore(%run_scoped3A_253 : memref<!tpu.dma_semaphore, #tpu.memory_space<semaphore_mem>>)
        %dma_wait3A_260 = arith.constant 0 : i32
        %dma_wait3A_261 = tpu.memref_slice %arg3[%add3A, %mul3A_15, %dma_wait3A_260] : memref<32x112x96xi32, #tpu.memory_space<hbm>> -> memref<1x16x96xi32, #tpu.memory_space<hbm>>
        %dma_wait3A_262 = tpu.memref_squeeze %dma_wait3A_261 : memref<1x16x96xi32, #tpu.memory_space<hbm>> -> memref<16x96xi32, #tpu.memory_space<hbm>>
        %dma_wait3A_263 = arith.constant 0 : i32
        %dma_wait3A_264 = tpu.memref_slice %arg3[%add3A, %mul3A_15, %dma_wait3A_263] : memref<32x112x96xi32, #tpu.memory_space<hbm>> -> memref<1x16x96xi32, #tpu.memory_space<hbm>>
        %dma_wait3A_265 = tpu.memref_squeeze %dma_wait3A_264 : memref<1x16x96xi32, #tpu.memory_space<hbm>> -> memref<16x96xi32, #tpu.memory_space<hbm>>
        tpu.wait_dma2 semaphore(%run_scoped3A_253 : memref<!tpu.dma_semaphore, #tpu.memory_space<semaphore_mem>>) src(%dma_wait3A_265 : memref<16x96xi32, #tpu.memory_space<hbm>>) dst(%arg7 : memref<16x96xi32, #tpu.memory_space<vmem>>)
        tpu.yield
      }) : () -> ()
      "tpu.region"() ({
        %run_scoped3A_253 = tpu.sem_alloc : memref<!tpu.dma_semaphore, #tpu.memory_space<semaphore_mem>>
        %dma_start3A_254 = arith.constant 0 : i32
        %dma_start3A_255 = tpu.memref_slice %arg4[%add3A, %mul3A_15, %dma_start3A_254] : memref<32x112x96xi32, #tpu.memory_space<hbm>> -> memref<1x16x96xi32, #tpu.memory_space<hbm>>
        %dma_start3A_256 = tpu.memref_squeeze %dma_start3A_255 : memref<1x16x96xi32, #tpu.memory_space<hbm>> -> memref<16x96xi32, #tpu.memory_space<hbm>>
        %dma_start3A_257 = arith.constant 0 : i32
        %dma_start3A_258 = tpu.memref_slice %arg4[%add3A, %mul3A_15, %dma_start3A_257] : memref<32x112x96xi32, #tpu.memory_space<hbm>> -> memref<1x16x96xi32, #tpu.memory_space<hbm>>
        %dma_start3A_259 = tpu.memref_squeeze %dma_start3A_258 : memref<1x16x96xi32, #tpu.memory_space<hbm>> -> memref<16x96xi32, #tpu.memory_space<hbm>>
        tpu.enqueue_dma source(%dma_start3A_259 : memref<16x96xi32, #tpu.memory_space<hbm>>) target(%arg8 : memref<16x96xi32, #tpu.memory_space<vmem>>) target_semaphore(%run_scoped3A_253 : memref<!tpu.dma_semaphore, #tpu.memory_space<semaphore_mem>>)
        %dma_wait3A_260 = arith.constant 0 : i32
        %dma_wait3A_261 = tpu.memref_slice %arg4[%add3A, %mul3A_15, %dma_wait3A_260] : memref<32x112x96xi32, #tpu.memory_space<hbm>> -> memref<1x16x96xi32, #tpu.memory_space<hbm>>
        %dma_wait3A_262 = tpu.memref_squeeze %dma_wait3A_261 : memref<1x16x96xi32, #tpu.memory_space<hbm>> -> memref<16x96xi32, #tpu.memory_space<hbm>>
        %dma_wait3A_263 = arith.constant 0 : i32
        %dma_wait3A_264 = tpu.memref_slice %arg4[%add3A, %mul3A_15, %dma_wait3A_263] : memref<32x112x96xi32, #tpu.memory_space<hbm>> -> memref<1x16x96xi32, #tpu.memory_space<hbm>>
        %dma_wait3A_265 = tpu.memref_squeeze %dma_wait3A_264 : memref<1x16x96xi32, #tpu.memory_space<hbm>> -> memref<16x96xi32, #tpu.memory_space<hbm>>
        tpu.wait_dma2 semaphore(%run_scoped3A_253 : memref<!tpu.dma_semaphore, #tpu.memory_space<semaphore_mem>>) src(%dma_wait3A_265 : memref<16x96xi32, #tpu.memory_space<hbm>>) dst(%arg8 : memref<16x96xi32, #tpu.memory_space<vmem>>)
        tpu.yield
      }) : () -> ()
      %dma_start3A = arith.constant 0 : i32
      %dma_start3A_16 = arith.constant 0 : i32
      %dma_start3A_17 = tpu.memref_slice %arg7[%dma_start3A, %dma_start3A_16] : memref<16x96xi32, #tpu.memory_space<vmem>> -> memref<1x96xi32, #tpu.memory_space<vmem>>
      %dma_start3A_18 = tpu.memref_squeeze %dma_start3A_17 : memref<1x96xi32, #tpu.memory_space<vmem>> -> memref<96xi32, #tpu.memory_space<vmem>>
      %dma_start3A_19 = arith.constant 0 : i32
      %dma_start3A_20 = arith.constant 0 : i32
      %dma_start3A_21 = tpu.memref_slice %arg2[%dma_start3A_19, %dma_start3A_20] : memref<10000x128xf32, #tpu.memory_space<hbm>> -> memref<10000x128xf32, #tpu.memory_space<hbm>>
      tpu.enqueue_indirect_dma source(%dma_start3A_21 : memref<10000x128xf32, #tpu.memory_space<hbm>>) target(%arg9 : memref<96x128xf32, #tpu.memory_space<vmem>>) offsets(%dma_start3A_18 : memref<96xi32, #tpu.memory_space<vmem>>) semaphore(%arg13 : memref<!tpu.dma_semaphore, #tpu.memory_space<semaphore_mem>>)
      %dma_start3A_22 = arith.constant 1 : i32
      %dma_start3A_23 = arith.constant 0 : i32
      %dma_start3A_24 = tpu.memref_slice %arg7[%dma_start3A_22, %dma_start3A_23] : memref<16x96xi32, #tpu.memory_space<vmem>> -> memref<1x96xi32, #tpu.memory_space<vmem>>
      %dma_start3A_25 = tpu.memref_squeeze %dma_start3A_24 : memref<1x96xi32, #tpu.memory_space<vmem>> -> memref<96xi32, #tpu.memory_space<vmem>>
      %dma_start3A_26 = arith.constant 0 : i32
      %dma_start3A_27 = arith.constant 0 : i32
      %dma_start3A_28 = tpu.memref_slice %arg2[%dma_start3A_26, %dma_start3A_27] : memref<10000x128xf32, #tpu.memory_space<hbm>> -> memref<10000x128xf32, #tpu.memory_space<hbm>>
      tpu.enqueue_indirect_dma source(%dma_start3A_28 : memref<10000x128xf32, #tpu.memory_space<hbm>>) target(%arg10 : memref<96x128xf32, #tpu.memory_space<vmem>>) offsets(%dma_start3A_25 : memref<96xi32, #tpu.memory_space<vmem>>) semaphore(%arg14 : memref<!tpu.dma_semaphore, #tpu.memory_space<semaphore_mem>>)
      %dma_start3A_29 = arith.constant 2 : i32
      %dma_start3A_30 = arith.constant 0 : i32
      %dma_start3A_31 = tpu.memref_slice %arg7[%dma_start3A_29, %dma_start3A_30] : memref<16x96xi32, #tpu.memory_space<vmem>> -> memref<1x96xi32, #tpu.memory_space<vmem>>
      %dma_start3A_32 = tpu.memref_squeeze %dma_start3A_31 : memref<1x96xi32, #tpu.memory_space<vmem>> -> memref<96xi32, #tpu.memory_space<vmem>>
      %dma_start3A_33 = arith.constant 0 : i32
      %dma_start3A_34 = arith.constant 0 : i32
      %dma_start3A_35 = tpu.memref_slice %arg2[%dma_start3A_33, %dma_start3A_34] : memref<10000x128xf32, #tpu.memory_space<hbm>> -> memref<10000x128xf32, #tpu.memory_space<hbm>>
      tpu.enqueue_indirect_dma source(%dma_start3A_35 : memref<10000x128xf32, #tpu.memory_space<hbm>>) target(%arg11 : memref<96x128xf32, #tpu.memory_space<vmem>>) offsets(%dma_start3A_32 : memref<96xi32, #tpu.memory_space<vmem>>) semaphore(%arg15 : memref<!tpu.dma_semaphore, #tpu.memory_space<semaphore_mem>>)
      %dma_wait3A = arith.constant 0 : i32
      %dma_wait3A_36 = arith.constant 0 : i32
      %dma_wait3A_37 = tpu.memref_slice %arg7[%dma_wait3A, %dma_wait3A_36] : memref<16x96xi32, #tpu.memory_space<vmem>> -> memref<1x96xi32, #tpu.memory_space<vmem>>
      %dma_wait3A_38 = tpu.memref_squeeze %dma_wait3A_37 : memref<1x96xi32, #tpu.memory_space<vmem>> -> memref<96xi32, #tpu.memory_space<vmem>>
      %dma_wait3A_39 = arith.constant 0 : i32
      %dma_wait3A_40 = arith.constant 0 : i32
      %dma_wait3A_41 = tpu.memref_slice %arg2[%dma_wait3A_39, %dma_wait3A_40] : memref<10000x128xf32, #tpu.memory_space<hbm>> -> memref<10000x128xf32, #tpu.memory_space<hbm>>
      tpu.wait_indirect_dma semaphore(%arg13 : memref<!tpu.dma_semaphore, #tpu.memory_space<semaphore_mem>>) src(%dma_wait3A_41 : memref<10000x128xf32, #tpu.memory_space<hbm>>) dst(%arg9 : memref<96x128xf32, #tpu.memory_space<vmem>>)
      %run_scoped3A = arith.constant 0 : i32
      "tpu.region"() ({
        %run_scoped3A_253 = tpu.sem_alloc : memref<!tpu.dma_semaphore, #tpu.memory_space<semaphore_mem>>
        %dma_start3A_254 = arith.constant 0 : i32
        %dma_start3A_255 = tpu.memref_slice %arg8[%run_scoped3A, %dma_start3A_254] : memref<16x96xi32, #tpu.memory_space<vmem>> -> memref<1x96xi32, #tpu.memory_space<vmem>>
        %dma_start3A_256 = tpu.memref_squeeze %dma_start3A_255 : memref<1x96xi32, #tpu.memory_space<vmem>> -> memref<96xi32, #tpu.memory_space<vmem>>
        %dma_start3A_257 = arith.constant 0 : i32
        %dma_start3A_258 = arith.constant 0 : i32
        %dma_start3A_259 = tpu.memref_slice %arg12[%dma_start3A_257, %dma_start3A_258] : memref<10112x128xf32, #tpu.memory_space<vmem_shared>> -> memref<10112x128xf32, #tpu.memory_space<vmem_shared>>
        tpu.enqueue_indirect_dma source(%arg9 : memref<96x128xf32, #tpu.memory_space<vmem>>) target(%dma_start3A_259 : memref<10112x128xf32, #tpu.memory_space<vmem_shared>>) offsets(%dma_start3A_256 : memref<96xi32, #tpu.memory_space<vmem>>) semaphore(%run_scoped3A_253 : memref<!tpu.dma_semaphore, #tpu.memory_space<semaphore_mem>>) {add = true}
        %dma_wait3A_260 = arith.constant 0 : i32
        %dma_wait3A_261 = tpu.memref_slice %arg8[%run_scoped3A, %dma_wait3A_260] : memref<16x96xi32, #tpu.memory_space<vmem>> -> memref<1x96xi32, #tpu.memory_space<vmem>>
        %dma_wait3A_262 = tpu.memref_squeeze %dma_wait3A_261 : memref<1x96xi32, #tpu.memory_space<vmem>> -> memref<96xi32, #tpu.memory_space<vmem>>
        %dma_wait3A_263 = arith.constant 0 : i32
        %dma_wait3A_264 = arith.constant 0 : i32
        %dma_wait3A_265 = tpu.memref_slice %arg12[%dma_wait3A_263, %dma_wait3A_264] : memref<10112x128xf32, #tpu.memory_space<vmem_shared>> -> memref<10112x128xf32, #tpu.memory_space<vmem_shared>>
        tpu.wait_indirect_dma semaphore(%run_scoped3A_253 : memref<!tpu.dma_semaphore, #tpu.memory_space<semaphore_mem>>) src(%arg9 : memref<96x128xf32, #tpu.memory_space<vmem>>) dst(%dma_wait3A_265 : memref<10112x128xf32, #tpu.memory_space<vmem_shared>>)
        tpu.yield
      }) : () -> ()
      %dma_start3A_42 = arith.constant 3 : i32
      %dma_start3A_43 = arith.constant 0 : i32
      %dma_start3A_44 = tpu.memref_slice %arg7[%dma_start3A_42, %dma_start3A_43] : memref<16x96xi32, #tpu.memory_space<vmem>> -> memref<1x96xi32, #tpu.memory_space<vmem>>
      %dma_start3A_45 = tpu.memref_squeeze %dma_start3A_44 : memref<1x96xi32, #tpu.memory_space<vmem>> -> memref<96xi32, #tpu.memory_space<vmem>>
      %dma_start3A_46 = arith.constant 0 : i32
      %dma_start3A_47 = arith.constant 0 : i32
      %dma_start3A_48 = tpu.memref_slice %arg2[%dma_start3A_46, %dma_start3A_47] : memref<10000x128xf32, #tpu.memory_space<hbm>> -> memref<10000x128xf32, #tpu.memory_space<hbm>>
      tpu.enqueue_indirect_dma source(%dma_start3A_48 : memref<10000x128xf32, #tpu.memory_space<hbm>>) target(%arg9 : memref<96x128xf32, #tpu.memory_space<vmem>>) offsets(%dma_start3A_45 : memref<96xi32, #tpu.memory_space<vmem>>) semaphore(%arg13 : memref<!tpu.dma_semaphore, #tpu.memory_space<semaphore_mem>>)
      %dma_wait3A_49 = arith.constant 1 : i32
      %dma_wait3A_50 = arith.constant 0 : i32
      %dma_wait3A_51 = tpu.memref_slice %arg7[%dma_wait3A_49, %dma_wait3A_50] : memref<16x96xi32, #tpu.memory_space<vmem>> -> memref<1x96xi32, #tpu.memory_space<vmem>>
      %dma_wait3A_52 = tpu.memref_squeeze %dma_wait3A_51 : memref<1x96xi32, #tpu.memory_space<vmem>> -> memref<96xi32, #tpu.memory_space<vmem>>
      %dma_wait3A_53 = arith.constant 0 : i32
      %dma_wait3A_54 = arith.constant 0 : i32
      %dma_wait3A_55 = tpu.memref_slice %arg2[%dma_wait3A_53, %dma_wait3A_54] : memref<10000x128xf32, #tpu.memory_space<hbm>> -> memref<10000x128xf32, #tpu.memory_space<hbm>>
      tpu.wait_indirect_dma semaphore(%arg14 : memref<!tpu.dma_semaphore, #tpu.memory_space<semaphore_mem>>) src(%dma_wait3A_55 : memref<10000x128xf32, #tpu.memory_space<hbm>>) dst(%arg10 : memref<96x128xf32, #tpu.memory_space<vmem>>)
      %run_scoped3A_56 = arith.constant 1 : i32
      "tpu.region"() ({
        %run_scoped3A_253 = tpu.sem_alloc : memref<!tpu.dma_semaphore, #tpu.memory_space<semaphore_mem>>
        %dma_start3A_254 = arith.constant 0 : i32
        %dma_start3A_255 = tpu.memref_slice %arg8[%run_scoped3A_56, %dma_start3A_254] : memref<16x96xi32, #tpu.memory_space<vmem>> -> memref<1x96xi32, #tpu.memory_space<vmem>>
        %dma_start3A_256 = tpu.memref_squeeze %dma_start3A_255 : memref<1x96xi32, #tpu.memory_space<vmem>> -> memref<96xi32, #tpu.memory_space<vmem>>
        %dma_start3A_257 = arith.constant 0 : i32
        %dma_start3A_258 = arith.constant 0 : i32
        %dma_start3A_259 = tpu.memref_slice %arg12[%dma_start3A_257, %dma_start3A_258] : memref<10112x128xf32, #tpu.memory_space<vmem_shared>> -> memref<10112x128xf32, #tpu.memory_space<vmem_shared>>
        tpu.enqueue_indirect_dma source(%arg10 : memref<96x128xf32, #tpu.memory_space<vmem>>) target(%dma_start3A_259 : memref<10112x128xf32, #tpu.memory_space<vmem_shared>>) offsets(%dma_start3A_256 : memref<96xi32, #tpu.memory_space<vmem>>) semaphore(%run_scoped3A_253 : memref<!tpu.dma_semaphore, #tpu.memory_space<semaphore_mem>>) {add = true}
        %dma_wait3A_260 = arith.constant 0 : i32
        %dma_wait3A_261 = tpu.memref_slice %arg8[%run_scoped3A_56, %dma_wait3A_260] : memref<16x96xi32, #tpu.memory_space<vmem>> -> memref<1x96xi32, #tpu.memory_space<vmem>>
        %dma_wait3A_262 = tpu.memref_squeeze %dma_wait3A_261 : memref<1x96xi32, #tpu.memory_space<vmem>> -> memref<96xi32, #tpu.memory_space<vmem>>
        %dma_wait3A_263 = arith.constant 0 : i32
        %dma_wait3A_264 = arith.constant 0 : i32
        %dma_wait3A_265 = tpu.memref_slice %arg12[%dma_wait3A_263, %dma_wait3A_264] : memref<10112x128xf32, #tpu.memory_space<vmem_shared>> -> memref<10112x128xf32, #tpu.memory_space<vmem_shared>>
        tpu.wait_indirect_dma semaphore(%run_scoped3A_253 : memref<!tpu.dma_semaphore, #tpu.memory_space<semaphore_mem>>) src(%arg10 : memref<96x128xf32, #tpu.memory_space<vmem>>) dst(%dma_wait3A_265 : memref<10112x128xf32, #tpu.memory_space<vmem_shared>>)
        tpu.yield
      }) : () -> ()
      %dma_start3A_57 = arith.constant 4 : i32
      %dma_start3A_58 = arith.constant 0 : i32
      %dma_start3A_59 = tpu.memref_slice %arg7[%dma_start3A_57, %dma_start3A_58] : memref<16x96xi32, #tpu.memory_space<vmem>> -> memref<1x96xi32, #tpu.memory_space<vmem>>
      %dma_start3A_60 = tpu.memref_squeeze %dma_start3A_59 : memref<1x96xi32, #tpu.memory_space<vmem>> -> memref<96xi32, #tpu.memory_space<vmem>>
      %dma_start3A_61 = arith.constant 0 : i32
      %dma_start3A_62 = arith.constant 0 : i32
      %dma_start3A_63 = tpu.memref_slice %arg2[%dma_start3A_61, %dma_start3A_62] : memref<10000x128xf32, #tpu.memory_space<hbm>> -> memref<10000x128xf32, #tpu.memory_space<hbm>>
      tpu.enqueue_indirect_dma source(%dma_start3A_63 : memref<10000x128xf32, #tpu.memory_space<hbm>>) target(%arg10 : memref<96x128xf32, #tpu.memory_space<vmem>>) offsets(%dma_start3A_60 : memref<96xi32, #tpu.memory_space<vmem>>) semaphore(%arg14 : memref<!tpu.dma_semaphore, #tpu.memory_space<semaphore_mem>>)
      %dma_wait3A_64 = arith.constant 2 : i32
      %dma_wait3A_65 = arith.constant 0 : i32
      %dma_wait3A_66 = tpu.memref_slice %arg7[%dma_wait3A_64, %dma_wait3A_65] : memref<16x96xi32, #tpu.memory_space<vmem>> -> memref<1x96xi32, #tpu.memory_space<vmem>>
      %dma_wait3A_67 = tpu.memref_squeeze %dma_wait3A_66 : memref<1x96xi32, #tpu.memory_space<vmem>> -> memref<96xi32, #tpu.memory_space<vmem>>
      %dma_wait3A_68 = arith.constant 0 : i32
      %dma_wait3A_69 = arith.constant 0 : i32
      %dma_wait3A_70 = tpu.memref_slice %arg2[%dma_wait3A_68, %dma_wait3A_69] : memref<10000x128xf32, #tpu.memory_space<hbm>> -> memref<10000x128xf32, #tpu.memory_space<hbm>>
      tpu.wait_indirect_dma semaphore(%arg15 : memref<!tpu.dma_semaphore, #tpu.memory_space<semaphore_mem>>) src(%dma_wait3A_70 : memref<10000x128xf32, #tpu.memory_space<hbm>>) dst(%arg11 : memref<96x128xf32, #tpu.memory_space<vmem>>)
      %run_scoped3A_71 = arith.constant 2 : i32
      "tpu.region"() ({
        %run_scoped3A_253 = tpu.sem_alloc : memref<!tpu.dma_semaphore, #tpu.memory_space<semaphore_mem>>
        %dma_start3A_254 = arith.constant 0 : i32
        %dma_start3A_255 = tpu.memref_slice %arg8[%run_scoped3A_71, %dma_start3A_254] : memref<16x96xi32, #tpu.memory_space<vmem>> -> memref<1x96xi32, #tpu.memory_space<vmem>>
        %dma_start3A_256 = tpu.memref_squeeze %dma_start3A_255 : memref<1x96xi32, #tpu.memory_space<vmem>> -> memref<96xi32, #tpu.memory_space<vmem>>
        %dma_start3A_257 = arith.constant 0 : i32
        %dma_start3A_258 = arith.constant 0 : i32
        %dma_start3A_259 = tpu.memref_slice %arg12[%dma_start3A_257, %dma_start3A_258] : memref<10112x128xf32, #tpu.memory_space<vmem_shared>> -> memref<10112x128xf32, #tpu.memory_space<vmem_shared>>
        tpu.enqueue_indirect_dma source(%arg11 : memref<96x128xf32, #tpu.memory_space<vmem>>) target(%dma_start3A_259 : memref<10112x128xf32, #tpu.memory_space<vmem_shared>>) offsets(%dma_start3A_256 : memref<96xi32, #tpu.memory_space<vmem>>) semaphore(%run_scoped3A_253 : memref<!tpu.dma_semaphore, #tpu.memory_space<semaphore_mem>>) {add = true}
        %dma_wait3A_260 = arith.constant 0 : i32
        %dma_wait3A_261 = tpu.memref_slice %arg8[%run_scoped3A_71, %dma_wait3A_260] : memref<16x96xi32, #tpu.memory_space<vmem>> -> memref<1x96xi32, #tpu.memory_space<vmem>>
        %dma_wait3A_262 = tpu.memref_squeeze %dma_wait3A_261 : memref<1x96xi32, #tpu.memory_space<vmem>> -> memref<96xi32, #tpu.memory_space<vmem>>
        %dma_wait3A_263 = arith.constant 0 : i32
        %dma_wait3A_264 = arith.constant 0 : i32
        %dma_wait3A_265 = tpu.memref_slice %arg12[%dma_wait3A_263, %dma_wait3A_264] : memref<10112x128xf32, #tpu.memory_space<vmem_shared>> -> memref<10112x128xf32, #tpu.memory_space<vmem_shared>>
        tpu.wait_indirect_dma semaphore(%run_scoped3A_253 : memref<!tpu.dma_semaphore, #tpu.memory_space<semaphore_mem>>) src(%arg11 : memref<96x128xf32, #tpu.memory_space<vmem>>) dst(%dma_wait3A_265 : memref<10112x128xf32, #tpu.memory_space<vmem_shared>>)
        tpu.yield
      }) : () -> ()
      %dma_start3A_72 = arith.constant 5 : i32
      %dma_start3A_73 = arith.constant 0 : i32
      %dma_start3A_74 = tpu.memref_slice %arg7[%dma_start3A_72, %dma_start3A_73] : memref<16x96xi32, #tpu.memory_space<vmem>> -> memref<1x96xi32, #tpu.memory_space<vmem>>
      %dma_start3A_75 = tpu.memref_squeeze %dma_start3A_74 : memref<1x96xi32, #tpu.memory_space<vmem>> -> memref<96xi32, #tpu.memory_space<vmem>>
      %dma_start3A_76 = arith.constant 0 : i32
      %dma_start3A_77 = arith.constant 0 : i32
      %dma_start3A_78 = tpu.memref_slice %arg2[%dma_start3A_76, %dma_start3A_77] : memref<10000x128xf32, #tpu.memory_space<hbm>> -> memref<10000x128xf32, #tpu.memory_space<hbm>>
      tpu.enqueue_indirect_dma source(%dma_start3A_78 : memref<10000x128xf32, #tpu.memory_space<hbm>>) target(%arg11 : memref<96x128xf32, #tpu.memory_space<vmem>>) offsets(%dma_start3A_75 : memref<96xi32, #tpu.memory_space<vmem>>) semaphore(%arg15 : memref<!tpu.dma_semaphore, #tpu.memory_space<semaphore_mem>>)
      %dma_wait3A_79 = arith.constant 3 : i32
      %dma_wait3A_80 = arith.constant 0 : i32
      %dma_wait3A_81 = tpu.memref_slice %arg7[%dma_wait3A_79, %dma_wait3A_80] : memref<16x96xi32, #tpu.memory_space<vmem>> -> memref<1x96xi32, #tpu.memory_space<vmem>>
      %dma_wait3A_82 = tpu.memref_squeeze %dma_wait3A_81 : memref<1x96xi32, #tpu.memory_space<vmem>> -> memref<96xi32, #tpu.memory_space<vmem>>
      %dma_wait3A_83 = arith.constant 0 : i32
      %dma_wait3A_84 = arith.constant 0 : i32
      %dma_wait3A_85 = tpu.memref_slice %arg2[%dma_wait3A_83, %dma_wait3A_84] : memref<10000x128xf32, #tpu.memory_space<hbm>> -> memref<10000x128xf32, #tpu.memory_space<hbm>>
      tpu.wait_indirect_dma semaphore(%arg13 : memref<!tpu.dma_semaphore, #tpu.memory_space<semaphore_mem>>) src(%dma_wait3A_85 : memref<10000x128xf32, #tpu.memory_space<hbm>>) dst(%arg9 : memref<96x128xf32, #tpu.memory_space<vmem>>)
      %run_scoped3A_86 = arith.constant 3 : i32
      "tpu.region"() ({
        %run_scoped3A_253 = tpu.sem_alloc : memref<!tpu.dma_semaphore, #tpu.memory_space<semaphore_mem>>
        %dma_start3A_254 = arith.constant 0 : i32
        %dma_start3A_255 = tpu.memref_slice %arg8[%run_scoped3A_86, %dma_start3A_254] : memref<16x96xi32, #tpu.memory_space<vmem>> -> memref<1x96xi32, #tpu.memory_space<vmem>>
        %dma_start3A_256 = tpu.memref_squeeze %dma_start3A_255 : memref<1x96xi32, #tpu.memory_space<vmem>> -> memref<96xi32, #tpu.memory_space<vmem>>
        %dma_start3A_257 = arith.constant 0 : i32
        %dma_start3A_258 = arith.constant 0 : i32
        %dma_start3A_259 = tpu.memref_slice %arg12[%dma_start3A_257, %dma_start3A_258] : memref<10112x128xf32, #tpu.memory_space<vmem_shared>> -> memref<10112x128xf32, #tpu.memory_space<vmem_shared>>
        tpu.enqueue_indirect_dma source(%arg9 : memref<96x128xf32, #tpu.memory_space<vmem>>) target(%dma_start3A_259 : memref<10112x128xf32, #tpu.memory_space<vmem_shared>>) offsets(%dma_start3A_256 : memref<96xi32, #tpu.memory_space<vmem>>) semaphore(%run_scoped3A_253 : memref<!tpu.dma_semaphore, #tpu.memory_space<semaphore_mem>>) {add = true}
        %dma_wait3A_260 = arith.constant 0 : i32
        %dma_wait3A_261 = tpu.memref_slice %arg8[%run_scoped3A_86, %dma_wait3A_260] : memref<16x96xi32, #tpu.memory_space<vmem>> -> memref<1x96xi32, #tpu.memory_space<vmem>>
        %dma_wait3A_262 = tpu.memref_squeeze %dma_wait3A_261 : memref<1x96xi32, #tpu.memory_space<vmem>> -> memref<96xi32, #tpu.memory_space<vmem>>
        %dma_wait3A_263 = arith.constant 0 : i32
        %dma_wait3A_264 = arith.constant 0 : i32
        %dma_wait3A_265 = tpu.memref_slice %arg12[%dma_wait3A_263, %dma_wait3A_264] : memref<10112x128xf32, #tpu.memory_space<vmem_shared>> -> memref<10112x128xf32, #tpu.memory_space<vmem_shared>>
        tpu.wait_indirect_dma semaphore(%run_scoped3A_253 : memref<!tpu.dma_semaphore, #tpu.memory_space<semaphore_mem>>) src(%arg9 : memref<96x128xf32, #tpu.memory_space<vmem>>) dst(%dma_wait3A_265 : memref<10112x128xf32, #tpu.memory_space<vmem_shared>>)
        tpu.yield
      }) : () -> ()
      %dma_start3A_87 = arith.constant 6 : i32
      %dma_start3A_88 = arith.constant 0 : i32
      %dma_start3A_89 = tpu.memref_slice %arg7[%dma_start3A_87, %dma_start3A_88] : memref<16x96xi32, #tpu.memory_space<vmem>> -> memref<1x96xi32, #tpu.memory_space<vmem>>
      %dma_start3A_90 = tpu.memref_squeeze %dma_start3A_89 : memref<1x96xi32, #tpu.memory_space<vmem>> -> memref<96xi32, #tpu.memory_space<vmem>>
      %dma_start3A_91 = arith.constant 0 : i32
      %dma_start3A_92 = arith.constant 0 : i32
      %dma_start3A_93 = tpu.memref_slice %arg2[%dma_start3A_91, %dma_start3A_92] : memref<10000x128xf32, #tpu.memory_space<hbm>> -> memref<10000x128xf32, #tpu.memory_space<hbm>>
      tpu.enqueue_indirect_dma source(%dma_start3A_93 : memref<10000x128xf32, #tpu.memory_space<hbm>>) target(%arg9 : memref<96x128xf32, #tpu.memory_space<vmem>>) offsets(%dma_start3A_90 : memref<96xi32, #tpu.memory_space<vmem>>) semaphore(%arg13 : memref<!tpu.dma_semaphore, #tpu.memory_space<semaphore_mem>>)
      %dma_wait3A_94 = arith.constant 4 : i32
      %dma_wait3A_95 = arith.constant 0 : i32
      %dma_wait3A_96 = tpu.memref_slice %arg7[%dma_wait3A_94, %dma_wait3A_95] : memref<16x96xi32, #tpu.memory_space<vmem>> -> memref<1x96xi32, #tpu.memory_space<vmem>>
      %dma_wait3A_97 = tpu.memref_squeeze %dma_wait3A_96 : memref<1x96xi32, #tpu.memory_space<vmem>> -> memref<96xi32, #tpu.memory_space<vmem>>
      %dma_wait3A_98 = arith.constant 0 : i32
      %dma_wait3A_99 = arith.constant 0 : i32
      %dma_wait3A_100 = tpu.memref_slice %arg2[%dma_wait3A_98, %dma_wait3A_99] : memref<10000x128xf32, #tpu.memory_space<hbm>> -> memref<10000x128xf32, #tpu.memory_space<hbm>>
      tpu.wait_indirect_dma semaphore(%arg14 : memref<!tpu.dma_semaphore, #tpu.memory_space<semaphore_mem>>) src(%dma_wait3A_100 : memref<10000x128xf32, #tpu.memory_space<hbm>>) dst(%arg10 : memref<96x128xf32, #tpu.memory_space<vmem>>)
      %run_scoped3A_101 = arith.constant 4 : i32
      "tpu.region"() ({
        %run_scoped3A_253 = tpu.sem_alloc : memref<!tpu.dma_semaphore, #tpu.memory_space<semaphore_mem>>
        %dma_start3A_254 = arith.constant 0 : i32
        %dma_start3A_255 = tpu.memref_slice %arg8[%run_scoped3A_101, %dma_start3A_254] : memref<16x96xi32, #tpu.memory_space<vmem>> -> memref<1x96xi32, #tpu.memory_space<vmem>>
        %dma_start3A_256 = tpu.memref_squeeze %dma_start3A_255 : memref<1x96xi32, #tpu.memory_space<vmem>> -> memref<96xi32, #tpu.memory_space<vmem>>
        %dma_start3A_257 = arith.constant 0 : i32
        %dma_start3A_258 = arith.constant 0 : i32
        %dma_start3A_259 = tpu.memref_slice %arg12[%dma_start3A_257, %dma_start3A_258] : memref<10112x128xf32, #tpu.memory_space<vmem_shared>> -> memref<10112x128xf32, #tpu.memory_space<vmem_shared>>
        tpu.enqueue_indirect_dma source(%arg10 : memref<96x128xf32, #tpu.memory_space<vmem>>) target(%dma_start3A_259 : memref<10112x128xf32, #tpu.memory_space<vmem_shared>>) offsets(%dma_start3A_256 : memref<96xi32, #tpu.memory_space<vmem>>) semaphore(%run_scoped3A_253 : memref<!tpu.dma_semaphore, #tpu.memory_space<semaphore_mem>>) {add = true}
        %dma_wait3A_260 = arith.constant 0 : i32
        %dma_wait3A_261 = tpu.memref_slice %arg8[%run_scoped3A_101, %dma_wait3A_260] : memref<16x96xi32, #tpu.memory_space<vmem>> -> memref<1x96xi32, #tpu.memory_space<vmem>>
        %dma_wait3A_262 = tpu.memref_squeeze %dma_wait3A_261 : memref<1x96xi32, #tpu.memory_space<vmem>> -> memref<96xi32, #tpu.memory_space<vmem>>
        %dma_wait3A_263 = arith.constant 0 : i32
        %dma_wait3A_264 = arith.constant 0 : i32
        %dma_wait3A_265 = tpu.memref_slice %arg12[%dma_wait3A_263, %dma_wait3A_264] : memref<10112x128xf32, #tpu.memory_space<vmem_shared>> -> memref<10112x128xf32, #tpu.memory_space<vmem_shared>>
        tpu.wait_indirect_dma semaphore(%run_scoped3A_253 : memref<!tpu.dma_semaphore, #tpu.memory_space<semaphore_mem>>) src(%arg10 : memref<96x128xf32, #tpu.memory_space<vmem>>) dst(%dma_wait3A_265 : memref<10112x128xf32, #tpu.memory_space<vmem_shared>>)
        tpu.yield
      }) : () -> ()
      %dma_start3A_102 = arith.constant 7 : i32
      %dma_start3A_103 = arith.constant 0 : i32
      %dma_start3A_104 = tpu.memref_slice %arg7[%dma_start3A_102, %dma_start3A_103] : memref<16x96xi32, #tpu.memory_space<vmem>> -> memref<1x96xi32, #tpu.memory_space<vmem>>
      %dma_start3A_105 = tpu.memref_squeeze %dma_start3A_104 : memref<1x96xi32, #tpu.memory_space<vmem>> -> memref<96xi32, #tpu.memory_space<vmem>>
      %dma_start3A_106 = arith.constant 0 : i32
      %dma_start3A_107 = arith.constant 0 : i32
      %dma_start3A_108 = tpu.memref_slice %arg2[%dma_start3A_106, %dma_start3A_107] : memref<10000x128xf32, #tpu.memory_space<hbm>> -> memref<10000x128xf32, #tpu.memory_space<hbm>>
      tpu.enqueue_indirect_dma source(%dma_start3A_108 : memref<10000x128xf32, #tpu.memory_space<hbm>>) target(%arg10 : memref<96x128xf32, #tpu.memory_space<vmem>>) offsets(%dma_start3A_105 : memref<96xi32, #tpu.memory_space<vmem>>) semaphore(%arg14 : memref<!tpu.dma_semaphore, #tpu.memory_space<semaphore_mem>>)
      %dma_wait3A_109 = arith.constant 5 : i32
      %dma_wait3A_110 = arith.constant 0 : i32
      %dma_wait3A_111 = tpu.memref_slice %arg7[%dma_wait3A_109, %dma_wait3A_110] : memref<16x96xi32, #tpu.memory_space<vmem>> -> memref<1x96xi32, #tpu.memory_space<vmem>>
      %dma_wait3A_112 = tpu.memref_squeeze %dma_wait3A_111 : memref<1x96xi32, #tpu.memory_space<vmem>> -> memref<96xi32, #tpu.memory_space<vmem>>
      %dma_wait3A_113 = arith.constant 0 : i32
      %dma_wait3A_114 = arith.constant 0 : i32
      %dma_wait3A_115 = tpu.memref_slice %arg2[%dma_wait3A_113, %dma_wait3A_114] : memref<10000x128xf32, #tpu.memory_space<hbm>> -> memref<10000x128xf32, #tpu.memory_space<hbm>>
      tpu.wait_indirect_dma semaphore(%arg15 : memref<!tpu.dma_semaphore, #tpu.memory_space<semaphore_mem>>) src(%dma_wait3A_115 : memref<10000x128xf32, #tpu.memory_space<hbm>>) dst(%arg11 : memref<96x128xf32, #tpu.memory_space<vmem>>)
      %run_scoped3A_116 = arith.constant 5 : i32
      "tpu.region"() ({
        %run_scoped3A_253 = tpu.sem_alloc : memref<!tpu.dma_semaphore, #tpu.memory_space<semaphore_mem>>
        %dma_start3A_254 = arith.constant 0 : i32
        %dma_start3A_255 = tpu.memref_slice %arg8[%run_scoped3A_116, %dma_start3A_254] : memref<16x96xi32, #tpu.memory_space<vmem>> -> memref<1x96xi32, #tpu.memory_space<vmem>>
        %dma_start3A_256 = tpu.memref_squeeze %dma_start3A_255 : memref<1x96xi32, #tpu.memory_space<vmem>> -> memref<96xi32, #tpu.memory_space<vmem>>
        %dma_start3A_257 = arith.constant 0 : i32
        %dma_start3A_258 = arith.constant 0 : i32
        %dma_start3A_259 = tpu.memref_slice %arg12[%dma_start3A_257, %dma_start3A_258] : memref<10112x128xf32, #tpu.memory_space<vmem_shared>> -> memref<10112x128xf32, #tpu.memory_space<vmem_shared>>
        tpu.enqueue_indirect_dma source(%arg11 : memref<96x128xf32, #tpu.memory_space<vmem>>) target(%dma_start3A_259 : memref<10112x128xf32, #tpu.memory_space<vmem_shared>>) offsets(%dma_start3A_256 : memref<96xi32, #tpu.memory_space<vmem>>) semaphore(%run_scoped3A_253 : memref<!tpu.dma_semaphore, #tpu.memory_space<semaphore_mem>>) {add = true}
        %dma_wait3A_260 = arith.constant 0 : i32
        %dma_wait3A_261 = tpu.memref_slice %arg8[%run_scoped3A_116, %dma_wait3A_260] : memref<16x96xi32, #tpu.memory_space<vmem>> -> memref<1x96xi32, #tpu.memory_space<vmem>>
        %dma_wait3A_262 = tpu.memref_squeeze %dma_wait3A_261 : memref<1x96xi32, #tpu.memory_space<vmem>> -> memref<96xi32, #tpu.memory_space<vmem>>
        %dma_wait3A_263 = arith.constant 0 : i32
        %dma_wait3A_264 = arith.constant 0 : i32
        %dma_wait3A_265 = tpu.memref_slice %arg12[%dma_wait3A_263, %dma_wait3A_264] : memref<10112x128xf32, #tpu.memory_space<vmem_shared>> -> memref<10112x128xf32, #tpu.memory_space<vmem_shared>>
        tpu.wait_indirect_dma semaphore(%run_scoped3A_253 : memref<!tpu.dma_semaphore, #tpu.memory_space<semaphore_mem>>) src(%arg11 : memref<96x128xf32, #tpu.memory_space<vmem>>) dst(%dma_wait3A_265 : memref<10112x128xf32, #tpu.memory_space<vmem_shared>>)
        tpu.yield
      }) : () -> ()
      %dma_start3A_117 = arith.constant 8 : i32
      %dma_start3A_118 = arith.constant 0 : i32
      %dma_start3A_119 = tpu.memref_slice %arg7[%dma_start3A_117, %dma_start3A_118] : memref<16x96xi32, #tpu.memory_space<vmem>> -> memref<1x96xi32, #tpu.memory_space<vmem>>
      %dma_start3A_120 = tpu.memref_squeeze %dma_start3A_119 : memref<1x96xi32, #tpu.memory_space<vmem>> -> memref<96xi32, #tpu.memory_space<vmem>>
      %dma_start3A_121 = arith.constant 0 : i32
      %dma_start3A_122 = arith.constant 0 : i32
      %dma_start3A_123 = tpu.memref_slice %arg2[%dma_start3A_121, %dma_start3A_122] : memref<10000x128xf32, #tpu.memory_space<hbm>> -> memref<10000x128xf32, #tpu.memory_space<hbm>>
      tpu.enqueue_indirect_dma source(%dma_start3A_123 : memref<10000x128xf32, #tpu.memory_space<hbm>>) target(%arg11 : memref<96x128xf32, #tpu.memory_space<vmem>>) offsets(%dma_start3A_120 : memref<96xi32, #tpu.memory_space<vmem>>) semaphore(%arg15 : memref<!tpu.dma_semaphore, #tpu.memory_space<semaphore_mem>>)
      %dma_wait3A_124 = arith.constant 6 : i32
      %dma_wait3A_125 = arith.constant 0 : i32
      %dma_wait3A_126 = tpu.memref_slice %arg7[%dma_wait3A_124, %dma_wait3A_125] : memref<16x96xi32, #tpu.memory_space<vmem>> -> memref<1x96xi32, #tpu.memory_space<vmem>>
      %dma_wait3A_127 = tpu.memref_squeeze %dma_wait3A_126 : memref<1x96xi32, #tpu.memory_space<vmem>> -> memref<96xi32, #tpu.memory_space<vmem>>
      %dma_wait3A_128 = arith.constant 0 : i32
      %dma_wait3A_129 = arith.constant 0 : i32
      %dma_wait3A_130 = tpu.memref_slice %arg2[%dma_wait3A_128, %dma_wait3A_129] : memref<10000x128xf32, #tpu.memory_space<hbm>> -> memref<10000x128xf32, #tpu.memory_space<hbm>>
      tpu.wait_indirect_dma semaphore(%arg13 : memref<!tpu.dma_semaphore, #tpu.memory_space<semaphore_mem>>) src(%dma_wait3A_130 : memref<10000x128xf32, #tpu.memory_space<hbm>>) dst(%arg9 : memref<96x128xf32, #tpu.memory_space<vmem>>)
      %run_scoped3A_131 = arith.constant 6 : i32
      "tpu.region"() ({
        %run_scoped3A_253 = tpu.sem_alloc : memref<!tpu.dma_semaphore, #tpu.memory_space<semaphore_mem>>
        %dma_start3A_254 = arith.constant 0 : i32
        %dma_start3A_255 = tpu.memref_slice %arg8[%run_scoped3A_131, %dma_start3A_254] : memref<16x96xi32, #tpu.memory_space<vmem>> -> memref<1x96xi32, #tpu.memory_space<vmem>>
        %dma_start3A_256 = tpu.memref_squeeze %dma_start3A_255 : memref<1x96xi32, #tpu.memory_space<vmem>> -> memref<96xi32, #tpu.memory_space<vmem>>
        %dma_start3A_257 = arith.constant 0 : i32
        %dma_start3A_258 = arith.constant 0 : i32
        %dma_start3A_259 = tpu.memref_slice %arg12[%dma_start3A_257, %dma_start3A_258] : memref<10112x128xf32, #tpu.memory_space<vmem_shared>> -> memref<10112x128xf32, #tpu.memory_space<vmem_shared>>
        tpu.enqueue_indirect_dma source(%arg9 : memref<96x128xf32, #tpu.memory_space<vmem>>) target(%dma_start3A_259 : memref<10112x128xf32, #tpu.memory_space<vmem_shared>>) offsets(%dma_start3A_256 : memref<96xi32, #tpu.memory_space<vmem>>) semaphore(%run_scoped3A_253 : memref<!tpu.dma_semaphore, #tpu.memory_space<semaphore_mem>>) {add = true}
        %dma_wait3A_260 = arith.constant 0 : i32
        %dma_wait3A_261 = tpu.memref_slice %arg8[%run_scoped3A_131, %dma_wait3A_260] : memref<16x96xi32, #tpu.memory_space<vmem>> -> memref<1x96xi32, #tpu.memory_space<vmem>>
        %dma_wait3A_262 = tpu.memref_squeeze %dma_wait3A_261 : memref<1x96xi32, #tpu.memory_space<vmem>> -> memref<96xi32, #tpu.memory_space<vmem>>
        %dma_wait3A_263 = arith.constant 0 : i32
        %dma_wait3A_264 = arith.constant 0 : i32
        %dma_wait3A_265 = tpu.memref_slice %arg12[%dma_wait3A_263, %dma_wait3A_264] : memref<10112x128xf32, #tpu.memory_space<vmem_shared>> -> memref<10112x128xf32, #tpu.memory_space<vmem_shared>>
        tpu.wait_indirect_dma semaphore(%run_scoped3A_253 : memref<!tpu.dma_semaphore, #tpu.memory_space<semaphore_mem>>) src(%arg9 : memref<96x128xf32, #tpu.memory_space<vmem>>) dst(%dma_wait3A_265 : memref<10112x128xf32, #tpu.memory_space<vmem_shared>>)
        tpu.yield
      }) : () -> ()
      %dma_start3A_132 = arith.constant 9 : i32
      %dma_start3A_133 = arith.constant 0 : i32
      %dma_start3A_134 = tpu.memref_slice %arg7[%dma_start3A_132, %dma_start3A_133] : memref<16x96xi32, #tpu.memory_space<vmem>> -> memref<1x96xi32, #tpu.memory_space<vmem>>
      %dma_start3A_135 = tpu.memref_squeeze %dma_start3A_134 : memref<1x96xi32, #tpu.memory_space<vmem>> -> memref<96xi32, #tpu.memory_space<vmem>>
      %dma_start3A_136 = arith.constant 0 : i32
      %dma_start3A_137 = arith.constant 0 : i32
      %dma_start3A_138 = tpu.memref_slice %arg2[%dma_start3A_136, %dma_start3A_137] : memref<10000x128xf32, #tpu.memory_space<hbm>> -> memref<10000x128xf32, #tpu.memory_space<hbm>>
      tpu.enqueue_indirect_dma source(%dma_start3A_138 : memref<10000x128xf32, #tpu.memory_space<hbm>>) target(%arg9 : memref<96x128xf32, #tpu.memory_space<vmem>>) offsets(%dma_start3A_135 : memref<96xi32, #tpu.memory_space<vmem>>) semaphore(%arg13 : memref<!tpu.dma_semaphore, #tpu.memory_space<semaphore_mem>>)
      %dma_wait3A_139 = arith.constant 7 : i32
      %dma_wait3A_140 = arith.constant 0 : i32
      %dma_wait3A_141 = tpu.memref_slice %arg7[%dma_wait3A_139, %dma_wait3A_140] : memref<16x96xi32, #tpu.memory_space<vmem>> -> memref<1x96xi32, #tpu.memory_space<vmem>>
      %dma_wait3A_142 = tpu.memref_squeeze %dma_wait3A_141 : memref<1x96xi32, #tpu.memory_space<vmem>> -> memref<96xi32, #tpu.memory_space<vmem>>
      %dma_wait3A_143 = arith.constant 0 : i32
      %dma_wait3A_144 = arith.constant 0 : i32
      %dma_wait3A_145 = tpu.memref_slice %arg2[%dma_wait3A_143, %dma_wait3A_144] : memref<10000x128xf32, #tpu.memory_space<hbm>> -> memref<10000x128xf32, #tpu.memory_space<hbm>>
      tpu.wait_indirect_dma semaphore(%arg14 : memref<!tpu.dma_semaphore, #tpu.memory_space<semaphore_mem>>) src(%dma_wait3A_145 : memref<10000x128xf32, #tpu.memory_space<hbm>>) dst(%arg10 : memref<96x128xf32, #tpu.memory_space<vmem>>)
      %run_scoped3A_146 = arith.constant 7 : i32
      "tpu.region"() ({
        %run_scoped3A_253 = tpu.sem_alloc : memref<!tpu.dma_semaphore, #tpu.memory_space<semaphore_mem>>
        %dma_start3A_254 = arith.constant 0 : i32
        %dma_start3A_255 = tpu.memref_slice %arg8[%run_scoped3A_146, %dma_start3A_254] : memref<16x96xi32, #tpu.memory_space<vmem>> -> memref<1x96xi32, #tpu.memory_space<vmem>>
        %dma_start3A_256 = tpu.memref_squeeze %dma_start3A_255 : memref<1x96xi32, #tpu.memory_space<vmem>> -> memref<96xi32, #tpu.memory_space<vmem>>
        %dma_start3A_257 = arith.constant 0 : i32
        %dma_start3A_258 = arith.constant 0 : i32
        %dma_start3A_259 = tpu.memref_slice %arg12[%dma_start3A_257, %dma_start3A_258] : memref<10112x128xf32, #tpu.memory_space<vmem_shared>> -> memref<10112x128xf32, #tpu.memory_space<vmem_shared>>
        tpu.enqueue_indirect_dma source(%arg10 : memref<96x128xf32, #tpu.memory_space<vmem>>) target(%dma_start3A_259 : memref<10112x128xf32, #tpu.memory_space<vmem_shared>>) offsets(%dma_start3A_256 : memref<96xi32, #tpu.memory_space<vmem>>) semaphore(%run_scoped3A_253 : memref<!tpu.dma_semaphore, #tpu.memory_space<semaphore_mem>>) {add = true}
        %dma_wait3A_260 = arith.constant 0 : i32
        %dma_wait3A_261 = tpu.memref_slice %arg8[%run_scoped3A_146, %dma_wait3A_260] : memref<16x96xi32, #tpu.memory_space<vmem>> -> memref<1x96xi32, #tpu.memory_space<vmem>>
        %dma_wait3A_262 = tpu.memref_squeeze %dma_wait3A_261 : memref<1x96xi32, #tpu.memory_space<vmem>> -> memref<96xi32, #tpu.memory_space<vmem>>
        %dma_wait3A_263 = arith.constant 0 : i32
        %dma_wait3A_264 = arith.constant 0 : i32
        %dma_wait3A_265 = tpu.memref_slice %arg12[%dma_wait3A_263, %dma_wait3A_264] : memref<10112x128xf32, #tpu.memory_space<vmem_shared>> -> memref<10112x128xf32, #tpu.memory_space<vmem_shared>>
        tpu.wait_indirect_dma semaphore(%run_scoped3A_253 : memref<!tpu.dma_semaphore, #tpu.memory_space<semaphore_mem>>) src(%arg10 : memref<96x128xf32, #tpu.memory_space<vmem>>) dst(%dma_wait3A_265 : memref<10112x128xf32, #tpu.memory_space<vmem_shared>>)
        tpu.yield
      }) : () -> ()
      %dma_start3A_147 = arith.constant 10 : i32
      %dma_start3A_148 = arith.constant 0 : i32
      %dma_start3A_149 = tpu.memref_slice %arg7[%dma_start3A_147, %dma_start3A_148] : memref<16x96xi32, #tpu.memory_space<vmem>> -> memref<1x96xi32, #tpu.memory_space<vmem>>
      %dma_start3A_150 = tpu.memref_squeeze %dma_start3A_149 : memref<1x96xi32, #tpu.memory_space<vmem>> -> memref<96xi32, #tpu.memory_space<vmem>>
      %dma_start3A_151 = arith.constant 0 : i32
      %dma_start3A_152 = arith.constant 0 : i32
      %dma_start3A_153 = tpu.memref_slice %arg2[%dma_start3A_151, %dma_start3A_152] : memref<10000x128xf32, #tpu.memory_space<hbm>> -> memref<10000x128xf32, #tpu.memory_space<hbm>>
      tpu.enqueue_indirect_dma source(%dma_start3A_153 : memref<10000x128xf32, #tpu.memory_space<hbm>>) target(%arg10 : memref<96x128xf32, #tpu.memory_space<vmem>>) offsets(%dma_start3A_150 : memref<96xi32, #tpu.memory_space<vmem>>) semaphore(%arg14 : memref<!tpu.dma_semaphore, #tpu.memory_space<semaphore_mem>>)
      %dma_wait3A_154 = arith.constant 8 : i32
      %dma_wait3A_155 = arith.constant 0 : i32
      %dma_wait3A_156 = tpu.memref_slice %arg7[%dma_wait3A_154, %dma_wait3A_155] : memref<16x96xi32, #tpu.memory_space<vmem>> -> memref<1x96xi32, #tpu.memory_space<vmem>>
      %dma_wait3A_157 = tpu.memref_squeeze %dma_wait3A_156 : memref<1x96xi32, #tpu.memory_space<vmem>> -> memref<96xi32, #tpu.memory_space<vmem>>
      %dma_wait3A_158 = arith.constant 0 : i32
      %dma_wait3A_159 = arith.constant 0 : i32
      %dma_wait3A_160 = tpu.memref_slice %arg2[%dma_wait3A_158, %dma_wait3A_159] : memref<10000x128xf32, #tpu.memory_space<hbm>> -> memref<10000x128xf32, #tpu.memory_space<hbm>>
      tpu.wait_indirect_dma semaphore(%arg15 : memref<!tpu.dma_semaphore, #tpu.memory_space<semaphore_mem>>) src(%dma_wait3A_160 : memref<10000x128xf32, #tpu.memory_space<hbm>>) dst(%arg11 : memref<96x128xf32, #tpu.memory_space<vmem>>)
      %run_scoped3A_161 = arith.constant 8 : i32
      "tpu.region"() ({
        %run_scoped3A_253 = tpu.sem_alloc : memref<!tpu.dma_semaphore, #tpu.memory_space<semaphore_mem>>
        %dma_start3A_254 = arith.constant 0 : i32
        %dma_start3A_255 = tpu.memref_slice %arg8[%run_scoped3A_161, %dma_start3A_254] : memref<16x96xi32, #tpu.memory_space<vmem>> -> memref<1x96xi32, #tpu.memory_space<vmem>>
        %dma_start3A_256 = tpu.memref_squeeze %dma_start3A_255 : memref<1x96xi32, #tpu.memory_space<vmem>> -> memref<96xi32, #tpu.memory_space<vmem>>
        %dma_start3A_257 = arith.constant 0 : i32
        %dma_start3A_258 = arith.constant 0 : i32
        %dma_start3A_259 = tpu.memref_slice %arg12[%dma_start3A_257, %dma_start3A_258] : memref<10112x128xf32, #tpu.memory_space<vmem_shared>> -> memref<10112x128xf32, #tpu.memory_space<vmem_shared>>
        tpu.enqueue_indirect_dma source(%arg11 : memref<96x128xf32, #tpu.memory_space<vmem>>) target(%dma_start3A_259 : memref<10112x128xf32, #tpu.memory_space<vmem_shared>>) offsets(%dma_start3A_256 : memref<96xi32, #tpu.memory_space<vmem>>) semaphore(%run_scoped3A_253 : memref<!tpu.dma_semaphore, #tpu.memory_space<semaphore_mem>>) {add = true}
        %dma_wait3A_260 = arith.constant 0 : i32
        %dma_wait3A_261 = tpu.memref_slice %arg8[%run_scoped3A_161, %dma_wait3A_260] : memref<16x96xi32, #tpu.memory_space<vmem>> -> memref<1x96xi32, #tpu.memory_space<vmem>>
        %dma_wait3A_262 = tpu.memref_squeeze %dma_wait3A_261 : memref<1x96xi32, #tpu.memory_space<vmem>> -> memref<96xi32, #tpu.memory_space<vmem>>
        %dma_wait3A_263 = arith.constant 0 : i32
        %dma_wait3A_264 = arith.constant 0 : i32
        %dma_wait3A_265 = tpu.memref_slice %arg12[%dma_wait3A_263, %dma_wait3A_264] : memref<10112x128xf32, #tpu.memory_space<vmem_shared>> -> memref<10112x128xf32, #tpu.memory_space<vmem_shared>>
        tpu.wait_indirect_dma semaphore(%run_scoped3A_253 : memref<!tpu.dma_semaphore, #tpu.memory_space<semaphore_mem>>) src(%arg11 : memref<96x128xf32, #tpu.memory_space<vmem>>) dst(%dma_wait3A_265 : memref<10112x128xf32, #tpu.memory_space<vmem_shared>>)
        tpu.yield
      }) : () -> ()
      %dma_start3A_162 = arith.constant 11 : i32
      %dma_start3A_163 = arith.constant 0 : i32
      %dma_start3A_164 = tpu.memref_slice %arg7[%dma_start3A_162, %dma_start3A_163] : memref<16x96xi32, #tpu.memory_space<vmem>> -> memref<1x96xi32, #tpu.memory_space<vmem>>
      %dma_start3A_165 = tpu.memref_squeeze %dma_start3A_164 : memref<1x96xi32, #tpu.memory_space<vmem>> -> memref<96xi32, #tpu.memory_space<vmem>>
      %dma_start3A_166 = arith.constant 0 : i32
      %dma_start3A_167 = arith.constant 0 : i32
      %dma_start3A_168 = tpu.memref_slice %arg2[%dma_start3A_166, %dma_start3A_167] : memref<10000x128xf32, #tpu.memory_space<hbm>> -> memref<10000x128xf32, #tpu.memory_space<hbm>>
      tpu.enqueue_indirect_dma source(%dma_start3A_168 : memref<10000x128xf32, #tpu.memory_space<hbm>>) target(%arg11 : memref<96x128xf32, #tpu.memory_space<vmem>>) offsets(%dma_start3A_165 : memref<96xi32, #tpu.memory_space<vmem>>) semaphore(%arg15 : memref<!tpu.dma_semaphore, #tpu.memory_space<semaphore_mem>>)
      %dma_wait3A_169 = arith.constant 9 : i32
      %dma_wait3A_170 = arith.constant 0 : i32
      %dma_wait3A_171 = tpu.memref_slice %arg7[%dma_wait3A_169, %dma_wait3A_170] : memref<16x96xi32, #tpu.memory_space<vmem>> -> memref<1x96xi32, #tpu.memory_space<vmem>>
      %dma_wait3A_172 = tpu.memref_squeeze %dma_wait3A_171 : memref<1x96xi32, #tpu.memory_space<vmem>> -> memref<96xi32, #tpu.memory_space<vmem>>
      %dma_wait3A_173 = arith.constant 0 : i32
      %dma_wait3A_174 = arith.constant 0 : i32
      %dma_wait3A_175 = tpu.memref_slice %arg2[%dma_wait3A_173, %dma_wait3A_174] : memref<10000x128xf32, #tpu.memory_space<hbm>> -> memref<10000x128xf32, #tpu.memory_space<hbm>>
      tpu.wait_indirect_dma semaphore(%arg13 : memref<!tpu.dma_semaphore, #tpu.memory_space<semaphore_mem>>) src(%dma_wait3A_175 : memref<10000x128xf32, #tpu.memory_space<hbm>>) dst(%arg9 : memref<96x128xf32, #tpu.memory_space<vmem>>)
      %run_scoped3A_176 = arith.constant 9 : i32
      "tpu.region"() ({
        %run_scoped3A_253 = tpu.sem_alloc : memref<!tpu.dma_semaphore, #tpu.memory_space<semaphore_mem>>
        %dma_start3A_254 = arith.constant 0 : i32
        %dma_start3A_255 = tpu.memref_slice %arg8[%run_scoped3A_176, %dma_start3A_254] : memref<16x96xi32, #tpu.memory_space<vmem>> -> memref<1x96xi32, #tpu.memory_space<vmem>>
        %dma_start3A_256 = tpu.memref_squeeze %dma_start3A_255 : memref<1x96xi32, #tpu.memory_space<vmem>> -> memref<96xi32, #tpu.memory_space<vmem>>
        %dma_start3A_257 = arith.constant 0 : i32
        %dma_start3A_258 = arith.constant 0 : i32
        %dma_start3A_259 = tpu.memref_slice %arg12[%dma_start3A_257, %dma_start3A_258] : memref<10112x128xf32, #tpu.memory_space<vmem_shared>> -> memref<10112x128xf32, #tpu.memory_space<vmem_shared>>
        tpu.enqueue_indirect_dma source(%arg9 : memref<96x128xf32, #tpu.memory_space<vmem>>) target(%dma_start3A_259 : memref<10112x128xf32, #tpu.memory_space<vmem_shared>>) offsets(%dma_start3A_256 : memref<96xi32, #tpu.memory_space<vmem>>) semaphore(%run_scoped3A_253 : memref<!tpu.dma_semaphore, #tpu.memory_space<semaphore_mem>>) {add = true}
        %dma_wait3A_260 = arith.constant 0 : i32
        %dma_wait3A_261 = tpu.memref_slice %arg8[%run_scoped3A_176, %dma_wait3A_260] : memref<16x96xi32, #tpu.memory_space<vmem>> -> memref<1x96xi32, #tpu.memory_space<vmem>>
        %dma_wait3A_262 = tpu.memref_squeeze %dma_wait3A_261 : memref<1x96xi32, #tpu.memory_space<vmem>> -> memref<96xi32, #tpu.memory_space<vmem>>
        %dma_wait3A_263 = arith.constant 0 : i32
        %dma_wait3A_264 = arith.constant 0 : i32
        %dma_wait3A_265 = tpu.memref_slice %arg12[%dma_wait3A_263, %dma_wait3A_264] : memref<10112x128xf32, #tpu.memory_space<vmem_shared>> -> memref<10112x128xf32, #tpu.memory_space<vmem_shared>>
        tpu.wait_indirect_dma semaphore(%run_scoped3A_253 : memref<!tpu.dma_semaphore, #tpu.memory_space<semaphore_mem>>) src(%arg9 : memref<96x128xf32, #tpu.memory_space<vmem>>) dst(%dma_wait3A_265 : memref<10112x128xf32, #tpu.memory_space<vmem_shared>>)
        tpu.yield
      }) : () -> ()
      %dma_start3A_177 = arith.constant 12 : i32
      %dma_start3A_178 = arith.constant 0 : i32
      %dma_start3A_179 = tpu.memref_slice %arg7[%dma_start3A_177, %dma_start3A_178] : memref<16x96xi32, #tpu.memory_space<vmem>> -> memref<1x96xi32, #tpu.memory_space<vmem>>
      %dma_start3A_180 = tpu.memref_squeeze %dma_start3A_179 : memref<1x96xi32, #tpu.memory_space<vmem>> -> memref<96xi32, #tpu.memory_space<vmem>>
      %dma_start3A_181 = arith.constant 0 : i32
      %dma_start3A_182 = arith.constant 0 : i32
      %dma_start3A_183 = tpu.memref_slice %arg2[%dma_start3A_181, %dma_start3A_182] : memref<10000x128xf32, #tpu.memory_space<hbm>> -> memref<10000x128xf32, #tpu.memory_space<hbm>>
      tpu.enqueue_indirect_dma source(%dma_start3A_183 : memref<10000x128xf32, #tpu.memory_space<hbm>>) target(%arg9 : memref<96x128xf32, #tpu.memory_space<vmem>>) offsets(%dma_start3A_180 : memref<96xi32, #tpu.memory_space<vmem>>) semaphore(%arg13 : memref<!tpu.dma_semaphore, #tpu.memory_space<semaphore_mem>>)
      %dma_wait3A_184 = arith.constant 10 : i32
      %dma_wait3A_185 = arith.constant 0 : i32
      %dma_wait3A_186 = tpu.memref_slice %arg7[%dma_wait3A_184, %dma_wait3A_185] : memref<16x96xi32, #tpu.memory_space<vmem>> -> memref<1x96xi32, #tpu.memory_space<vmem>>
      %dma_wait3A_187 = tpu.memref_squeeze %dma_wait3A_186 : memref<1x96xi32, #tpu.memory_space<vmem>> -> memref<96xi32, #tpu.memory_space<vmem>>
      %dma_wait3A_188 = arith.constant 0 : i32
      %dma_wait3A_189 = arith.constant 0 : i32
      %dma_wait3A_190 = tpu.memref_slice %arg2[%dma_wait3A_188, %dma_wait3A_189] : memref<10000x128xf32, #tpu.memory_space<hbm>> -> memref<10000x128xf32, #tpu.memory_space<hbm>>
      tpu.wait_indirect_dma semaphore(%arg14 : memref<!tpu.dma_semaphore, #tpu.memory_space<semaphore_mem>>) src(%dma_wait3A_190 : memref<10000x128xf32, #tpu.memory_space<hbm>>) dst(%arg10 : memref<96x128xf32, #tpu.memory_space<vmem>>)
      %run_scoped3A_191 = arith.constant 10 : i32
      "tpu.region"() ({
        %run_scoped3A_253 = tpu.sem_alloc : memref<!tpu.dma_semaphore, #tpu.memory_space<semaphore_mem>>
        %dma_start3A_254 = arith.constant 0 : i32
        %dma_start3A_255 = tpu.memref_slice %arg8[%run_scoped3A_191, %dma_start3A_254] : memref<16x96xi32, #tpu.memory_space<vmem>> -> memref<1x96xi32, #tpu.memory_space<vmem>>
        %dma_start3A_256 = tpu.memref_squeeze %dma_start3A_255 : memref<1x96xi32, #tpu.memory_space<vmem>> -> memref<96xi32, #tpu.memory_space<vmem>>
        %dma_start3A_257 = arith.constant 0 : i32
        %dma_start3A_258 = arith.constant 0 : i32
        %dma_start3A_259 = tpu.memref_slice %arg12[%dma_start3A_257, %dma_start3A_258] : memref<10112x128xf32, #tpu.memory_space<vmem_shared>> -> memref<10112x128xf32, #tpu.memory_space<vmem_shared>>
        tpu.enqueue_indirect_dma source(%arg10 : memref<96x128xf32, #tpu.memory_space<vmem>>) target(%dma_start3A_259 : memref<10112x128xf32, #tpu.memory_space<vmem_shared>>) offsets(%dma_start3A_256 : memref<96xi32, #tpu.memory_space<vmem>>) semaphore(%run_scoped3A_253 : memref<!tpu.dma_semaphore, #tpu.memory_space<semaphore_mem>>) {add = true}
        %dma_wait3A_260 = arith.constant 0 : i32
        %dma_wait3A_261 = tpu.memref_slice %arg8[%run_scoped3A_191, %dma_wait3A_260] : memref<16x96xi32, #tpu.memory_space<vmem>> -> memref<1x96xi32, #tpu.memory_space<vmem>>
        %dma_wait3A_262 = tpu.memref_squeeze %dma_wait3A_261 : memref<1x96xi32, #tpu.memory_space<vmem>> -> memref<96xi32, #tpu.memory_space<vmem>>
        %dma_wait3A_263 = arith.constant 0 : i32
        %dma_wait3A_264 = arith.constant 0 : i32
        %dma_wait3A_265 = tpu.memref_slice %arg12[%dma_wait3A_263, %dma_wait3A_264] : memref<10112x128xf32, #tpu.memory_space<vmem_shared>> -> memref<10112x128xf32, #tpu.memory_space<vmem_shared>>
        tpu.wait_indirect_dma semaphore(%run_scoped3A_253 : memref<!tpu.dma_semaphore, #tpu.memory_space<semaphore_mem>>) src(%arg10 : memref<96x128xf32, #tpu.memory_space<vmem>>) dst(%dma_wait3A_265 : memref<10112x128xf32, #tpu.memory_space<vmem_shared>>)
        tpu.yield
      }) : () -> ()
      %dma_start3A_192 = arith.constant 13 : i32
      %dma_start3A_193 = arith.constant 0 : i32
      %dma_start3A_194 = tpu.memref_slice %arg7[%dma_start3A_192, %dma_start3A_193] : memref<16x96xi32, #tpu.memory_space<vmem>> -> memref<1x96xi32, #tpu.memory_space<vmem>>
      %dma_start3A_195 = tpu.memref_squeeze %dma_start3A_194 : memref<1x96xi32, #tpu.memory_space<vmem>> -> memref<96xi32, #tpu.memory_space<vmem>>
      %dma_start3A_196 = arith.constant 0 : i32
      %dma_start3A_197 = arith.constant 0 : i32
      %dma_start3A_198 = tpu.memref_slice %arg2[%dma_start3A_196, %dma_start3A_197] : memref<10000x128xf32, #tpu.memory_space<hbm>> -> memref<10000x128xf32, #tpu.memory_space<hbm>>
      tpu.enqueue_indirect_dma source(%dma_start3A_198 : memref<10000x128xf32, #tpu.memory_space<hbm>>) target(%arg10 : memref<96x128xf32, #tpu.memory_space<vmem>>) offsets(%dma_start3A_195 : memref<96xi32, #tpu.memory_space<vmem>>) semaphore(%arg14 : memref<!tpu.dma_semaphore, #tpu.memory_space<semaphore_mem>>)
      %dma_wait3A_199 = arith.constant 11 : i32
      %dma_wait3A_200 = arith.constant 0 : i32
      %dma_wait3A_201 = tpu.memref_slice %arg7[%dma_wait3A_199, %dma_wait3A_200] : memref<16x96xi32, #tpu.memory_space<vmem>> -> memref<1x96xi32, #tpu.memory_space<vmem>>
      %dma_wait3A_202 = tpu.memref_squeeze %dma_wait3A_201 : memref<1x96xi32, #tpu.memory_space<vmem>> -> memref<96xi32, #tpu.memory_space<vmem>>
      %dma_wait3A_203 = arith.constant 0 : i32
      %dma_wait3A_204 = arith.constant 0 : i32
      %dma_wait3A_205 = tpu.memref_slice %arg2[%dma_wait3A_203, %dma_wait3A_204] : memref<10000x128xf32, #tpu.memory_space<hbm>> -> memref<10000x128xf32, #tpu.memory_space<hbm>>
      tpu.wait_indirect_dma semaphore(%arg15 : memref<!tpu.dma_semaphore, #tpu.memory_space<semaphore_mem>>) src(%dma_wait3A_205 : memref<10000x128xf32, #tpu.memory_space<hbm>>) dst(%arg11 : memref<96x128xf32, #tpu.memory_space<vmem>>)
      %run_scoped3A_206 = arith.constant 11 : i32
      "tpu.region"() ({
        %run_scoped3A_253 = tpu.sem_alloc : memref<!tpu.dma_semaphore, #tpu.memory_space<semaphore_mem>>
        %dma_start3A_254 = arith.constant 0 : i32
        %dma_start3A_255 = tpu.memref_slice %arg8[%run_scoped3A_206, %dma_start3A_254] : memref<16x96xi32, #tpu.memory_space<vmem>> -> memref<1x96xi32, #tpu.memory_space<vmem>>
        %dma_start3A_256 = tpu.memref_squeeze %dma_start3A_255 : memref<1x96xi32, #tpu.memory_space<vmem>> -> memref<96xi32, #tpu.memory_space<vmem>>
        %dma_start3A_257 = arith.constant 0 : i32
        %dma_start3A_258 = arith.constant 0 : i32
        %dma_start3A_259 = tpu.memref_slice %arg12[%dma_start3A_257, %dma_start3A_258] : memref<10112x128xf32, #tpu.memory_space<vmem_shared>> -> memref<10112x128xf32, #tpu.memory_space<vmem_shared>>
        tpu.enqueue_indirect_dma source(%arg11 : memref<96x128xf32, #tpu.memory_space<vmem>>) target(%dma_start3A_259 : memref<10112x128xf32, #tpu.memory_space<vmem_shared>>) offsets(%dma_start3A_256 : memref<96xi32, #tpu.memory_space<vmem>>) semaphore(%run_scoped3A_253 : memref<!tpu.dma_semaphore, #tpu.memory_space<semaphore_mem>>) {add = true}
        %dma_wait3A_260 = arith.constant 0 : i32
        %dma_wait3A_261 = tpu.memref_slice %arg8[%run_scoped3A_206, %dma_wait3A_260] : memref<16x96xi32, #tpu.memory_space<vmem>> -> memref<1x96xi32, #tpu.memory_space<vmem>>
        %dma_wait3A_262 = tpu.memref_squeeze %dma_wait3A_261 : memref<1x96xi32, #tpu.memory_space<vmem>> -> memref<96xi32, #tpu.memory_space<vmem>>
        %dma_wait3A_263 = arith.constant 0 : i32
        %dma_wait3A_264 = arith.constant 0 : i32
        %dma_wait3A_265 = tpu.memref_slice %arg12[%dma_wait3A_263, %dma_wait3A_264] : memref<10112x128xf32, #tpu.memory_space<vmem_shared>> -> memref<10112x128xf32, #tpu.memory_space<vmem_shared>>
        tpu.wait_indirect_dma semaphore(%run_scoped3A_253 : memref<!tpu.dma_semaphore, #tpu.memory_space<semaphore_mem>>) src(%arg11 : memref<96x128xf32, #tpu.memory_space<vmem>>) dst(%dma_wait3A_265 : memref<10112x128xf32, #tpu.memory_space<vmem_shared>>)
        tpu.yield
      }) : () -> ()
      %dma_start3A_207 = arith.constant 14 : i32
      %dma_start3A_208 = arith.constant 0 : i32
      %dma_start3A_209 = tpu.memref_slice %arg7[%dma_start3A_207, %dma_start3A_208] : memref<16x96xi32, #tpu.memory_space<vmem>> -> memref<1x96xi32, #tpu.memory_space<vmem>>
      %dma_start3A_210 = tpu.memref_squeeze %dma_start3A_209 : memref<1x96xi32, #tpu.memory_space<vmem>> -> memref<96xi32, #tpu.memory_space<vmem>>
      %dma_start3A_211 = arith.constant 0 : i32
      %dma_start3A_212 = arith.constant 0 : i32
      %dma_start3A_213 = tpu.memref_slice %arg2[%dma_start3A_211, %dma_start3A_212] : memref<10000x128xf32, #tpu.memory_space<hbm>> -> memref<10000x128xf32, #tpu.memory_space<hbm>>
      tpu.enqueue_indirect_dma source(%dma_start3A_213 : memref<10000x128xf32, #tpu.memory_space<hbm>>) target(%arg11 : memref<96x128xf32, #tpu.memory_space<vmem>>) offsets(%dma_start3A_210 : memref<96xi32, #tpu.memory_space<vmem>>) semaphore(%arg15 : memref<!tpu.dma_semaphore, #tpu.memory_space<semaphore_mem>>)
      %dma_wait3A_214 = arith.constant 12 : i32
      %dma_wait3A_215 = arith.constant 0 : i32
      %dma_wait3A_216 = tpu.memref_slice %arg7[%dma_wait3A_214, %dma_wait3A_215] : memref<16x96xi32, #tpu.memory_space<vmem>> -> memref<1x96xi32, #tpu.memory_space<vmem>>
      %dma_wait3A_217 = tpu.memref_squeeze %dma_wait3A_216 : memref<1x96xi32, #tpu.memory_space<vmem>> -> memref<96xi32, #tpu.memory_space<vmem>>
      %dma_wait3A_218 = arith.constant 0 : i32
      %dma_wait3A_219 = arith.constant 0 : i32
      %dma_wait3A_220 = tpu.memref_slice %arg2[%dma_wait3A_218, %dma_wait3A_219] : memref<10000x128xf32, #tpu.memory_space<hbm>> -> memref<10000x128xf32, #tpu.memory_space<hbm>>
      tpu.wait_indirect_dma semaphore(%arg13 : memref<!tpu.dma_semaphore, #tpu.memory_space<semaphore_mem>>) src(%dma_wait3A_220 : memref<10000x128xf32, #tpu.memory_space<hbm>>) dst(%arg9 : memref<96x128xf32, #tpu.memory_space<vmem>>)
      %run_scoped3A_221 = arith.constant 12 : i32
      "tpu.region"() ({
        %run_scoped3A_253 = tpu.sem_alloc : memref<!tpu.dma_semaphore, #tpu.memory_space<semaphore_mem>>
        %dma_start3A_254 = arith.constant 0 : i32
        %dma_start3A_255 = tpu.memref_slice %arg8[%run_scoped3A_221, %dma_start3A_254] : memref<16x96xi32, #tpu.memory_space<vmem>> -> memref<1x96xi32, #tpu.memory_space<vmem>>
        %dma_start3A_256 = tpu.memref_squeeze %dma_start3A_255 : memref<1x96xi32, #tpu.memory_space<vmem>> -> memref<96xi32, #tpu.memory_space<vmem>>
        %dma_start3A_257 = arith.constant 0 : i32
        %dma_start3A_258 = arith.constant 0 : i32
        %dma_start3A_259 = tpu.memref_slice %arg12[%dma_start3A_257, %dma_start3A_258] : memref<10112x128xf32, #tpu.memory_space<vmem_shared>> -> memref<10112x128xf32, #tpu.memory_space<vmem_shared>>
        tpu.enqueue_indirect_dma source(%arg9 : memref<96x128xf32, #tpu.memory_space<vmem>>) target(%dma_start3A_259 : memref<10112x128xf32, #tpu.memory_space<vmem_shared>>) offsets(%dma_start3A_256 : memref<96xi32, #tpu.memory_space<vmem>>) semaphore(%run_scoped3A_253 : memref<!tpu.dma_semaphore, #tpu.memory_space<semaphore_mem>>) {add = true}
        %dma_wait3A_260 = arith.constant 0 : i32
        %dma_wait3A_261 = tpu.memref_slice %arg8[%run_scoped3A_221, %dma_wait3A_260] : memref<16x96xi32, #tpu.memory_space<vmem>> -> memref<1x96xi32, #tpu.memory_space<vmem>>
        %dma_wait3A_262 = tpu.memref_squeeze %dma_wait3A_261 : memref<1x96xi32, #tpu.memory_space<vmem>> -> memref<96xi32, #tpu.memory_space<vmem>>
        %dma_wait3A_263 = arith.constant 0 : i32
        %dma_wait3A_264 = arith.constant 0 : i32
        %dma_wait3A_265 = tpu.memref_slice %arg12[%dma_wait3A_263, %dma_wait3A_264] : memref<10112x128xf32, #tpu.memory_space<vmem_shared>> -> memref<10112x128xf32, #tpu.memory_space<vmem_shared>>
        tpu.wait_indirect_dma semaphore(%run_scoped3A_253 : memref<!tpu.dma_semaphore, #tpu.memory_space<semaphore_mem>>) src(%arg9 : memref<96x128xf32, #tpu.memory_space<vmem>>) dst(%dma_wait3A_265 : memref<10112x128xf32, #tpu.memory_space<vmem_shared>>)
        tpu.yield
      }) : () -> ()
      %dma_start3A_222 = arith.constant 15 : i32
      %dma_start3A_223 = arith.constant 0 : i32
      %dma_start3A_224 = tpu.memref_slice %arg7[%dma_start3A_222, %dma_start3A_223] : memref<16x96xi32, #tpu.memory_space<vmem>> -> memref<1x96xi32, #tpu.memory_space<vmem>>
      %dma_start3A_225 = tpu.memref_squeeze %dma_start3A_224 : memref<1x96xi32, #tpu.memory_space<vmem>> -> memref<96xi32, #tpu.memory_space<vmem>>
      %dma_start3A_226 = arith.constant 0 : i32
      %dma_start3A_227 = arith.constant 0 : i32
      %dma_start3A_228 = tpu.memref_slice %arg2[%dma_start3A_226, %dma_start3A_227] : memref<10000x128xf32, #tpu.memory_space<hbm>> -> memref<10000x128xf32, #tpu.memory_space<hbm>>
      tpu.enqueue_indirect_dma source(%dma_start3A_228 : memref<10000x128xf32, #tpu.memory_space<hbm>>) target(%arg9 : memref<96x128xf32, #tpu.memory_space<vmem>>) offsets(%dma_start3A_225 : memref<96xi32, #tpu.memory_space<vmem>>) semaphore(%arg13 : memref<!tpu.dma_semaphore, #tpu.memory_space<semaphore_mem>>)
      %dma_wait3A_229 = arith.constant 13 : i32
      %dma_wait3A_230 = arith.constant 0 : i32
      %dma_wait3A_231 = tpu.memref_slice %arg7[%dma_wait3A_229, %dma_wait3A_230] : memref<16x96xi32, #tpu.memory_space<vmem>> -> memref<1x96xi32, #tpu.memory_space<vmem>>
      %dma_wait3A_232 = tpu.memref_squeeze %dma_wait3A_231 : memref<1x96xi32, #tpu.memory_space<vmem>> -> memref<96xi32, #tpu.memory_space<vmem>>
      %dma_wait3A_233 = arith.constant 0 : i32
      %dma_wait3A_234 = arith.constant 0 : i32
      %dma_wait3A_235 = tpu.memref_slice %arg2[%dma_wait3A_233, %dma_wait3A_234] : memref<10000x128xf32, #tpu.memory_space<hbm>> -> memref<10000x128xf32, #tpu.memory_space<hbm>>
      tpu.wait_indirect_dma semaphore(%arg14 : memref<!tpu.dma_semaphore, #tpu.memory_space<semaphore_mem>>) src(%dma_wait3A_235 : memref<10000x128xf32, #tpu.memory_space<hbm>>) dst(%arg10 : memref<96x128xf32, #tpu.memory_space<vmem>>)
      %run_scoped3A_236 = arith.constant 13 : i32
      "tpu.region"() ({
        %run_scoped3A_253 = tpu.sem_alloc : memref<!tpu.dma_semaphore, #tpu.memory_space<semaphore_mem>>
        %dma_start3A_254 = arith.constant 0 : i32
        %dma_start3A_255 = tpu.memref_slice %arg8[%run_scoped3A_236, %dma_start3A_254] : memref<16x96xi32, #tpu.memory_space<vmem>> -> memref<1x96xi32, #tpu.memory_space<vmem>>
        %dma_start3A_256 = tpu.memref_squeeze %dma_start3A_255 : memref<1x96xi32, #tpu.memory_space<vmem>> -> memref<96xi32, #tpu.memory_space<vmem>>
        %dma_start3A_257 = arith.constant 0 : i32
        %dma_start3A_258 = arith.constant 0 : i32
        %dma_start3A_259 = tpu.memref_slice %arg12[%dma_start3A_257, %dma_start3A_258] : memref<10112x128xf32, #tpu.memory_space<vmem_shared>> -> memref<10112x128xf32, #tpu.memory_space<vmem_shared>>
        tpu.enqueue_indirect_dma source(%arg10 : memref<96x128xf32, #tpu.memory_space<vmem>>) target(%dma_start3A_259 : memref<10112x128xf32, #tpu.memory_space<vmem_shared>>) offsets(%dma_start3A_256 : memref<96xi32, #tpu.memory_space<vmem>>) semaphore(%run_scoped3A_253 : memref<!tpu.dma_semaphore, #tpu.memory_space<semaphore_mem>>) {add = true}
        %dma_wait3A_260 = arith.constant 0 : i32
        %dma_wait3A_261 = tpu.memref_slice %arg8[%run_scoped3A_236, %dma_wait3A_260] : memref<16x96xi32, #tpu.memory_space<vmem>> -> memref<1x96xi32, #tpu.memory_space<vmem>>
        %dma_wait3A_262 = tpu.memref_squeeze %dma_wait3A_261 : memref<1x96xi32, #tpu.memory_space<vmem>> -> memref<96xi32, #tpu.memory_space<vmem>>
        %dma_wait3A_263 = arith.constant 0 : i32
        %dma_wait3A_264 = arith.constant 0 : i32
        %dma_wait3A_265 = tpu.memref_slice %arg12[%dma_wait3A_263, %dma_wait3A_264] : memref<10112x128xf32, #tpu.memory_space<vmem_shared>> -> memref<10112x128xf32, #tpu.memory_space<vmem_shared>>
        tpu.wait_indirect_dma semaphore(%run_scoped3A_253 : memref<!tpu.dma_semaphore, #tpu.memory_space<semaphore_mem>>) src(%arg10 : memref<96x128xf32, #tpu.memory_space<vmem>>) dst(%dma_wait3A_265 : memref<10112x128xf32, #tpu.memory_space<vmem_shared>>)
        tpu.yield
      }) : () -> ()
      %dma_wait3A_237 = arith.constant 14 : i32
      %dma_wait3A_238 = arith.constant 0 : i32
      %dma_wait3A_239 = tpu.memref_slice %arg7[%dma_wait3A_237, %dma_wait3A_238] : memref<16x96xi32, #tpu.memory_space<vmem>> -> memref<1x96xi32, #tpu.memory_space<vmem>>
      %dma_wait3A_240 = tpu.memref_squeeze %dma_wait3A_239 : memref<1x96xi32, #tpu.memory_space<vmem>> -> memref<96xi32, #tpu.memory_space<vmem>>
      %dma_wait3A_241 = arith.constant 0 : i32
      %dma_wait3A_242 = arith.constant 0 : i32
      %dma_wait3A_243 = tpu.memref_slice %arg2[%dma_wait3A_241, %dma_wait3A_242] : memref<10000x128xf32, #tpu.memory_space<hbm>> -> memref<10000x128xf32, #tpu.memory_space<hbm>>
      tpu.wait_indirect_dma semaphore(%arg15 : memref<!tpu.dma_semaphore, #tpu.memory_space<semaphore_mem>>) src(%dma_wait3A_243 : memref<10000x128xf32, #tpu.memory_space<hbm>>) dst(%arg11 : memref<96x128xf32, #tpu.memory_space<vmem>>)
      %run_scoped3A_244 = arith.constant 14 : i32
      "tpu.region"() ({
        %run_scoped3A_253 = tpu.sem_alloc : memref<!tpu.dma_semaphore, #tpu.memory_space<semaphore_mem>>
        %dma_start3A_254 = arith.constant 0 : i32
        %dma_start3A_255 = tpu.memref_slice %arg8[%run_scoped3A_244, %dma_start3A_254] : memref<16x96xi32, #tpu.memory_space<vmem>> -> memref<1x96xi32, #tpu.memory_space<vmem>>
        %dma_start3A_256 = tpu.memref_squeeze %dma_start3A_255 : memref<1x96xi32, #tpu.memory_space<vmem>> -> memref<96xi32, #tpu.memory_space<vmem>>
        %dma_start3A_257 = arith.constant 0 : i32
        %dma_start3A_258 = arith.constant 0 : i32
        %dma_start3A_259 = tpu.memref_slice %arg12[%dma_start3A_257, %dma_start3A_258] : memref<10112x128xf32, #tpu.memory_space<vmem_shared>> -> memref<10112x128xf32, #tpu.memory_space<vmem_shared>>
        tpu.enqueue_indirect_dma source(%arg11 : memref<96x128xf32, #tpu.memory_space<vmem>>) target(%dma_start3A_259 : memref<10112x128xf32, #tpu.memory_space<vmem_shared>>) offsets(%dma_start3A_256 : memref<96xi32, #tpu.memory_space<vmem>>) semaphore(%run_scoped3A_253 : memref<!tpu.dma_semaphore, #tpu.memory_space<semaphore_mem>>) {add = true}
        %dma_wait3A_260 = arith.constant 0 : i32
        %dma_wait3A_261 = tpu.memref_slice %arg8[%run_scoped3A_244, %dma_wait3A_260] : memref<16x96xi32, #tpu.memory_space<vmem>> -> memref<1x96xi32, #tpu.memory_space<vmem>>
        %dma_wait3A_262 = tpu.memref_squeeze %dma_wait3A_261 : memref<1x96xi32, #tpu.memory_space<vmem>> -> memref<96xi32, #tpu.memory_space<vmem>>
        %dma_wait3A_263 = arith.constant 0 : i32
        %dma_wait3A_264 = arith.constant 0 : i32
        %dma_wait3A_265 = tpu.memref_slice %arg12[%dma_wait3A_263, %dma_wait3A_264] : memref<10112x128xf32, #tpu.memory_space<vmem_shared>> -> memref<10112x128xf32, #tpu.memory_space<vmem_shared>>
        tpu.wait_indirect_dma semaphore(%run_scoped3A_253 : memref<!tpu.dma_semaphore, #tpu.memory_space<semaphore_mem>>) src(%arg11 : memref<96x128xf32, #tpu.memory_space<vmem>>) dst(%dma_wait3A_265 : memref<10112x128xf32, #tpu.memory_space<vmem_shared>>)
        tpu.yield
      }) : () -> ()
      %dma_wait3A_245 = arith.constant 15 : i32
      %dma_wait3A_246 = arith.constant 0 : i32
      %dma_wait3A_247 = tpu.memref_slice %arg7[%dma_wait3A_245, %dma_wait3A_246] : memref<16x96xi32, #tpu.memory_space<vmem>> -> memref<1x96xi32, #tpu.memory_space<vmem>>
      %dma_wait3A_248 = tpu.memref_squeeze %dma_wait3A_247 : memref<1x96xi32, #tpu.memory_space<vmem>> -> memref<96xi32, #tpu.memory_space<vmem>>
      %dma_wait3A_249 = arith.constant 0 : i32
      %dma_wait3A_250 = arith.constant 0 : i32
      %dma_wait3A_251 = tpu.memref_slice %arg2[%dma_wait3A_249, %dma_wait3A_250] : memref<10000x128xf32, #tpu.memory_space<hbm>> -> memref<10000x128xf32, #tpu.memory_space<hbm>>
      tpu.wait_indirect_dma semaphore(%arg13 : memref<!tpu.dma_semaphore, #tpu.memory_space<semaphore_mem>>) src(%dma_wait3A_251 : memref<10000x128xf32, #tpu.memory_space<hbm>>) dst(%arg9 : memref<96x128xf32, #tpu.memory_space<vmem>>)
      %run_scoped3A_252 = arith.constant 15 : i32
      "tpu.region"() ({
        %run_scoped3A_253 = tpu.sem_alloc : memref<!tpu.dma_semaphore, #tpu.memory_space<semaphore_mem>>
        %dma_start3A_254 = arith.constant 0 : i32
        %dma_start3A_255 = tpu.memref_slice %arg8[%run_scoped3A_252, %dma_start3A_254] : memref<16x96xi32, #tpu.memory_space<vmem>> -> memref<1x96xi32, #tpu.memory_space<vmem>>
        %dma_start3A_256 = tpu.memref_squeeze %dma_start3A_255 : memref<1x96xi32, #tpu.memory_space<vmem>> -> memref<96xi32, #tpu.memory_space<vmem>>
        %dma_start3A_257 = arith.constant 0 : i32
        %dma_start3A_258 = arith.constant 0 : i32
        %dma_start3A_259 = tpu.memref_slice %arg12[%dma_start3A_257, %dma_start3A_258] : memref<10112x128xf32, #tpu.memory_space<vmem_shared>> -> memref<10112x128xf32, #tpu.memory_space<vmem_shared>>
        tpu.enqueue_indirect_dma source(%arg9 : memref<96x128xf32, #tpu.memory_space<vmem>>) target(%dma_start3A_259 : memref<10112x128xf32, #tpu.memory_space<vmem_shared>>) offsets(%dma_start3A_256 : memref<96xi32, #tpu.memory_space<vmem>>) semaphore(%run_scoped3A_253 : memref<!tpu.dma_semaphore, #tpu.memory_space<semaphore_mem>>) {add = true}
        %dma_wait3A_260 = arith.constant 0 : i32
        %dma_wait3A_261 = tpu.memref_slice %arg8[%run_scoped3A_252, %dma_wait3A_260] : memref<16x96xi32, #tpu.memory_space<vmem>> -> memref<1x96xi32, #tpu.memory_space<vmem>>
        %dma_wait3A_262 = tpu.memref_squeeze %dma_wait3A_261 : memref<1x96xi32, #tpu.memory_space<vmem>> -> memref<96xi32, #tpu.memory_space<vmem>>
        %dma_wait3A_263 = arith.constant 0 : i32
        %dma_wait3A_264 = arith.constant 0 : i32
        %dma_wait3A_265 = tpu.memref_slice %arg12[%dma_wait3A_263, %dma_wait3A_264] : memref<10112x128xf32, #tpu.memory_space<vmem_shared>> -> memref<10112x128xf32, #tpu.memory_space<vmem_shared>>
        tpu.wait_indirect_dma semaphore(%run_scoped3A_253 : memref<!tpu.dma_semaphore, #tpu.memory_space<semaphore_mem>>) src(%arg9 : memref<96x128xf32, #tpu.memory_space<vmem>>) dst(%dma_wait3A_265 : memref<10112x128xf32, #tpu.memory_space<vmem_shared>>)
        tpu.yield
      }) : () -> ()
    }
    %scan3A_7 = arith.constant 7 : i32
    %barrier3A_8 = arith.constant 0 : index
    tpu.barrier barrier_id(%barrier3A_8)
    %mul3A_9 = arith.constant 632 : i32
    %mul3A_10 = arith.muli %arg1, %mul3A_9 : i32
    %mul3A_11 = arith.constant 632 : i32
    %mul3A_12 = arith.muli %arg1, %mul3A_11 : i32
    "tpu.region"() ({
      %run_scoped3A = tpu.sem_alloc : memref<!tpu.dma_semaphore, #tpu.memory_space<semaphore_mem>>
      %dma_start3A = arith.constant 0 : i32
      %dma_start3A_13 = tpu.memref_slice %arg6[%arg0, %mul3A_12, %dma_start3A] : memref<2x10112x128xf32, #tpu.memory_space<hbm>> -> memref<1x632x128xf32, #tpu.memory_space<hbm>>
      %dma_start3A_14 = tpu.memref_squeeze %dma_start3A_13 : memref<1x632x128xf32, #tpu.memory_space<hbm>> -> memref<632x128xf32, #tpu.memory_space<hbm>>
      %dma_start3A_15 = arith.constant 0 : i32
      %dma_start3A_16 = tpu.memref_slice %arg12[%mul3A_10, %dma_start3A_15] : memref<10112x128xf32, #tpu.memory_space<vmem_shared>> -> memref<632x128xf32, #tpu.memory_space<vmem_shared>>
      tpu.enqueue_dma source(%dma_start3A_16 : memref<632x128xf32, #tpu.memory_space<vmem_shared>>) target(%dma_start3A_14 : memref<632x128xf32, #tpu.memory_space<hbm>>) target_semaphore(%run_scoped3A : memref<!tpu.dma_semaphore, #tpu.memory_space<semaphore_mem>>)
      %dma_wait3A = arith.constant 0 : i32
      %dma_wait3A_17 = tpu.memref_slice %arg6[%arg0, %mul3A_12, %dma_wait3A] : memref<2x10112x128xf32, #tpu.memory_space<hbm>> -> memref<1x632x128xf32, #tpu.memory_space<hbm>>
      %dma_wait3A_18 = tpu.memref_squeeze %dma_wait3A_17 : memref<1x632x128xf32, #tpu.memory_space<hbm>> -> memref<632x128xf32, #tpu.memory_space<hbm>>
      %dma_wait3A_19 = arith.constant 0 : i32
      %dma_wait3A_20 = tpu.memref_slice %arg12[%mul3A_10, %dma_wait3A_19] : memref<10112x128xf32, #tpu.memory_space<vmem_shared>> -> memref<632x128xf32, #tpu.memory_space<vmem_shared>>
      tpu.wait_dma2 semaphore(%run_scoped3A : memref<!tpu.dma_semaphore, #tpu.memory_space<semaphore_mem>>) src(%dma_wait3A_20 : memref<632x128xf32, #tpu.memory_space<vmem_shared>>) dst(%dma_wait3A_18 : memref<632x128xf32, #tpu.memory_space<hbm>>)
      tpu.yield
    }) : () -> ()
    return
  }
}

#map = affine_map<(d0, d1) -> (0, 0)>
#map1 = affine_map<(d0, d1) -> (0, 0, 0)>
module attributes {stable_mosaic.version = 14 : i64} {
  func.func @_sc_agg_body(%arg0: i32, %arg1: i32, %arg2: memref<10000x128xf32, #tpu.memory_space<hbm>>, %arg3: memref<32x112x96xi32, #tpu.memory_space<hbm>>, %arg4: memref<32x112x96xi32, #tpu.memory_space<hbm>>, %arg5: memref<632x128xf32, #tpu.memory_space<hbm>>, %arg6: memref<2x10112x128xf32, #tpu.memory_space<hbm>>, %arg7: memref<16x96xi32, #tpu.memory_space<vmem>>, %arg8: memref<16x96xi32, #tpu.memory_space<vmem>>, %arg9: memref<96x128xf32, #tpu.memory_space<vmem>>, %arg10: memref<96x128xf32, #tpu.memory_space<vmem>>, %arg11: memref<96x128xf32, #tpu.memory_space<vmem>>, %arg12: memref<10112x128xf32, #tpu.memory_space<vmem_shared>>, %arg13: memref<!tpu.dma_semaphore, #tpu.memory_space<semaphore_mem>>, %arg14: memref<!tpu.dma_semaphore, #tpu.memory_space<semaphore_mem>>, %arg15: memref<!tpu.dma_semaphore, #tpu.memory_space<semaphore_mem>>) attributes {dimension_semantics = [#tpu.dimension_semantics<core_parallel>, #tpu.dimension_semantics<subcore_parallel>], iteration_bounds = array<i64: 2, 16>, scalar_prefetch = 0 : i64, scratch_operands = 9 : i64, tpu.core_type = #tpu.core_type<sc_vector_subcore>, window_params = [{transform_indices = #map}, {transform_indices = #map1}, {transform_indices = #map1}, {transform_indices = #map}, {transform_indices = #map1}]} {
    %mul3A = arith.constant 2 : i32
    %mul3A_0 = arith.muli %arg1, %mul3A : i32
    %add3A = arith.addi %mul3A_0, %arg0 : i32
    %mul3A_1 = arith.constant 632 : i32
    %mul3A_2 = arith.muli %arg1, %mul3A_1 : i32
    "tpu.region"() ({
      %run_scoped3A = tpu.sem_alloc : memref<!tpu.dma_semaphore, #tpu.memory_space<semaphore_mem>>
      %dma_start3A = arith.constant 0 : i32
      %dma_start3A_13 = tpu.memref_slice %arg12[%mul3A_2, %dma_start3A] : memref<10112x128xf32, #tpu.memory_space<vmem_shared>> -> memref<632x128xf32, #tpu.memory_space<vmem_shared>>
      tpu.enqueue_dma source(%arg5 : memref<632x128xf32, #tpu.memory_space<hbm>>) target(%dma_start3A_13 : memref<632x128xf32, #tpu.memory_space<vmem_shared>>) target_semaphore(%run_scoped3A : memref<!tpu.dma_semaphore, #tpu.memory_space<semaphore_mem>>)
      %dma_wait3A = arith.constant 0 : i32
      %dma_wait3A_14 = tpu.memref_slice %arg12[%mul3A_2, %dma_wait3A] : memref<10112x128xf32, #tpu.memory_space<vmem_shared>> -> memref<632x128xf32, #tpu.memory_space<vmem_shared>>
      tpu.wait_dma2 semaphore(%run_scoped3A : memref<!tpu.dma_semaphore, #tpu.memory_space<semaphore_mem>>) src(%arg5 : memref<632x128xf32, #tpu.memory_space<hbm>>) dst(%dma_wait3A_14 : memref<632x128xf32, #tpu.memory_space<vmem_shared>>)
      tpu.yield
    }) : () -> ()
    %barrier3A = arith.constant 0 : index
    tpu.barrier barrier_id(%barrier3A)
    %scan3A = arith.constant 0 : i32
    %scan3A_3 = arith.constant 0 : i32
    %scan3A_4 = arith.constant 7 : i32
    %scan3A_5 = arith.addi %scan3A_3, %scan3A_4 : i32
    %scan3A_6 = arith.constant 1 : i32
    scf.for %scan3A_13 = %scan3A_3 to %scan3A_5 step %scan3A_6  : i32 {
      %mul3A_14 = arith.constant 16 : i32
      %mul3A_15 = arith.muli %scan3A_13, %mul3A_14 : i32
      "tpu.region"() ({
        %run_scoped3A_253 = tpu.sem_alloc : memref<!tpu.dma_semaphore, #tpu.memory_space<semaphore_mem>>
        %dma_start3A_254 = arith.constant 0 : i32
        %dma_start3A_255 = tpu.memref_slice %arg3[%add3A, %mul3A_15, %dma_start3A_254] : memref<32x112x96xi32, #tpu.memory_space<hbm>> -> memref<1x16x96xi32, #tpu.memory_space<hbm>>
        %dma_start3A_256 = tpu.memref_squeeze %dma_start3A_255 : memref<1x16x96xi32, #tpu.memory_space<hbm>> -> memref<16x96xi32, #tpu.memory_space<hbm>>
        %dma_start3A_257 = arith.constant 0 : i32
        %dma_start3A_258 = tpu.memref_slice %arg3[%add3A, %mul3A_15, %dma_start3A_257] : memref<32x112x96xi32, #tpu.memory_space<hbm>> -> memref<1x16x96xi32, #tpu.memory_space<hbm>>
        %dma_start3A_259 = tpu.memref_squeeze %dma_start3A_258 : memref<1x16x96xi32, #tpu.memory_space<hbm>> -> memref<16x96xi32, #tpu.memory_space<hbm>>
        tpu.enqueue_dma source(%dma_start3A_259 : memref<16x96xi32, #tpu.memory_space<hbm>>) target(%arg7 : memref<16x96xi32, #tpu.memory_space<vmem>>) target_semaphore(%run_scoped3A_253 : memref<!tpu.dma_semaphore, #tpu.memory_space<semaphore_mem>>)
        %dma_wait3A_260 = arith.constant 0 : i32
        %dma_wait3A_261 = tpu.memref_slice %arg3[%add3A, %mul3A_15, %dma_wait3A_260] : memref<32x112x96xi32, #tpu.memory_space<hbm>> -> memref<1x16x96xi32, #tpu.memory_space<hbm>>
        %dma_wait3A_262 = tpu.memref_squeeze %dma_wait3A_261 : memref<1x16x96xi32, #tpu.memory_space<hbm>> -> memref<16x96xi32, #tpu.memory_space<hbm>>
        %dma_wait3A_263 = arith.constant 0 : i32
        %dma_wait3A_264 = tpu.memref_slice %arg3[%add3A, %mul3A_15, %dma_wait3A_263] : memref<32x112x96xi32, #tpu.memory_space<hbm>> -> memref<1x16x96xi32, #tpu.memory_space<hbm>>
        %dma_wait3A_265 = tpu.memref_squeeze %dma_wait3A_264 : memref<1x16x96xi32, #tpu.memory_space<hbm>> -> memref<16x96xi32, #tpu.memory_space<hbm>>
        tpu.wait_dma2 semaphore(%run_scoped3A_253 : memref<!tpu.dma_semaphore, #tpu.memory_space<semaphore_mem>>) src(%dma_wait3A_265 : memref<16x96xi32, #tpu.memory_space<hbm>>) dst(%arg7 : memref<16x96xi32, #tpu.memory_space<vmem>>)
        tpu.yield
      }) : () -> ()
      "tpu.region"() ({
        %run_scoped3A_253 = tpu.sem_alloc : memref<!tpu.dma_semaphore, #tpu.memory_space<semaphore_mem>>
        %dma_start3A_254 = arith.constant 0 : i32
        %dma_start3A_255 = tpu.memref_slice %arg4[%add3A, %mul3A_15, %dma_start3A_254] : memref<32x112x96xi32, #tpu.memory_space<hbm>> -> memref<1x16x96xi32, #tpu.memory_space<hbm>>
        %dma_start3A_256 = tpu.memref_squeeze %dma_start3A_255 : memref<1x16x96xi32, #tpu.memory_space<hbm>> -> memref<16x96xi32, #tpu.memory_space<hbm>>
        %dma_start3A_257 = arith.constant 0 : i32
        %dma_start3A_258 = tpu.memref_slice %arg4[%add3A, %mul3A_15, %dma_start3A_257] : memref<32x112x96xi32, #tpu.memory_space<hbm>> -> memref<1x16x96xi32, #tpu.memory_space<hbm>>
        %dma_start3A_259 = tpu.memref_squeeze %dma_start3A_258 : memref<1x16x96xi32, #tpu.memory_space<hbm>> -> memref<16x96xi32, #tpu.memory_space<hbm>>
        tpu.enqueue_dma source(%dma_start3A_259 : memref<16x96xi32, #tpu.memory_space<hbm>>) target(%arg8 : memref<16x96xi32, #tpu.memory_space<vmem>>) target_semaphore(%run_scoped3A_253 : memref<!tpu.dma_semaphore, #tpu.memory_space<semaphore_mem>>)
        %dma_wait3A_260 = arith.constant 0 : i32
        %dma_wait3A_261 = tpu.memref_slice %arg4[%add3A, %mul3A_15, %dma_wait3A_260] : memref<32x112x96xi32, #tpu.memory_space<hbm>> -> memref<1x16x96xi32, #tpu.memory_space<hbm>>
        %dma_wait3A_262 = tpu.memref_squeeze %dma_wait3A_261 : memref<1x16x96xi32, #tpu.memory_space<hbm>> -> memref<16x96xi32, #tpu.memory_space<hbm>>
        %dma_wait3A_263 = arith.constant 0 : i32
        %dma_wait3A_264 = tpu.memref_slice %arg4[%add3A, %mul3A_15, %dma_wait3A_263] : memref<32x112x96xi32, #tpu.memory_space<hbm>> -> memref<1x16x96xi32, #tpu.memory_space<hbm>>
        %dma_wait3A_265 = tpu.memref_squeeze %dma_wait3A_264 : memref<1x16x96xi32, #tpu.memory_space<hbm>> -> memref<16x96xi32, #tpu.memory_space<hbm>>
        tpu.wait_dma2 semaphore(%run_scoped3A_253 : memref<!tpu.dma_semaphore, #tpu.memory_space<semaphore_mem>>) src(%dma_wait3A_265 : memref<16x96xi32, #tpu.memory_space<hbm>>) dst(%arg8 : memref<16x96xi32, #tpu.memory_space<vmem>>)
        tpu.yield
      }) : () -> ()
      %dma_start3A = arith.constant 0 : i32
      %dma_start3A_16 = arith.constant 0 : i32
      %dma_start3A_17 = tpu.memref_slice %arg7[%dma_start3A, %dma_start3A_16] : memref<16x96xi32, #tpu.memory_space<vmem>> -> memref<1x96xi32, #tpu.memory_space<vmem>>
      %dma_start3A_18 = tpu.memref_squeeze %dma_start3A_17 : memref<1x96xi32, #tpu.memory_space<vmem>> -> memref<96xi32, #tpu.memory_space<vmem>>
      %dma_start3A_19 = arith.constant 0 : i32
      %dma_start3A_20 = arith.constant 0 : i32
      %dma_start3A_21 = tpu.memref_slice %arg2[%dma_start3A_19, %dma_start3A_20] : memref<10000x128xf32, #tpu.memory_space<hbm>> -> memref<10000x128xf32, #tpu.memory_space<hbm>>
      tpu.enqueue_indirect_dma source(%dma_start3A_21 : memref<10000x128xf32, #tpu.memory_space<hbm>>) target(%arg9 : memref<96x128xf32, #tpu.memory_space<vmem>>) offsets(%dma_start3A_18 : memref<96xi32, #tpu.memory_space<vmem>>) semaphore(%arg13 : memref<!tpu.dma_semaphore, #tpu.memory_space<semaphore_mem>>)
      %dma_start3A_22 = arith.constant 1 : i32
      %dma_start3A_23 = arith.constant 0 : i32
      %dma_start3A_24 = tpu.memref_slice %arg7[%dma_start3A_22, %dma_start3A_23] : memref<16x96xi32, #tpu.memory_space<vmem>> -> memref<1x96xi32, #tpu.memory_space<vmem>>
      %dma_start3A_25 = tpu.memref_squeeze %dma_start3A_24 : memref<1x96xi32, #tpu.memory_space<vmem>> -> memref<96xi32, #tpu.memory_space<vmem>>
      %dma_start3A_26 = arith.constant 0 : i32
      %dma_start3A_27 = arith.constant 0 : i32
      %dma_start3A_28 = tpu.memref_slice %arg2[%dma_start3A_26, %dma_start3A_27] : memref<10000x128xf32, #tpu.memory_space<hbm>> -> memref<10000x128xf32, #tpu.memory_space<hbm>>
      tpu.enqueue_indirect_dma source(%dma_start3A_28 : memref<10000x128xf32, #tpu.memory_space<hbm>>) target(%arg10 : memref<96x128xf32, #tpu.memory_space<vmem>>) offsets(%dma_start3A_25 : memref<96xi32, #tpu.memory_space<vmem>>) semaphore(%arg14 : memref<!tpu.dma_semaphore, #tpu.memory_space<semaphore_mem>>)
      %dma_start3A_29 = arith.constant 2 : i32
      %dma_start3A_30 = arith.constant 0 : i32
      %dma_start3A_31 = tpu.memref_slice %arg7[%dma_start3A_29, %dma_start3A_30] : memref<16x96xi32, #tpu.memory_space<vmem>> -> memref<1x96xi32, #tpu.memory_space<vmem>>
      %dma_start3A_32 = tpu.memref_squeeze %dma_start3A_31 : memref<1x96xi32, #tpu.memory_space<vmem>> -> memref<96xi32, #tpu.memory_space<vmem>>
      %dma_start3A_33 = arith.constant 0 : i32
      %dma_start3A_34 = arith.constant 0 : i32
      %dma_start3A_35 = tpu.memref_slice %arg2[%dma_start3A_33, %dma_start3A_34] : memref<10000x128xf32, #tpu.memory_space<hbm>> -> memref<10000x128xf32, #tpu.memory_space<hbm>>
      tpu.enqueue_indirect_dma source(%dma_start3A_35 : memref<10000x128xf32, #tpu.memory_space<hbm>>) target(%arg11 : memref<96x128xf32, #tpu.memory_space<vmem>>) offsets(%dma_start3A_32 : memref<96xi32, #tpu.memory_space<vmem>>) semaphore(%arg15 : memref<!tpu.dma_semaphore, #tpu.memory_space<semaphore_mem>>)
      %dma_wait3A = arith.constant 0 : i32
      %dma_wait3A_36 = arith.constant 0 : i32
      %dma_wait3A_37 = tpu.memref_slice %arg7[%dma_wait3A, %dma_wait3A_36] : memref<16x96xi32, #tpu.memory_space<vmem>> -> memref<1x96xi32, #tpu.memory_space<vmem>>
      %dma_wait3A_38 = tpu.memref_squeeze %dma_wait3A_37 : memref<1x96xi32, #tpu.memory_space<vmem>> -> memref<96xi32, #tpu.memory_space<vmem>>
      %dma_wait3A_39 = arith.constant 0 : i32
      %dma_wait3A_40 = arith.constant 0 : i32
      %dma_wait3A_41 = tpu.memref_slice %arg2[%dma_wait3A_39, %dma_wait3A_40] : memref<10000x128xf32, #tpu.memory_space<hbm>> -> memref<10000x128xf32, #tpu.memory_space<hbm>>
      tpu.wait_indirect_dma semaphore(%arg13 : memref<!tpu.dma_semaphore, #tpu.memory_space<semaphore_mem>>) src(%dma_wait3A_41 : memref<10000x128xf32, #tpu.memory_space<hbm>>) dst(%arg9 : memref<96x128xf32, #tpu.memory_space<vmem>>)
      %run_scoped3A = arith.constant 0 : i32
      "tpu.region"() ({
        %run_scoped3A_253 = tpu.sem_alloc : memref<!tpu.dma_semaphore, #tpu.memory_space<semaphore_mem>>
        %dma_start3A_254 = arith.constant 0 : i32
        %dma_start3A_255 = tpu.memref_slice %arg8[%run_scoped3A, %dma_start3A_254] : memref<16x96xi32, #tpu.memory_space<vmem>> -> memref<1x96xi32, #tpu.memory_space<vmem>>
        %dma_start3A_256 = tpu.memref_squeeze %dma_start3A_255 : memref<1x96xi32, #tpu.memory_space<vmem>> -> memref<96xi32, #tpu.memory_space<vmem>>
        %dma_start3A_257 = arith.constant 0 : i32
        %dma_start3A_258 = arith.constant 0 : i32
        %dma_start3A_259 = tpu.memref_slice %arg12[%dma_start3A_257, %dma_start3A_258] : memref<10112x128xf32, #tpu.memory_space<vmem_shared>> -> memref<10112x128xf32, #tpu.memory_space<vmem_shared>>
        tpu.enqueue_indirect_dma source(%arg9 : memref<96x128xf32, #tpu.memory_space<vmem>>) target(%dma_start3A_259 : memref<10112x128xf32, #tpu.memory_space<vmem_shared>>) offsets(%dma_start3A_256 : memref<96xi32, #tpu.memory_space<vmem>>) semaphore(%run_scoped3A_253 : memref<!tpu.dma_semaphore, #tpu.memory_space<semaphore_mem>>) {add = true}
        %dma_wait3A_260 = arith.constant 0 : i32
        %dma_wait3A_261 = tpu.memref_slice %arg8[%run_scoped3A, %dma_wait3A_260] : memref<16x96xi32, #tpu.memory_space<vmem>> -> memref<1x96xi32, #tpu.memory_space<vmem>>
        %dma_wait3A_262 = tpu.memref_squeeze %dma_wait3A_261 : memref<1x96xi32, #tpu.memory_space<vmem>> -> memref<96xi32, #tpu.memory_space<vmem>>
        %dma_wait3A_263 = arith.constant 0 : i32
        %dma_wait3A_264 = arith.constant 0 : i32
        %dma_wait3A_265 = tpu.memref_slice %arg12[%dma_wait3A_263, %dma_wait3A_264] : memref<10112x128xf32, #tpu.memory_space<vmem_shared>> -> memref<10112x128xf32, #tpu.memory_space<vmem_shared>>
        tpu.wait_indirect_dma semaphore(%run_scoped3A_253 : memref<!tpu.dma_semaphore, #tpu.memory_space<semaphore_mem>>) src(%arg9 : memref<96x128xf32, #tpu.memory_space<vmem>>) dst(%dma_wait3A_265 : memref<10112x128xf32, #tpu.memory_space<vmem_shared>>)
        tpu.yield
      }) : () -> ()
      %dma_start3A_42 = arith.constant 3 : i32
      %dma_start3A_43 = arith.constant 0 : i32
      %dma_start3A_44 = tpu.memref_slice %arg7[%dma_start3A_42, %dma_start3A_43] : memref<16x96xi32, #tpu.memory_space<vmem>> -> memref<1x96xi32, #tpu.memory_space<vmem>>
      %dma_start3A_45 = tpu.memref_squeeze %dma_start3A_44 : memref<1x96xi32, #tpu.memory_space<vmem>> -> memref<96xi32, #tpu.memory_space<vmem>>
      %dma_start3A_46 = arith.constant 0 : i32
      %dma_start3A_47 = arith.constant 0 : i32
      %dma_start3A_48 = tpu.memref_slice %arg2[%dma_start3A_46, %dma_start3A_47] : memref<10000x128xf32, #tpu.memory_space<hbm>> -> memref<10000x128xf32, #tpu.memory_space<hbm>>
      tpu.enqueue_indirect_dma source(%dma_start3A_48 : memref<10000x128xf32, #tpu.memory_space<hbm>>) target(%arg9 : memref<96x128xf32, #tpu.memory_space<vmem>>) offsets(%dma_start3A_45 : memref<96xi32, #tpu.memory_space<vmem>>) semaphore(%arg13 : memref<!tpu.dma_semaphore, #tpu.memory_space<semaphore_mem>>)
      %dma_wait3A_49 = arith.constant 1 : i32
      %dma_wait3A_50 = arith.constant 0 : i32
      %dma_wait3A_51 = tpu.memref_slice %arg7[%dma_wait3A_49, %dma_wait3A_50] : memref<16x96xi32, #tpu.memory_space<vmem>> -> memref<1x96xi32, #tpu.memory_space<vmem>>
      %dma_wait3A_52 = tpu.memref_squeeze %dma_wait3A_51 : memref<1x96xi32, #tpu.memory_space<vmem>> -> memref<96xi32, #tpu.memory_space<vmem>>
      %dma_wait3A_53 = arith.constant 0 : i32
      %dma_wait3A_54 = arith.constant 0 : i32
      %dma_wait3A_55 = tpu.memref_slice %arg2[%dma_wait3A_53, %dma_wait3A_54] : memref<10000x128xf32, #tpu.memory_space<hbm>> -> memref<10000x128xf32, #tpu.memory_space<hbm>>
      tpu.wait_indirect_dma semaphore(%arg14 : memref<!tpu.dma_semaphore, #tpu.memory_space<semaphore_mem>>) src(%dma_wait3A_55 : memref<10000x128xf32, #tpu.memory_space<hbm>>) dst(%arg10 : memref<96x128xf32, #tpu.memory_space<vmem>>)
      %run_scoped3A_56 = arith.constant 1 : i32
      "tpu.region"() ({
        %run_scoped3A_253 = tpu.sem_alloc : memref<!tpu.dma_semaphore, #tpu.memory_space<semaphore_mem>>
        %dma_start3A_254 = arith.constant 0 : i32
        %dma_start3A_255 = tpu.memref_slice %arg8[%run_scoped3A_56, %dma_start3A_254] : memref<16x96xi32, #tpu.memory_space<vmem>> -> memref<1x96xi32, #tpu.memory_space<vmem>>
        %dma_start3A_256 = tpu.memref_squeeze %dma_start3A_255 : memref<1x96xi32, #tpu.memory_space<vmem>> -> memref<96xi32, #tpu.memory_space<vmem>>
        %dma_start3A_257 = arith.constant 0 : i32
        %dma_start3A_258 = arith.constant 0 : i32
        %dma_start3A_259 = tpu.memref_slice %arg12[%dma_start3A_257, %dma_start3A_258] : memref<10112x128xf32, #tpu.memory_space<vmem_shared>> -> memref<10112x128xf32, #tpu.memory_space<vmem_shared>>
        tpu.enqueue_indirect_dma source(%arg10 : memref<96x128xf32, #tpu.memory_space<vmem>>) target(%dma_start3A_259 : memref<10112x128xf32, #tpu.memory_space<vmem_shared>>) offsets(%dma_start3A_256 : memref<96xi32, #tpu.memory_space<vmem>>) semaphore(%run_scoped3A_253 : memref<!tpu.dma_semaphore, #tpu.memory_space<semaphore_mem>>) {add = true}
        %dma_wait3A_260 = arith.constant 0 : i32
        %dma_wait3A_261 = tpu.memref_slice %arg8[%run_scoped3A_56, %dma_wait3A_260] : memref<16x96xi32, #tpu.memory_space<vmem>> -> memref<1x96xi32, #tpu.memory_space<vmem>>
        %dma_wait3A_262 = tpu.memref_squeeze %dma_wait3A_261 : memref<1x96xi32, #tpu.memory_space<vmem>> -> memref<96xi32, #tpu.memory_space<vmem>>
        %dma_wait3A_263 = arith.constant 0 : i32
        %dma_wait3A_264 = arith.constant 0 : i32
        %dma_wait3A_265 = tpu.memref_slice %arg12[%dma_wait3A_263, %dma_wait3A_264] : memref<10112x128xf32, #tpu.memory_space<vmem_shared>> -> memref<10112x128xf32, #tpu.memory_space<vmem_shared>>
        tpu.wait_indirect_dma semaphore(%run_scoped3A_253 : memref<!tpu.dma_semaphore, #tpu.memory_space<semaphore_mem>>) src(%arg10 : memref<96x128xf32, #tpu.memory_space<vmem>>) dst(%dma_wait3A_265 : memref<10112x128xf32, #tpu.memory_space<vmem_shared>>)
        tpu.yield
      }) : () -> ()
      %dma_start3A_57 = arith.constant 4 : i32
      %dma_start3A_58 = arith.constant 0 : i32
      %dma_start3A_59 = tpu.memref_slice %arg7[%dma_start3A_57, %dma_start3A_58] : memref<16x96xi32, #tpu.memory_space<vmem>> -> memref<1x96xi32, #tpu.memory_space<vmem>>
      %dma_start3A_60 = tpu.memref_squeeze %dma_start3A_59 : memref<1x96xi32, #tpu.memory_space<vmem>> -> memref<96xi32, #tpu.memory_space<vmem>>
      %dma_start3A_61 = arith.constant 0 : i32
      %dma_start3A_62 = arith.constant 0 : i32
      %dma_start3A_63 = tpu.memref_slice %arg2[%dma_start3A_61, %dma_start3A_62] : memref<10000x128xf32, #tpu.memory_space<hbm>> -> memref<10000x128xf32, #tpu.memory_space<hbm>>
      tpu.enqueue_indirect_dma source(%dma_start3A_63 : memref<10000x128xf32, #tpu.memory_space<hbm>>) target(%arg10 : memref<96x128xf32, #tpu.memory_space<vmem>>) offsets(%dma_start3A_60 : memref<96xi32, #tpu.memory_space<vmem>>) semaphore(%arg14 : memref<!tpu.dma_semaphore, #tpu.memory_space<semaphore_mem>>)
      %dma_wait3A_64 = arith.constant 2 : i32
      %dma_wait3A_65 = arith.constant 0 : i32
      %dma_wait3A_66 = tpu.memref_slice %arg7[%dma_wait3A_64, %dma_wait3A_65] : memref<16x96xi32, #tpu.memory_space<vmem>> -> memref<1x96xi32, #tpu.memory_space<vmem>>
      %dma_wait3A_67 = tpu.memref_squeeze %dma_wait3A_66 : memref<1x96xi32, #tpu.memory_space<vmem>> -> memref<96xi32, #tpu.memory_space<vmem>>
      %dma_wait3A_68 = arith.constant 0 : i32
      %dma_wait3A_69 = arith.constant 0 : i32
      %dma_wait3A_70 = tpu.memref_slice %arg2[%dma_wait3A_68, %dma_wait3A_69] : memref<10000x128xf32, #tpu.memory_space<hbm>> -> memref<10000x128xf32, #tpu.memory_space<hbm>>
      tpu.wait_indirect_dma semaphore(%arg15 : memref<!tpu.dma_semaphore, #tpu.memory_space<semaphore_mem>>) src(%dma_wait3A_70 : memref<10000x128xf32, #tpu.memory_space<hbm>>) dst(%arg11 : memref<96x128xf32, #tpu.memory_space<vmem>>)
      %run_scoped3A_71 = arith.constant 2 : i32
      "tpu.region"() ({
        %run_scoped3A_253 = tpu.sem_alloc : memref<!tpu.dma_semaphore, #tpu.memory_space<semaphore_mem>>
        %dma_start3A_254 = arith.constant 0 : i32
        %dma_start3A_255 = tpu.memref_slice %arg8[%run_scoped3A_71, %dma_start3A_254] : memref<16x96xi32, #tpu.memory_space<vmem>> -> memref<1x96xi32, #tpu.memory_space<vmem>>
        %dma_start3A_256 = tpu.memref_squeeze %dma_start3A_255 : memref<1x96xi32, #tpu.memory_space<vmem>> -> memref<96xi32, #tpu.memory_space<vmem>>
        %dma_start3A_257 = arith.constant 0 : i32
        %dma_start3A_258 = arith.constant 0 : i32
        %dma_start3A_259 = tpu.memref_slice %arg12[%dma_start3A_257, %dma_start3A_258] : memref<10112x128xf32, #tpu.memory_space<vmem_shared>> -> memref<10112x128xf32, #tpu.memory_space<vmem_shared>>
        tpu.enqueue_indirect_dma source(%arg11 : memref<96x128xf32, #tpu.memory_space<vmem>>) target(%dma_start3A_259 : memref<10112x128xf32, #tpu.memory_space<vmem_shared>>) offsets(%dma_start3A_256 : memref<96xi32, #tpu.memory_space<vmem>>) semaphore(%run_scoped3A_253 : memref<!tpu.dma_semaphore, #tpu.memory_space<semaphore_mem>>) {add = true}
        %dma_wait3A_260 = arith.constant 0 : i32
        %dma_wait3A_261 = tpu.memref_slice %arg8[%run_scoped3A_71, %dma_wait3A_260] : memref<16x96xi32, #tpu.memory_space<vmem>> -> memref<1x96xi32, #tpu.memory_space<vmem>>
        %dma_wait3A_262 = tpu.memref_squeeze %dma_wait3A_261 : memref<1x96xi32, #tpu.memory_space<vmem>> -> memref<96xi32, #tpu.memory_space<vmem>>
        %dma_wait3A_263 = arith.constant 0 : i32
        %dma_wait3A_264 = arith.constant 0 : i32
        %dma_wait3A_265 = tpu.memref_slice %arg12[%dma_wait3A_263, %dma_wait3A_264] : memref<10112x128xf32, #tpu.memory_space<vmem_shared>> -> memref<10112x128xf32, #tpu.memory_space<vmem_shared>>
        tpu.wait_indirect_dma semaphore(%run_scoped3A_253 : memref<!tpu.dma_semaphore, #tpu.memory_space<semaphore_mem>>) src(%arg11 : memref<96x128xf32, #tpu.memory_space<vmem>>) dst(%dma_wait3A_265 : memref<10112x128xf32, #tpu.memory_space<vmem_shared>>)
        tpu.yield
      }) : () -> ()
      %dma_start3A_72 = arith.constant 5 : i32
      %dma_start3A_73 = arith.constant 0 : i32
      %dma_start3A_74 = tpu.memref_slice %arg7[%dma_start3A_72, %dma_start3A_73] : memref<16x96xi32, #tpu.memory_space<vmem>> -> memref<1x96xi32, #tpu.memory_space<vmem>>
      %dma_start3A_75 = tpu.memref_squeeze %dma_start3A_74 : memref<1x96xi32, #tpu.memory_space<vmem>> -> memref<96xi32, #tpu.memory_space<vmem>>
      %dma_start3A_76 = arith.constant 0 : i32
      %dma_start3A_77 = arith.constant 0 : i32
      %dma_start3A_78 = tpu.memref_slice %arg2[%dma_start3A_76, %dma_start3A_77] : memref<10000x128xf32, #tpu.memory_space<hbm>> -> memref<10000x128xf32, #tpu.memory_space<hbm>>
      tpu.enqueue_indirect_dma source(%dma_start3A_78 : memref<10000x128xf32, #tpu.memory_space<hbm>>) target(%arg11 : memref<96x128xf32, #tpu.memory_space<vmem>>) offsets(%dma_start3A_75 : memref<96xi32, #tpu.memory_space<vmem>>) semaphore(%arg15 : memref<!tpu.dma_semaphore, #tpu.memory_space<semaphore_mem>>)
      %dma_wait3A_79 = arith.constant 3 : i32
      %dma_wait3A_80 = arith.constant 0 : i32
      %dma_wait3A_81 = tpu.memref_slice %arg7[%dma_wait3A_79, %dma_wait3A_80] : memref<16x96xi32, #tpu.memory_space<vmem>> -> memref<1x96xi32, #tpu.memory_space<vmem>>
      %dma_wait3A_82 = tpu.memref_squeeze %dma_wait3A_81 : memref<1x96xi32, #tpu.memory_space<vmem>> -> memref<96xi32, #tpu.memory_space<vmem>>
      %dma_wait3A_83 = arith.constant 0 : i32
      %dma_wait3A_84 = arith.constant 0 : i32
      %dma_wait3A_85 = tpu.memref_slice %arg2[%dma_wait3A_83, %dma_wait3A_84] : memref<10000x128xf32, #tpu.memory_space<hbm>> -> memref<10000x128xf32, #tpu.memory_space<hbm>>
      tpu.wait_indirect_dma semaphore(%arg13 : memref<!tpu.dma_semaphore, #tpu.memory_space<semaphore_mem>>) src(%dma_wait3A_85 : memref<10000x128xf32, #tpu.memory_space<hbm>>) dst(%arg9 : memref<96x128xf32, #tpu.memory_space<vmem>>)
      %run_scoped3A_86 = arith.constant 3 : i32
      "tpu.region"() ({
        %run_scoped3A_253 = tpu.sem_alloc : memref<!tpu.dma_semaphore, #tpu.memory_space<semaphore_mem>>
        %dma_start3A_254 = arith.constant 0 : i32
        %dma_start3A_255 = tpu.memref_slice %arg8[%run_scoped3A_86, %dma_start3A_254] : memref<16x96xi32, #tpu.memory_space<vmem>> -> memref<1x96xi32, #tpu.memory_space<vmem>>
        %dma_start3A_256 = tpu.memref_squeeze %dma_start3A_255 : memref<1x96xi32, #tpu.memory_space<vmem>> -> memref<96xi32, #tpu.memory_space<vmem>>
        %dma_start3A_257 = arith.constant 0 : i32
        %dma_start3A_258 = arith.constant 0 : i32
        %dma_start3A_259 = tpu.memref_slice %arg12[%dma_start3A_257, %dma_start3A_258] : memref<10112x128xf32, #tpu.memory_space<vmem_shared>> -> memref<10112x128xf32, #tpu.memory_space<vmem_shared>>
        tpu.enqueue_indirect_dma source(%arg9 : memref<96x128xf32, #tpu.memory_space<vmem>>) target(%dma_start3A_259 : memref<10112x128xf32, #tpu.memory_space<vmem_shared>>) offsets(%dma_start3A_256 : memref<96xi32, #tpu.memory_space<vmem>>) semaphore(%run_scoped3A_253 : memref<!tpu.dma_semaphore, #tpu.memory_space<semaphore_mem>>) {add = true}
        %dma_wait3A_260 = arith.constant 0 : i32
        %dma_wait3A_261 = tpu.memref_slice %arg8[%run_scoped3A_86, %dma_wait3A_260] : memref<16x96xi32, #tpu.memory_space<vmem>> -> memref<1x96xi32, #tpu.memory_space<vmem>>
        %dma_wait3A_262 = tpu.memref_squeeze %dma_wait3A_261 : memref<1x96xi32, #tpu.memory_space<vmem>> -> memref<96xi32, #tpu.memory_space<vmem>>
        %dma_wait3A_263 = arith.constant 0 : i32
        %dma_wait3A_264 = arith.constant 0 : i32
        %dma_wait3A_265 = tpu.memref_slice %arg12[%dma_wait3A_263, %dma_wait3A_264] : memref<10112x128xf32, #tpu.memory_space<vmem_shared>> -> memref<10112x128xf32, #tpu.memory_space<vmem_shared>>
        tpu.wait_indirect_dma semaphore(%run_scoped3A_253 : memref<!tpu.dma_semaphore, #tpu.memory_space<semaphore_mem>>) src(%arg9 : memref<96x128xf32, #tpu.memory_space<vmem>>) dst(%dma_wait3A_265 : memref<10112x128xf32, #tpu.memory_space<vmem_shared>>)
        tpu.yield
      }) : () -> ()
      %dma_start3A_87 = arith.constant 6 : i32
      %dma_start3A_88 = arith.constant 0 : i32
      %dma_start3A_89 = tpu.memref_slice %arg7[%dma_start3A_87, %dma_start3A_88] : memref<16x96xi32, #tpu.memory_space<vmem>> -> memref<1x96xi32, #tpu.memory_space<vmem>>
      %dma_start3A_90 = tpu.memref_squeeze %dma_start3A_89 : memref<1x96xi32, #tpu.memory_space<vmem>> -> memref<96xi32, #tpu.memory_space<vmem>>
      %dma_start3A_91 = arith.constant 0 : i32
      %dma_start3A_92 = arith.constant 0 : i32
      %dma_start3A_93 = tpu.memref_slice %arg2[%dma_start3A_91, %dma_start3A_92] : memref<10000x128xf32, #tpu.memory_space<hbm>> -> memref<10000x128xf32, #tpu.memory_space<hbm>>
      tpu.enqueue_indirect_dma source(%dma_start3A_93 : memref<10000x128xf32, #tpu.memory_space<hbm>>) target(%arg9 : memref<96x128xf32, #tpu.memory_space<vmem>>) offsets(%dma_start3A_90 : memref<96xi32, #tpu.memory_space<vmem>>) semaphore(%arg13 : memref<!tpu.dma_semaphore, #tpu.memory_space<semaphore_mem>>)
      %dma_wait3A_94 = arith.constant 4 : i32
      %dma_wait3A_95 = arith.constant 0 : i32
      %dma_wait3A_96 = tpu.memref_slice %arg7[%dma_wait3A_94, %dma_wait3A_95] : memref<16x96xi32, #tpu.memory_space<vmem>> -> memref<1x96xi32, #tpu.memory_space<vmem>>
      %dma_wait3A_97 = tpu.memref_squeeze %dma_wait3A_96 : memref<1x96xi32, #tpu.memory_space<vmem>> -> memref<96xi32, #tpu.memory_space<vmem>>
      %dma_wait3A_98 = arith.constant 0 : i32
      %dma_wait3A_99 = arith.constant 0 : i32
      %dma_wait3A_100 = tpu.memref_slice %arg2[%dma_wait3A_98, %dma_wait3A_99] : memref<10000x128xf32, #tpu.memory_space<hbm>> -> memref<10000x128xf32, #tpu.memory_space<hbm>>
      tpu.wait_indirect_dma semaphore(%arg14 : memref<!tpu.dma_semaphore, #tpu.memory_space<semaphore_mem>>) src(%dma_wait3A_100 : memref<10000x128xf32, #tpu.memory_space<hbm>>) dst(%arg10 : memref<96x128xf32, #tpu.memory_space<vmem>>)
      %run_scoped3A_101 = arith.constant 4 : i32
      "tpu.region"() ({
        %run_scoped3A_253 = tpu.sem_alloc : memref<!tpu.dma_semaphore, #tpu.memory_space<semaphore_mem>>
        %dma_start3A_254 = arith.constant 0 : i32
        %dma_start3A_255 = tpu.memref_slice %arg8[%run_scoped3A_101, %dma_start3A_254] : memref<16x96xi32, #tpu.memory_space<vmem>> -> memref<1x96xi32, #tpu.memory_space<vmem>>
        %dma_start3A_256 = tpu.memref_squeeze %dma_start3A_255 : memref<1x96xi32, #tpu.memory_space<vmem>> -> memref<96xi32, #tpu.memory_space<vmem>>
        %dma_start3A_257 = arith.constant 0 : i32
        %dma_start3A_258 = arith.constant 0 : i32
        %dma_start3A_259 = tpu.memref_slice %arg12[%dma_start3A_257, %dma_start3A_258] : memref<10112x128xf32, #tpu.memory_space<vmem_shared>> -> memref<10112x128xf32, #tpu.memory_space<vmem_shared>>
        tpu.enqueue_indirect_dma source(%arg10 : memref<96x128xf32, #tpu.memory_space<vmem>>) target(%dma_start3A_259 : memref<10112x128xf32, #tpu.memory_space<vmem_shared>>) offsets(%dma_start3A_256 : memref<96xi32, #tpu.memory_space<vmem>>) semaphore(%run_scoped3A_253 : memref<!tpu.dma_semaphore, #tpu.memory_space<semaphore_mem>>) {add = true}
        %dma_wait3A_260 = arith.constant 0 : i32
        %dma_wait3A_261 = tpu.memref_slice %arg8[%run_scoped3A_101, %dma_wait3A_260] : memref<16x96xi32, #tpu.memory_space<vmem>> -> memref<1x96xi32, #tpu.memory_space<vmem>>
        %dma_wait3A_262 = tpu.memref_squeeze %dma_wait3A_261 : memref<1x96xi32, #tpu.memory_space<vmem>> -> memref<96xi32, #tpu.memory_space<vmem>>
        %dma_wait3A_263 = arith.constant 0 : i32
        %dma_wait3A_264 = arith.constant 0 : i32
        %dma_wait3A_265 = tpu.memref_slice %arg12[%dma_wait3A_263, %dma_wait3A_264] : memref<10112x128xf32, #tpu.memory_space<vmem_shared>> -> memref<10112x128xf32, #tpu.memory_space<vmem_shared>>
        tpu.wait_indirect_dma semaphore(%run_scoped3A_253 : memref<!tpu.dma_semaphore, #tpu.memory_space<semaphore_mem>>) src(%arg10 : memref<96x128xf32, #tpu.memory_space<vmem>>) dst(%dma_wait3A_265 : memref<10112x128xf32, #tpu.memory_space<vmem_shared>>)
        tpu.yield
      }) : () -> ()
      %dma_start3A_102 = arith.constant 7 : i32
      %dma_start3A_103 = arith.constant 0 : i32
      %dma_start3A_104 = tpu.memref_slice %arg7[%dma_start3A_102, %dma_start3A_103] : memref<16x96xi32, #tpu.memory_space<vmem>> -> memref<1x96xi32, #tpu.memory_space<vmem>>
      %dma_start3A_105 = tpu.memref_squeeze %dma_start3A_104 : memref<1x96xi32, #tpu.memory_space<vmem>> -> memref<96xi32, #tpu.memory_space<vmem>>
      %dma_start3A_106 = arith.constant 0 : i32
      %dma_start3A_107 = arith.constant 0 : i32
      %dma_start3A_108 = tpu.memref_slice %arg2[%dma_start3A_106, %dma_start3A_107] : memref<10000x128xf32, #tpu.memory_space<hbm>> -> memref<10000x128xf32, #tpu.memory_space<hbm>>
      tpu.enqueue_indirect_dma source(%dma_start3A_108 : memref<10000x128xf32, #tpu.memory_space<hbm>>) target(%arg10 : memref<96x128xf32, #tpu.memory_space<vmem>>) offsets(%dma_start3A_105 : memref<96xi32, #tpu.memory_space<vmem>>) semaphore(%arg14 : memref<!tpu.dma_semaphore, #tpu.memory_space<semaphore_mem>>)
      %dma_wait3A_109 = arith.constant 5 : i32
      %dma_wait3A_110 = arith.constant 0 : i32
      %dma_wait3A_111 = tpu.memref_slice %arg7[%dma_wait3A_109, %dma_wait3A_110] : memref<16x96xi32, #tpu.memory_space<vmem>> -> memref<1x96xi32, #tpu.memory_space<vmem>>
      %dma_wait3A_112 = tpu.memref_squeeze %dma_wait3A_111 : memref<1x96xi32, #tpu.memory_space<vmem>> -> memref<96xi32, #tpu.memory_space<vmem>>
      %dma_wait3A_113 = arith.constant 0 : i32
      %dma_wait3A_114 = arith.constant 0 : i32
      %dma_wait3A_115 = tpu.memref_slice %arg2[%dma_wait3A_113, %dma_wait3A_114] : memref<10000x128xf32, #tpu.memory_space<hbm>> -> memref<10000x128xf32, #tpu.memory_space<hbm>>
      tpu.wait_indirect_dma semaphore(%arg15 : memref<!tpu.dma_semaphore, #tpu.memory_space<semaphore_mem>>) src(%dma_wait3A_115 : memref<10000x128xf32, #tpu.memory_space<hbm>>) dst(%arg11 : memref<96x128xf32, #tpu.memory_space<vmem>>)
      %run_scoped3A_116 = arith.constant 5 : i32
      "tpu.region"() ({
        %run_scoped3A_253 = tpu.sem_alloc : memref<!tpu.dma_semaphore, #tpu.memory_space<semaphore_mem>>
        %dma_start3A_254 = arith.constant 0 : i32
        %dma_start3A_255 = tpu.memref_slice %arg8[%run_scoped3A_116, %dma_start3A_254] : memref<16x96xi32, #tpu.memory_space<vmem>> -> memref<1x96xi32, #tpu.memory_space<vmem>>
        %dma_start3A_256 = tpu.memref_squeeze %dma_start3A_255 : memref<1x96xi32, #tpu.memory_space<vmem>> -> memref<96xi32, #tpu.memory_space<vmem>>
        %dma_start3A_257 = arith.constant 0 : i32
        %dma_start3A_258 = arith.constant 0 : i32
        %dma_start3A_259 = tpu.memref_slice %arg12[%dma_start3A_257, %dma_start3A_258] : memref<10112x128xf32, #tpu.memory_space<vmem_shared>> -> memref<10112x128xf32, #tpu.memory_space<vmem_shared>>
        tpu.enqueue_indirect_dma source(%arg11 : memref<96x128xf32, #tpu.memory_space<vmem>>) target(%dma_start3A_259 : memref<10112x128xf32, #tpu.memory_space<vmem_shared>>) offsets(%dma_start3A_256 : memref<96xi32, #tpu.memory_space<vmem>>) semaphore(%run_scoped3A_253 : memref<!tpu.dma_semaphore, #tpu.memory_space<semaphore_mem>>) {add = true}
        %dma_wait3A_260 = arith.constant 0 : i32
        %dma_wait3A_261 = tpu.memref_slice %arg8[%run_scoped3A_116, %dma_wait3A_260] : memref<16x96xi32, #tpu.memory_space<vmem>> -> memref<1x96xi32, #tpu.memory_space<vmem>>
        %dma_wait3A_262 = tpu.memref_squeeze %dma_wait3A_261 : memref<1x96xi32, #tpu.memory_space<vmem>> -> memref<96xi32, #tpu.memory_space<vmem>>
        %dma_wait3A_263 = arith.constant 0 : i32
        %dma_wait3A_264 = arith.constant 0 : i32
        %dma_wait3A_265 = tpu.memref_slice %arg12[%dma_wait3A_263, %dma_wait3A_264] : memref<10112x128xf32, #tpu.memory_space<vmem_shared>> -> memref<10112x128xf32, #tpu.memory_space<vmem_shared>>
        tpu.wait_indirect_dma semaphore(%run_scoped3A_253 : memref<!tpu.dma_semaphore, #tpu.memory_space<semaphore_mem>>) src(%arg11 : memref<96x128xf32, #tpu.memory_space<vmem>>) dst(%dma_wait3A_265 : memref<10112x128xf32, #tpu.memory_space<vmem_shared>>)
        tpu.yield
      }) : () -> ()
      %dma_start3A_117 = arith.constant 8 : i32
      %dma_start3A_118 = arith.constant 0 : i32
      %dma_start3A_119 = tpu.memref_slice %arg7[%dma_start3A_117, %dma_start3A_118] : memref<16x96xi32, #tpu.memory_space<vmem>> -> memref<1x96xi32, #tpu.memory_space<vmem>>
      %dma_start3A_120 = tpu.memref_squeeze %dma_start3A_119 : memref<1x96xi32, #tpu.memory_space<vmem>> -> memref<96xi32, #tpu.memory_space<vmem>>
      %dma_start3A_121 = arith.constant 0 : i32
      %dma_start3A_122 = arith.constant 0 : i32
      %dma_start3A_123 = tpu.memref_slice %arg2[%dma_start3A_121, %dma_start3A_122] : memref<10000x128xf32, #tpu.memory_space<hbm>> -> memref<10000x128xf32, #tpu.memory_space<hbm>>
      tpu.enqueue_indirect_dma source(%dma_start3A_123 : memref<10000x128xf32, #tpu.memory_space<hbm>>) target(%arg11 : memref<96x128xf32, #tpu.memory_space<vmem>>) offsets(%dma_start3A_120 : memref<96xi32, #tpu.memory_space<vmem>>) semaphore(%arg15 : memref<!tpu.dma_semaphore, #tpu.memory_space<semaphore_mem>>)
      %dma_wait3A_124 = arith.constant 6 : i32
      %dma_wait3A_125 = arith.constant 0 : i32
      %dma_wait3A_126 = tpu.memref_slice %arg7[%dma_wait3A_124, %dma_wait3A_125] : memref<16x96xi32, #tpu.memory_space<vmem>> -> memref<1x96xi32, #tpu.memory_space<vmem>>
      %dma_wait3A_127 = tpu.memref_squeeze %dma_wait3A_126 : memref<1x96xi32, #tpu.memory_space<vmem>> -> memref<96xi32, #tpu.memory_space<vmem>>
      %dma_wait3A_128 = arith.constant 0 : i32
      %dma_wait3A_129 = arith.constant 0 : i32
      %dma_wait3A_130 = tpu.memref_slice %arg2[%dma_wait3A_128, %dma_wait3A_129] : memref<10000x128xf32, #tpu.memory_space<hbm>> -> memref<10000x128xf32, #tpu.memory_space<hbm>>
      tpu.wait_indirect_dma semaphore(%arg13 : memref<!tpu.dma_semaphore, #tpu.memory_space<semaphore_mem>>) src(%dma_wait3A_130 : memref<10000x128xf32, #tpu.memory_space<hbm>>) dst(%arg9 : memref<96x128xf32, #tpu.memory_space<vmem>>)
      %run_scoped3A_131 = arith.constant 6 : i32
      "tpu.region"() ({
        %run_scoped3A_253 = tpu.sem_alloc : memref<!tpu.dma_semaphore, #tpu.memory_space<semaphore_mem>>
        %dma_start3A_254 = arith.constant 0 : i32
        %dma_start3A_255 = tpu.memref_slice %arg8[%run_scoped3A_131, %dma_start3A_254] : memref<16x96xi32, #tpu.memory_space<vmem>> -> memref<1x96xi32, #tpu.memory_space<vmem>>
        %dma_start3A_256 = tpu.memref_squeeze %dma_start3A_255 : memref<1x96xi32, #tpu.memory_space<vmem>> -> memref<96xi32, #tpu.memory_space<vmem>>
        %dma_start3A_257 = arith.constant 0 : i32
        %dma_start3A_258 = arith.constant 0 : i32
        %dma_start3A_259 = tpu.memref_slice %arg12[%dma_start3A_257, %dma_start3A_258] : memref<10112x128xf32, #tpu.memory_space<vmem_shared>> -> memref<10112x128xf32, #tpu.memory_space<vmem_shared>>
        tpu.enqueue_indirect_dma source(%arg9 : memref<96x128xf32, #tpu.memory_space<vmem>>) target(%dma_start3A_259 : memref<10112x128xf32, #tpu.memory_space<vmem_shared>>) offsets(%dma_start3A_256 : memref<96xi32, #tpu.memory_space<vmem>>) semaphore(%run_scoped3A_253 : memref<!tpu.dma_semaphore, #tpu.memory_space<semaphore_mem>>) {add = true}
        %dma_wait3A_260 = arith.constant 0 : i32
        %dma_wait3A_261 = tpu.memref_slice %arg8[%run_scoped3A_131, %dma_wait3A_260] : memref<16x96xi32, #tpu.memory_space<vmem>> -> memref<1x96xi32, #tpu.memory_space<vmem>>
        %dma_wait3A_262 = tpu.memref_squeeze %dma_wait3A_261 : memref<1x96xi32, #tpu.memory_space<vmem>> -> memref<96xi32, #tpu.memory_space<vmem>>
        %dma_wait3A_263 = arith.constant 0 : i32
        %dma_wait3A_264 = arith.constant 0 : i32
        %dma_wait3A_265 = tpu.memref_slice %arg12[%dma_wait3A_263, %dma_wait3A_264] : memref<10112x128xf32, #tpu.memory_space<vmem_shared>> -> memref<10112x128xf32, #tpu.memory_space<vmem_shared>>
        tpu.wait_indirect_dma semaphore(%run_scoped3A_253 : memref<!tpu.dma_semaphore, #tpu.memory_space<semaphore_mem>>) src(%arg9 : memref<96x128xf32, #tpu.memory_space<vmem>>) dst(%dma_wait3A_265 : memref<10112x128xf32, #tpu.memory_space<vmem_shared>>)
        tpu.yield
      }) : () -> ()
      %dma_start3A_132 = arith.constant 9 : i32
      %dma_start3A_133 = arith.constant 0 : i32
      %dma_start3A_134 = tpu.memref_slice %arg7[%dma_start3A_132, %dma_start3A_133] : memref<16x96xi32, #tpu.memory_space<vmem>> -> memref<1x96xi32, #tpu.memory_space<vmem>>
      %dma_start3A_135 = tpu.memref_squeeze %dma_start3A_134 : memref<1x96xi32, #tpu.memory_space<vmem>> -> memref<96xi32, #tpu.memory_space<vmem>>
      %dma_start3A_136 = arith.constant 0 : i32
      %dma_start3A_137 = arith.constant 0 : i32
      %dma_start3A_138 = tpu.memref_slice %arg2[%dma_start3A_136, %dma_start3A_137] : memref<10000x128xf32, #tpu.memory_space<hbm>> -> memref<10000x128xf32, #tpu.memory_space<hbm>>
      tpu.enqueue_indirect_dma source(%dma_start3A_138 : memref<10000x128xf32, #tpu.memory_space<hbm>>) target(%arg9 : memref<96x128xf32, #tpu.memory_space<vmem>>) offsets(%dma_start3A_135 : memref<96xi32, #tpu.memory_space<vmem>>) semaphore(%arg13 : memref<!tpu.dma_semaphore, #tpu.memory_space<semaphore_mem>>)
      %dma_wait3A_139 = arith.constant 7 : i32
      %dma_wait3A_140 = arith.constant 0 : i32
      %dma_wait3A_141 = tpu.memref_slice %arg7[%dma_wait3A_139, %dma_wait3A_140] : memref<16x96xi32, #tpu.memory_space<vmem>> -> memref<1x96xi32, #tpu.memory_space<vmem>>
      %dma_wait3A_142 = tpu.memref_squeeze %dma_wait3A_141 : memref<1x96xi32, #tpu.memory_space<vmem>> -> memref<96xi32, #tpu.memory_space<vmem>>
      %dma_wait3A_143 = arith.constant 0 : i32
      %dma_wait3A_144 = arith.constant 0 : i32
      %dma_wait3A_145 = tpu.memref_slice %arg2[%dma_wait3A_143, %dma_wait3A_144] : memref<10000x128xf32, #tpu.memory_space<hbm>> -> memref<10000x128xf32, #tpu.memory_space<hbm>>
      tpu.wait_indirect_dma semaphore(%arg14 : memref<!tpu.dma_semaphore, #tpu.memory_space<semaphore_mem>>) src(%dma_wait3A_145 : memref<10000x128xf32, #tpu.memory_space<hbm>>) dst(%arg10 : memref<96x128xf32, #tpu.memory_space<vmem>>)
      %run_scoped3A_146 = arith.constant 7 : i32
      "tpu.region"() ({
        %run_scoped3A_253 = tpu.sem_alloc : memref<!tpu.dma_semaphore, #tpu.memory_space<semaphore_mem>>
        %dma_start3A_254 = arith.constant 0 : i32
        %dma_start3A_255 = tpu.memref_slice %arg8[%run_scoped3A_146, %dma_start3A_254] : memref<16x96xi32, #tpu.memory_space<vmem>> -> memref<1x96xi32, #tpu.memory_space<vmem>>
        %dma_start3A_256 = tpu.memref_squeeze %dma_start3A_255 : memref<1x96xi32, #tpu.memory_space<vmem>> -> memref<96xi32, #tpu.memory_space<vmem>>
        %dma_start3A_257 = arith.constant 0 : i32
        %dma_start3A_258 = arith.constant 0 : i32
        %dma_start3A_259 = tpu.memref_slice %arg12[%dma_start3A_257, %dma_start3A_258] : memref<10112x128xf32, #tpu.memory_space<vmem_shared>> -> memref<10112x128xf32, #tpu.memory_space<vmem_shared>>
        tpu.enqueue_indirect_dma source(%arg10 : memref<96x128xf32, #tpu.memory_space<vmem>>) target(%dma_start3A_259 : memref<10112x128xf32, #tpu.memory_space<vmem_shared>>) offsets(%dma_start3A_256 : memref<96xi32, #tpu.memory_space<vmem>>) semaphore(%run_scoped3A_253 : memref<!tpu.dma_semaphore, #tpu.memory_space<semaphore_mem>>) {add = true}
        %dma_wait3A_260 = arith.constant 0 : i32
        %dma_wait3A_261 = tpu.memref_slice %arg8[%run_scoped3A_146, %dma_wait3A_260] : memref<16x96xi32, #tpu.memory_space<vmem>> -> memref<1x96xi32, #tpu.memory_space<vmem>>
        %dma_wait3A_262 = tpu.memref_squeeze %dma_wait3A_261 : memref<1x96xi32, #tpu.memory_space<vmem>> -> memref<96xi32, #tpu.memory_space<vmem>>
        %dma_wait3A_263 = arith.constant 0 : i32
        %dma_wait3A_264 = arith.constant 0 : i32
        %dma_wait3A_265 = tpu.memref_slice %arg12[%dma_wait3A_263, %dma_wait3A_264] : memref<10112x128xf32, #tpu.memory_space<vmem_shared>> -> memref<10112x128xf32, #tpu.memory_space<vmem_shared>>
        tpu.wait_indirect_dma semaphore(%run_scoped3A_253 : memref<!tpu.dma_semaphore, #tpu.memory_space<semaphore_mem>>) src(%arg10 : memref<96x128xf32, #tpu.memory_space<vmem>>) dst(%dma_wait3A_265 : memref<10112x128xf32, #tpu.memory_space<vmem_shared>>)
        tpu.yield
      }) : () -> ()
      %dma_start3A_147 = arith.constant 10 : i32
      %dma_start3A_148 = arith.constant 0 : i32
      %dma_start3A_149 = tpu.memref_slice %arg7[%dma_start3A_147, %dma_start3A_148] : memref<16x96xi32, #tpu.memory_space<vmem>> -> memref<1x96xi32, #tpu.memory_space<vmem>>
      %dma_start3A_150 = tpu.memref_squeeze %dma_start3A_149 : memref<1x96xi32, #tpu.memory_space<vmem>> -> memref<96xi32, #tpu.memory_space<vmem>>
      %dma_start3A_151 = arith.constant 0 : i32
      %dma_start3A_152 = arith.constant 0 : i32
      %dma_start3A_153 = tpu.memref_slice %arg2[%dma_start3A_151, %dma_start3A_152] : memref<10000x128xf32, #tpu.memory_space<hbm>> -> memref<10000x128xf32, #tpu.memory_space<hbm>>
      tpu.enqueue_indirect_dma source(%dma_start3A_153 : memref<10000x128xf32, #tpu.memory_space<hbm>>) target(%arg10 : memref<96x128xf32, #tpu.memory_space<vmem>>) offsets(%dma_start3A_150 : memref<96xi32, #tpu.memory_space<vmem>>) semaphore(%arg14 : memref<!tpu.dma_semaphore, #tpu.memory_space<semaphore_mem>>)
      %dma_wait3A_154 = arith.constant 8 : i32
      %dma_wait3A_155 = arith.constant 0 : i32
      %dma_wait3A_156 = tpu.memref_slice %arg7[%dma_wait3A_154, %dma_wait3A_155] : memref<16x96xi32, #tpu.memory_space<vmem>> -> memref<1x96xi32, #tpu.memory_space<vmem>>
      %dma_wait3A_157 = tpu.memref_squeeze %dma_wait3A_156 : memref<1x96xi32, #tpu.memory_space<vmem>> -> memref<96xi32, #tpu.memory_space<vmem>>
      %dma_wait3A_158 = arith.constant 0 : i32
      %dma_wait3A_159 = arith.constant 0 : i32
      %dma_wait3A_160 = tpu.memref_slice %arg2[%dma_wait3A_158, %dma_wait3A_159] : memref<10000x128xf32, #tpu.memory_space<hbm>> -> memref<10000x128xf32, #tpu.memory_space<hbm>>
      tpu.wait_indirect_dma semaphore(%arg15 : memref<!tpu.dma_semaphore, #tpu.memory_space<semaphore_mem>>) src(%dma_wait3A_160 : memref<10000x128xf32, #tpu.memory_space<hbm>>) dst(%arg11 : memref<96x128xf32, #tpu.memory_space<vmem>>)
      %run_scoped3A_161 = arith.constant 8 : i32
      "tpu.region"() ({
        %run_scoped3A_253 = tpu.sem_alloc : memref<!tpu.dma_semaphore, #tpu.memory_space<semaphore_mem>>
        %dma_start3A_254 = arith.constant 0 : i32
        %dma_start3A_255 = tpu.memref_slice %arg8[%run_scoped3A_161, %dma_start3A_254] : memref<16x96xi32, #tpu.memory_space<vmem>> -> memref<1x96xi32, #tpu.memory_space<vmem>>
        %dma_start3A_256 = tpu.memref_squeeze %dma_start3A_255 : memref<1x96xi32, #tpu.memory_space<vmem>> -> memref<96xi32, #tpu.memory_space<vmem>>
        %dma_start3A_257 = arith.constant 0 : i32
        %dma_start3A_258 = arith.constant 0 : i32
        %dma_start3A_259 = tpu.memref_slice %arg12[%dma_start3A_257, %dma_start3A_258] : memref<10112x128xf32, #tpu.memory_space<vmem_shared>> -> memref<10112x128xf32, #tpu.memory_space<vmem_shared>>
        tpu.enqueue_indirect_dma source(%arg11 : memref<96x128xf32, #tpu.memory_space<vmem>>) target(%dma_start3A_259 : memref<10112x128xf32, #tpu.memory_space<vmem_shared>>) offsets(%dma_start3A_256 : memref<96xi32, #tpu.memory_space<vmem>>) semaphore(%run_scoped3A_253 : memref<!tpu.dma_semaphore, #tpu.memory_space<semaphore_mem>>) {add = true}
        %dma_wait3A_260 = arith.constant 0 : i32
        %dma_wait3A_261 = tpu.memref_slice %arg8[%run_scoped3A_161, %dma_wait3A_260] : memref<16x96xi32, #tpu.memory_space<vmem>> -> memref<1x96xi32, #tpu.memory_space<vmem>>
        %dma_wait3A_262 = tpu.memref_squeeze %dma_wait3A_261 : memref<1x96xi32, #tpu.memory_space<vmem>> -> memref<96xi32, #tpu.memory_space<vmem>>
        %dma_wait3A_263 = arith.constant 0 : i32
        %dma_wait3A_264 = arith.constant 0 : i32
        %dma_wait3A_265 = tpu.memref_slice %arg12[%dma_wait3A_263, %dma_wait3A_264] : memref<10112x128xf32, #tpu.memory_space<vmem_shared>> -> memref<10112x128xf32, #tpu.memory_space<vmem_shared>>
        tpu.wait_indirect_dma semaphore(%run_scoped3A_253 : memref<!tpu.dma_semaphore, #tpu.memory_space<semaphore_mem>>) src(%arg11 : memref<96x128xf32, #tpu.memory_space<vmem>>) dst(%dma_wait3A_265 : memref<10112x128xf32, #tpu.memory_space<vmem_shared>>)
        tpu.yield
      }) : () -> ()
      %dma_start3A_162 = arith.constant 11 : i32
      %dma_start3A_163 = arith.constant 0 : i32
      %dma_start3A_164 = tpu.memref_slice %arg7[%dma_start3A_162, %dma_start3A_163] : memref<16x96xi32, #tpu.memory_space<vmem>> -> memref<1x96xi32, #tpu.memory_space<vmem>>
      %dma_start3A_165 = tpu.memref_squeeze %dma_start3A_164 : memref<1x96xi32, #tpu.memory_space<vmem>> -> memref<96xi32, #tpu.memory_space<vmem>>
      %dma_start3A_166 = arith.constant 0 : i32
      %dma_start3A_167 = arith.constant 0 : i32
      %dma_start3A_168 = tpu.memref_slice %arg2[%dma_start3A_166, %dma_start3A_167] : memref<10000x128xf32, #tpu.memory_space<hbm>> -> memref<10000x128xf32, #tpu.memory_space<hbm>>
      tpu.enqueue_indirect_dma source(%dma_start3A_168 : memref<10000x128xf32, #tpu.memory_space<hbm>>) target(%arg11 : memref<96x128xf32, #tpu.memory_space<vmem>>) offsets(%dma_start3A_165 : memref<96xi32, #tpu.memory_space<vmem>>) semaphore(%arg15 : memref<!tpu.dma_semaphore, #tpu.memory_space<semaphore_mem>>)
      %dma_wait3A_169 = arith.constant 9 : i32
      %dma_wait3A_170 = arith.constant 0 : i32
      %dma_wait3A_171 = tpu.memref_slice %arg7[%dma_wait3A_169, %dma_wait3A_170] : memref<16x96xi32, #tpu.memory_space<vmem>> -> memref<1x96xi32, #tpu.memory_space<vmem>>
      %dma_wait3A_172 = tpu.memref_squeeze %dma_wait3A_171 : memref<1x96xi32, #tpu.memory_space<vmem>> -> memref<96xi32, #tpu.memory_space<vmem>>
      %dma_wait3A_173 = arith.constant 0 : i32
      %dma_wait3A_174 = arith.constant 0 : i32
      %dma_wait3A_175 = tpu.memref_slice %arg2[%dma_wait3A_173, %dma_wait3A_174] : memref<10000x128xf32, #tpu.memory_space<hbm>> -> memref<10000x128xf32, #tpu.memory_space<hbm>>
      tpu.wait_indirect_dma semaphore(%arg13 : memref<!tpu.dma_semaphore, #tpu.memory_space<semaphore_mem>>) src(%dma_wait3A_175 : memref<10000x128xf32, #tpu.memory_space<hbm>>) dst(%arg9 : memref<96x128xf32, #tpu.memory_space<vmem>>)
      %run_scoped3A_176 = arith.constant 9 : i32
      "tpu.region"() ({
        %run_scoped3A_253 = tpu.sem_alloc : memref<!tpu.dma_semaphore, #tpu.memory_space<semaphore_mem>>
        %dma_start3A_254 = arith.constant 0 : i32
        %dma_start3A_255 = tpu.memref_slice %arg8[%run_scoped3A_176, %dma_start3A_254] : memref<16x96xi32, #tpu.memory_space<vmem>> -> memref<1x96xi32, #tpu.memory_space<vmem>>
        %dma_start3A_256 = tpu.memref_squeeze %dma_start3A_255 : memref<1x96xi32, #tpu.memory_space<vmem>> -> memref<96xi32, #tpu.memory_space<vmem>>
        %dma_start3A_257 = arith.constant 0 : i32
        %dma_start3A_258 = arith.constant 0 : i32
        %dma_start3A_259 = tpu.memref_slice %arg12[%dma_start3A_257, %dma_start3A_258] : memref<10112x128xf32, #tpu.memory_space<vmem_shared>> -> memref<10112x128xf32, #tpu.memory_space<vmem_shared>>
        tpu.enqueue_indirect_dma source(%arg9 : memref<96x128xf32, #tpu.memory_space<vmem>>) target(%dma_start3A_259 : memref<10112x128xf32, #tpu.memory_space<vmem_shared>>) offsets(%dma_start3A_256 : memref<96xi32, #tpu.memory_space<vmem>>) semaphore(%run_scoped3A_253 : memref<!tpu.dma_semaphore, #tpu.memory_space<semaphore_mem>>) {add = true}
        %dma_wait3A_260 = arith.constant 0 : i32
        %dma_wait3A_261 = tpu.memref_slice %arg8[%run_scoped3A_176, %dma_wait3A_260] : memref<16x96xi32, #tpu.memory_space<vmem>> -> memref<1x96xi32, #tpu.memory_space<vmem>>
        %dma_wait3A_262 = tpu.memref_squeeze %dma_wait3A_261 : memref<1x96xi32, #tpu.memory_space<vmem>> -> memref<96xi32, #tpu.memory_space<vmem>>
        %dma_wait3A_263 = arith.constant 0 : i32
        %dma_wait3A_264 = arith.constant 0 : i32
        %dma_wait3A_265 = tpu.memref_slice %arg12[%dma_wait3A_263, %dma_wait3A_264] : memref<10112x128xf32, #tpu.memory_space<vmem_shared>> -> memref<10112x128xf32, #tpu.memory_space<vmem_shared>>
        tpu.wait_indirect_dma semaphore(%run_scoped3A_253 : memref<!tpu.dma_semaphore, #tpu.memory_space<semaphore_mem>>) src(%arg9 : memref<96x128xf32, #tpu.memory_space<vmem>>) dst(%dma_wait3A_265 : memref<10112x128xf32, #tpu.memory_space<vmem_shared>>)
        tpu.yield
      }) : () -> ()
      %dma_start3A_177 = arith.constant 12 : i32
      %dma_start3A_178 = arith.constant 0 : i32
      %dma_start3A_179 = tpu.memref_slice %arg7[%dma_start3A_177, %dma_start3A_178] : memref<16x96xi32, #tpu.memory_space<vmem>> -> memref<1x96xi32, #tpu.memory_space<vmem>>
      %dma_start3A_180 = tpu.memref_squeeze %dma_start3A_179 : memref<1x96xi32, #tpu.memory_space<vmem>> -> memref<96xi32, #tpu.memory_space<vmem>>
      %dma_start3A_181 = arith.constant 0 : i32
      %dma_start3A_182 = arith.constant 0 : i32
      %dma_start3A_183 = tpu.memref_slice %arg2[%dma_start3A_181, %dma_start3A_182] : memref<10000x128xf32, #tpu.memory_space<hbm>> -> memref<10000x128xf32, #tpu.memory_space<hbm>>
      tpu.enqueue_indirect_dma source(%dma_start3A_183 : memref<10000x128xf32, #tpu.memory_space<hbm>>) target(%arg9 : memref<96x128xf32, #tpu.memory_space<vmem>>) offsets(%dma_start3A_180 : memref<96xi32, #tpu.memory_space<vmem>>) semaphore(%arg13 : memref<!tpu.dma_semaphore, #tpu.memory_space<semaphore_mem>>)
      %dma_wait3A_184 = arith.constant 10 : i32
      %dma_wait3A_185 = arith.constant 0 : i32
      %dma_wait3A_186 = tpu.memref_slice %arg7[%dma_wait3A_184, %dma_wait3A_185] : memref<16x96xi32, #tpu.memory_space<vmem>> -> memref<1x96xi32, #tpu.memory_space<vmem>>
      %dma_wait3A_187 = tpu.memref_squeeze %dma_wait3A_186 : memref<1x96xi32, #tpu.memory_space<vmem>> -> memref<96xi32, #tpu.memory_space<vmem>>
      %dma_wait3A_188 = arith.constant 0 : i32
      %dma_wait3A_189 = arith.constant 0 : i32
      %dma_wait3A_190 = tpu.memref_slice %arg2[%dma_wait3A_188, %dma_wait3A_189] : memref<10000x128xf32, #tpu.memory_space<hbm>> -> memref<10000x128xf32, #tpu.memory_space<hbm>>
      tpu.wait_indirect_dma semaphore(%arg14 : memref<!tpu.dma_semaphore, #tpu.memory_space<semaphore_mem>>) src(%dma_wait3A_190 : memref<10000x128xf32, #tpu.memory_space<hbm>>) dst(%arg10 : memref<96x128xf32, #tpu.memory_space<vmem>>)
      %run_scoped3A_191 = arith.constant 10 : i32
      "tpu.region"() ({
        %run_scoped3A_253 = tpu.sem_alloc : memref<!tpu.dma_semaphore, #tpu.memory_space<semaphore_mem>>
        %dma_start3A_254 = arith.constant 0 : i32
        %dma_start3A_255 = tpu.memref_slice %arg8[%run_scoped3A_191, %dma_start3A_254] : memref<16x96xi32, #tpu.memory_space<vmem>> -> memref<1x96xi32, #tpu.memory_space<vmem>>
        %dma_start3A_256 = tpu.memref_squeeze %dma_start3A_255 : memref<1x96xi32, #tpu.memory_space<vmem>> -> memref<96xi32, #tpu.memory_space<vmem>>
        %dma_start3A_257 = arith.constant 0 : i32
        %dma_start3A_258 = arith.constant 0 : i32
        %dma_start3A_259 = tpu.memref_slice %arg12[%dma_start3A_257, %dma_start3A_258] : memref<10112x128xf32, #tpu.memory_space<vmem_shared>> -> memref<10112x128xf32, #tpu.memory_space<vmem_shared>>
        tpu.enqueue_indirect_dma source(%arg10 : memref<96x128xf32, #tpu.memory_space<vmem>>) target(%dma_start3A_259 : memref<10112x128xf32, #tpu.memory_space<vmem_shared>>) offsets(%dma_start3A_256 : memref<96xi32, #tpu.memory_space<vmem>>) semaphore(%run_scoped3A_253 : memref<!tpu.dma_semaphore, #tpu.memory_space<semaphore_mem>>) {add = true}
        %dma_wait3A_260 = arith.constant 0 : i32
        %dma_wait3A_261 = tpu.memref_slice %arg8[%run_scoped3A_191, %dma_wait3A_260] : memref<16x96xi32, #tpu.memory_space<vmem>> -> memref<1x96xi32, #tpu.memory_space<vmem>>
        %dma_wait3A_262 = tpu.memref_squeeze %dma_wait3A_261 : memref<1x96xi32, #tpu.memory_space<vmem>> -> memref<96xi32, #tpu.memory_space<vmem>>
        %dma_wait3A_263 = arith.constant 0 : i32
        %dma_wait3A_264 = arith.constant 0 : i32
        %dma_wait3A_265 = tpu.memref_slice %arg12[%dma_wait3A_263, %dma_wait3A_264] : memref<10112x128xf32, #tpu.memory_space<vmem_shared>> -> memref<10112x128xf32, #tpu.memory_space<vmem_shared>>
        tpu.wait_indirect_dma semaphore(%run_scoped3A_253 : memref<!tpu.dma_semaphore, #tpu.memory_space<semaphore_mem>>) src(%arg10 : memref<96x128xf32, #tpu.memory_space<vmem>>) dst(%dma_wait3A_265 : memref<10112x128xf32, #tpu.memory_space<vmem_shared>>)
        tpu.yield
      }) : () -> ()
      %dma_start3A_192 = arith.constant 13 : i32
      %dma_start3A_193 = arith.constant 0 : i32
      %dma_start3A_194 = tpu.memref_slice %arg7[%dma_start3A_192, %dma_start3A_193] : memref<16x96xi32, #tpu.memory_space<vmem>> -> memref<1x96xi32, #tpu.memory_space<vmem>>
      %dma_start3A_195 = tpu.memref_squeeze %dma_start3A_194 : memref<1x96xi32, #tpu.memory_space<vmem>> -> memref<96xi32, #tpu.memory_space<vmem>>
      %dma_start3A_196 = arith.constant 0 : i32
      %dma_start3A_197 = arith.constant 0 : i32
      %dma_start3A_198 = tpu.memref_slice %arg2[%dma_start3A_196, %dma_start3A_197] : memref<10000x128xf32, #tpu.memory_space<hbm>> -> memref<10000x128xf32, #tpu.memory_space<hbm>>
      tpu.enqueue_indirect_dma source(%dma_start3A_198 : memref<10000x128xf32, #tpu.memory_space<hbm>>) target(%arg10 : memref<96x128xf32, #tpu.memory_space<vmem>>) offsets(%dma_start3A_195 : memref<96xi32, #tpu.memory_space<vmem>>) semaphore(%arg14 : memref<!tpu.dma_semaphore, #tpu.memory_space<semaphore_mem>>)
      %dma_wait3A_199 = arith.constant 11 : i32
      %dma_wait3A_200 = arith.constant 0 : i32
      %dma_wait3A_201 = tpu.memref_slice %arg7[%dma_wait3A_199, %dma_wait3A_200] : memref<16x96xi32, #tpu.memory_space<vmem>> -> memref<1x96xi32, #tpu.memory_space<vmem>>
      %dma_wait3A_202 = tpu.memref_squeeze %dma_wait3A_201 : memref<1x96xi32, #tpu.memory_space<vmem>> -> memref<96xi32, #tpu.memory_space<vmem>>
      %dma_wait3A_203 = arith.constant 0 : i32
      %dma_wait3A_204 = arith.constant 0 : i32
      %dma_wait3A_205 = tpu.memref_slice %arg2[%dma_wait3A_203, %dma_wait3A_204] : memref<10000x128xf32, #tpu.memory_space<hbm>> -> memref<10000x128xf32, #tpu.memory_space<hbm>>
      tpu.wait_indirect_dma semaphore(%arg15 : memref<!tpu.dma_semaphore, #tpu.memory_space<semaphore_mem>>) src(%dma_wait3A_205 : memref<10000x128xf32, #tpu.memory_space<hbm>>) dst(%arg11 : memref<96x128xf32, #tpu.memory_space<vmem>>)
      %run_scoped3A_206 = arith.constant 11 : i32
      "tpu.region"() ({
        %run_scoped3A_253 = tpu.sem_alloc : memref<!tpu.dma_semaphore, #tpu.memory_space<semaphore_mem>>
        %dma_start3A_254 = arith.constant 0 : i32
        %dma_start3A_255 = tpu.memref_slice %arg8[%run_scoped3A_206, %dma_start3A_254] : memref<16x96xi32, #tpu.memory_space<vmem>> -> memref<1x96xi32, #tpu.memory_space<vmem>>
        %dma_start3A_256 = tpu.memref_squeeze %dma_start3A_255 : memref<1x96xi32, #tpu.memory_space<vmem>> -> memref<96xi32, #tpu.memory_space<vmem>>
        %dma_start3A_257 = arith.constant 0 : i32
        %dma_start3A_258 = arith.constant 0 : i32
        %dma_start3A_259 = tpu.memref_slice %arg12[%dma_start3A_257, %dma_start3A_258] : memref<10112x128xf32, #tpu.memory_space<vmem_shared>> -> memref<10112x128xf32, #tpu.memory_space<vmem_shared>>
        tpu.enqueue_indirect_dma source(%arg11 : memref<96x128xf32, #tpu.memory_space<vmem>>) target(%dma_start3A_259 : memref<10112x128xf32, #tpu.memory_space<vmem_shared>>) offsets(%dma_start3A_256 : memref<96xi32, #tpu.memory_space<vmem>>) semaphore(%run_scoped3A_253 : memref<!tpu.dma_semaphore, #tpu.memory_space<semaphore_mem>>) {add = true}
        %dma_wait3A_260 = arith.constant 0 : i32
        %dma_wait3A_261 = tpu.memref_slice %arg8[%run_scoped3A_206, %dma_wait3A_260] : memref<16x96xi32, #tpu.memory_space<vmem>> -> memref<1x96xi32, #tpu.memory_space<vmem>>
        %dma_wait3A_262 = tpu.memref_squeeze %dma_wait3A_261 : memref<1x96xi32, #tpu.memory_space<vmem>> -> memref<96xi32, #tpu.memory_space<vmem>>
        %dma_wait3A_263 = arith.constant 0 : i32
        %dma_wait3A_264 = arith.constant 0 : i32
        %dma_wait3A_265 = tpu.memref_slice %arg12[%dma_wait3A_263, %dma_wait3A_264] : memref<10112x128xf32, #tpu.memory_space<vmem_shared>> -> memref<10112x128xf32, #tpu.memory_space<vmem_shared>>
        tpu.wait_indirect_dma semaphore(%run_scoped3A_253 : memref<!tpu.dma_semaphore, #tpu.memory_space<semaphore_mem>>) src(%arg11 : memref<96x128xf32, #tpu.memory_space<vmem>>) dst(%dma_wait3A_265 : memref<10112x128xf32, #tpu.memory_space<vmem_shared>>)
        tpu.yield
      }) : () -> ()
      %dma_start3A_207 = arith.constant 14 : i32
      %dma_start3A_208 = arith.constant 0 : i32
      %dma_start3A_209 = tpu.memref_slice %arg7[%dma_start3A_207, %dma_start3A_208] : memref<16x96xi32, #tpu.memory_space<vmem>> -> memref<1x96xi32, #tpu.memory_space<vmem>>
      %dma_start3A_210 = tpu.memref_squeeze %dma_start3A_209 : memref<1x96xi32, #tpu.memory_space<vmem>> -> memref<96xi32, #tpu.memory_space<vmem>>
      %dma_start3A_211 = arith.constant 0 : i32
      %dma_start3A_212 = arith.constant 0 : i32
      %dma_start3A_213 = tpu.memref_slice %arg2[%dma_start3A_211, %dma_start3A_212] : memref<10000x128xf32, #tpu.memory_space<hbm>> -> memref<10000x128xf32, #tpu.memory_space<hbm>>
      tpu.enqueue_indirect_dma source(%dma_start3A_213 : memref<10000x128xf32, #tpu.memory_space<hbm>>) target(%arg11 : memref<96x128xf32, #tpu.memory_space<vmem>>) offsets(%dma_start3A_210 : memref<96xi32, #tpu.memory_space<vmem>>) semaphore(%arg15 : memref<!tpu.dma_semaphore, #tpu.memory_space<semaphore_mem>>)
      %dma_wait3A_214 = arith.constant 12 : i32
      %dma_wait3A_215 = arith.constant 0 : i32
      %dma_wait3A_216 = tpu.memref_slice %arg7[%dma_wait3A_214, %dma_wait3A_215] : memref<16x96xi32, #tpu.memory_space<vmem>> -> memref<1x96xi32, #tpu.memory_space<vmem>>
      %dma_wait3A_217 = tpu.memref_squeeze %dma_wait3A_216 : memref<1x96xi32, #tpu.memory_space<vmem>> -> memref<96xi32, #tpu.memory_space<vmem>>
      %dma_wait3A_218 = arith.constant 0 : i32
      %dma_wait3A_219 = arith.constant 0 : i32
      %dma_wait3A_220 = tpu.memref_slice %arg2[%dma_wait3A_218, %dma_wait3A_219] : memref<10000x128xf32, #tpu.memory_space<hbm>> -> memref<10000x128xf32, #tpu.memory_space<hbm>>
      tpu.wait_indirect_dma semaphore(%arg13 : memref<!tpu.dma_semaphore, #tpu.memory_space<semaphore_mem>>) src(%dma_wait3A_220 : memref<10000x128xf32, #tpu.memory_space<hbm>>) dst(%arg9 : memref<96x128xf32, #tpu.memory_space<vmem>>)
      %run_scoped3A_221 = arith.constant 12 : i32
      "tpu.region"() ({
        %run_scoped3A_253 = tpu.sem_alloc : memref<!tpu.dma_semaphore, #tpu.memory_space<semaphore_mem>>
        %dma_start3A_254 = arith.constant 0 : i32
        %dma_start3A_255 = tpu.memref_slice %arg8[%run_scoped3A_221, %dma_start3A_254] : memref<16x96xi32, #tpu.memory_space<vmem>> -> memref<1x96xi32, #tpu.memory_space<vmem>>
        %dma_start3A_256 = tpu.memref_squeeze %dma_start3A_255 : memref<1x96xi32, #tpu.memory_space<vmem>> -> memref<96xi32, #tpu.memory_space<vmem>>
        %dma_start3A_257 = arith.constant 0 : i32
        %dma_start3A_258 = arith.constant 0 : i32
        %dma_start3A_259 = tpu.memref_slice %arg12[%dma_start3A_257, %dma_start3A_258] : memref<10112x128xf32, #tpu.memory_space<vmem_shared>> -> memref<10112x128xf32, #tpu.memory_space<vmem_shared>>
        tpu.enqueue_indirect_dma source(%arg9 : memref<96x128xf32, #tpu.memory_space<vmem>>) target(%dma_start3A_259 : memref<10112x128xf32, #tpu.memory_space<vmem_shared>>) offsets(%dma_start3A_256 : memref<96xi32, #tpu.memory_space<vmem>>) semaphore(%run_scoped3A_253 : memref<!tpu.dma_semaphore, #tpu.memory_space<semaphore_mem>>) {add = true}
        %dma_wait3A_260 = arith.constant 0 : i32
        %dma_wait3A_261 = tpu.memref_slice %arg8[%run_scoped3A_221, %dma_wait3A_260] : memref<16x96xi32, #tpu.memory_space<vmem>> -> memref<1x96xi32, #tpu.memory_space<vmem>>
        %dma_wait3A_262 = tpu.memref_squeeze %dma_wait3A_261 : memref<1x96xi32, #tpu.memory_space<vmem>> -> memref<96xi32, #tpu.memory_space<vmem>>
        %dma_wait3A_263 = arith.constant 0 : i32
        %dma_wait3A_264 = arith.constant 0 : i32
        %dma_wait3A_265 = tpu.memref_slice %arg12[%dma_wait3A_263, %dma_wait3A_264] : memref<10112x128xf32, #tpu.memory_space<vmem_shared>> -> memref<10112x128xf32, #tpu.memory_space<vmem_shared>>
        tpu.wait_indirect_dma semaphore(%run_scoped3A_253 : memref<!tpu.dma_semaphore, #tpu.memory_space<semaphore_mem>>) src(%arg9 : memref<96x128xf32, #tpu.memory_space<vmem>>) dst(%dma_wait3A_265 : memref<10112x128xf32, #tpu.memory_space<vmem_shared>>)
        tpu.yield
      }) : () -> ()
      %dma_start3A_222 = arith.constant 15 : i32
      %dma_start3A_223 = arith.constant 0 : i32
      %dma_start3A_224 = tpu.memref_slice %arg7[%dma_start3A_222, %dma_start3A_223] : memref<16x96xi32, #tpu.memory_space<vmem>> -> memref<1x96xi32, #tpu.memory_space<vmem>>
      %dma_start3A_225 = tpu.memref_squeeze %dma_start3A_224 : memref<1x96xi32, #tpu.memory_space<vmem>> -> memref<96xi32, #tpu.memory_space<vmem>>
      %dma_start3A_226 = arith.constant 0 : i32
      %dma_start3A_227 = arith.constant 0 : i32
      %dma_start3A_228 = tpu.memref_slice %arg2[%dma_start3A_226, %dma_start3A_227] : memref<10000x128xf32, #tpu.memory_space<hbm>> -> memref<10000x128xf32, #tpu.memory_space<hbm>>
      tpu.enqueue_indirect_dma source(%dma_start3A_228 : memref<10000x128xf32, #tpu.memory_space<hbm>>) target(%arg9 : memref<96x128xf32, #tpu.memory_space<vmem>>) offsets(%dma_start3A_225 : memref<96xi32, #tpu.memory_space<vmem>>) semaphore(%arg13 : memref<!tpu.dma_semaphore, #tpu.memory_space<semaphore_mem>>)
      %dma_wait3A_229 = arith.constant 13 : i32
      %dma_wait3A_230 = arith.constant 0 : i32
      %dma_wait3A_231 = tpu.memref_slice %arg7[%dma_wait3A_229, %dma_wait3A_230] : memref<16x96xi32, #tpu.memory_space<vmem>> -> memref<1x96xi32, #tpu.memory_space<vmem>>
      %dma_wait3A_232 = tpu.memref_squeeze %dma_wait3A_231 : memref<1x96xi32, #tpu.memory_space<vmem>> -> memref<96xi32, #tpu.memory_space<vmem>>
      %dma_wait3A_233 = arith.constant 0 : i32
      %dma_wait3A_234 = arith.constant 0 : i32
      %dma_wait3A_235 = tpu.memref_slice %arg2[%dma_wait3A_233, %dma_wait3A_234] : memref<10000x128xf32, #tpu.memory_space<hbm>> -> memref<10000x128xf32, #tpu.memory_space<hbm>>
      tpu.wait_indirect_dma semaphore(%arg14 : memref<!tpu.dma_semaphore, #tpu.memory_space<semaphore_mem>>) src(%dma_wait3A_235 : memref<10000x128xf32, #tpu.memory_space<hbm>>) dst(%arg10 : memref<96x128xf32, #tpu.memory_space<vmem>>)
      %run_scoped3A_236 = arith.constant 13 : i32
      "tpu.region"() ({
        %run_scoped3A_253 = tpu.sem_alloc : memref<!tpu.dma_semaphore, #tpu.memory_space<semaphore_mem>>
        %dma_start3A_254 = arith.constant 0 : i32
        %dma_start3A_255 = tpu.memref_slice %arg8[%run_scoped3A_236, %dma_start3A_254] : memref<16x96xi32, #tpu.memory_space<vmem>> -> memref<1x96xi32, #tpu.memory_space<vmem>>
        %dma_start3A_256 = tpu.memref_squeeze %dma_start3A_255 : memref<1x96xi32, #tpu.memory_space<vmem>> -> memref<96xi32, #tpu.memory_space<vmem>>
        %dma_start3A_257 = arith.constant 0 : i32
        %dma_start3A_258 = arith.constant 0 : i32
        %dma_start3A_259 = tpu.memref_slice %arg12[%dma_start3A_257, %dma_start3A_258] : memref<10112x128xf32, #tpu.memory_space<vmem_shared>> -> memref<10112x128xf32, #tpu.memory_space<vmem_shared>>
        tpu.enqueue_indirect_dma source(%arg10 : memref<96x128xf32, #tpu.memory_space<vmem>>) target(%dma_start3A_259 : memref<10112x128xf32, #tpu.memory_space<vmem_shared>>) offsets(%dma_start3A_256 : memref<96xi32, #tpu.memory_space<vmem>>) semaphore(%run_scoped3A_253 : memref<!tpu.dma_semaphore, #tpu.memory_space<semaphore_mem>>) {add = true}
        %dma_wait3A_260 = arith.constant 0 : i32
        %dma_wait3A_261 = tpu.memref_slice %arg8[%run_scoped3A_236, %dma_wait3A_260] : memref<16x96xi32, #tpu.memory_space<vmem>> -> memref<1x96xi32, #tpu.memory_space<vmem>>
        %dma_wait3A_262 = tpu.memref_squeeze %dma_wait3A_261 : memref<1x96xi32, #tpu.memory_space<vmem>> -> memref<96xi32, #tpu.memory_space<vmem>>
        %dma_wait3A_263 = arith.constant 0 : i32
        %dma_wait3A_264 = arith.constant 0 : i32
        %dma_wait3A_265 = tpu.memref_slice %arg12[%dma_wait3A_263, %dma_wait3A_264] : memref<10112x128xf32, #tpu.memory_space<vmem_shared>> -> memref<10112x128xf32, #tpu.memory_space<vmem_shared>>
        tpu.wait_indirect_dma semaphore(%run_scoped3A_253 : memref<!tpu.dma_semaphore, #tpu.memory_space<semaphore_mem>>) src(%arg10 : memref<96x128xf32, #tpu.memory_space<vmem>>) dst(%dma_wait3A_265 : memref<10112x128xf32, #tpu.memory_space<vmem_shared>>)
        tpu.yield
      }) : () -> ()
      %dma_wait3A_237 = arith.constant 14 : i32
      %dma_wait3A_238 = arith.constant 0 : i32
      %dma_wait3A_239 = tpu.memref_slice %arg7[%dma_wait3A_237, %dma_wait3A_238] : memref<16x96xi32, #tpu.memory_space<vmem>> -> memref<1x96xi32, #tpu.memory_space<vmem>>
      %dma_wait3A_240 = tpu.memref_squeeze %dma_wait3A_239 : memref<1x96xi32, #tpu.memory_space<vmem>> -> memref<96xi32, #tpu.memory_space<vmem>>
      %dma_wait3A_241 = arith.constant 0 : i32
      %dma_wait3A_242 = arith.constant 0 : i32
      %dma_wait3A_243 = tpu.memref_slice %arg2[%dma_wait3A_241, %dma_wait3A_242] : memref<10000x128xf32, #tpu.memory_space<hbm>> -> memref<10000x128xf32, #tpu.memory_space<hbm>>
      tpu.wait_indirect_dma semaphore(%arg15 : memref<!tpu.dma_semaphore, #tpu.memory_space<semaphore_mem>>) src(%dma_wait3A_243 : memref<10000x128xf32, #tpu.memory_space<hbm>>) dst(%arg11 : memref<96x128xf32, #tpu.memory_space<vmem>>)
      %run_scoped3A_244 = arith.constant 14 : i32
      "tpu.region"() ({
        %run_scoped3A_253 = tpu.sem_alloc : memref<!tpu.dma_semaphore, #tpu.memory_space<semaphore_mem>>
        %dma_start3A_254 = arith.constant 0 : i32
        %dma_start3A_255 = tpu.memref_slice %arg8[%run_scoped3A_244, %dma_start3A_254] : memref<16x96xi32, #tpu.memory_space<vmem>> -> memref<1x96xi32, #tpu.memory_space<vmem>>
        %dma_start3A_256 = tpu.memref_squeeze %dma_start3A_255 : memref<1x96xi32, #tpu.memory_space<vmem>> -> memref<96xi32, #tpu.memory_space<vmem>>
        %dma_start3A_257 = arith.constant 0 : i32
        %dma_start3A_258 = arith.constant 0 : i32
        %dma_start3A_259 = tpu.memref_slice %arg12[%dma_start3A_257, %dma_start3A_258] : memref<10112x128xf32, #tpu.memory_space<vmem_shared>> -> memref<10112x128xf32, #tpu.memory_space<vmem_shared>>
        tpu.enqueue_indirect_dma source(%arg11 : memref<96x128xf32, #tpu.memory_space<vmem>>) target(%dma_start3A_259 : memref<10112x128xf32, #tpu.memory_space<vmem_shared>>) offsets(%dma_start3A_256 : memref<96xi32, #tpu.memory_space<vmem>>) semaphore(%run_scoped3A_253 : memref<!tpu.dma_semaphore, #tpu.memory_space<semaphore_mem>>) {add = true}
        %dma_wait3A_260 = arith.constant 0 : i32
        %dma_wait3A_261 = tpu.memref_slice %arg8[%run_scoped3A_244, %dma_wait3A_260] : memref<16x96xi32, #tpu.memory_space<vmem>> -> memref<1x96xi32, #tpu.memory_space<vmem>>
        %dma_wait3A_262 = tpu.memref_squeeze %dma_wait3A_261 : memref<1x96xi32, #tpu.memory_space<vmem>> -> memref<96xi32, #tpu.memory_space<vmem>>
        %dma_wait3A_263 = arith.constant 0 : i32
        %dma_wait3A_264 = arith.constant 0 : i32
        %dma_wait3A_265 = tpu.memref_slice %arg12[%dma_wait3A_263, %dma_wait3A_264] : memref<10112x128xf32, #tpu.memory_space<vmem_shared>> -> memref<10112x128xf32, #tpu.memory_space<vmem_shared>>
        tpu.wait_indirect_dma semaphore(%run_scoped3A_253 : memref<!tpu.dma_semaphore, #tpu.memory_space<semaphore_mem>>) src(%arg11 : memref<96x128xf32, #tpu.memory_space<vmem>>) dst(%dma_wait3A_265 : memref<10112x128xf32, #tpu.memory_space<vmem_shared>>)
        tpu.yield
      }) : () -> ()
      %dma_wait3A_245 = arith.constant 15 : i32
      %dma_wait3A_246 = arith.constant 0 : i32
      %dma_wait3A_247 = tpu.memref_slice %arg7[%dma_wait3A_245, %dma_wait3A_246] : memref<16x96xi32, #tpu.memory_space<vmem>> -> memref<1x96xi32, #tpu.memory_space<vmem>>
      %dma_wait3A_248 = tpu.memref_squeeze %dma_wait3A_247 : memref<1x96xi32, #tpu.memory_space<vmem>> -> memref<96xi32, #tpu.memory_space<vmem>>
      %dma_wait3A_249 = arith.constant 0 : i32
      %dma_wait3A_250 = arith.constant 0 : i32
      %dma_wait3A_251 = tpu.memref_slice %arg2[%dma_wait3A_249, %dma_wait3A_250] : memref<10000x128xf32, #tpu.memory_space<hbm>> -> memref<10000x128xf32, #tpu.memory_space<hbm>>
      tpu.wait_indirect_dma semaphore(%arg13 : memref<!tpu.dma_semaphore, #tpu.memory_space<semaphore_mem>>) src(%dma_wait3A_251 : memref<10000x128xf32, #tpu.memory_space<hbm>>) dst(%arg9 : memref<96x128xf32, #tpu.memory_space<vmem>>)
      %run_scoped3A_252 = arith.constant 15 : i32
      "tpu.region"() ({
        %run_scoped3A_253 = tpu.sem_alloc : memref<!tpu.dma_semaphore, #tpu.memory_space<semaphore_mem>>
        %dma_start3A_254 = arith.constant 0 : i32
        %dma_start3A_255 = tpu.memref_slice %arg8[%run_scoped3A_252, %dma_start3A_254] : memref<16x96xi32, #tpu.memory_space<vmem>> -> memref<1x96xi32, #tpu.memory_space<vmem>>
        %dma_start3A_256 = tpu.memref_squeeze %dma_start3A_255 : memref<1x96xi32, #tpu.memory_space<vmem>> -> memref<96xi32, #tpu.memory_space<vmem>>
        %dma_start3A_257 = arith.constant 0 : i32
        %dma_start3A_258 = arith.constant 0 : i32
        %dma_start3A_259 = tpu.memref_slice %arg12[%dma_start3A_257, %dma_start3A_258] : memref<10112x128xf32, #tpu.memory_space<vmem_shared>> -> memref<10112x128xf32, #tpu.memory_space<vmem_shared>>
        tpu.enqueue_indirect_dma source(%arg9 : memref<96x128xf32, #tpu.memory_space<vmem>>) target(%dma_start3A_259 : memref<10112x128xf32, #tpu.memory_space<vmem_shared>>) offsets(%dma_start3A_256 : memref<96xi32, #tpu.memory_space<vmem>>) semaphore(%run_scoped3A_253 : memref<!tpu.dma_semaphore, #tpu.memory_space<semaphore_mem>>) {add = true}
        %dma_wait3A_260 = arith.constant 0 : i32
        %dma_wait3A_261 = tpu.memref_slice %arg8[%run_scoped3A_252, %dma_wait3A_260] : memref<16x96xi32, #tpu.memory_space<vmem>> -> memref<1x96xi32, #tpu.memory_space<vmem>>
        %dma_wait3A_262 = tpu.memref_squeeze %dma_wait3A_261 : memref<1x96xi32, #tpu.memory_space<vmem>> -> memref<96xi32, #tpu.memory_space<vmem>>
        %dma_wait3A_263 = arith.constant 0 : i32
        %dma_wait3A_264 = arith.constant 0 : i32
        %dma_wait3A_265 = tpu.memref_slice %arg12[%dma_wait3A_263, %dma_wait3A_264] : memref<10112x128xf32, #tpu.memory_space<vmem_shared>> -> memref<10112x128xf32, #tpu.memory_space<vmem_shared>>
        tpu.wait_indirect_dma semaphore(%run_scoped3A_253 : memref<!tpu.dma_semaphore, #tpu.memory_space<semaphore_mem>>) src(%arg9 : memref<96x128xf32, #tpu.memory_space<vmem>>) dst(%dma_wait3A_265 : memref<10112x128xf32, #tpu.memory_space<vmem_shared>>)
        tpu.yield
      }) : () -> ()
    }
    %scan3A_7 = arith.constant 7 : i32
    %barrier3A_8 = arith.constant 0 : index
    tpu.barrier barrier_id(%barrier3A_8)
    %mul3A_9 = arith.constant 632 : i32
    %mul3A_10 = arith.muli %arg1, %mul3A_9 : i32
    %mul3A_11 = arith.constant 632 : i32
    %mul3A_12 = arith.muli %arg1, %mul3A_11 : i32
    "tpu.region"() ({
      %run_scoped3A = tpu.sem_alloc : memref<!tpu.dma_semaphore, #tpu.memory_space<semaphore_mem>>
      %dma_start3A = arith.constant 0 : i32
      %dma_start3A_13 = tpu.memref_slice %arg6[%arg0, %mul3A_12, %dma_start3A] : memref<2x10112x128xf32, #tpu.memory_space<hbm>> -> memref<1x632x128xf32, #tpu.memory_space<hbm>>
      %dma_start3A_14 = tpu.memref_squeeze %dma_start3A_13 : memref<1x632x128xf32, #tpu.memory_space<hbm>> -> memref<632x128xf32, #tpu.memory_space<hbm>>
      %dma_start3A_15 = arith.constant 0 : i32
      %dma_start3A_16 = tpu.memref_slice %arg12[%mul3A_10, %dma_start3A_15] : memref<10112x128xf32, #tpu.memory_space<vmem_shared>> -> memref<632x128xf32, #tpu.memory_space<vmem_shared>>
      tpu.enqueue_dma source(%dma_start3A_16 : memref<632x128xf32, #tpu.memory_space<vmem_shared>>) target(%dma_start3A_14 : memref<632x128xf32, #tpu.memory_space<hbm>>) target_semaphore(%run_scoped3A : memref<!tpu.dma_semaphore, #tpu.memory_space<semaphore_mem>>)
      %dma_wait3A = arith.constant 0 : i32
      %dma_wait3A_17 = tpu.memref_slice %arg6[%arg0, %mul3A_12, %dma_wait3A] : memref<2x10112x128xf32, #tpu.memory_space<hbm>> -> memref<1x632x128xf32, #tpu.memory_space<hbm>>
      %dma_wait3A_18 = tpu.memref_squeeze %dma_wait3A_17 : memref<1x632x128xf32, #tpu.memory_space<hbm>> -> memref<632x128xf32, #tpu.memory_space<hbm>>
      %dma_wait3A_19 = arith.constant 0 : i32
      %dma_wait3A_20 = tpu.memref_slice %arg12[%mul3A_10, %dma_wait3A_19] : memref<10112x128xf32, #tpu.memory_space<vmem_shared>> -> memref<632x128xf32, #tpu.memory_space<vmem_shared>>
      tpu.wait_dma2 semaphore(%run_scoped3A : memref<!tpu.dma_semaphore, #tpu.memory_space<semaphore_mem>>) src(%dma_wait3A_20 : memref<632x128xf32, #tpu.memory_space<vmem_shared>>) dst(%dma_wait3A_18 : memref<632x128xf32, #tpu.memory_space<hbm>>)
      tpu.yield
    }) : () -> ()
    return
  }
}

#map = affine_map<(d0, d1) -> (0, 0)>
#map1 = affine_map<(d0, d1) -> (0, 0, 0)>
module attributes {stable_mosaic.version = 14 : i64} {
  func.func @_sc_agg_body(%arg0: i32, %arg1: i32, %arg2: memref<10000x128xf32, #tpu.memory_space<hbm>>, %arg3: memref<32x112x96xi32, #tpu.memory_space<hbm>>, %arg4: memref<32x112x96xi32, #tpu.memory_space<hbm>>, %arg5: memref<632x128xf32, #tpu.memory_space<hbm>>, %arg6: memref<2x10112x128xf32, #tpu.memory_space<hbm>>, %arg7: memref<16x96xi32, #tpu.memory_space<vmem>>, %arg8: memref<16x96xi32, #tpu.memory_space<vmem>>, %arg9: memref<96x128xf32, #tpu.memory_space<vmem>>, %arg10: memref<96x128xf32, #tpu.memory_space<vmem>>, %arg11: memref<96x128xf32, #tpu.memory_space<vmem>>, %arg12: memref<10112x128xf32, #tpu.memory_space<vmem_shared>>, %arg13: memref<!tpu.dma_semaphore, #tpu.memory_space<semaphore_mem>>, %arg14: memref<!tpu.dma_semaphore, #tpu.memory_space<semaphore_mem>>, %arg15: memref<!tpu.dma_semaphore, #tpu.memory_space<semaphore_mem>>) attributes {dimension_semantics = [#tpu.dimension_semantics<core_parallel>, #tpu.dimension_semantics<subcore_parallel>], iteration_bounds = array<i64: 2, 16>, scalar_prefetch = 0 : i64, scratch_operands = 9 : i64, tpu.core_type = #tpu.core_type<sc_vector_subcore>, window_params = [{transform_indices = #map}, {transform_indices = #map1}, {transform_indices = #map1}, {transform_indices = #map}, {transform_indices = #map1}]} {
    %mul3A = arith.constant 2 : i32
    %mul3A_0 = arith.muli %arg1, %mul3A : i32
    %add3A = arith.addi %mul3A_0, %arg0 : i32
    %mul3A_1 = arith.constant 632 : i32
    %mul3A_2 = arith.muli %arg1, %mul3A_1 : i32
    "tpu.region"() ({
      %run_scoped3A = tpu.sem_alloc : memref<!tpu.dma_semaphore, #tpu.memory_space<semaphore_mem>>
      %dma_start3A = arith.constant 0 : i32
      %dma_start3A_13 = tpu.memref_slice %arg12[%mul3A_2, %dma_start3A] : memref<10112x128xf32, #tpu.memory_space<vmem_shared>> -> memref<632x128xf32, #tpu.memory_space<vmem_shared>>
      tpu.enqueue_dma source(%arg5 : memref<632x128xf32, #tpu.memory_space<hbm>>) target(%dma_start3A_13 : memref<632x128xf32, #tpu.memory_space<vmem_shared>>) target_semaphore(%run_scoped3A : memref<!tpu.dma_semaphore, #tpu.memory_space<semaphore_mem>>)
      %dma_wait3A = arith.constant 0 : i32
      %dma_wait3A_14 = tpu.memref_slice %arg12[%mul3A_2, %dma_wait3A] : memref<10112x128xf32, #tpu.memory_space<vmem_shared>> -> memref<632x128xf32, #tpu.memory_space<vmem_shared>>
      tpu.wait_dma2 semaphore(%run_scoped3A : memref<!tpu.dma_semaphore, #tpu.memory_space<semaphore_mem>>) src(%arg5 : memref<632x128xf32, #tpu.memory_space<hbm>>) dst(%dma_wait3A_14 : memref<632x128xf32, #tpu.memory_space<vmem_shared>>)
      tpu.yield
    }) : () -> ()
    %barrier3A = arith.constant 0 : index
    tpu.barrier barrier_id(%barrier3A)
    %scan3A = arith.constant 0 : i32
    %scan3A_3 = arith.constant 0 : i32
    %scan3A_4 = arith.constant 7 : i32
    %scan3A_5 = arith.addi %scan3A_3, %scan3A_4 : i32
    %scan3A_6 = arith.constant 1 : i32
    scf.for %scan3A_13 = %scan3A_3 to %scan3A_5 step %scan3A_6  : i32 {
      %mul3A_14 = arith.constant 16 : i32
      %mul3A_15 = arith.muli %scan3A_13, %mul3A_14 : i32
      "tpu.region"() ({
        %run_scoped3A_253 = tpu.sem_alloc : memref<!tpu.dma_semaphore, #tpu.memory_space<semaphore_mem>>
        %dma_start3A_254 = arith.constant 0 : i32
        %dma_start3A_255 = tpu.memref_slice %arg3[%add3A, %mul3A_15, %dma_start3A_254] : memref<32x112x96xi32, #tpu.memory_space<hbm>> -> memref<1x16x96xi32, #tpu.memory_space<hbm>>
        %dma_start3A_256 = tpu.memref_squeeze %dma_start3A_255 : memref<1x16x96xi32, #tpu.memory_space<hbm>> -> memref<16x96xi32, #tpu.memory_space<hbm>>
        %dma_start3A_257 = arith.constant 0 : i32
        %dma_start3A_258 = tpu.memref_slice %arg3[%add3A, %mul3A_15, %dma_start3A_257] : memref<32x112x96xi32, #tpu.memory_space<hbm>> -> memref<1x16x96xi32, #tpu.memory_space<hbm>>
        %dma_start3A_259 = tpu.memref_squeeze %dma_start3A_258 : memref<1x16x96xi32, #tpu.memory_space<hbm>> -> memref<16x96xi32, #tpu.memory_space<hbm>>
        tpu.enqueue_dma source(%dma_start3A_259 : memref<16x96xi32, #tpu.memory_space<hbm>>) target(%arg7 : memref<16x96xi32, #tpu.memory_space<vmem>>) target_semaphore(%run_scoped3A_253 : memref<!tpu.dma_semaphore, #tpu.memory_space<semaphore_mem>>)
        %dma_wait3A_260 = arith.constant 0 : i32
        %dma_wait3A_261 = tpu.memref_slice %arg3[%add3A, %mul3A_15, %dma_wait3A_260] : memref<32x112x96xi32, #tpu.memory_space<hbm>> -> memref<1x16x96xi32, #tpu.memory_space<hbm>>
        %dma_wait3A_262 = tpu.memref_squeeze %dma_wait3A_261 : memref<1x16x96xi32, #tpu.memory_space<hbm>> -> memref<16x96xi32, #tpu.memory_space<hbm>>
        %dma_wait3A_263 = arith.constant 0 : i32
        %dma_wait3A_264 = tpu.memref_slice %arg3[%add3A, %mul3A_15, %dma_wait3A_263] : memref<32x112x96xi32, #tpu.memory_space<hbm>> -> memref<1x16x96xi32, #tpu.memory_space<hbm>>
        %dma_wait3A_265 = tpu.memref_squeeze %dma_wait3A_264 : memref<1x16x96xi32, #tpu.memory_space<hbm>> -> memref<16x96xi32, #tpu.memory_space<hbm>>
        tpu.wait_dma2 semaphore(%run_scoped3A_253 : memref<!tpu.dma_semaphore, #tpu.memory_space<semaphore_mem>>) src(%dma_wait3A_265 : memref<16x96xi32, #tpu.memory_space<hbm>>) dst(%arg7 : memref<16x96xi32, #tpu.memory_space<vmem>>)
        tpu.yield
      }) : () -> ()
      "tpu.region"() ({
        %run_scoped3A_253 = tpu.sem_alloc : memref<!tpu.dma_semaphore, #tpu.memory_space<semaphore_mem>>
        %dma_start3A_254 = arith.constant 0 : i32
        %dma_start3A_255 = tpu.memref_slice %arg4[%add3A, %mul3A_15, %dma_start3A_254] : memref<32x112x96xi32, #tpu.memory_space<hbm>> -> memref<1x16x96xi32, #tpu.memory_space<hbm>>
        %dma_start3A_256 = tpu.memref_squeeze %dma_start3A_255 : memref<1x16x96xi32, #tpu.memory_space<hbm>> -> memref<16x96xi32, #tpu.memory_space<hbm>>
        %dma_start3A_257 = arith.constant 0 : i32
        %dma_start3A_258 = tpu.memref_slice %arg4[%add3A, %mul3A_15, %dma_start3A_257] : memref<32x112x96xi32, #tpu.memory_space<hbm>> -> memref<1x16x96xi32, #tpu.memory_space<hbm>>
        %dma_start3A_259 = tpu.memref_squeeze %dma_start3A_258 : memref<1x16x96xi32, #tpu.memory_space<hbm>> -> memref<16x96xi32, #tpu.memory_space<hbm>>
        tpu.enqueue_dma source(%dma_start3A_259 : memref<16x96xi32, #tpu.memory_space<hbm>>) target(%arg8 : memref<16x96xi32, #tpu.memory_space<vmem>>) target_semaphore(%run_scoped3A_253 : memref<!tpu.dma_semaphore, #tpu.memory_space<semaphore_mem>>)
        %dma_wait3A_260 = arith.constant 0 : i32
        %dma_wait3A_261 = tpu.memref_slice %arg4[%add3A, %mul3A_15, %dma_wait3A_260] : memref<32x112x96xi32, #tpu.memory_space<hbm>> -> memref<1x16x96xi32, #tpu.memory_space<hbm>>
        %dma_wait3A_262 = tpu.memref_squeeze %dma_wait3A_261 : memref<1x16x96xi32, #tpu.memory_space<hbm>> -> memref<16x96xi32, #tpu.memory_space<hbm>>
        %dma_wait3A_263 = arith.constant 0 : i32
        %dma_wait3A_264 = tpu.memref_slice %arg4[%add3A, %mul3A_15, %dma_wait3A_263] : memref<32x112x96xi32, #tpu.memory_space<hbm>> -> memref<1x16x96xi32, #tpu.memory_space<hbm>>
        %dma_wait3A_265 = tpu.memref_squeeze %dma_wait3A_264 : memref<1x16x96xi32, #tpu.memory_space<hbm>> -> memref<16x96xi32, #tpu.memory_space<hbm>>
        tpu.wait_dma2 semaphore(%run_scoped3A_253 : memref<!tpu.dma_semaphore, #tpu.memory_space<semaphore_mem>>) src(%dma_wait3A_265 : memref<16x96xi32, #tpu.memory_space<hbm>>) dst(%arg8 : memref<16x96xi32, #tpu.memory_space<vmem>>)
        tpu.yield
      }) : () -> ()
      %dma_start3A = arith.constant 0 : i32
      %dma_start3A_16 = arith.constant 0 : i32
      %dma_start3A_17 = tpu.memref_slice %arg7[%dma_start3A, %dma_start3A_16] : memref<16x96xi32, #tpu.memory_space<vmem>> -> memref<1x96xi32, #tpu.memory_space<vmem>>
      %dma_start3A_18 = tpu.memref_squeeze %dma_start3A_17 : memref<1x96xi32, #tpu.memory_space<vmem>> -> memref<96xi32, #tpu.memory_space<vmem>>
      %dma_start3A_19 = arith.constant 0 : i32
      %dma_start3A_20 = arith.constant 0 : i32
      %dma_start3A_21 = tpu.memref_slice %arg2[%dma_start3A_19, %dma_start3A_20] : memref<10000x128xf32, #tpu.memory_space<hbm>> -> memref<10000x128xf32, #tpu.memory_space<hbm>>
      tpu.enqueue_indirect_dma source(%dma_start3A_21 : memref<10000x128xf32, #tpu.memory_space<hbm>>) target(%arg9 : memref<96x128xf32, #tpu.memory_space<vmem>>) offsets(%dma_start3A_18 : memref<96xi32, #tpu.memory_space<vmem>>) semaphore(%arg13 : memref<!tpu.dma_semaphore, #tpu.memory_space<semaphore_mem>>)
      %dma_start3A_22 = arith.constant 1 : i32
      %dma_start3A_23 = arith.constant 0 : i32
      %dma_start3A_24 = tpu.memref_slice %arg7[%dma_start3A_22, %dma_start3A_23] : memref<16x96xi32, #tpu.memory_space<vmem>> -> memref<1x96xi32, #tpu.memory_space<vmem>>
      %dma_start3A_25 = tpu.memref_squeeze %dma_start3A_24 : memref<1x96xi32, #tpu.memory_space<vmem>> -> memref<96xi32, #tpu.memory_space<vmem>>
      %dma_start3A_26 = arith.constant 0 : i32
      %dma_start3A_27 = arith.constant 0 : i32
      %dma_start3A_28 = tpu.memref_slice %arg2[%dma_start3A_26, %dma_start3A_27] : memref<10000x128xf32, #tpu.memory_space<hbm>> -> memref<10000x128xf32, #tpu.memory_space<hbm>>
      tpu.enqueue_indirect_dma source(%dma_start3A_28 : memref<10000x128xf32, #tpu.memory_space<hbm>>) target(%arg10 : memref<96x128xf32, #tpu.memory_space<vmem>>) offsets(%dma_start3A_25 : memref<96xi32, #tpu.memory_space<vmem>>) semaphore(%arg14 : memref<!tpu.dma_semaphore, #tpu.memory_space<semaphore_mem>>)
      %dma_start3A_29 = arith.constant 2 : i32
      %dma_start3A_30 = arith.constant 0 : i32
      %dma_start3A_31 = tpu.memref_slice %arg7[%dma_start3A_29, %dma_start3A_30] : memref<16x96xi32, #tpu.memory_space<vmem>> -> memref<1x96xi32, #tpu.memory_space<vmem>>
      %dma_start3A_32 = tpu.memref_squeeze %dma_start3A_31 : memref<1x96xi32, #tpu.memory_space<vmem>> -> memref<96xi32, #tpu.memory_space<vmem>>
      %dma_start3A_33 = arith.constant 0 : i32
      %dma_start3A_34 = arith.constant 0 : i32
      %dma_start3A_35 = tpu.memref_slice %arg2[%dma_start3A_33, %dma_start3A_34] : memref<10000x128xf32, #tpu.memory_space<hbm>> -> memref<10000x128xf32, #tpu.memory_space<hbm>>
      tpu.enqueue_indirect_dma source(%dma_start3A_35 : memref<10000x128xf32, #tpu.memory_space<hbm>>) target(%arg11 : memref<96x128xf32, #tpu.memory_space<vmem>>) offsets(%dma_start3A_32 : memref<96xi32, #tpu.memory_space<vmem>>) semaphore(%arg15 : memref<!tpu.dma_semaphore, #tpu.memory_space<semaphore_mem>>)
      %dma_wait3A = arith.constant 0 : i32
      %dma_wait3A_36 = arith.constant 0 : i32
      %dma_wait3A_37 = tpu.memref_slice %arg7[%dma_wait3A, %dma_wait3A_36] : memref<16x96xi32, #tpu.memory_space<vmem>> -> memref<1x96xi32, #tpu.memory_space<vmem>>
      %dma_wait3A_38 = tpu.memref_squeeze %dma_wait3A_37 : memref<1x96xi32, #tpu.memory_space<vmem>> -> memref<96xi32, #tpu.memory_space<vmem>>
      %dma_wait3A_39 = arith.constant 0 : i32
      %dma_wait3A_40 = arith.constant 0 : i32
      %dma_wait3A_41 = tpu.memref_slice %arg2[%dma_wait3A_39, %dma_wait3A_40] : memref<10000x128xf32, #tpu.memory_space<hbm>> -> memref<10000x128xf32, #tpu.memory_space<hbm>>
      tpu.wait_indirect_dma semaphore(%arg13 : memref<!tpu.dma_semaphore, #tpu.memory_space<semaphore_mem>>) src(%dma_wait3A_41 : memref<10000x128xf32, #tpu.memory_space<hbm>>) dst(%arg9 : memref<96x128xf32, #tpu.memory_space<vmem>>)
      %run_scoped3A = arith.constant 0 : i32
      "tpu.region"() ({
        %run_scoped3A_253 = tpu.sem_alloc : memref<!tpu.dma_semaphore, #tpu.memory_space<semaphore_mem>>
        %dma_start3A_254 = arith.constant 0 : i32
        %dma_start3A_255 = tpu.memref_slice %arg8[%run_scoped3A, %dma_start3A_254] : memref<16x96xi32, #tpu.memory_space<vmem>> -> memref<1x96xi32, #tpu.memory_space<vmem>>
        %dma_start3A_256 = tpu.memref_squeeze %dma_start3A_255 : memref<1x96xi32, #tpu.memory_space<vmem>> -> memref<96xi32, #tpu.memory_space<vmem>>
        %dma_start3A_257 = arith.constant 0 : i32
        %dma_start3A_258 = arith.constant 0 : i32
        %dma_start3A_259 = tpu.memref_slice %arg12[%dma_start3A_257, %dma_start3A_258] : memref<10112x128xf32, #tpu.memory_space<vmem_shared>> -> memref<10112x128xf32, #tpu.memory_space<vmem_shared>>
        tpu.enqueue_indirect_dma source(%arg9 : memref<96x128xf32, #tpu.memory_space<vmem>>) target(%dma_start3A_259 : memref<10112x128xf32, #tpu.memory_space<vmem_shared>>) offsets(%dma_start3A_256 : memref<96xi32, #tpu.memory_space<vmem>>) semaphore(%run_scoped3A_253 : memref<!tpu.dma_semaphore, #tpu.memory_space<semaphore_mem>>) {add = true}
        %dma_wait3A_260 = arith.constant 0 : i32
        %dma_wait3A_261 = tpu.memref_slice %arg8[%run_scoped3A, %dma_wait3A_260] : memref<16x96xi32, #tpu.memory_space<vmem>> -> memref<1x96xi32, #tpu.memory_space<vmem>>
        %dma_wait3A_262 = tpu.memref_squeeze %dma_wait3A_261 : memref<1x96xi32, #tpu.memory_space<vmem>> -> memref<96xi32, #tpu.memory_space<vmem>>
        %dma_wait3A_263 = arith.constant 0 : i32
        %dma_wait3A_264 = arith.constant 0 : i32
        %dma_wait3A_265 = tpu.memref_slice %arg12[%dma_wait3A_263, %dma_wait3A_264] : memref<10112x128xf32, #tpu.memory_space<vmem_shared>> -> memref<10112x128xf32, #tpu.memory_space<vmem_shared>>
        tpu.wait_indirect_dma semaphore(%run_scoped3A_253 : memref<!tpu.dma_semaphore, #tpu.memory_space<semaphore_mem>>) src(%arg9 : memref<96x128xf32, #tpu.memory_space<vmem>>) dst(%dma_wait3A_265 : memref<10112x128xf32, #tpu.memory_space<vmem_shared>>)
        tpu.yield
      }) : () -> ()
      %dma_start3A_42 = arith.constant 3 : i32
      %dma_start3A_43 = arith.constant 0 : i32
      %dma_start3A_44 = tpu.memref_slice %arg7[%dma_start3A_42, %dma_start3A_43] : memref<16x96xi32, #tpu.memory_space<vmem>> -> memref<1x96xi32, #tpu.memory_space<vmem>>
      %dma_start3A_45 = tpu.memref_squeeze %dma_start3A_44 : memref<1x96xi32, #tpu.memory_space<vmem>> -> memref<96xi32, #tpu.memory_space<vmem>>
      %dma_start3A_46 = arith.constant 0 : i32
      %dma_start3A_47 = arith.constant 0 : i32
      %dma_start3A_48 = tpu.memref_slice %arg2[%dma_start3A_46, %dma_start3A_47] : memref<10000x128xf32, #tpu.memory_space<hbm>> -> memref<10000x128xf32, #tpu.memory_space<hbm>>
      tpu.enqueue_indirect_dma source(%dma_start3A_48 : memref<10000x128xf32, #tpu.memory_space<hbm>>) target(%arg9 : memref<96x128xf32, #tpu.memory_space<vmem>>) offsets(%dma_start3A_45 : memref<96xi32, #tpu.memory_space<vmem>>) semaphore(%arg13 : memref<!tpu.dma_semaphore, #tpu.memory_space<semaphore_mem>>)
      %dma_wait3A_49 = arith.constant 1 : i32
      %dma_wait3A_50 = arith.constant 0 : i32
      %dma_wait3A_51 = tpu.memref_slice %arg7[%dma_wait3A_49, %dma_wait3A_50] : memref<16x96xi32, #tpu.memory_space<vmem>> -> memref<1x96xi32, #tpu.memory_space<vmem>>
      %dma_wait3A_52 = tpu.memref_squeeze %dma_wait3A_51 : memref<1x96xi32, #tpu.memory_space<vmem>> -> memref<96xi32, #tpu.memory_space<vmem>>
      %dma_wait3A_53 = arith.constant 0 : i32
      %dma_wait3A_54 = arith.constant 0 : i32
      %dma_wait3A_55 = tpu.memref_slice %arg2[%dma_wait3A_53, %dma_wait3A_54] : memref<10000x128xf32, #tpu.memory_space<hbm>> -> memref<10000x128xf32, #tpu.memory_space<hbm>>
      tpu.wait_indirect_dma semaphore(%arg14 : memref<!tpu.dma_semaphore, #tpu.memory_space<semaphore_mem>>) src(%dma_wait3A_55 : memref<10000x128xf32, #tpu.memory_space<hbm>>) dst(%arg10 : memref<96x128xf32, #tpu.memory_space<vmem>>)
      %run_scoped3A_56 = arith.constant 1 : i32
      "tpu.region"() ({
        %run_scoped3A_253 = tpu.sem_alloc : memref<!tpu.dma_semaphore, #tpu.memory_space<semaphore_mem>>
        %dma_start3A_254 = arith.constant 0 : i32
        %dma_start3A_255 = tpu.memref_slice %arg8[%run_scoped3A_56, %dma_start3A_254] : memref<16x96xi32, #tpu.memory_space<vmem>> -> memref<1x96xi32, #tpu.memory_space<vmem>>
        %dma_start3A_256 = tpu.memref_squeeze %dma_start3A_255 : memref<1x96xi32, #tpu.memory_space<vmem>> -> memref<96xi32, #tpu.memory_space<vmem>>
        %dma_start3A_257 = arith.constant 0 : i32
        %dma_start3A_258 = arith.constant 0 : i32
        %dma_start3A_259 = tpu.memref_slice %arg12[%dma_start3A_257, %dma_start3A_258] : memref<10112x128xf32, #tpu.memory_space<vmem_shared>> -> memref<10112x128xf32, #tpu.memory_space<vmem_shared>>
        tpu.enqueue_indirect_dma source(%arg10 : memref<96x128xf32, #tpu.memory_space<vmem>>) target(%dma_start3A_259 : memref<10112x128xf32, #tpu.memory_space<vmem_shared>>) offsets(%dma_start3A_256 : memref<96xi32, #tpu.memory_space<vmem>>) semaphore(%run_scoped3A_253 : memref<!tpu.dma_semaphore, #tpu.memory_space<semaphore_mem>>) {add = true}
        %dma_wait3A_260 = arith.constant 0 : i32
        %dma_wait3A_261 = tpu.memref_slice %arg8[%run_scoped3A_56, %dma_wait3A_260] : memref<16x96xi32, #tpu.memory_space<vmem>> -> memref<1x96xi32, #tpu.memory_space<vmem>>
        %dma_wait3A_262 = tpu.memref_squeeze %dma_wait3A_261 : memref<1x96xi32, #tpu.memory_space<vmem>> -> memref<96xi32, #tpu.memory_space<vmem>>
        %dma_wait3A_263 = arith.constant 0 : i32
        %dma_wait3A_264 = arith.constant 0 : i32
        %dma_wait3A_265 = tpu.memref_slice %arg12[%dma_wait3A_263, %dma_wait3A_264] : memref<10112x128xf32, #tpu.memory_space<vmem_shared>> -> memref<10112x128xf32, #tpu.memory_space<vmem_shared>>
        tpu.wait_indirect_dma semaphore(%run_scoped3A_253 : memref<!tpu.dma_semaphore, #tpu.memory_space<semaphore_mem>>) src(%arg10 : memref<96x128xf32, #tpu.memory_space<vmem>>) dst(%dma_wait3A_265 : memref<10112x128xf32, #tpu.memory_space<vmem_shared>>)
        tpu.yield
      }) : () -> ()
      %dma_start3A_57 = arith.constant 4 : i32
      %dma_start3A_58 = arith.constant 0 : i32
      %dma_start3A_59 = tpu.memref_slice %arg7[%dma_start3A_57, %dma_start3A_58] : memref<16x96xi32, #tpu.memory_space<vmem>> -> memref<1x96xi32, #tpu.memory_space<vmem>>
      %dma_start3A_60 = tpu.memref_squeeze %dma_start3A_59 : memref<1x96xi32, #tpu.memory_space<vmem>> -> memref<96xi32, #tpu.memory_space<vmem>>
      %dma_start3A_61 = arith.constant 0 : i32
      %dma_start3A_62 = arith.constant 0 : i32
      %dma_start3A_63 = tpu.memref_slice %arg2[%dma_start3A_61, %dma_start3A_62] : memref<10000x128xf32, #tpu.memory_space<hbm>> -> memref<10000x128xf32, #tpu.memory_space<hbm>>
      tpu.enqueue_indirect_dma source(%dma_start3A_63 : memref<10000x128xf32, #tpu.memory_space<hbm>>) target(%arg10 : memref<96x128xf32, #tpu.memory_space<vmem>>) offsets(%dma_start3A_60 : memref<96xi32, #tpu.memory_space<vmem>>) semaphore(%arg14 : memref<!tpu.dma_semaphore, #tpu.memory_space<semaphore_mem>>)
      %dma_wait3A_64 = arith.constant 2 : i32
      %dma_wait3A_65 = arith.constant 0 : i32
      %dma_wait3A_66 = tpu.memref_slice %arg7[%dma_wait3A_64, %dma_wait3A_65] : memref<16x96xi32, #tpu.memory_space<vmem>> -> memref<1x96xi32, #tpu.memory_space<vmem>>
      %dma_wait3A_67 = tpu.memref_squeeze %dma_wait3A_66 : memref<1x96xi32, #tpu.memory_space<vmem>> -> memref<96xi32, #tpu.memory_space<vmem>>
      %dma_wait3A_68 = arith.constant 0 : i32
      %dma_wait3A_69 = arith.constant 0 : i32
      %dma_wait3A_70 = tpu.memref_slice %arg2[%dma_wait3A_68, %dma_wait3A_69] : memref<10000x128xf32, #tpu.memory_space<hbm>> -> memref<10000x128xf32, #tpu.memory_space<hbm>>
      tpu.wait_indirect_dma semaphore(%arg15 : memref<!tpu.dma_semaphore, #tpu.memory_space<semaphore_mem>>) src(%dma_wait3A_70 : memref<10000x128xf32, #tpu.memory_space<hbm>>) dst(%arg11 : memref<96x128xf32, #tpu.memory_space<vmem>>)
      %run_scoped3A_71 = arith.constant 2 : i32
      "tpu.region"() ({
        %run_scoped3A_253 = tpu.sem_alloc : memref<!tpu.dma_semaphore, #tpu.memory_space<semaphore_mem>>
        %dma_start3A_254 = arith.constant 0 : i32
        %dma_start3A_255 = tpu.memref_slice %arg8[%run_scoped3A_71, %dma_start3A_254] : memref<16x96xi32, #tpu.memory_space<vmem>> -> memref<1x96xi32, #tpu.memory_space<vmem>>
        %dma_start3A_256 = tpu.memref_squeeze %dma_start3A_255 : memref<1x96xi32, #tpu.memory_space<vmem>> -> memref<96xi32, #tpu.memory_space<vmem>>
        %dma_start3A_257 = arith.constant 0 : i32
        %dma_start3A_258 = arith.constant 0 : i32
        %dma_start3A_259 = tpu.memref_slice %arg12[%dma_start3A_257, %dma_start3A_258] : memref<10112x128xf32, #tpu.memory_space<vmem_shared>> -> memref<10112x128xf32, #tpu.memory_space<vmem_shared>>
        tpu.enqueue_indirect_dma source(%arg11 : memref<96x128xf32, #tpu.memory_space<vmem>>) target(%dma_start3A_259 : memref<10112x128xf32, #tpu.memory_space<vmem_shared>>) offsets(%dma_start3A_256 : memref<96xi32, #tpu.memory_space<vmem>>) semaphore(%run_scoped3A_253 : memref<!tpu.dma_semaphore, #tpu.memory_space<semaphore_mem>>) {add = true}
        %dma_wait3A_260 = arith.constant 0 : i32
        %dma_wait3A_261 = tpu.memref_slice %arg8[%run_scoped3A_71, %dma_wait3A_260] : memref<16x96xi32, #tpu.memory_space<vmem>> -> memref<1x96xi32, #tpu.memory_space<vmem>>
        %dma_wait3A_262 = tpu.memref_squeeze %dma_wait3A_261 : memref<1x96xi32, #tpu.memory_space<vmem>> -> memref<96xi32, #tpu.memory_space<vmem>>
        %dma_wait3A_263 = arith.constant 0 : i32
        %dma_wait3A_264 = arith.constant 0 : i32
        %dma_wait3A_265 = tpu.memref_slice %arg12[%dma_wait3A_263, %dma_wait3A_264] : memref<10112x128xf32, #tpu.memory_space<vmem_shared>> -> memref<10112x128xf32, #tpu.memory_space<vmem_shared>>
        tpu.wait_indirect_dma semaphore(%run_scoped3A_253 : memref<!tpu.dma_semaphore, #tpu.memory_space<semaphore_mem>>) src(%arg11 : memref<96x128xf32, #tpu.memory_space<vmem>>) dst(%dma_wait3A_265 : memref<10112x128xf32, #tpu.memory_space<vmem_shared>>)
        tpu.yield
      }) : () -> ()
      %dma_start3A_72 = arith.constant 5 : i32
      %dma_start3A_73 = arith.constant 0 : i32
      %dma_start3A_74 = tpu.memref_slice %arg7[%dma_start3A_72, %dma_start3A_73] : memref<16x96xi32, #tpu.memory_space<vmem>> -> memref<1x96xi32, #tpu.memory_space<vmem>>
      %dma_start3A_75 = tpu.memref_squeeze %dma_start3A_74 : memref<1x96xi32, #tpu.memory_space<vmem>> -> memref<96xi32, #tpu.memory_space<vmem>>
      %dma_start3A_76 = arith.constant 0 : i32
      %dma_start3A_77 = arith.constant 0 : i32
      %dma_start3A_78 = tpu.memref_slice %arg2[%dma_start3A_76, %dma_start3A_77] : memref<10000x128xf32, #tpu.memory_space<hbm>> -> memref<10000x128xf32, #tpu.memory_space<hbm>>
      tpu.enqueue_indirect_dma source(%dma_start3A_78 : memref<10000x128xf32, #tpu.memory_space<hbm>>) target(%arg11 : memref<96x128xf32, #tpu.memory_space<vmem>>) offsets(%dma_start3A_75 : memref<96xi32, #tpu.memory_space<vmem>>) semaphore(%arg15 : memref<!tpu.dma_semaphore, #tpu.memory_space<semaphore_mem>>)
      %dma_wait3A_79 = arith.constant 3 : i32
      %dma_wait3A_80 = arith.constant 0 : i32
      %dma_wait3A_81 = tpu.memref_slice %arg7[%dma_wait3A_79, %dma_wait3A_80] : memref<16x96xi32, #tpu.memory_space<vmem>> -> memref<1x96xi32, #tpu.memory_space<vmem>>
      %dma_wait3A_82 = tpu.memref_squeeze %dma_wait3A_81 : memref<1x96xi32, #tpu.memory_space<vmem>> -> memref<96xi32, #tpu.memory_space<vmem>>
      %dma_wait3A_83 = arith.constant 0 : i32
      %dma_wait3A_84 = arith.constant 0 : i32
      %dma_wait3A_85 = tpu.memref_slice %arg2[%dma_wait3A_83, %dma_wait3A_84] : memref<10000x128xf32, #tpu.memory_space<hbm>> -> memref<10000x128xf32, #tpu.memory_space<hbm>>
      tpu.wait_indirect_dma semaphore(%arg13 : memref<!tpu.dma_semaphore, #tpu.memory_space<semaphore_mem>>) src(%dma_wait3A_85 : memref<10000x128xf32, #tpu.memory_space<hbm>>) dst(%arg9 : memref<96x128xf32, #tpu.memory_space<vmem>>)
      %run_scoped3A_86 = arith.constant 3 : i32
      "tpu.region"() ({
        %run_scoped3A_253 = tpu.sem_alloc : memref<!tpu.dma_semaphore, #tpu.memory_space<semaphore_mem>>
        %dma_start3A_254 = arith.constant 0 : i32
        %dma_start3A_255 = tpu.memref_slice %arg8[%run_scoped3A_86, %dma_start3A_254] : memref<16x96xi32, #tpu.memory_space<vmem>> -> memref<1x96xi32, #tpu.memory_space<vmem>>
        %dma_start3A_256 = tpu.memref_squeeze %dma_start3A_255 : memref<1x96xi32, #tpu.memory_space<vmem>> -> memref<96xi32, #tpu.memory_space<vmem>>
        %dma_start3A_257 = arith.constant 0 : i32
        %dma_start3A_258 = arith.constant 0 : i32
        %dma_start3A_259 = tpu.memref_slice %arg12[%dma_start3A_257, %dma_start3A_258] : memref<10112x128xf32, #tpu.memory_space<vmem_shared>> -> memref<10112x128xf32, #tpu.memory_space<vmem_shared>>
        tpu.enqueue_indirect_dma source(%arg9 : memref<96x128xf32, #tpu.memory_space<vmem>>) target(%dma_start3A_259 : memref<10112x128xf32, #tpu.memory_space<vmem_shared>>) offsets(%dma_start3A_256 : memref<96xi32, #tpu.memory_space<vmem>>) semaphore(%run_scoped3A_253 : memref<!tpu.dma_semaphore, #tpu.memory_space<semaphore_mem>>) {add = true}
        %dma_wait3A_260 = arith.constant 0 : i32
        %dma_wait3A_261 = tpu.memref_slice %arg8[%run_scoped3A_86, %dma_wait3A_260] : memref<16x96xi32, #tpu.memory_space<vmem>> -> memref<1x96xi32, #tpu.memory_space<vmem>>
        %dma_wait3A_262 = tpu.memref_squeeze %dma_wait3A_261 : memref<1x96xi32, #tpu.memory_space<vmem>> -> memref<96xi32, #tpu.memory_space<vmem>>
        %dma_wait3A_263 = arith.constant 0 : i32
        %dma_wait3A_264 = arith.constant 0 : i32
        %dma_wait3A_265 = tpu.memref_slice %arg12[%dma_wait3A_263, %dma_wait3A_264] : memref<10112x128xf32, #tpu.memory_space<vmem_shared>> -> memref<10112x128xf32, #tpu.memory_space<vmem_shared>>
        tpu.wait_indirect_dma semaphore(%run_scoped3A_253 : memref<!tpu.dma_semaphore, #tpu.memory_space<semaphore_mem>>) src(%arg9 : memref<96x128xf32, #tpu.memory_space<vmem>>) dst(%dma_wait3A_265 : memref<10112x128xf32, #tpu.memory_space<vmem_shared>>)
        tpu.yield
      }) : () -> ()
      %dma_start3A_87 = arith.constant 6 : i32
      %dma_start3A_88 = arith.constant 0 : i32
      %dma_start3A_89 = tpu.memref_slice %arg7[%dma_start3A_87, %dma_start3A_88] : memref<16x96xi32, #tpu.memory_space<vmem>> -> memref<1x96xi32, #tpu.memory_space<vmem>>
      %dma_start3A_90 = tpu.memref_squeeze %dma_start3A_89 : memref<1x96xi32, #tpu.memory_space<vmem>> -> memref<96xi32, #tpu.memory_space<vmem>>
      %dma_start3A_91 = arith.constant 0 : i32
      %dma_start3A_92 = arith.constant 0 : i32
      %dma_start3A_93 = tpu.memref_slice %arg2[%dma_start3A_91, %dma_start3A_92] : memref<10000x128xf32, #tpu.memory_space<hbm>> -> memref<10000x128xf32, #tpu.memory_space<hbm>>
      tpu.enqueue_indirect_dma source(%dma_start3A_93 : memref<10000x128xf32, #tpu.memory_space<hbm>>) target(%arg9 : memref<96x128xf32, #tpu.memory_space<vmem>>) offsets(%dma_start3A_90 : memref<96xi32, #tpu.memory_space<vmem>>) semaphore(%arg13 : memref<!tpu.dma_semaphore, #tpu.memory_space<semaphore_mem>>)
      %dma_wait3A_94 = arith.constant 4 : i32
      %dma_wait3A_95 = arith.constant 0 : i32
      %dma_wait3A_96 = tpu.memref_slice %arg7[%dma_wait3A_94, %dma_wait3A_95] : memref<16x96xi32, #tpu.memory_space<vmem>> -> memref<1x96xi32, #tpu.memory_space<vmem>>
      %dma_wait3A_97 = tpu.memref_squeeze %dma_wait3A_96 : memref<1x96xi32, #tpu.memory_space<vmem>> -> memref<96xi32, #tpu.memory_space<vmem>>
      %dma_wait3A_98 = arith.constant 0 : i32
      %dma_wait3A_99 = arith.constant 0 : i32
      %dma_wait3A_100 = tpu.memref_slice %arg2[%dma_wait3A_98, %dma_wait3A_99] : memref<10000x128xf32, #tpu.memory_space<hbm>> -> memref<10000x128xf32, #tpu.memory_space<hbm>>
      tpu.wait_indirect_dma semaphore(%arg14 : memref<!tpu.dma_semaphore, #tpu.memory_space<semaphore_mem>>) src(%dma_wait3A_100 : memref<10000x128xf32, #tpu.memory_space<hbm>>) dst(%arg10 : memref<96x128xf32, #tpu.memory_space<vmem>>)
      %run_scoped3A_101 = arith.constant 4 : i32
      "tpu.region"() ({
        %run_scoped3A_253 = tpu.sem_alloc : memref<!tpu.dma_semaphore, #tpu.memory_space<semaphore_mem>>
        %dma_start3A_254 = arith.constant 0 : i32
        %dma_start3A_255 = tpu.memref_slice %arg8[%run_scoped3A_101, %dma_start3A_254] : memref<16x96xi32, #tpu.memory_space<vmem>> -> memref<1x96xi32, #tpu.memory_space<vmem>>
        %dma_start3A_256 = tpu.memref_squeeze %dma_start3A_255 : memref<1x96xi32, #tpu.memory_space<vmem>> -> memref<96xi32, #tpu.memory_space<vmem>>
        %dma_start3A_257 = arith.constant 0 : i32
        %dma_start3A_258 = arith.constant 0 : i32
        %dma_start3A_259 = tpu.memref_slice %arg12[%dma_start3A_257, %dma_start3A_258] : memref<10112x128xf32, #tpu.memory_space<vmem_shared>> -> memref<10112x128xf32, #tpu.memory_space<vmem_shared>>
        tpu.enqueue_indirect_dma source(%arg10 : memref<96x128xf32, #tpu.memory_space<vmem>>) target(%dma_start3A_259 : memref<10112x128xf32, #tpu.memory_space<vmem_shared>>) offsets(%dma_start3A_256 : memref<96xi32, #tpu.memory_space<vmem>>) semaphore(%run_scoped3A_253 : memref<!tpu.dma_semaphore, #tpu.memory_space<semaphore_mem>>) {add = true}
        %dma_wait3A_260 = arith.constant 0 : i32
        %dma_wait3A_261 = tpu.memref_slice %arg8[%run_scoped3A_101, %dma_wait3A_260] : memref<16x96xi32, #tpu.memory_space<vmem>> -> memref<1x96xi32, #tpu.memory_space<vmem>>
        %dma_wait3A_262 = tpu.memref_squeeze %dma_wait3A_261 : memref<1x96xi32, #tpu.memory_space<vmem>> -> memref<96xi32, #tpu.memory_space<vmem>>
        %dma_wait3A_263 = arith.constant 0 : i32
        %dma_wait3A_264 = arith.constant 0 : i32
        %dma_wait3A_265 = tpu.memref_slice %arg12[%dma_wait3A_263, %dma_wait3A_264] : memref<10112x128xf32, #tpu.memory_space<vmem_shared>> -> memref<10112x128xf32, #tpu.memory_space<vmem_shared>>
        tpu.wait_indirect_dma semaphore(%run_scoped3A_253 : memref<!tpu.dma_semaphore, #tpu.memory_space<semaphore_mem>>) src(%arg10 : memref<96x128xf32, #tpu.memory_space<vmem>>) dst(%dma_wait3A_265 : memref<10112x128xf32, #tpu.memory_space<vmem_shared>>)
        tpu.yield
      }) : () -> ()
      %dma_start3A_102 = arith.constant 7 : i32
      %dma_start3A_103 = arith.constant 0 : i32
      %dma_start3A_104 = tpu.memref_slice %arg7[%dma_start3A_102, %dma_start3A_103] : memref<16x96xi32, #tpu.memory_space<vmem>> -> memref<1x96xi32, #tpu.memory_space<vmem>>
      %dma_start3A_105 = tpu.memref_squeeze %dma_start3A_104 : memref<1x96xi32, #tpu.memory_space<vmem>> -> memref<96xi32, #tpu.memory_space<vmem>>
      %dma_start3A_106 = arith.constant 0 : i32
      %dma_start3A_107 = arith.constant 0 : i32
      %dma_start3A_108 = tpu.memref_slice %arg2[%dma_start3A_106, %dma_start3A_107] : memref<10000x128xf32, #tpu.memory_space<hbm>> -> memref<10000x128xf32, #tpu.memory_space<hbm>>
      tpu.enqueue_indirect_dma source(%dma_start3A_108 : memref<10000x128xf32, #tpu.memory_space<hbm>>) target(%arg10 : memref<96x128xf32, #tpu.memory_space<vmem>>) offsets(%dma_start3A_105 : memref<96xi32, #tpu.memory_space<vmem>>) semaphore(%arg14 : memref<!tpu.dma_semaphore, #tpu.memory_space<semaphore_mem>>)
      %dma_wait3A_109 = arith.constant 5 : i32
      %dma_wait3A_110 = arith.constant 0 : i32
      %dma_wait3A_111 = tpu.memref_slice %arg7[%dma_wait3A_109, %dma_wait3A_110] : memref<16x96xi32, #tpu.memory_space<vmem>> -> memref<1x96xi32, #tpu.memory_space<vmem>>
      %dma_wait3A_112 = tpu.memref_squeeze %dma_wait3A_111 : memref<1x96xi32, #tpu.memory_space<vmem>> -> memref<96xi32, #tpu.memory_space<vmem>>
      %dma_wait3A_113 = arith.constant 0 : i32
      %dma_wait3A_114 = arith.constant 0 : i32
      %dma_wait3A_115 = tpu.memref_slice %arg2[%dma_wait3A_113, %dma_wait3A_114] : memref<10000x128xf32, #tpu.memory_space<hbm>> -> memref<10000x128xf32, #tpu.memory_space<hbm>>
      tpu.wait_indirect_dma semaphore(%arg15 : memref<!tpu.dma_semaphore, #tpu.memory_space<semaphore_mem>>) src(%dma_wait3A_115 : memref<10000x128xf32, #tpu.memory_space<hbm>>) dst(%arg11 : memref<96x128xf32, #tpu.memory_space<vmem>>)
      %run_scoped3A_116 = arith.constant 5 : i32
      "tpu.region"() ({
        %run_scoped3A_253 = tpu.sem_alloc : memref<!tpu.dma_semaphore, #tpu.memory_space<semaphore_mem>>
        %dma_start3A_254 = arith.constant 0 : i32
        %dma_start3A_255 = tpu.memref_slice %arg8[%run_scoped3A_116, %dma_start3A_254] : memref<16x96xi32, #tpu.memory_space<vmem>> -> memref<1x96xi32, #tpu.memory_space<vmem>>
        %dma_start3A_256 = tpu.memref_squeeze %dma_start3A_255 : memref<1x96xi32, #tpu.memory_space<vmem>> -> memref<96xi32, #tpu.memory_space<vmem>>
        %dma_start3A_257 = arith.constant 0 : i32
        %dma_start3A_258 = arith.constant 0 : i32
        %dma_start3A_259 = tpu.memref_slice %arg12[%dma_start3A_257, %dma_start3A_258] : memref<10112x128xf32, #tpu.memory_space<vmem_shared>> -> memref<10112x128xf32, #tpu.memory_space<vmem_shared>>
        tpu.enqueue_indirect_dma source(%arg11 : memref<96x128xf32, #tpu.memory_space<vmem>>) target(%dma_start3A_259 : memref<10112x128xf32, #tpu.memory_space<vmem_shared>>) offsets(%dma_start3A_256 : memref<96xi32, #tpu.memory_space<vmem>>) semaphore(%run_scoped3A_253 : memref<!tpu.dma_semaphore, #tpu.memory_space<semaphore_mem>>) {add = true}
        %dma_wait3A_260 = arith.constant 0 : i32
        %dma_wait3A_261 = tpu.memref_slice %arg8[%run_scoped3A_116, %dma_wait3A_260] : memref<16x96xi32, #tpu.memory_space<vmem>> -> memref<1x96xi32, #tpu.memory_space<vmem>>
        %dma_wait3A_262 = tpu.memref_squeeze %dma_wait3A_261 : memref<1x96xi32, #tpu.memory_space<vmem>> -> memref<96xi32, #tpu.memory_space<vmem>>
        %dma_wait3A_263 = arith.constant 0 : i32
        %dma_wait3A_264 = arith.constant 0 : i32
        %dma_wait3A_265 = tpu.memref_slice %arg12[%dma_wait3A_263, %dma_wait3A_264] : memref<10112x128xf32, #tpu.memory_space<vmem_shared>> -> memref<10112x128xf32, #tpu.memory_space<vmem_shared>>
        tpu.wait_indirect_dma semaphore(%run_scoped3A_253 : memref<!tpu.dma_semaphore, #tpu.memory_space<semaphore_mem>>) src(%arg11 : memref<96x128xf32, #tpu.memory_space<vmem>>) dst(%dma_wait3A_265 : memref<10112x128xf32, #tpu.memory_space<vmem_shared>>)
        tpu.yield
      }) : () -> ()
      %dma_start3A_117 = arith.constant 8 : i32
      %dma_start3A_118 = arith.constant 0 : i32
      %dma_start3A_119 = tpu.memref_slice %arg7[%dma_start3A_117, %dma_start3A_118] : memref<16x96xi32, #tpu.memory_space<vmem>> -> memref<1x96xi32, #tpu.memory_space<vmem>>
      %dma_start3A_120 = tpu.memref_squeeze %dma_start3A_119 : memref<1x96xi32, #tpu.memory_space<vmem>> -> memref<96xi32, #tpu.memory_space<vmem>>
      %dma_start3A_121 = arith.constant 0 : i32
      %dma_start3A_122 = arith.constant 0 : i32
      %dma_start3A_123 = tpu.memref_slice %arg2[%dma_start3A_121, %dma_start3A_122] : memref<10000x128xf32, #tpu.memory_space<hbm>> -> memref<10000x128xf32, #tpu.memory_space<hbm>>
      tpu.enqueue_indirect_dma source(%dma_start3A_123 : memref<10000x128xf32, #tpu.memory_space<hbm>>) target(%arg11 : memref<96x128xf32, #tpu.memory_space<vmem>>) offsets(%dma_start3A_120 : memref<96xi32, #tpu.memory_space<vmem>>) semaphore(%arg15 : memref<!tpu.dma_semaphore, #tpu.memory_space<semaphore_mem>>)
      %dma_wait3A_124 = arith.constant 6 : i32
      %dma_wait3A_125 = arith.constant 0 : i32
      %dma_wait3A_126 = tpu.memref_slice %arg7[%dma_wait3A_124, %dma_wait3A_125] : memref<16x96xi32, #tpu.memory_space<vmem>> -> memref<1x96xi32, #tpu.memory_space<vmem>>
      %dma_wait3A_127 = tpu.memref_squeeze %dma_wait3A_126 : memref<1x96xi32, #tpu.memory_space<vmem>> -> memref<96xi32, #tpu.memory_space<vmem>>
      %dma_wait3A_128 = arith.constant 0 : i32
      %dma_wait3A_129 = arith.constant 0 : i32
      %dma_wait3A_130 = tpu.memref_slice %arg2[%dma_wait3A_128, %dma_wait3A_129] : memref<10000x128xf32, #tpu.memory_space<hbm>> -> memref<10000x128xf32, #tpu.memory_space<hbm>>
      tpu.wait_indirect_dma semaphore(%arg13 : memref<!tpu.dma_semaphore, #tpu.memory_space<semaphore_mem>>) src(%dma_wait3A_130 : memref<10000x128xf32, #tpu.memory_space<hbm>>) dst(%arg9 : memref<96x128xf32, #tpu.memory_space<vmem>>)
      %run_scoped3A_131 = arith.constant 6 : i32
      "tpu.region"() ({
        %run_scoped3A_253 = tpu.sem_alloc : memref<!tpu.dma_semaphore, #tpu.memory_space<semaphore_mem>>
        %dma_start3A_254 = arith.constant 0 : i32
        %dma_start3A_255 = tpu.memref_slice %arg8[%run_scoped3A_131, %dma_start3A_254] : memref<16x96xi32, #tpu.memory_space<vmem>> -> memref<1x96xi32, #tpu.memory_space<vmem>>
        %dma_start3A_256 = tpu.memref_squeeze %dma_start3A_255 : memref<1x96xi32, #tpu.memory_space<vmem>> -> memref<96xi32, #tpu.memory_space<vmem>>
        %dma_start3A_257 = arith.constant 0 : i32
        %dma_start3A_258 = arith.constant 0 : i32
        %dma_start3A_259 = tpu.memref_slice %arg12[%dma_start3A_257, %dma_start3A_258] : memref<10112x128xf32, #tpu.memory_space<vmem_shared>> -> memref<10112x128xf32, #tpu.memory_space<vmem_shared>>
        tpu.enqueue_indirect_dma source(%arg9 : memref<96x128xf32, #tpu.memory_space<vmem>>) target(%dma_start3A_259 : memref<10112x128xf32, #tpu.memory_space<vmem_shared>>) offsets(%dma_start3A_256 : memref<96xi32, #tpu.memory_space<vmem>>) semaphore(%run_scoped3A_253 : memref<!tpu.dma_semaphore, #tpu.memory_space<semaphore_mem>>) {add = true}
        %dma_wait3A_260 = arith.constant 0 : i32
        %dma_wait3A_261 = tpu.memref_slice %arg8[%run_scoped3A_131, %dma_wait3A_260] : memref<16x96xi32, #tpu.memory_space<vmem>> -> memref<1x96xi32, #tpu.memory_space<vmem>>
        %dma_wait3A_262 = tpu.memref_squeeze %dma_wait3A_261 : memref<1x96xi32, #tpu.memory_space<vmem>> -> memref<96xi32, #tpu.memory_space<vmem>>
        %dma_wait3A_263 = arith.constant 0 : i32
        %dma_wait3A_264 = arith.constant 0 : i32
        %dma_wait3A_265 = tpu.memref_slice %arg12[%dma_wait3A_263, %dma_wait3A_264] : memref<10112x128xf32, #tpu.memory_space<vmem_shared>> -> memref<10112x128xf32, #tpu.memory_space<vmem_shared>>
        tpu.wait_indirect_dma semaphore(%run_scoped3A_253 : memref<!tpu.dma_semaphore, #tpu.memory_space<semaphore_mem>>) src(%arg9 : memref<96x128xf32, #tpu.memory_space<vmem>>) dst(%dma_wait3A_265 : memref<10112x128xf32, #tpu.memory_space<vmem_shared>>)
        tpu.yield
      }) : () -> ()
      %dma_start3A_132 = arith.constant 9 : i32
      %dma_start3A_133 = arith.constant 0 : i32
      %dma_start3A_134 = tpu.memref_slice %arg7[%dma_start3A_132, %dma_start3A_133] : memref<16x96xi32, #tpu.memory_space<vmem>> -> memref<1x96xi32, #tpu.memory_space<vmem>>
      %dma_start3A_135 = tpu.memref_squeeze %dma_start3A_134 : memref<1x96xi32, #tpu.memory_space<vmem>> -> memref<96xi32, #tpu.memory_space<vmem>>
      %dma_start3A_136 = arith.constant 0 : i32
      %dma_start3A_137 = arith.constant 0 : i32
      %dma_start3A_138 = tpu.memref_slice %arg2[%dma_start3A_136, %dma_start3A_137] : memref<10000x128xf32, #tpu.memory_space<hbm>> -> memref<10000x128xf32, #tpu.memory_space<hbm>>
      tpu.enqueue_indirect_dma source(%dma_start3A_138 : memref<10000x128xf32, #tpu.memory_space<hbm>>) target(%arg9 : memref<96x128xf32, #tpu.memory_space<vmem>>) offsets(%dma_start3A_135 : memref<96xi32, #tpu.memory_space<vmem>>) semaphore(%arg13 : memref<!tpu.dma_semaphore, #tpu.memory_space<semaphore_mem>>)
      %dma_wait3A_139 = arith.constant 7 : i32
      %dma_wait3A_140 = arith.constant 0 : i32
      %dma_wait3A_141 = tpu.memref_slice %arg7[%dma_wait3A_139, %dma_wait3A_140] : memref<16x96xi32, #tpu.memory_space<vmem>> -> memref<1x96xi32, #tpu.memory_space<vmem>>
      %dma_wait3A_142 = tpu.memref_squeeze %dma_wait3A_141 : memref<1x96xi32, #tpu.memory_space<vmem>> -> memref<96xi32, #tpu.memory_space<vmem>>
      %dma_wait3A_143 = arith.constant 0 : i32
      %dma_wait3A_144 = arith.constant 0 : i32
      %dma_wait3A_145 = tpu.memref_slice %arg2[%dma_wait3A_143, %dma_wait3A_144] : memref<10000x128xf32, #tpu.memory_space<hbm>> -> memref<10000x128xf32, #tpu.memory_space<hbm>>
      tpu.wait_indirect_dma semaphore(%arg14 : memref<!tpu.dma_semaphore, #tpu.memory_space<semaphore_mem>>) src(%dma_wait3A_145 : memref<10000x128xf32, #tpu.memory_space<hbm>>) dst(%arg10 : memref<96x128xf32, #tpu.memory_space<vmem>>)
      %run_scoped3A_146 = arith.constant 7 : i32
      "tpu.region"() ({
        %run_scoped3A_253 = tpu.sem_alloc : memref<!tpu.dma_semaphore, #tpu.memory_space<semaphore_mem>>
        %dma_start3A_254 = arith.constant 0 : i32
        %dma_start3A_255 = tpu.memref_slice %arg8[%run_scoped3A_146, %dma_start3A_254] : memref<16x96xi32, #tpu.memory_space<vmem>> -> memref<1x96xi32, #tpu.memory_space<vmem>>
        %dma_start3A_256 = tpu.memref_squeeze %dma_start3A_255 : memref<1x96xi32, #tpu.memory_space<vmem>> -> memref<96xi32, #tpu.memory_space<vmem>>
        %dma_start3A_257 = arith.constant 0 : i32
        %dma_start3A_258 = arith.constant 0 : i32
        %dma_start3A_259 = tpu.memref_slice %arg12[%dma_start3A_257, %dma_start3A_258] : memref<10112x128xf32, #tpu.memory_space<vmem_shared>> -> memref<10112x128xf32, #tpu.memory_space<vmem_shared>>
        tpu.enqueue_indirect_dma source(%arg10 : memref<96x128xf32, #tpu.memory_space<vmem>>) target(%dma_start3A_259 : memref<10112x128xf32, #tpu.memory_space<vmem_shared>>) offsets(%dma_start3A_256 : memref<96xi32, #tpu.memory_space<vmem>>) semaphore(%run_scoped3A_253 : memref<!tpu.dma_semaphore, #tpu.memory_space<semaphore_mem>>) {add = true}
        %dma_wait3A_260 = arith.constant 0 : i32
        %dma_wait3A_261 = tpu.memref_slice %arg8[%run_scoped3A_146, %dma_wait3A_260] : memref<16x96xi32, #tpu.memory_space<vmem>> -> memref<1x96xi32, #tpu.memory_space<vmem>>
        %dma_wait3A_262 = tpu.memref_squeeze %dma_wait3A_261 : memref<1x96xi32, #tpu.memory_space<vmem>> -> memref<96xi32, #tpu.memory_space<vmem>>
        %dma_wait3A_263 = arith.constant 0 : i32
        %dma_wait3A_264 = arith.constant 0 : i32
        %dma_wait3A_265 = tpu.memref_slice %arg12[%dma_wait3A_263, %dma_wait3A_264] : memref<10112x128xf32, #tpu.memory_space<vmem_shared>> -> memref<10112x128xf32, #tpu.memory_space<vmem_shared>>
        tpu.wait_indirect_dma semaphore(%run_scoped3A_253 : memref<!tpu.dma_semaphore, #tpu.memory_space<semaphore_mem>>) src(%arg10 : memref<96x128xf32, #tpu.memory_space<vmem>>) dst(%dma_wait3A_265 : memref<10112x128xf32, #tpu.memory_space<vmem_shared>>)
        tpu.yield
      }) : () -> ()
      %dma_start3A_147 = arith.constant 10 : i32
      %dma_start3A_148 = arith.constant 0 : i32
      %dma_start3A_149 = tpu.memref_slice %arg7[%dma_start3A_147, %dma_start3A_148] : memref<16x96xi32, #tpu.memory_space<vmem>> -> memref<1x96xi32, #tpu.memory_space<vmem>>
      %dma_start3A_150 = tpu.memref_squeeze %dma_start3A_149 : memref<1x96xi32, #tpu.memory_space<vmem>> -> memref<96xi32, #tpu.memory_space<vmem>>
      %dma_start3A_151 = arith.constant 0 : i32
      %dma_start3A_152 = arith.constant 0 : i32
      %dma_start3A_153 = tpu.memref_slice %arg2[%dma_start3A_151, %dma_start3A_152] : memref<10000x128xf32, #tpu.memory_space<hbm>> -> memref<10000x128xf32, #tpu.memory_space<hbm>>
      tpu.enqueue_indirect_dma source(%dma_start3A_153 : memref<10000x128xf32, #tpu.memory_space<hbm>>) target(%arg10 : memref<96x128xf32, #tpu.memory_space<vmem>>) offsets(%dma_start3A_150 : memref<96xi32, #tpu.memory_space<vmem>>) semaphore(%arg14 : memref<!tpu.dma_semaphore, #tpu.memory_space<semaphore_mem>>)
      %dma_wait3A_154 = arith.constant 8 : i32
      %dma_wait3A_155 = arith.constant 0 : i32
      %dma_wait3A_156 = tpu.memref_slice %arg7[%dma_wait3A_154, %dma_wait3A_155] : memref<16x96xi32, #tpu.memory_space<vmem>> -> memref<1x96xi32, #tpu.memory_space<vmem>>
      %dma_wait3A_157 = tpu.memref_squeeze %dma_wait3A_156 : memref<1x96xi32, #tpu.memory_space<vmem>> -> memref<96xi32, #tpu.memory_space<vmem>>
      %dma_wait3A_158 = arith.constant 0 : i32
      %dma_wait3A_159 = arith.constant 0 : i32
      %dma_wait3A_160 = tpu.memref_slice %arg2[%dma_wait3A_158, %dma_wait3A_159] : memref<10000x128xf32, #tpu.memory_space<hbm>> -> memref<10000x128xf32, #tpu.memory_space<hbm>>
      tpu.wait_indirect_dma semaphore(%arg15 : memref<!tpu.dma_semaphore, #tpu.memory_space<semaphore_mem>>) src(%dma_wait3A_160 : memref<10000x128xf32, #tpu.memory_space<hbm>>) dst(%arg11 : memref<96x128xf32, #tpu.memory_space<vmem>>)
      %run_scoped3A_161 = arith.constant 8 : i32
      "tpu.region"() ({
        %run_scoped3A_253 = tpu.sem_alloc : memref<!tpu.dma_semaphore, #tpu.memory_space<semaphore_mem>>
        %dma_start3A_254 = arith.constant 0 : i32
        %dma_start3A_255 = tpu.memref_slice %arg8[%run_scoped3A_161, %dma_start3A_254] : memref<16x96xi32, #tpu.memory_space<vmem>> -> memref<1x96xi32, #tpu.memory_space<vmem>>
        %dma_start3A_256 = tpu.memref_squeeze %dma_start3A_255 : memref<1x96xi32, #tpu.memory_space<vmem>> -> memref<96xi32, #tpu.memory_space<vmem>>
        %dma_start3A_257 = arith.constant 0 : i32
        %dma_start3A_258 = arith.constant 0 : i32
        %dma_start3A_259 = tpu.memref_slice %arg12[%dma_start3A_257, %dma_start3A_258] : memref<10112x128xf32, #tpu.memory_space<vmem_shared>> -> memref<10112x128xf32, #tpu.memory_space<vmem_shared>>
        tpu.enqueue_indirect_dma source(%arg11 : memref<96x128xf32, #tpu.memory_space<vmem>>) target(%dma_start3A_259 : memref<10112x128xf32, #tpu.memory_space<vmem_shared>>) offsets(%dma_start3A_256 : memref<96xi32, #tpu.memory_space<vmem>>) semaphore(%run_scoped3A_253 : memref<!tpu.dma_semaphore, #tpu.memory_space<semaphore_mem>>) {add = true}
        %dma_wait3A_260 = arith.constant 0 : i32
        %dma_wait3A_261 = tpu.memref_slice %arg8[%run_scoped3A_161, %dma_wait3A_260] : memref<16x96xi32, #tpu.memory_space<vmem>> -> memref<1x96xi32, #tpu.memory_space<vmem>>
        %dma_wait3A_262 = tpu.memref_squeeze %dma_wait3A_261 : memref<1x96xi32, #tpu.memory_space<vmem>> -> memref<96xi32, #tpu.memory_space<vmem>>
        %dma_wait3A_263 = arith.constant 0 : i32
        %dma_wait3A_264 = arith.constant 0 : i32
        %dma_wait3A_265 = tpu.memref_slice %arg12[%dma_wait3A_263, %dma_wait3A_264] : memref<10112x128xf32, #tpu.memory_space<vmem_shared>> -> memref<10112x128xf32, #tpu.memory_space<vmem_shared>>
        tpu.wait_indirect_dma semaphore(%run_scoped3A_253 : memref<!tpu.dma_semaphore, #tpu.memory_space<semaphore_mem>>) src(%arg11 : memref<96x128xf32, #tpu.memory_space<vmem>>) dst(%dma_wait3A_265 : memref<10112x128xf32, #tpu.memory_space<vmem_shared>>)
        tpu.yield
      }) : () -> ()
      %dma_start3A_162 = arith.constant 11 : i32
      %dma_start3A_163 = arith.constant 0 : i32
      %dma_start3A_164 = tpu.memref_slice %arg7[%dma_start3A_162, %dma_start3A_163] : memref<16x96xi32, #tpu.memory_space<vmem>> -> memref<1x96xi32, #tpu.memory_space<vmem>>
      %dma_start3A_165 = tpu.memref_squeeze %dma_start3A_164 : memref<1x96xi32, #tpu.memory_space<vmem>> -> memref<96xi32, #tpu.memory_space<vmem>>
      %dma_start3A_166 = arith.constant 0 : i32
      %dma_start3A_167 = arith.constant 0 : i32
      %dma_start3A_168 = tpu.memref_slice %arg2[%dma_start3A_166, %dma_start3A_167] : memref<10000x128xf32, #tpu.memory_space<hbm>> -> memref<10000x128xf32, #tpu.memory_space<hbm>>
      tpu.enqueue_indirect_dma source(%dma_start3A_168 : memref<10000x128xf32, #tpu.memory_space<hbm>>) target(%arg11 : memref<96x128xf32, #tpu.memory_space<vmem>>) offsets(%dma_start3A_165 : memref<96xi32, #tpu.memory_space<vmem>>) semaphore(%arg15 : memref<!tpu.dma_semaphore, #tpu.memory_space<semaphore_mem>>)
      %dma_wait3A_169 = arith.constant 9 : i32
      %dma_wait3A_170 = arith.constant 0 : i32
      %dma_wait3A_171 = tpu.memref_slice %arg7[%dma_wait3A_169, %dma_wait3A_170] : memref<16x96xi32, #tpu.memory_space<vmem>> -> memref<1x96xi32, #tpu.memory_space<vmem>>
      %dma_wait3A_172 = tpu.memref_squeeze %dma_wait3A_171 : memref<1x96xi32, #tpu.memory_space<vmem>> -> memref<96xi32, #tpu.memory_space<vmem>>
      %dma_wait3A_173 = arith.constant 0 : i32
      %dma_wait3A_174 = arith.constant 0 : i32
      %dma_wait3A_175 = tpu.memref_slice %arg2[%dma_wait3A_173, %dma_wait3A_174] : memref<10000x128xf32, #tpu.memory_space<hbm>> -> memref<10000x128xf32, #tpu.memory_space<hbm>>
      tpu.wait_indirect_dma semaphore(%arg13 : memref<!tpu.dma_semaphore, #tpu.memory_space<semaphore_mem>>) src(%dma_wait3A_175 : memref<10000x128xf32, #tpu.memory_space<hbm>>) dst(%arg9 : memref<96x128xf32, #tpu.memory_space<vmem>>)
      %run_scoped3A_176 = arith.constant 9 : i32
      "tpu.region"() ({
        %run_scoped3A_253 = tpu.sem_alloc : memref<!tpu.dma_semaphore, #tpu.memory_space<semaphore_mem>>
        %dma_start3A_254 = arith.constant 0 : i32
        %dma_start3A_255 = tpu.memref_slice %arg8[%run_scoped3A_176, %dma_start3A_254] : memref<16x96xi32, #tpu.memory_space<vmem>> -> memref<1x96xi32, #tpu.memory_space<vmem>>
        %dma_start3A_256 = tpu.memref_squeeze %dma_start3A_255 : memref<1x96xi32, #tpu.memory_space<vmem>> -> memref<96xi32, #tpu.memory_space<vmem>>
        %dma_start3A_257 = arith.constant 0 : i32
        %dma_start3A_258 = arith.constant 0 : i32
        %dma_start3A_259 = tpu.memref_slice %arg12[%dma_start3A_257, %dma_start3A_258] : memref<10112x128xf32, #tpu.memory_space<vmem_shared>> -> memref<10112x128xf32, #tpu.memory_space<vmem_shared>>
        tpu.enqueue_indirect_dma source(%arg9 : memref<96x128xf32, #tpu.memory_space<vmem>>) target(%dma_start3A_259 : memref<10112x128xf32, #tpu.memory_space<vmem_shared>>) offsets(%dma_start3A_256 : memref<96xi32, #tpu.memory_space<vmem>>) semaphore(%run_scoped3A_253 : memref<!tpu.dma_semaphore, #tpu.memory_space<semaphore_mem>>) {add = true}
        %dma_wait3A_260 = arith.constant 0 : i32
        %dma_wait3A_261 = tpu.memref_slice %arg8[%run_scoped3A_176, %dma_wait3A_260] : memref<16x96xi32, #tpu.memory_space<vmem>> -> memref<1x96xi32, #tpu.memory_space<vmem>>
        %dma_wait3A_262 = tpu.memref_squeeze %dma_wait3A_261 : memref<1x96xi32, #tpu.memory_space<vmem>> -> memref<96xi32, #tpu.memory_space<vmem>>
        %dma_wait3A_263 = arith.constant 0 : i32
        %dma_wait3A_264 = arith.constant 0 : i32
        %dma_wait3A_265 = tpu.memref_slice %arg12[%dma_wait3A_263, %dma_wait3A_264] : memref<10112x128xf32, #tpu.memory_space<vmem_shared>> -> memref<10112x128xf32, #tpu.memory_space<vmem_shared>>
        tpu.wait_indirect_dma semaphore(%run_scoped3A_253 : memref<!tpu.dma_semaphore, #tpu.memory_space<semaphore_mem>>) src(%arg9 : memref<96x128xf32, #tpu.memory_space<vmem>>) dst(%dma_wait3A_265 : memref<10112x128xf32, #tpu.memory_space<vmem_shared>>)
        tpu.yield
      }) : () -> ()
      %dma_start3A_177 = arith.constant 12 : i32
      %dma_start3A_178 = arith.constant 0 : i32
      %dma_start3A_179 = tpu.memref_slice %arg7[%dma_start3A_177, %dma_start3A_178] : memref<16x96xi32, #tpu.memory_space<vmem>> -> memref<1x96xi32, #tpu.memory_space<vmem>>
      %dma_start3A_180 = tpu.memref_squeeze %dma_start3A_179 : memref<1x96xi32, #tpu.memory_space<vmem>> -> memref<96xi32, #tpu.memory_space<vmem>>
      %dma_start3A_181 = arith.constant 0 : i32
      %dma_start3A_182 = arith.constant 0 : i32
      %dma_start3A_183 = tpu.memref_slice %arg2[%dma_start3A_181, %dma_start3A_182] : memref<10000x128xf32, #tpu.memory_space<hbm>> -> memref<10000x128xf32, #tpu.memory_space<hbm>>
      tpu.enqueue_indirect_dma source(%dma_start3A_183 : memref<10000x128xf32, #tpu.memory_space<hbm>>) target(%arg9 : memref<96x128xf32, #tpu.memory_space<vmem>>) offsets(%dma_start3A_180 : memref<96xi32, #tpu.memory_space<vmem>>) semaphore(%arg13 : memref<!tpu.dma_semaphore, #tpu.memory_space<semaphore_mem>>)
      %dma_wait3A_184 = arith.constant 10 : i32
      %dma_wait3A_185 = arith.constant 0 : i32
      %dma_wait3A_186 = tpu.memref_slice %arg7[%dma_wait3A_184, %dma_wait3A_185] : memref<16x96xi32, #tpu.memory_space<vmem>> -> memref<1x96xi32, #tpu.memory_space<vmem>>
      %dma_wait3A_187 = tpu.memref_squeeze %dma_wait3A_186 : memref<1x96xi32, #tpu.memory_space<vmem>> -> memref<96xi32, #tpu.memory_space<vmem>>
      %dma_wait3A_188 = arith.constant 0 : i32
      %dma_wait3A_189 = arith.constant 0 : i32
      %dma_wait3A_190 = tpu.memref_slice %arg2[%dma_wait3A_188, %dma_wait3A_189] : memref<10000x128xf32, #tpu.memory_space<hbm>> -> memref<10000x128xf32, #tpu.memory_space<hbm>>
      tpu.wait_indirect_dma semaphore(%arg14 : memref<!tpu.dma_semaphore, #tpu.memory_space<semaphore_mem>>) src(%dma_wait3A_190 : memref<10000x128xf32, #tpu.memory_space<hbm>>) dst(%arg10 : memref<96x128xf32, #tpu.memory_space<vmem>>)
      %run_scoped3A_191 = arith.constant 10 : i32
      "tpu.region"() ({
        %run_scoped3A_253 = tpu.sem_alloc : memref<!tpu.dma_semaphore, #tpu.memory_space<semaphore_mem>>
        %dma_start3A_254 = arith.constant 0 : i32
        %dma_start3A_255 = tpu.memref_slice %arg8[%run_scoped3A_191, %dma_start3A_254] : memref<16x96xi32, #tpu.memory_space<vmem>> -> memref<1x96xi32, #tpu.memory_space<vmem>>
        %dma_start3A_256 = tpu.memref_squeeze %dma_start3A_255 : memref<1x96xi32, #tpu.memory_space<vmem>> -> memref<96xi32, #tpu.memory_space<vmem>>
        %dma_start3A_257 = arith.constant 0 : i32
        %dma_start3A_258 = arith.constant 0 : i32
        %dma_start3A_259 = tpu.memref_slice %arg12[%dma_start3A_257, %dma_start3A_258] : memref<10112x128xf32, #tpu.memory_space<vmem_shared>> -> memref<10112x128xf32, #tpu.memory_space<vmem_shared>>
        tpu.enqueue_indirect_dma source(%arg10 : memref<96x128xf32, #tpu.memory_space<vmem>>) target(%dma_start3A_259 : memref<10112x128xf32, #tpu.memory_space<vmem_shared>>) offsets(%dma_start3A_256 : memref<96xi32, #tpu.memory_space<vmem>>) semaphore(%run_scoped3A_253 : memref<!tpu.dma_semaphore, #tpu.memory_space<semaphore_mem>>) {add = true}
        %dma_wait3A_260 = arith.constant 0 : i32
        %dma_wait3A_261 = tpu.memref_slice %arg8[%run_scoped3A_191, %dma_wait3A_260] : memref<16x96xi32, #tpu.memory_space<vmem>> -> memref<1x96xi32, #tpu.memory_space<vmem>>
        %dma_wait3A_262 = tpu.memref_squeeze %dma_wait3A_261 : memref<1x96xi32, #tpu.memory_space<vmem>> -> memref<96xi32, #tpu.memory_space<vmem>>
        %dma_wait3A_263 = arith.constant 0 : i32
        %dma_wait3A_264 = arith.constant 0 : i32
        %dma_wait3A_265 = tpu.memref_slice %arg12[%dma_wait3A_263, %dma_wait3A_264] : memref<10112x128xf32, #tpu.memory_space<vmem_shared>> -> memref<10112x128xf32, #tpu.memory_space<vmem_shared>>
        tpu.wait_indirect_dma semaphore(%run_scoped3A_253 : memref<!tpu.dma_semaphore, #tpu.memory_space<semaphore_mem>>) src(%arg10 : memref<96x128xf32, #tpu.memory_space<vmem>>) dst(%dma_wait3A_265 : memref<10112x128xf32, #tpu.memory_space<vmem_shared>>)
        tpu.yield
      }) : () -> ()
      %dma_start3A_192 = arith.constant 13 : i32
      %dma_start3A_193 = arith.constant 0 : i32
      %dma_start3A_194 = tpu.memref_slice %arg7[%dma_start3A_192, %dma_start3A_193] : memref<16x96xi32, #tpu.memory_space<vmem>> -> memref<1x96xi32, #tpu.memory_space<vmem>>
      %dma_start3A_195 = tpu.memref_squeeze %dma_start3A_194 : memref<1x96xi32, #tpu.memory_space<vmem>> -> memref<96xi32, #tpu.memory_space<vmem>>
      %dma_start3A_196 = arith.constant 0 : i32
      %dma_start3A_197 = arith.constant 0 : i32
      %dma_start3A_198 = tpu.memref_slice %arg2[%dma_start3A_196, %dma_start3A_197] : memref<10000x128xf32, #tpu.memory_space<hbm>> -> memref<10000x128xf32, #tpu.memory_space<hbm>>
      tpu.enqueue_indirect_dma source(%dma_start3A_198 : memref<10000x128xf32, #tpu.memory_space<hbm>>) target(%arg10 : memref<96x128xf32, #tpu.memory_space<vmem>>) offsets(%dma_start3A_195 : memref<96xi32, #tpu.memory_space<vmem>>) semaphore(%arg14 : memref<!tpu.dma_semaphore, #tpu.memory_space<semaphore_mem>>)
      %dma_wait3A_199 = arith.constant 11 : i32
      %dma_wait3A_200 = arith.constant 0 : i32
      %dma_wait3A_201 = tpu.memref_slice %arg7[%dma_wait3A_199, %dma_wait3A_200] : memref<16x96xi32, #tpu.memory_space<vmem>> -> memref<1x96xi32, #tpu.memory_space<vmem>>
      %dma_wait3A_202 = tpu.memref_squeeze %dma_wait3A_201 : memref<1x96xi32, #tpu.memory_space<vmem>> -> memref<96xi32, #tpu.memory_space<vmem>>
      %dma_wait3A_203 = arith.constant 0 : i32
      %dma_wait3A_204 = arith.constant 0 : i32
      %dma_wait3A_205 = tpu.memref_slice %arg2[%dma_wait3A_203, %dma_wait3A_204] : memref<10000x128xf32, #tpu.memory_space<hbm>> -> memref<10000x128xf32, #tpu.memory_space<hbm>>
      tpu.wait_indirect_dma semaphore(%arg15 : memref<!tpu.dma_semaphore, #tpu.memory_space<semaphore_mem>>) src(%dma_wait3A_205 : memref<10000x128xf32, #tpu.memory_space<hbm>>) dst(%arg11 : memref<96x128xf32, #tpu.memory_space<vmem>>)
      %run_scoped3A_206 = arith.constant 11 : i32
      "tpu.region"() ({
        %run_scoped3A_253 = tpu.sem_alloc : memref<!tpu.dma_semaphore, #tpu.memory_space<semaphore_mem>>
        %dma_start3A_254 = arith.constant 0 : i32
        %dma_start3A_255 = tpu.memref_slice %arg8[%run_scoped3A_206, %dma_start3A_254] : memref<16x96xi32, #tpu.memory_space<vmem>> -> memref<1x96xi32, #tpu.memory_space<vmem>>
        %dma_start3A_256 = tpu.memref_squeeze %dma_start3A_255 : memref<1x96xi32, #tpu.memory_space<vmem>> -> memref<96xi32, #tpu.memory_space<vmem>>
        %dma_start3A_257 = arith.constant 0 : i32
        %dma_start3A_258 = arith.constant 0 : i32
        %dma_start3A_259 = tpu.memref_slice %arg12[%dma_start3A_257, %dma_start3A_258] : memref<10112x128xf32, #tpu.memory_space<vmem_shared>> -> memref<10112x128xf32, #tpu.memory_space<vmem_shared>>
        tpu.enqueue_indirect_dma source(%arg11 : memref<96x128xf32, #tpu.memory_space<vmem>>) target(%dma_start3A_259 : memref<10112x128xf32, #tpu.memory_space<vmem_shared>>) offsets(%dma_start3A_256 : memref<96xi32, #tpu.memory_space<vmem>>) semaphore(%run_scoped3A_253 : memref<!tpu.dma_semaphore, #tpu.memory_space<semaphore_mem>>) {add = true}
        %dma_wait3A_260 = arith.constant 0 : i32
        %dma_wait3A_261 = tpu.memref_slice %arg8[%run_scoped3A_206, %dma_wait3A_260] : memref<16x96xi32, #tpu.memory_space<vmem>> -> memref<1x96xi32, #tpu.memory_space<vmem>>
        %dma_wait3A_262 = tpu.memref_squeeze %dma_wait3A_261 : memref<1x96xi32, #tpu.memory_space<vmem>> -> memref<96xi32, #tpu.memory_space<vmem>>
        %dma_wait3A_263 = arith.constant 0 : i32
        %dma_wait3A_264 = arith.constant 0 : i32
        %dma_wait3A_265 = tpu.memref_slice %arg12[%dma_wait3A_263, %dma_wait3A_264] : memref<10112x128xf32, #tpu.memory_space<vmem_shared>> -> memref<10112x128xf32, #tpu.memory_space<vmem_shared>>
        tpu.wait_indirect_dma semaphore(%run_scoped3A_253 : memref<!tpu.dma_semaphore, #tpu.memory_space<semaphore_mem>>) src(%arg11 : memref<96x128xf32, #tpu.memory_space<vmem>>) dst(%dma_wait3A_265 : memref<10112x128xf32, #tpu.memory_space<vmem_shared>>)
        tpu.yield
      }) : () -> ()
      %dma_start3A_207 = arith.constant 14 : i32
      %dma_start3A_208 = arith.constant 0 : i32
      %dma_start3A_209 = tpu.memref_slice %arg7[%dma_start3A_207, %dma_start3A_208] : memref<16x96xi32, #tpu.memory_space<vmem>> -> memref<1x96xi32, #tpu.memory_space<vmem>>
      %dma_start3A_210 = tpu.memref_squeeze %dma_start3A_209 : memref<1x96xi32, #tpu.memory_space<vmem>> -> memref<96xi32, #tpu.memory_space<vmem>>
      %dma_start3A_211 = arith.constant 0 : i32
      %dma_start3A_212 = arith.constant 0 : i32
      %dma_start3A_213 = tpu.memref_slice %arg2[%dma_start3A_211, %dma_start3A_212] : memref<10000x128xf32, #tpu.memory_space<hbm>> -> memref<10000x128xf32, #tpu.memory_space<hbm>>
      tpu.enqueue_indirect_dma source(%dma_start3A_213 : memref<10000x128xf32, #tpu.memory_space<hbm>>) target(%arg11 : memref<96x128xf32, #tpu.memory_space<vmem>>) offsets(%dma_start3A_210 : memref<96xi32, #tpu.memory_space<vmem>>) semaphore(%arg15 : memref<!tpu.dma_semaphore, #tpu.memory_space<semaphore_mem>>)
      %dma_wait3A_214 = arith.constant 12 : i32
      %dma_wait3A_215 = arith.constant 0 : i32
      %dma_wait3A_216 = tpu.memref_slice %arg7[%dma_wait3A_214, %dma_wait3A_215] : memref<16x96xi32, #tpu.memory_space<vmem>> -> memref<1x96xi32, #tpu.memory_space<vmem>>
      %dma_wait3A_217 = tpu.memref_squeeze %dma_wait3A_216 : memref<1x96xi32, #tpu.memory_space<vmem>> -> memref<96xi32, #tpu.memory_space<vmem>>
      %dma_wait3A_218 = arith.constant 0 : i32
      %dma_wait3A_219 = arith.constant 0 : i32
      %dma_wait3A_220 = tpu.memref_slice %arg2[%dma_wait3A_218, %dma_wait3A_219] : memref<10000x128xf32, #tpu.memory_space<hbm>> -> memref<10000x128xf32, #tpu.memory_space<hbm>>
      tpu.wait_indirect_dma semaphore(%arg13 : memref<!tpu.dma_semaphore, #tpu.memory_space<semaphore_mem>>) src(%dma_wait3A_220 : memref<10000x128xf32, #tpu.memory_space<hbm>>) dst(%arg9 : memref<96x128xf32, #tpu.memory_space<vmem>>)
      %run_scoped3A_221 = arith.constant 12 : i32
      "tpu.region"() ({
        %run_scoped3A_253 = tpu.sem_alloc : memref<!tpu.dma_semaphore, #tpu.memory_space<semaphore_mem>>
        %dma_start3A_254 = arith.constant 0 : i32
        %dma_start3A_255 = tpu.memref_slice %arg8[%run_scoped3A_221, %dma_start3A_254] : memref<16x96xi32, #tpu.memory_space<vmem>> -> memref<1x96xi32, #tpu.memory_space<vmem>>
        %dma_start3A_256 = tpu.memref_squeeze %dma_start3A_255 : memref<1x96xi32, #tpu.memory_space<vmem>> -> memref<96xi32, #tpu.memory_space<vmem>>
        %dma_start3A_257 = arith.constant 0 : i32
        %dma_start3A_258 = arith.constant 0 : i32
        %dma_start3A_259 = tpu.memref_slice %arg12[%dma_start3A_257, %dma_start3A_258] : memref<10112x128xf32, #tpu.memory_space<vmem_shared>> -> memref<10112x128xf32, #tpu.memory_space<vmem_shared>>
        tpu.enqueue_indirect_dma source(%arg9 : memref<96x128xf32, #tpu.memory_space<vmem>>) target(%dma_start3A_259 : memref<10112x128xf32, #tpu.memory_space<vmem_shared>>) offsets(%dma_start3A_256 : memref<96xi32, #tpu.memory_space<vmem>>) semaphore(%run_scoped3A_253 : memref<!tpu.dma_semaphore, #tpu.memory_space<semaphore_mem>>) {add = true}
        %dma_wait3A_260 = arith.constant 0 : i32
        %dma_wait3A_261 = tpu.memref_slice %arg8[%run_scoped3A_221, %dma_wait3A_260] : memref<16x96xi32, #tpu.memory_space<vmem>> -> memref<1x96xi32, #tpu.memory_space<vmem>>
        %dma_wait3A_262 = tpu.memref_squeeze %dma_wait3A_261 : memref<1x96xi32, #tpu.memory_space<vmem>> -> memref<96xi32, #tpu.memory_space<vmem>>
        %dma_wait3A_263 = arith.constant 0 : i32
        %dma_wait3A_264 = arith.constant 0 : i32
        %dma_wait3A_265 = tpu.memref_slice %arg12[%dma_wait3A_263, %dma_wait3A_264] : memref<10112x128xf32, #tpu.memory_space<vmem_shared>> -> memref<10112x128xf32, #tpu.memory_space<vmem_shared>>
        tpu.wait_indirect_dma semaphore(%run_scoped3A_253 : memref<!tpu.dma_semaphore, #tpu.memory_space<semaphore_mem>>) src(%arg9 : memref<96x128xf32, #tpu.memory_space<vmem>>) dst(%dma_wait3A_265 : memref<10112x128xf32, #tpu.memory_space<vmem_shared>>)
        tpu.yield
      }) : () -> ()
      %dma_start3A_222 = arith.constant 15 : i32
      %dma_start3A_223 = arith.constant 0 : i32
      %dma_start3A_224 = tpu.memref_slice %arg7[%dma_start3A_222, %dma_start3A_223] : memref<16x96xi32, #tpu.memory_space<vmem>> -> memref<1x96xi32, #tpu.memory_space<vmem>>
      %dma_start3A_225 = tpu.memref_squeeze %dma_start3A_224 : memref<1x96xi32, #tpu.memory_space<vmem>> -> memref<96xi32, #tpu.memory_space<vmem>>
      %dma_start3A_226 = arith.constant 0 : i32
      %dma_start3A_227 = arith.constant 0 : i32
      %dma_start3A_228 = tpu.memref_slice %arg2[%dma_start3A_226, %dma_start3A_227] : memref<10000x128xf32, #tpu.memory_space<hbm>> -> memref<10000x128xf32, #tpu.memory_space<hbm>>
      tpu.enqueue_indirect_dma source(%dma_start3A_228 : memref<10000x128xf32, #tpu.memory_space<hbm>>) target(%arg9 : memref<96x128xf32, #tpu.memory_space<vmem>>) offsets(%dma_start3A_225 : memref<96xi32, #tpu.memory_space<vmem>>) semaphore(%arg13 : memref<!tpu.dma_semaphore, #tpu.memory_space<semaphore_mem>>)
      %dma_wait3A_229 = arith.constant 13 : i32
      %dma_wait3A_230 = arith.constant 0 : i32
      %dma_wait3A_231 = tpu.memref_slice %arg7[%dma_wait3A_229, %dma_wait3A_230] : memref<16x96xi32, #tpu.memory_space<vmem>> -> memref<1x96xi32, #tpu.memory_space<vmem>>
      %dma_wait3A_232 = tpu.memref_squeeze %dma_wait3A_231 : memref<1x96xi32, #tpu.memory_space<vmem>> -> memref<96xi32, #tpu.memory_space<vmem>>
      %dma_wait3A_233 = arith.constant 0 : i32
      %dma_wait3A_234 = arith.constant 0 : i32
      %dma_wait3A_235 = tpu.memref_slice %arg2[%dma_wait3A_233, %dma_wait3A_234] : memref<10000x128xf32, #tpu.memory_space<hbm>> -> memref<10000x128xf32, #tpu.memory_space<hbm>>
      tpu.wait_indirect_dma semaphore(%arg14 : memref<!tpu.dma_semaphore, #tpu.memory_space<semaphore_mem>>) src(%dma_wait3A_235 : memref<10000x128xf32, #tpu.memory_space<hbm>>) dst(%arg10 : memref<96x128xf32, #tpu.memory_space<vmem>>)
      %run_scoped3A_236 = arith.constant 13 : i32
      "tpu.region"() ({
        %run_scoped3A_253 = tpu.sem_alloc : memref<!tpu.dma_semaphore, #tpu.memory_space<semaphore_mem>>
        %dma_start3A_254 = arith.constant 0 : i32
        %dma_start3A_255 = tpu.memref_slice %arg8[%run_scoped3A_236, %dma_start3A_254] : memref<16x96xi32, #tpu.memory_space<vmem>> -> memref<1x96xi32, #tpu.memory_space<vmem>>
        %dma_start3A_256 = tpu.memref_squeeze %dma_start3A_255 : memref<1x96xi32, #tpu.memory_space<vmem>> -> memref<96xi32, #tpu.memory_space<vmem>>
        %dma_start3A_257 = arith.constant 0 : i32
        %dma_start3A_258 = arith.constant 0 : i32
        %dma_start3A_259 = tpu.memref_slice %arg12[%dma_start3A_257, %dma_start3A_258] : memref<10112x128xf32, #tpu.memory_space<vmem_shared>> -> memref<10112x128xf32, #tpu.memory_space<vmem_shared>>
        tpu.enqueue_indirect_dma source(%arg10 : memref<96x128xf32, #tpu.memory_space<vmem>>) target(%dma_start3A_259 : memref<10112x128xf32, #tpu.memory_space<vmem_shared>>) offsets(%dma_start3A_256 : memref<96xi32, #tpu.memory_space<vmem>>) semaphore(%run_scoped3A_253 : memref<!tpu.dma_semaphore, #tpu.memory_space<semaphore_mem>>) {add = true}
        %dma_wait3A_260 = arith.constant 0 : i32
        %dma_wait3A_261 = tpu.memref_slice %arg8[%run_scoped3A_236, %dma_wait3A_260] : memref<16x96xi32, #tpu.memory_space<vmem>> -> memref<1x96xi32, #tpu.memory_space<vmem>>
        %dma_wait3A_262 = tpu.memref_squeeze %dma_wait3A_261 : memref<1x96xi32, #tpu.memory_space<vmem>> -> memref<96xi32, #tpu.memory_space<vmem>>
        %dma_wait3A_263 = arith.constant 0 : i32
        %dma_wait3A_264 = arith.constant 0 : i32
        %dma_wait3A_265 = tpu.memref_slice %arg12[%dma_wait3A_263, %dma_wait3A_264] : memref<10112x128xf32, #tpu.memory_space<vmem_shared>> -> memref<10112x128xf32, #tpu.memory_space<vmem_shared>>
        tpu.wait_indirect_dma semaphore(%run_scoped3A_253 : memref<!tpu.dma_semaphore, #tpu.memory_space<semaphore_mem>>) src(%arg10 : memref<96x128xf32, #tpu.memory_space<vmem>>) dst(%dma_wait3A_265 : memref<10112x128xf32, #tpu.memory_space<vmem_shared>>)
        tpu.yield
      }) : () -> ()
      %dma_wait3A_237 = arith.constant 14 : i32
      %dma_wait3A_238 = arith.constant 0 : i32
      %dma_wait3A_239 = tpu.memref_slice %arg7[%dma_wait3A_237, %dma_wait3A_238] : memref<16x96xi32, #tpu.memory_space<vmem>> -> memref<1x96xi32, #tpu.memory_space<vmem>>
      %dma_wait3A_240 = tpu.memref_squeeze %dma_wait3A_239 : memref<1x96xi32, #tpu.memory_space<vmem>> -> memref<96xi32, #tpu.memory_space<vmem>>
      %dma_wait3A_241 = arith.constant 0 : i32
      %dma_wait3A_242 = arith.constant 0 : i32
      %dma_wait3A_243 = tpu.memref_slice %arg2[%dma_wait3A_241, %dma_wait3A_242] : memref<10000x128xf32, #tpu.memory_space<hbm>> -> memref<10000x128xf32, #tpu.memory_space<hbm>>
      tpu.wait_indirect_dma semaphore(%arg15 : memref<!tpu.dma_semaphore, #tpu.memory_space<semaphore_mem>>) src(%dma_wait3A_243 : memref<10000x128xf32, #tpu.memory_space<hbm>>) dst(%arg11 : memref<96x128xf32, #tpu.memory_space<vmem>>)
      %run_scoped3A_244 = arith.constant 14 : i32
      "tpu.region"() ({
        %run_scoped3A_253 = tpu.sem_alloc : memref<!tpu.dma_semaphore, #tpu.memory_space<semaphore_mem>>
        %dma_start3A_254 = arith.constant 0 : i32
        %dma_start3A_255 = tpu.memref_slice %arg8[%run_scoped3A_244, %dma_start3A_254] : memref<16x96xi32, #tpu.memory_space<vmem>> -> memref<1x96xi32, #tpu.memory_space<vmem>>
        %dma_start3A_256 = tpu.memref_squeeze %dma_start3A_255 : memref<1x96xi32, #tpu.memory_space<vmem>> -> memref<96xi32, #tpu.memory_space<vmem>>
        %dma_start3A_257 = arith.constant 0 : i32
        %dma_start3A_258 = arith.constant 0 : i32
        %dma_start3A_259 = tpu.memref_slice %arg12[%dma_start3A_257, %dma_start3A_258] : memref<10112x128xf32, #tpu.memory_space<vmem_shared>> -> memref<10112x128xf32, #tpu.memory_space<vmem_shared>>
        tpu.enqueue_indirect_dma source(%arg11 : memref<96x128xf32, #tpu.memory_space<vmem>>) target(%dma_start3A_259 : memref<10112x128xf32, #tpu.memory_space<vmem_shared>>) offsets(%dma_start3A_256 : memref<96xi32, #tpu.memory_space<vmem>>) semaphore(%run_scoped3A_253 : memref<!tpu.dma_semaphore, #tpu.memory_space<semaphore_mem>>) {add = true}
        %dma_wait3A_260 = arith.constant 0 : i32
        %dma_wait3A_261 = tpu.memref_slice %arg8[%run_scoped3A_244, %dma_wait3A_260] : memref<16x96xi32, #tpu.memory_space<vmem>> -> memref<1x96xi32, #tpu.memory_space<vmem>>
        %dma_wait3A_262 = tpu.memref_squeeze %dma_wait3A_261 : memref<1x96xi32, #tpu.memory_space<vmem>> -> memref<96xi32, #tpu.memory_space<vmem>>
        %dma_wait3A_263 = arith.constant 0 : i32
        %dma_wait3A_264 = arith.constant 0 : i32
        %dma_wait3A_265 = tpu.memref_slice %arg12[%dma_wait3A_263, %dma_wait3A_264] : memref<10112x128xf32, #tpu.memory_space<vmem_shared>> -> memref<10112x128xf32, #tpu.memory_space<vmem_shared>>
        tpu.wait_indirect_dma semaphore(%run_scoped3A_253 : memref<!tpu.dma_semaphore, #tpu.memory_space<semaphore_mem>>) src(%arg11 : memref<96x128xf32, #tpu.memory_space<vmem>>) dst(%dma_wait3A_265 : memref<10112x128xf32, #tpu.memory_space<vmem_shared>>)
        tpu.yield
      }) : () -> ()
      %dma_wait3A_245 = arith.constant 15 : i32
      %dma_wait3A_246 = arith.constant 0 : i32
      %dma_wait3A_247 = tpu.memref_slice %arg7[%dma_wait3A_245, %dma_wait3A_246] : memref<16x96xi32, #tpu.memory_space<vmem>> -> memref<1x96xi32, #tpu.memory_space<vmem>>
      %dma_wait3A_248 = tpu.memref_squeeze %dma_wait3A_247 : memref<1x96xi32, #tpu.memory_space<vmem>> -> memref<96xi32, #tpu.memory_space<vmem>>
      %dma_wait3A_249 = arith.constant 0 : i32
      %dma_wait3A_250 = arith.constant 0 : i32
      %dma_wait3A_251 = tpu.memref_slice %arg2[%dma_wait3A_249, %dma_wait3A_250] : memref<10000x128xf32, #tpu.memory_space<hbm>> -> memref<10000x128xf32, #tpu.memory_space<hbm>>
      tpu.wait_indirect_dma semaphore(%arg13 : memref<!tpu.dma_semaphore, #tpu.memory_space<semaphore_mem>>) src(%dma_wait3A_251 : memref<10000x128xf32, #tpu.memory_space<hbm>>) dst(%arg9 : memref<96x128xf32, #tpu.memory_space<vmem>>)
      %run_scoped3A_252 = arith.constant 15 : i32
      "tpu.region"() ({
        %run_scoped3A_253 = tpu.sem_alloc : memref<!tpu.dma_semaphore, #tpu.memory_space<semaphore_mem>>
        %dma_start3A_254 = arith.constant 0 : i32
        %dma_start3A_255 = tpu.memref_slice %arg8[%run_scoped3A_252, %dma_start3A_254] : memref<16x96xi32, #tpu.memory_space<vmem>> -> memref<1x96xi32, #tpu.memory_space<vmem>>
        %dma_start3A_256 = tpu.memref_squeeze %dma_start3A_255 : memref<1x96xi32, #tpu.memory_space<vmem>> -> memref<96xi32, #tpu.memory_space<vmem>>
        %dma_start3A_257 = arith.constant 0 : i32
        %dma_start3A_258 = arith.constant 0 : i32
        %dma_start3A_259 = tpu.memref_slice %arg12[%dma_start3A_257, %dma_start3A_258] : memref<10112x128xf32, #tpu.memory_space<vmem_shared>> -> memref<10112x128xf32, #tpu.memory_space<vmem_shared>>
        tpu.enqueue_indirect_dma source(%arg9 : memref<96x128xf32, #tpu.memory_space<vmem>>) target(%dma_start3A_259 : memref<10112x128xf32, #tpu.memory_space<vmem_shared>>) offsets(%dma_start3A_256 : memref<96xi32, #tpu.memory_space<vmem>>) semaphore(%run_scoped3A_253 : memref<!tpu.dma_semaphore, #tpu.memory_space<semaphore_mem>>) {add = true}
        %dma_wait3A_260 = arith.constant 0 : i32
        %dma_wait3A_261 = tpu.memref_slice %arg8[%run_scoped3A_252, %dma_wait3A_260] : memref<16x96xi32, #tpu.memory_space<vmem>> -> memref<1x96xi32, #tpu.memory_space<vmem>>
        %dma_wait3A_262 = tpu.memref_squeeze %dma_wait3A_261 : memref<1x96xi32, #tpu.memory_space<vmem>> -> memref<96xi32, #tpu.memory_space<vmem>>
        %dma_wait3A_263 = arith.constant 0 : i32
        %dma_wait3A_264 = arith.constant 0 : i32
        %dma_wait3A_265 = tpu.memref_slice %arg12[%dma_wait3A_263, %dma_wait3A_264] : memref<10112x128xf32, #tpu.memory_space<vmem_shared>> -> memref<10112x128xf32, #tpu.memory_space<vmem_shared>>
        tpu.wait_indirect_dma semaphore(%run_scoped3A_253 : memref<!tpu.dma_semaphore, #tpu.memory_space<semaphore_mem>>) src(%arg9 : memref<96x128xf32, #tpu.memory_space<vmem>>) dst(%dma_wait3A_265 : memref<10112x128xf32, #tpu.memory_space<vmem_shared>>)
        tpu.yield
      }) : () -> ()
    }
    %scan3A_7 = arith.constant 7 : i32
    %barrier3A_8 = arith.constant 0 : index
    tpu.barrier barrier_id(%barrier3A_8)
    %mul3A_9 = arith.constant 632 : i32
    %mul3A_10 = arith.muli %arg1, %mul3A_9 : i32
    %mul3A_11 = arith.constant 632 : i32
    %mul3A_12 = arith.muli %arg1, %mul3A_11 : i32
    "tpu.region"() ({
      %run_scoped3A = tpu.sem_alloc : memref<!tpu.dma_semaphore, #tpu.memory_space<semaphore_mem>>
      %dma_start3A = arith.constant 0 : i32
      %dma_start3A_13 = tpu.memref_slice %arg6[%arg0, %mul3A_12, %dma_start3A] : memref<2x10112x128xf32, #tpu.memory_space<hbm>> -> memref<1x632x128xf32, #tpu.memory_space<hbm>>
      %dma_start3A_14 = tpu.memref_squeeze %dma_start3A_13 : memref<1x632x128xf32, #tpu.memory_space<hbm>> -> memref<632x128xf32, #tpu.memory_space<hbm>>
      %dma_start3A_15 = arith.constant 0 : i32
      %dma_start3A_16 = tpu.memref_slice %arg12[%mul3A_10, %dma_start3A_15] : memref<10112x128xf32, #tpu.memory_space<vmem_shared>> -> memref<632x128xf32, #tpu.memory_space<vmem_shared>>
      tpu.enqueue_dma source(%dma_start3A_16 : memref<632x128xf32, #tpu.memory_space<vmem_shared>>) target(%dma_start3A_14 : memref<632x128xf32, #tpu.memory_space<hbm>>) target_semaphore(%run_scoped3A : memref<!tpu.dma_semaphore, #tpu.memory_space<semaphore_mem>>)
      %dma_wait3A = arith.constant 0 : i32
      %dma_wait3A_17 = tpu.memref_slice %arg6[%arg0, %mul3A_12, %dma_wait3A] : memref<2x10112x128xf32, #tpu.memory_space<hbm>> -> memref<1x632x128xf32, #tpu.memory_space<hbm>>
      %dma_wait3A_18 = tpu.memref_squeeze %dma_wait3A_17 : memref<1x632x128xf32, #tpu.memory_space<hbm>> -> memref<632x128xf32, #tpu.memory_space<hbm>>
      %dma_wait3A_19 = arith.constant 0 : i32
      %dma_wait3A_20 = tpu.memref_slice %arg12[%mul3A_10, %dma_wait3A_19] : memref<10112x128xf32, #tpu.memory_space<vmem_shared>> -> memref<632x128xf32, #tpu.memory_space<vmem_shared>>
      tpu.wait_dma2 semaphore(%run_scoped3A : memref<!tpu.dma_semaphore, #tpu.memory_space<semaphore_mem>>) src(%dma_wait3A_20 : memref<632x128xf32, #tpu.memory_space<vmem_shared>>) dst(%dma_wait3A_18 : memref<632x128xf32, #tpu.memory_space<hbm>>)
      tpu.yield
    }) : () -> ()
    return
  }
}

#map = affine_map<(d0, d1) -> (0, 0)>
#map1 = affine_map<(d0, d1) -> (0, 0, 0)>
module attributes {stable_mosaic.version = 14 : i64} {
  func.func @_sc_deg_body(%arg0: i32, %arg1: i32, %arg2: memref<96x128xf32, #tpu.memory_space<hbm>>, %arg3: memref<32x112x96xi32, #tpu.memory_space<hbm>>, %arg4: memref<632x128xf32, #tpu.memory_space<hbm>>, %arg5: memref<2x10112x128xf32, #tpu.memory_space<hbm>>, %arg6: memref<96x128xf32, #tpu.memory_space<vmem>>, %arg7: memref<112x96xi32, #tpu.memory_space<vmem>>, %arg8: memref<10112x128xf32, #tpu.memory_space<vmem_shared>>) attributes {dimension_semantics = [#tpu.dimension_semantics<core_parallel>, #tpu.dimension_semantics<subcore_parallel>], iteration_bounds = array<i64: 2, 16>, scalar_prefetch = 0 : i64, scratch_operands = 3 : i64, tpu.core_type = #tpu.core_type<sc_vector_subcore>, window_params = [{transform_indices = #map}, {transform_indices = #map1}, {transform_indices = #map}, {transform_indices = #map1}]} {
    %mul3A = arith.constant 2 : i32
    %mul3A_0 = arith.muli %arg1, %mul3A : i32
    %add3A = arith.addi %mul3A_0, %arg0 : i32
    %mul3A_1 = arith.constant 632 : i32
    %mul3A_2 = arith.muli %arg1, %mul3A_1 : i32
    "tpu.region"() ({
      %run_scoped3A = tpu.sem_alloc : memref<!tpu.dma_semaphore, #tpu.memory_space<semaphore_mem>>
      %dma_start3A = arith.constant 0 : i32
      %dma_start3A_13 = tpu.memref_slice %arg8[%mul3A_2, %dma_start3A] : memref<10112x128xf32, #tpu.memory_space<vmem_shared>> -> memref<632x128xf32, #tpu.memory_space<vmem_shared>>
      tpu.enqueue_dma source(%arg4 : memref<632x128xf32, #tpu.memory_space<hbm>>) target(%dma_start3A_13 : memref<632x128xf32, #tpu.memory_space<vmem_shared>>) target_semaphore(%run_scoped3A : memref<!tpu.dma_semaphore, #tpu.memory_space<semaphore_mem>>)
      %dma_wait3A = arith.constant 0 : i32
      %dma_wait3A_14 = tpu.memref_slice %arg8[%mul3A_2, %dma_wait3A] : memref<10112x128xf32, #tpu.memory_space<vmem_shared>> -> memref<632x128xf32, #tpu.memory_space<vmem_shared>>
      tpu.wait_dma2 semaphore(%run_scoped3A : memref<!tpu.dma_semaphore, #tpu.memory_space<semaphore_mem>>) src(%arg4 : memref<632x128xf32, #tpu.memory_space<hbm>>) dst(%dma_wait3A_14 : memref<632x128xf32, #tpu.memory_space<vmem_shared>>)
      tpu.yield
    }) : () -> ()
    "tpu.region"() ({
      %run_scoped3A = tpu.sem_alloc : memref<!tpu.dma_semaphore, #tpu.memory_space<semaphore_mem>>
      tpu.enqueue_dma source(%arg2 : memref<96x128xf32, #tpu.memory_space<hbm>>) target(%arg6 : memref<96x128xf32, #tpu.memory_space<vmem>>) target_semaphore(%run_scoped3A : memref<!tpu.dma_semaphore, #tpu.memory_space<semaphore_mem>>)
      tpu.wait_dma2 semaphore(%run_scoped3A : memref<!tpu.dma_semaphore, #tpu.memory_space<semaphore_mem>>) src(%arg2 : memref<96x128xf32, #tpu.memory_space<hbm>>) dst(%arg6 : memref<96x128xf32, #tpu.memory_space<vmem>>)
      tpu.yield
    }) : () -> ()
    "tpu.region"() ({
      %run_scoped3A = tpu.sem_alloc : memref<!tpu.dma_semaphore, #tpu.memory_space<semaphore_mem>>
      %dma_start3A = arith.constant 0 : i32
      %dma_start3A_13 = arith.constant 0 : i32
      %dma_start3A_14 = tpu.memref_slice %arg3[%add3A, %dma_start3A, %dma_start3A_13] : memref<32x112x96xi32, #tpu.memory_space<hbm>> -> memref<1x112x96xi32, #tpu.memory_space<hbm>>
      %dma_start3A_15 = tpu.memref_squeeze %dma_start3A_14 : memref<1x112x96xi32, #tpu.memory_space<hbm>> -> memref<112x96xi32, #tpu.memory_space<hbm>>
      %dma_start3A_16 = arith.constant 0 : i32
      %dma_start3A_17 = arith.constant 0 : i32
      %dma_start3A_18 = tpu.memref_slice %arg3[%add3A, %dma_start3A_16, %dma_start3A_17] : memref<32x112x96xi32, #tpu.memory_space<hbm>> -> memref<1x112x96xi32, #tpu.memory_space<hbm>>
      %dma_start3A_19 = tpu.memref_squeeze %dma_start3A_18 : memref<1x112x96xi32, #tpu.memory_space<hbm>> -> memref<112x96xi32, #tpu.memory_space<hbm>>
      tpu.enqueue_dma source(%dma_start3A_19 : memref<112x96xi32, #tpu.memory_space<hbm>>) target(%arg7 : memref<112x96xi32, #tpu.memory_space<vmem>>) target_semaphore(%run_scoped3A : memref<!tpu.dma_semaphore, #tpu.memory_space<semaphore_mem>>)
      %dma_wait3A = arith.constant 0 : i32
      %dma_wait3A_20 = arith.constant 0 : i32
      %dma_wait3A_21 = tpu.memref_slice %arg3[%add3A, %dma_wait3A, %dma_wait3A_20] : memref<32x112x96xi32, #tpu.memory_space<hbm>> -> memref<1x112x96xi32, #tpu.memory_space<hbm>>
      %dma_wait3A_22 = tpu.memref_squeeze %dma_wait3A_21 : memref<1x112x96xi32, #tpu.memory_space<hbm>> -> memref<112x96xi32, #tpu.memory_space<hbm>>
      %dma_wait3A_23 = arith.constant 0 : i32
      %dma_wait3A_24 = arith.constant 0 : i32
      %dma_wait3A_25 = tpu.memref_slice %arg3[%add3A, %dma_wait3A_23, %dma_wait3A_24] : memref<32x112x96xi32, #tpu.memory_space<hbm>> -> memref<1x112x96xi32, #tpu.memory_space<hbm>>
      %dma_wait3A_26 = tpu.memref_squeeze %dma_wait3A_25 : memref<1x112x96xi32, #tpu.memory_space<hbm>> -> memref<112x96xi32, #tpu.memory_space<hbm>>
      tpu.wait_dma2 semaphore(%run_scoped3A : memref<!tpu.dma_semaphore, #tpu.memory_space<semaphore_mem>>) src(%dma_wait3A_26 : memref<112x96xi32, #tpu.memory_space<hbm>>) dst(%arg7 : memref<112x96xi32, #tpu.memory_space<vmem>>)
      tpu.yield
    }) : () -> ()
    %barrier3A = arith.constant 0 : index
    tpu.barrier barrier_id(%barrier3A)
    %scan3A = arith.constant 0 : i32
    %scan3A_3 = arith.constant 0 : i32
    %scan3A_4 = arith.constant 112 : i32
    %scan3A_5 = arith.addi %scan3A_3, %scan3A_4 : i32
    %scan3A_6 = arith.constant 1 : i32
    scf.for %scan3A_13 = %scan3A_3 to %scan3A_5 step %scan3A_6  : i32 {
      "tpu.region"() ({
        %run_scoped3A = tpu.sem_alloc : memref<!tpu.dma_semaphore, #tpu.memory_space<semaphore_mem>>
        %dma_start3A = arith.constant 0 : i32
        %dma_start3A_14 = tpu.memref_slice %arg7[%scan3A_13, %dma_start3A] : memref<112x96xi32, #tpu.memory_space<vmem>> -> memref<1x96xi32, #tpu.memory_space<vmem>>
        %dma_start3A_15 = tpu.memref_squeeze %dma_start3A_14 : memref<1x96xi32, #tpu.memory_space<vmem>> -> memref<96xi32, #tpu.memory_space<vmem>>
        %dma_start3A_16 = arith.constant 0 : i32
        %dma_start3A_17 = arith.constant 0 : i32
        %dma_start3A_18 = tpu.memref_slice %arg8[%dma_start3A_16, %dma_start3A_17] : memref<10112x128xf32, #tpu.memory_space<vmem_shared>> -> memref<10112x128xf32, #tpu.memory_space<vmem_shared>>
        tpu.enqueue_indirect_dma source(%arg6 : memref<96x128xf32, #tpu.memory_space<vmem>>) target(%dma_start3A_18 : memref<10112x128xf32, #tpu.memory_space<vmem_shared>>) offsets(%dma_start3A_15 : memref<96xi32, #tpu.memory_space<vmem>>) semaphore(%run_scoped3A : memref<!tpu.dma_semaphore, #tpu.memory_space<semaphore_mem>>) {add = true}
        %dma_wait3A = arith.constant 0 : i32
        %dma_wait3A_19 = tpu.memref_slice %arg7[%scan3A_13, %dma_wait3A] : memref<112x96xi32, #tpu.memory_space<vmem>> -> memref<1x96xi32, #tpu.memory_space<vmem>>
        %dma_wait3A_20 = tpu.memref_squeeze %dma_wait3A_19 : memref<1x96xi32, #tpu.memory_space<vmem>> -> memref<96xi32, #tpu.memory_space<vmem>>
        %dma_wait3A_21 = arith.constant 0 : i32
        %dma_wait3A_22 = arith.constant 0 : i32
        %dma_wait3A_23 = tpu.memref_slice %arg8[%dma_wait3A_21, %dma_wait3A_22] : memref<10112x128xf32, #tpu.memory_space<vmem_shared>> -> memref<10112x128xf32, #tpu.memory_space<vmem_shared>>
        tpu.wait_indirect_dma semaphore(%run_scoped3A : memref<!tpu.dma_semaphore, #tpu.memory_space<semaphore_mem>>) src(%arg6 : memref<96x128xf32, #tpu.memory_space<vmem>>) dst(%dma_wait3A_23 : memref<10112x128xf32, #tpu.memory_space<vmem_shared>>)
        tpu.yield
      }) : () -> ()
    }
    %scan3A_7 = arith.constant 112 : i32
    %barrier3A_8 = arith.constant 0 : index
    tpu.barrier barrier_id(%barrier3A_8)
    %mul3A_9 = arith.constant 632 : i32
    %mul3A_10 = arith.muli %arg1, %mul3A_9 : i32
    %mul3A_11 = arith.constant 632 : i32
    %mul3A_12 = arith.muli %arg1, %mul3A_11 : i32
    "tpu.region"() ({
      %run_scoped3A = tpu.sem_alloc : memref<!tpu.dma_semaphore, #tpu.memory_space<semaphore_mem>>
      %dma_start3A = arith.constant 0 : i32
      %dma_start3A_13 = tpu.memref_slice %arg5[%arg0, %mul3A_12, %dma_start3A] : memref<2x10112x128xf32, #tpu.memory_space<hbm>> -> memref<1x632x128xf32, #tpu.memory_space<hbm>>
      %dma_start3A_14 = tpu.memref_squeeze %dma_start3A_13 : memref<1x632x128xf32, #tpu.memory_space<hbm>> -> memref<632x128xf32, #tpu.memory_space<hbm>>
      %dma_start3A_15 = arith.constant 0 : i32
      %dma_start3A_16 = tpu.memref_slice %arg8[%mul3A_10, %dma_start3A_15] : memref<10112x128xf32, #tpu.memory_space<vmem_shared>> -> memref<632x128xf32, #tpu.memory_space<vmem_shared>>
      tpu.enqueue_dma source(%dma_start3A_16 : memref<632x128xf32, #tpu.memory_space<vmem_shared>>) target(%dma_start3A_14 : memref<632x128xf32, #tpu.memory_space<hbm>>) target_semaphore(%run_scoped3A : memref<!tpu.dma_semaphore, #tpu.memory_space<semaphore_mem>>)
      %dma_wait3A = arith.constant 0 : i32
      %dma_wait3A_17 = tpu.memref_slice %arg5[%arg0, %mul3A_12, %dma_wait3A] : memref<2x10112x128xf32, #tpu.memory_space<hbm>> -> memref<1x632x128xf32, #tpu.memory_space<hbm>>
      %dma_wait3A_18 = tpu.memref_squeeze %dma_wait3A_17 : memref<1x632x128xf32, #tpu.memory_space<hbm>> -> memref<632x128xf32, #tpu.memory_space<hbm>>
      %dma_wait3A_19 = arith.constant 0 : i32
      %dma_wait3A_20 = tpu.memref_slice %arg8[%mul3A_10, %dma_wait3A_19] : memref<10112x128xf32, #tpu.memory_space<vmem_shared>> -> memref<632x128xf32, #tpu.memory_space<vmem_shared>>
      tpu.wait_dma2 semaphore(%run_scoped3A : memref<!tpu.dma_semaphore, #tpu.memory_space<semaphore_mem>>) src(%dma_wait3A_20 : memref<632x128xf32, #tpu.memory_space<vmem_shared>>) dst(%dma_wait3A_18 : memref<632x128xf32, #tpu.memory_space<hbm>>)
      tpu.yield
    }) : () -> ()
    return
  }
}

module attributes {stable_mosaic.version = 14 : i64} {
  func.func @_tc1_body(%arg0: memref<2x10112x128xf32, #tpu.memory_space<vmem>>, %arg1: memref<2x10112x128xf32, #tpu.memory_space<vmem>>, %arg2: memref<10000x128xf32, #tpu.memory_space<vmem>>, %arg3: memref<128x128xf32, #tpu.memory_space<vmem>>, %arg4: memref<128x128xf32, #tpu.memory_space<vmem>>, %arg5: memref<1x128xf32, #tpu.memory_space<vmem>>, %arg6: memref<1x128xf32, #tpu.memory_space<vmem>>, %arg7: memref<1x128xf32, #tpu.memory_space<vmem>>, %arg8: memref<10000x128xf32, #tpu.memory_space<vmem>>, %arg9: memref<10000x1xf32, #tpu.memory_space<vmem>>) attributes {dimension_semantics = [], scalar_prefetch = 0 : i64, scratch_operands = 0 : i64, tpu.core_type = #tpu.core_type<tc>} {
    %get3A = arith.constant 0 : index
    %get3A_0 = arith.constant 0 : index
    %get3A_1 = arith.constant 0 : index
    %get3A_2 = vector.load %arg0[%get3A, %get3A_0, %get3A_1] : memref<2x10112x128xf32, #tpu.memory_space<vmem>>, vector<1x10000x128xf32>
    %get3A_3 = vector.shape_cast %get3A_2 : vector<1x10000x128xf32> to vector<10000x128xf32>
    %get3A_4 = arith.constant 1 : index
    %get3A_5 = arith.constant 0 : index
    %get3A_6 = arith.constant 0 : index
    %get3A_7 = vector.load %arg0[%get3A_4, %get3A_5, %get3A_6] : memref<2x10112x128xf32, #tpu.memory_space<vmem>>, vector<1x10000x128xf32>
    %get3A_8 = vector.shape_cast %get3A_7 : vector<1x10000x128xf32> to vector<10000x128xf32>
    %add3A = arith.addf %get3A_3, %get3A_8 : vector<10000x128xf32>
    %get3A_9 = arith.constant 0 : index
    %get3A_10 = arith.constant 0 : index
    %get3A_11 = arith.constant 0 : index
    %get3A_12 = vector.load %arg1[%get3A_9, %get3A_10, %get3A_11] : memref<2x10112x128xf32, #tpu.memory_space<vmem>>, vector<1x10000x1xf32>
    %get3A_13 = vector.shape_cast %get3A_12 : vector<1x10000x1xf32> to vector<10000x1xf32>
    %get3A_14 = arith.constant 1 : index
    %get3A_15 = arith.constant 0 : index
    %get3A_16 = arith.constant 0 : index
    %get3A_17 = vector.load %arg1[%get3A_14, %get3A_15, %get3A_16] : memref<2x10112x128xf32, #tpu.memory_space<vmem>>, vector<1x10000x1xf32>
    %get3A_18 = vector.shape_cast %get3A_17 : vector<1x10000x1xf32> to vector<10000x1xf32>
    %add3A_19 = arith.addf %get3A_13, %get3A_18 : vector<10000x1xf32>
    %max3A = arith.constant 1.000000e+00 : f32
    %max3A_20 = vector.broadcast %max3A : f32 to vector<10000x1xf32>
    %max3A_21 = arith.maximumf %add3A_19, %max3A_20 : vector<10000x1xf32>
    %div3A = arith.constant 1.000000e+00 : f32
    %div3A_22 = vector.broadcast %div3A : f32 to vector<10000x1xf32>
    %div3A_23 = arith.divf %div3A_22, %max3A_21 : vector<10000x1xf32>
    %mul3A = vector.broadcast %div3A_23 : vector<10000x1xf32> to vector<10000x128xf32>
    %mul3A_24 = arith.mulf %add3A, %mul3A : vector<10000x128xf32>
    %get3A_25 = arith.constant 0 : index
    %get3A_26 = arith.constant 0 : index
    %get3A_27 = vector.load %arg3[%get3A_25, %get3A_26] : memref<128x128xf32, #tpu.memory_space<vmem>>, vector<128x128xf32>
    %dot_general3A = arith.constant dense<0.000000e+00> : vector<10000x128xf32>
    %dot_general3A_28 = tpu.matmul %mul3A_24, %get3A_27, %dot_general3A {dimension_numbers = #tpu.dot_dimension_numbers<[1], [0], [0], [1], [0, 0, 1, 1], [], []>, transpose_lhs_hint = false} : vector<10000x128xf32>, vector<128x128xf32>, vector<10000x128xf32> -> vector<10000x128xf32>
    %get3A_29 = arith.constant 0 : index
    %get3A_30 = arith.constant 0 : index
    %get3A_31 = vector.load %arg2[%get3A_29, %get3A_30] : memref<10000x128xf32, #tpu.memory_space<vmem>>, vector<10000x128xf32>
    %get3A_32 = arith.constant 0 : index
    %get3A_33 = arith.constant 0 : index
    %get3A_34 = vector.load %arg4[%get3A_32, %get3A_33] : memref<128x128xf32, #tpu.memory_space<vmem>>, vector<128x128xf32>
    %dot_general3A_35 = arith.constant dense<0.000000e+00> : vector<10000x128xf32>
    %dot_general3A_36 = tpu.matmul %get3A_31, %get3A_34, %dot_general3A_35 {dimension_numbers = #tpu.dot_dimension_numbers<[1], [0], [0], [1], [0, 0, 1, 1], [], []>, transpose_lhs_hint = false} : vector<10000x128xf32>, vector<128x128xf32>, vector<10000x128xf32> -> vector<10000x128xf32>
    %add3A_37 = arith.addf %dot_general3A_28, %dot_general3A_36 : vector<10000x128xf32>
    %get3A_38 = arith.constant 0 : index
    %get3A_39 = arith.constant 0 : index
    %get3A_40 = vector.load %arg5[%get3A_38, %get3A_39] : memref<1x128xf32, #tpu.memory_space<vmem>>, vector<1x128xf32>
    %add3A_41 = vector.broadcast %get3A_40 : vector<1x128xf32> to vector<10000x128xf32>
    %add3A_42 = arith.addf %add3A_37, %add3A_41 : vector<10000x128xf32>
    %reduce_sum3A = arith.constant dense<0.000000e+00> : vector<128xf32>
    %reduce_sum3A_43 = vector.multi_reduction <add>, %add3A_42, %reduce_sum3A [0] : vector<10000x128xf32> to vector<128xf32>
    %div3A_44 = arith.constant 1.000000e+04 : f32
    %div3A_45 = vector.broadcast %div3A_44 : f32 to vector<128xf32>
    %div3A_46 = arith.divf %reduce_sum3A_43, %div3A_45 : vector<128xf32>
    %broadcast_in_dim3A = vector.shape_cast %div3A_46 : vector<128xf32> to vector<1x128xf32>
    %sub3A = vector.broadcast %broadcast_in_dim3A : vector<1x128xf32> to vector<10000x128xf32>
    %sub3A_47 = arith.subf %add3A_42, %sub3A : vector<10000x128xf32>
    %integer_pow3A = arith.mulf %sub3A_47, %sub3A_47 : vector<10000x128xf32>
    %reduce_sum3A_48 = arith.constant dense<0.000000e+00> : vector<128xf32>
    %reduce_sum3A_49 = vector.multi_reduction <add>, %integer_pow3A, %reduce_sum3A_48 [0] : vector<10000x128xf32> to vector<128xf32>
    %div3A_50 = arith.constant 1.000000e+04 : f32
    %div3A_51 = vector.broadcast %div3A_50 : f32 to vector<128xf32>
    %div3A_52 = arith.divf %reduce_sum3A_49, %div3A_51 : vector<128xf32>
    %broadcast_in_dim3A_53 = vector.shape_cast %div3A_46 : vector<128xf32> to vector<1x128xf32>
    %sub3A_54 = vector.broadcast %broadcast_in_dim3A_53 : vector<1x128xf32> to vector<10000x128xf32>
    %sub3A_55 = arith.subf %add3A_42, %sub3A_54 : vector<10000x128xf32>
    %add3A_56 = arith.constant 9.99999974E-6 : f32
    %add3A_57 = vector.broadcast %add3A_56 : f32 to vector<128xf32>
    %add3A_58 = arith.addf %div3A_52, %add3A_57 : vector<128xf32>
    %rsqrt3A = math.rsqrt %add3A_58 : vector<128xf32>
    %broadcast_in_dim3A_59 = vector.shape_cast %rsqrt3A : vector<128xf32> to vector<1x128xf32>
    %mul3A_60 = vector.broadcast %broadcast_in_dim3A_59 : vector<1x128xf32> to vector<10000x128xf32>
    %mul3A_61 = arith.mulf %sub3A_55, %mul3A_60 : vector<10000x128xf32>
    %get3A_62 = arith.constant 0 : index
    %get3A_63 = arith.constant 0 : index
    %get3A_64 = vector.load %arg6[%get3A_62, %get3A_63] : memref<1x128xf32, #tpu.memory_space<vmem>>, vector<1x128xf32>
    %mul3A_65 = vector.broadcast %get3A_64 : vector<1x128xf32> to vector<10000x128xf32>
    %mul3A_66 = arith.mulf %mul3A_61, %mul3A_65 : vector<10000x128xf32>
    %get3A_67 = arith.constant 0 : index
    %get3A_68 = arith.constant 0 : index
    %get3A_69 = vector.load %arg7[%get3A_67, %get3A_68] : memref<1x128xf32, #tpu.memory_space<vmem>>, vector<1x128xf32>
    %add3A_70 = vector.broadcast %get3A_69 : vector<1x128xf32> to vector<10000x128xf32>
    %add3A_71 = arith.addf %mul3A_66, %add3A_70 : vector<10000x128xf32>
    %max3A_72 = arith.constant 0.000000e+00 : f32
    %max3A_73 = vector.broadcast %max3A_72 : f32 to vector<10000x128xf32>
    %max3A_74 = arith.maximumf %add3A_71, %max3A_73 : vector<10000x128xf32>
    %swap3A = arith.constant 0 : index
    %swap3A_75 = arith.constant 0 : index
    %swap3A_76 = vector.load %arg8[%swap3A, %swap3A_75] : memref<10000x128xf32, #tpu.memory_space<vmem>>, vector<10000x128xf32>
    tpu.vector_store %arg8[%swap3A, %swap3A_75], %max3A_74 {strides = array<i32>} : memref<10000x128xf32, #tpu.memory_space<vmem>>, vector<10000x128xf32>,
    %swap3A_77 = arith.constant 0 : index
    %swap3A_78 = arith.constant 0 : index
    %swap3A_79 = vector.load %arg9[%swap3A_77, %swap3A_78] : memref<10000x1xf32, #tpu.memory_space<vmem>>, vector<10000x1xf32>
    tpu.vector_store %arg9[%swap3A_77, %swap3A_78], %div3A_23 {strides = array<i32>} : memref<10000x1xf32, #tpu.memory_space<vmem>>, vector<10000x1xf32>,
    return
  }
}

module attributes {stable_mosaic.version = 14 : i64} {
  func.func @_tc2_body(%arg0: memref<2x10112x128xf32, #tpu.memory_space<vmem>>, %arg1: memref<10000x1xf32, #tpu.memory_space<vmem>>, %arg2: memref<10000x128xf32, #tpu.memory_space<vmem>>, %arg3: memref<128x128xf32, #tpu.memory_space<vmem>>, %arg4: memref<128x128xf32, #tpu.memory_space<vmem>>, %arg5: memref<1x128xf32, #tpu.memory_space<vmem>>, %arg6: memref<1x128xf32, #tpu.memory_space<vmem>>, %arg7: memref<1x128xf32, #tpu.memory_space<vmem>>, %arg8: memref<128x128xf32, #tpu.memory_space<vmem>>, %arg9: memref<128x64xf32, #tpu.memory_space<vmem>>, %arg10: memref<1x64xf32, #tpu.memory_space<vmem>>, %arg11: memref<10000x128xf32, #tpu.memory_space<vmem>>, %arg12: memref<10000x64xf32, #tpu.memory_space<vmem>>) attributes {dimension_semantics = [], scalar_prefetch = 0 : i64, scratch_operands = 0 : i64, tpu.core_type = #tpu.core_type<tc>} {
    %get3A = arith.constant 0 : index
    %get3A_0 = arith.constant 0 : index
    %get3A_1 = arith.constant 0 : index
    %get3A_2 = vector.load %arg0[%get3A, %get3A_0, %get3A_1] : memref<2x10112x128xf32, #tpu.memory_space<vmem>>, vector<1x10000x128xf32>
    %get3A_3 = vector.shape_cast %get3A_2 : vector<1x10000x128xf32> to vector<10000x128xf32>
    %get3A_4 = arith.constant 1 : index
    %get3A_5 = arith.constant 0 : index
    %get3A_6 = arith.constant 0 : index
    %get3A_7 = vector.load %arg0[%get3A_4, %get3A_5, %get3A_6] : memref<2x10112x128xf32, #tpu.memory_space<vmem>>, vector<1x10000x128xf32>
    %get3A_8 = vector.shape_cast %get3A_7 : vector<1x10000x128xf32> to vector<10000x128xf32>
    %add3A = arith.addf %get3A_3, %get3A_8 : vector<10000x128xf32>
    %get3A_9 = arith.constant 0 : index
    %get3A_10 = arith.constant 0 : index
    %get3A_11 = vector.load %arg1[%get3A_9, %get3A_10] : memref<10000x1xf32, #tpu.memory_space<vmem>>, vector<10000x1xf32>
    %mul3A = vector.broadcast %get3A_11 : vector<10000x1xf32> to vector<10000x128xf32>
    %mul3A_12 = arith.mulf %add3A, %mul3A : vector<10000x128xf32>
    %get3A_13 = arith.constant 0 : index
    %get3A_14 = arith.constant 0 : index
    %get3A_15 = vector.load %arg3[%get3A_13, %get3A_14] : memref<128x128xf32, #tpu.memory_space<vmem>>, vector<128x128xf32>
    %dot_general3A = arith.constant dense<0.000000e+00> : vector<10000x128xf32>
    %dot_general3A_16 = tpu.matmul %mul3A_12, %get3A_15, %dot_general3A {dimension_numbers = #tpu.dot_dimension_numbers<[1], [0], [0], [1], [0, 0, 1, 1], [], []>, transpose_lhs_hint = false} : vector<10000x128xf32>, vector<128x128xf32>, vector<10000x128xf32> -> vector<10000x128xf32>
    %get3A_17 = arith.constant 0 : index
    %get3A_18 = arith.constant 0 : index
    %get3A_19 = vector.load %arg2[%get3A_17, %get3A_18] : memref<10000x128xf32, #tpu.memory_space<vmem>>, vector<10000x128xf32>
    %get3A_20 = arith.constant 0 : index
    %get3A_21 = arith.constant 0 : index
    %get3A_22 = vector.load %arg4[%get3A_20, %get3A_21] : memref<128x128xf32, #tpu.memory_space<vmem>>, vector<128x128xf32>
    %dot_general3A_23 = arith.constant dense<0.000000e+00> : vector<10000x128xf32>
    %dot_general3A_24 = tpu.matmul %get3A_19, %get3A_22, %dot_general3A_23 {dimension_numbers = #tpu.dot_dimension_numbers<[1], [0], [0], [1], [0, 0, 1, 1], [], []>, transpose_lhs_hint = false} : vector<10000x128xf32>, vector<128x128xf32>, vector<10000x128xf32> -> vector<10000x128xf32>
    %add3A_25 = arith.addf %dot_general3A_16, %dot_general3A_24 : vector<10000x128xf32>
    %get3A_26 = arith.constant 0 : index
    %get3A_27 = arith.constant 0 : index
    %get3A_28 = vector.load %arg5[%get3A_26, %get3A_27] : memref<1x128xf32, #tpu.memory_space<vmem>>, vector<1x128xf32>
    %add3A_29 = vector.broadcast %get3A_28 : vector<1x128xf32> to vector<10000x128xf32>
    %add3A_30 = arith.addf %add3A_25, %add3A_29 : vector<10000x128xf32>
    %reduce_sum3A = arith.constant dense<0.000000e+00> : vector<128xf32>
    %reduce_sum3A_31 = vector.multi_reduction <add>, %add3A_30, %reduce_sum3A [0] : vector<10000x128xf32> to vector<128xf32>
    %div3A = arith.constant 1.000000e+04 : f32
    %div3A_32 = vector.broadcast %div3A : f32 to vector<128xf32>
    %div3A_33 = arith.divf %reduce_sum3A_31, %div3A_32 : vector<128xf32>
    %broadcast_in_dim3A = vector.shape_cast %div3A_33 : vector<128xf32> to vector<1x128xf32>
    %sub3A = vector.broadcast %broadcast_in_dim3A : vector<1x128xf32> to vector<10000x128xf32>
    %sub3A_34 = arith.subf %add3A_30, %sub3A : vector<10000x128xf32>
    %integer_pow3A = arith.mulf %sub3A_34, %sub3A_34 : vector<10000x128xf32>
    %reduce_sum3A_35 = arith.constant dense<0.000000e+00> : vector<128xf32>
    %reduce_sum3A_36 = vector.multi_reduction <add>, %integer_pow3A, %reduce_sum3A_35 [0] : vector<10000x128xf32> to vector<128xf32>
    %div3A_37 = arith.constant 1.000000e+04 : f32
    %div3A_38 = vector.broadcast %div3A_37 : f32 to vector<128xf32>
    %div3A_39 = arith.divf %reduce_sum3A_36, %div3A_38 : vector<128xf32>
    %broadcast_in_dim3A_40 = vector.shape_cast %div3A_33 : vector<128xf32> to vector<1x128xf32>
    %sub3A_41 = vector.broadcast %broadcast_in_dim3A_40 : vector<1x128xf32> to vector<10000x128xf32>
    %sub3A_42 = arith.subf %add3A_30, %sub3A_41 : vector<10000x128xf32>
    %add3A_43 = arith.constant 9.99999974E-6 : f32
    %add3A_44 = vector.broadcast %add3A_43 : f32 to vector<128xf32>
    %add3A_45 = arith.addf %div3A_39, %add3A_44 : vector<128xf32>
    %rsqrt3A = math.rsqrt %add3A_45 : vector<128xf32>
    %broadcast_in_dim3A_46 = vector.shape_cast %rsqrt3A : vector<128xf32> to vector<1x128xf32>
    %mul3A_47 = vector.broadcast %broadcast_in_dim3A_46 : vector<1x128xf32> to vector<10000x128xf32>
    %mul3A_48 = arith.mulf %sub3A_42, %mul3A_47 : vector<10000x128xf32>
    %get3A_49 = arith.constant 0 : index
    %get3A_50 = arith.constant 0 : index
    %get3A_51 = vector.load %arg6[%get3A_49, %get3A_50] : memref<1x128xf32, #tpu.memory_space<vmem>>, vector<1x128xf32>
    %mul3A_52 = vector.broadcast %get3A_51 : vector<1x128xf32> to vector<10000x128xf32>
    %mul3A_53 = arith.mulf %mul3A_48, %mul3A_52 : vector<10000x128xf32>
    %get3A_54 = arith.constant 0 : index
    %get3A_55 = arith.constant 0 : index
    %get3A_56 = vector.load %arg7[%get3A_54, %get3A_55] : memref<1x128xf32, #tpu.memory_space<vmem>>, vector<1x128xf32>
    %add3A_57 = vector.broadcast %get3A_56 : vector<1x128xf32> to vector<10000x128xf32>
    %add3A_58 = arith.addf %mul3A_53, %add3A_57 : vector<10000x128xf32>
    %max3A = arith.constant 0.000000e+00 : f32
    %max3A_59 = vector.broadcast %max3A : f32 to vector<10000x128xf32>
    %max3A_60 = arith.maximumf %add3A_58, %max3A_59 : vector<10000x128xf32>
    %get3A_61 = arith.constant 0 : index
    %get3A_62 = arith.constant 0 : index
    %get3A_63 = vector.load %arg8[%get3A_61, %get3A_62] : memref<128x128xf32, #tpu.memory_space<vmem>>, vector<128x128xf32>
    %dot_general3A_64 = arith.constant dense<0.000000e+00> : vector<10000x128xf32>
    %dot_general3A_65 = tpu.matmul %max3A_60, %get3A_63, %dot_general3A_64 {dimension_numbers = #tpu.dot_dimension_numbers<[1], [0], [0], [1], [0, 0, 1, 1], [], []>, transpose_lhs_hint = false} : vector<10000x128xf32>, vector<128x128xf32>, vector<10000x128xf32> -> vector<10000x128xf32>
    %swap3A = arith.constant 0 : index
    %swap3A_66 = arith.constant 0 : index
    %swap3A_67 = vector.load %arg11[%swap3A, %swap3A_66] : memref<10000x128xf32, #tpu.memory_space<vmem>>, vector<10000x128xf32>
    tpu.vector_store %arg11[%swap3A, %swap3A_66], %dot_general3A_65 {strides = array<i32>} : memref<10000x128xf32, #tpu.memory_space<vmem>>, vector<10000x128xf32>,
    %get3A_68 = arith.constant 0 : index
    %get3A_69 = arith.constant 0 : index
    %get3A_70 = vector.load %arg9[%get3A_68, %get3A_69] : memref<128x64xf32, #tpu.memory_space<vmem>>, vector<128x64xf32>
    %dot_general3A_71 = arith.constant dense<0.000000e+00> : vector<10000x64xf32>
    %dot_general3A_72 = tpu.matmul %max3A_60, %get3A_70, %dot_general3A_71 {dimension_numbers = #tpu.dot_dimension_numbers<[1], [0], [0], [1], [0, 0, 1, 1], [], []>, transpose_lhs_hint = false} : vector<10000x128xf32>, vector<128x64xf32>, vector<10000x64xf32> -> vector<10000x64xf32>
    %get3A_73 = arith.constant 0 : index
    %get3A_74 = arith.constant 0 : index
    %get3A_75 = vector.load %arg10[%get3A_73, %get3A_74] : memref<1x64xf32, #tpu.memory_space<vmem>>, vector<1x64xf32>
    %add3A_76 = vector.broadcast %get3A_75 : vector<1x64xf32> to vector<10000x64xf32>
    %add3A_77 = arith.addf %dot_general3A_72, %add3A_76 : vector<10000x64xf32>
    %swap3A_78 = arith.constant 0 : index
    %swap3A_79 = arith.constant 0 : index
    %swap3A_80 = vector.load %arg12[%swap3A_78, %swap3A_79] : memref<10000x64xf32, #tpu.memory_space<vmem>>, vector<10000x64xf32>
    tpu.vector_store %arg12[%swap3A_78, %swap3A_79], %add3A_77 {strides = array<i32>} : memref<10000x64xf32, #tpu.memory_space<vmem>>, vector<10000x64xf32>,
    return
  }
}

module attributes {stable_mosaic.version = 14 : i64} {
  func.func @_tc3_body(%arg0: memref<2x10112x128xf32, #tpu.memory_space<vmem>>, %arg1: memref<10000x1xf32, #tpu.memory_space<vmem>>, %arg2: memref<10000x64xf32, #tpu.memory_space<vmem>>, %arg3: memref<10000x64xf32, #tpu.memory_space<vmem>>) attributes {dimension_semantics = [], scalar_prefetch = 0 : i64, scratch_operands = 0 : i64, tpu.core_type = #tpu.core_type<tc>} {
    %get3A = arith.constant 0 : index
    %get3A_0 = arith.constant 0 : index
    %get3A_1 = arith.constant 0 : index
    %get3A_2 = vector.load %arg0[%get3A, %get3A_0, %get3A_1] : memref<2x10112x128xf32, #tpu.memory_space<vmem>>, vector<1x10000x64xf32>
    %get3A_3 = vector.shape_cast %get3A_2 : vector<1x10000x64xf32> to vector<10000x64xf32>
    %get3A_4 = arith.constant 1 : index
    %get3A_5 = arith.constant 0 : index
    %get3A_6 = arith.constant 0 : index
    %get3A_7 = vector.load %arg0[%get3A_4, %get3A_5, %get3A_6] : memref<2x10112x128xf32, #tpu.memory_space<vmem>>, vector<1x10000x64xf32>
    %get3A_8 = vector.shape_cast %get3A_7 : vector<1x10000x64xf32> to vector<10000x64xf32>
    %add3A = arith.addf %get3A_3, %get3A_8 : vector<10000x64xf32>
    %get3A_9 = arith.constant 0 : index
    %get3A_10 = arith.constant 0 : index
    %get3A_11 = vector.load %arg1[%get3A_9, %get3A_10] : memref<10000x1xf32, #tpu.memory_space<vmem>>, vector<10000x1xf32>
    %mul3A = vector.broadcast %get3A_11 : vector<10000x1xf32> to vector<10000x64xf32>
    %mul3A_12 = arith.mulf %add3A, %mul3A : vector<10000x64xf32>
    %get3A_13 = arith.constant 0 : index
    %get3A_14 = arith.constant 0 : index
    %get3A_15 = vector.load %arg2[%get3A_13, %get3A_14] : memref<10000x64xf32, #tpu.memory_space<vmem>>, vector<10000x64xf32>
    %add3A_16 = arith.addf %mul3A_12, %get3A_15 : vector<10000x64xf32>
    %reduce_max3A = arith.constant dense<0xFF800000> : vector<10000xf32>
    %reduce_max3A_17 = vector.multi_reduction <maximumf>, %add3A_16, %reduce_max3A [1] : vector<10000x64xf32> to vector<10000xf32>
    %broadcast_in_dim3A = vector.shape_cast %reduce_max3A_17 : vector<10000xf32> to vector<10000x1xf32>
    %sub3A = vector.broadcast %broadcast_in_dim3A : vector<10000x1xf32> to vector<10000x64xf32>
    %sub3A_18 = arith.subf %add3A_16, %sub3A : vector<10000x64xf32>
    %exp3A = math.exp %sub3A_18 : vector<10000x64xf32>
    %reduce_sum3A = arith.constant dense<0.000000e+00> : vector<10000xf32>
    %reduce_sum3A_19 = vector.multi_reduction <add>, %exp3A, %reduce_sum3A [1] : vector<10000x64xf32> to vector<10000xf32>
    %broadcast_in_dim3A_20 = vector.shape_cast %reduce_sum3A_19 : vector<10000xf32> to vector<10000x1xf32>
    %sub3A_21 = vector.broadcast %broadcast_in_dim3A : vector<10000x1xf32> to vector<10000x64xf32>
    %sub3A_22 = arith.subf %add3A_16, %sub3A_21 : vector<10000x64xf32>
    %log3A = math.log %broadcast_in_dim3A_20 : vector<10000x1xf32>
    %sub3A_23 = vector.broadcast %log3A : vector<10000x1xf32> to vector<10000x64xf32>
    %sub3A_24 = arith.subf %sub3A_22, %sub3A_23 : vector<10000x64xf32>
    %swap3A = arith.constant 0 : index
    %swap3A_25 = arith.constant 0 : index
    %swap3A_26 = vector.load %arg3[%swap3A, %swap3A_25] : memref<10000x64xf32, #tpu.memory_space<vmem>>, vector<10000x64xf32>
    tpu.vector_store %arg3[%swap3A, %swap3A_25], %sub3A_24 {strides = array<i32>} : memref<10000x64xf32, #tpu.memory_space<vmem>>, vector<10000x64xf32>,
    return
  }
}

</mosaic_0001>

<sc_bundles>
// kernel: kernel.12.cloned.1.call-start
scs
__scs_entry_jumppad:
0x0: {  	(pc) =	sbr.rel $0x88, $3  }
0x1: {  	(tag) =	ssettag $0x0;
	lr =	simm.s32 $0x1  }
0x2: {  	[smem:$0x3F92] =	sst lr;
	_ =	strace $0xD0000000  }
0x3: {  	_ = 	snop  }
0x4: {  	_ = 	snop  }
0x5: {  	_ = 	snop  }
0x6: {  	_ = 	snop  }
0x7: {  	_ = 	snop  }
__scs_overlays_trampoline_lowered:
0x8: {  	[smem:$0x3FA1] =	sst s0  }
0x9: {  	[smem:$0x3FA2] =	sst s1  }
0xa: {  	[smem:$0x3FA3] =	sst s2  }
0xb: {  	[smem:$0x3FA4] =	sst s3  }
0xc: {  	[smem:$0x3FA5] =	sst s4  }
0xd: {  	[smem:$0x3FA6] =	sst s5  }
0xe: {  	[smem:$0x3FA7] =	sst s6  }
0xf: {  	[smem:$0x3FA8] =	sst s7  }
0x10: {  	[smem:$0x3FA9] =	sst s8  }
0x11: {  	[smem:$0x3FAA] =	sst s9;
	s0 =	simm.s32 @!p0 $0x0  }
0x12: {  	s1 =	sld [smem:$0x3F90];
	s0 =	simm.s32 @p0 $0x1  }
0x13: {  	[smem:$0x3FAB] =	sst s0;
	s0 =	simm.s32 @!p1 $0x0  }
0x14: {  	s2 =	sld [smem:$0x3F8F];
	s0 =	simm.s32 @p1 $0x1  }
0x15: {  	[smem:$0x3FAC] =	sst s0;
	s0 =	simm.s32 @!p2 $0x0  }
0x16: {  	s3 =	sld [smem:$0x3FDB];
	s0 =	simm.s32 @p2 $0x1  }
0x17: {  	s4 =	simm.s32 $0x1BF5;
	[smem:$0x3FAE] =	sst s0  }
0x18: {  	s0 =	sld [smem:$0x3F91];
	_ =	swait.ge [sflag:s4], $0x0  }
0x19: {  	s7 =	sld [smem:$0x3F92]  }
0x1a: {  	s8 =	sadd.s32 $0xFFFFE003, lr  }
0x1b: {  	s9 =	sadd.s32 $0xFFFFFEF7, lr;
	s5 =	simm.s32 $0xFFFFFFFF;
	p2 =	slt.u32 s8, $0xFFFFF086  }
0x1c: {  	p1 =	slt.u32 s9, $0xF7A;
	s5 =	simm.s32 @!p2 $0x0  }
0x1d: {  	s5 =	simm.s32 @p1 $0x1;
	p0 =	seq.s32 s7, s2  }
0x1e: {  	s7 =	smul.u32 @!p0 $0xF7A, s2;
	p2 =	seq.s32 @!p0 s5, $0x0  }
0x1f: {  	s9 =	smul.u32 $0xF7A, s1;
	s8 =	simm.s32 @!p0 $0x1BF5;
	p2 =	por !p2, p0  }
0x20: {  	[sflag:s8] =	ssyncset.s32 @!p0 $0xFFFFF086;
	s6 =	sadd.s32 @!p0 s3, s7;
	s7 =	simm.s32 @!p0 $0x108  }
0x21: {  	s3 =	sadd.s32 s3, s9;
	s6 =	sadd.s32 @!p0 $0x88, s6;
	s7 =	simm.s32 @p2 $0x1082  }
0x22: {  	[simem:s7], [sflag:s8] =	dma.local @!p0 [hbm:s6], $0xF7A  }
0x23: {  	s9 =	sor.u32 $0xD0000000, s2;
	s6 =	simm.s32 $0x108;
	_ =	swait.ge @!p0 [sflag:s8], $0x0  }
0x24: {  	s3 =	sadd.s32 $0x88, s3;
	s6 =	simm.s32 @!p1 $0x1082;
	[sflag:s4] =	ssyncset.s32 $0xFFFFF086  }
0x25: {  	[simem:s6], [sflag:s4] =	dma.local [hbm:s3], $0xF7A  }
0x26: {  	[smem:$0x3F92] =	sst s1;
	(tag) =	ssettag s2;
	_ =	strace s9  }
0x27: {  	s1 =	sld [smem:$0x3FA2]  }
0x28: {  	s2 =	sld [smem:$0x3FA3]  }
0x29: {  	s4 =	sld [smem:$0x3FA5]  }
0x2a: {  	p0 =	seq.s32 s5, $0x0;
	s5 =	sld [smem:$0x3FA6]  }
0x2b: {  	s6 =	sld [smem:$0x3FA7]  }
0x2c: {  	s7 =	sld [smem:$0x3FA8]  }
0x2d: {  	s3 =	simm.s32 $0x108;
	s8 =	sld [smem:$0x3FA9]  }
0x2e: {  	s3 =	simm.s32 @!p0 $0x1082;
	s9 =	sld [smem:$0x3FAA]  }
0x2f: {  	lr =	sadd.s32 s0, s3;
	s0 =	sld [smem:$0x3FA1]  }
0x30: {  	s3 =	sld [smem:$0x3FA4]  }
0x31: {  	[smem:$0x3FAD] =	sst s10  }
0x32: {  	s10 =	sld [smem:$0x3FAB];
	_ =	sdelay $0x3  }
0x33: {  	p0 =	seq.s32 s10, $0x1;
	s10 =	sld [smem:$0x3FAD];
	_ =	sdelay $0x3  }
0x34: {  	[smem:$0x3FAD] =	sst s10  }
0x35: {  	s10 =	sld [smem:$0x3FAC];
	_ =	sdelay $0x3  }
0x36: {  	p1 =	seq.s32 s10, $0x1;
	s10 =	sld [smem:$0x3FAD];
	_ =	sdelay $0x3  }
0x37: {  	[smem:$0x3FAD] =	sst s10  }
0x38: {  	s10 =	sld [smem:$0x3FAE]  }
0x39: {  	_ = 	snop;
	(pc) =	sbr.ind lr, $3  }
0x3a: {  	_ = 	snop  }
0x3b: {  	_ = 	snop  }
0x3c: {  	p2 =	seq.s32 s10, $0x1;
	s10 =	sld [smem:$0x3FAD]  }
0x3d: {  	_ =	shalt  }
0x3e: {  	_ =	shalt  }
0x3f: {  	_ =	shalt  }
0x40: {  	_ =	shalt  }
0x41: {  	_ =	shalt  }
0x42: {  	_ =	shalt  }
0x43: {  	_ =	shalt  }
0x44: {  	_ =	shalt  }
0x45: {  	_ =	shalt  }
0x46: {  	_ =	shalt  }
0x47: {  	_ =	shalt  }
0x48: {  	_ =	shalt  }
0x49: {  	_ =	shalt  }
0x4a: {  	_ =	shalt  }
0x4b: {  	_ =	shalt  }
0x4c: {  	_ =	shalt  }
0x4d: {  	_ =	shalt  }
0x4e: {  	_ =	shalt  }
0x4f: {  	_ =	shalt  }
0x50: {  	_ =	shalt  }
0x51: {  	_ =	shalt  }
0x52: {  	_ =	shalt  }
0x53: {  	_ =	shalt  }
0x54: {  	_ =	shalt  }
0x55: {  	_ =	shalt  }
0x56: {  	_ =	shalt  }
0x57: {  	_ =	shalt  }
0x58: {  	_ =	shalt  }
0x59: {  	_ =	shalt  }
0x5a: {  	_ =	shalt  }
0x5b: {  	_ =	shalt  }
0x5c: {  	_ =	shalt  }
0x5d: {  	_ =	shalt  }
0x5e: {  	_ =	shalt  }
0x5f: {  	_ =	shalt  }
0x60: {  	_ =	shalt  }
0x61: {  	_ =	shalt  }
0x62: {  	_ =	shalt  }
0x63: {  	_ =	shalt  }
0x64: {  	_ =	shalt  }
0x65: {  	_ =	shalt  }
0x66: {  	_ =	shalt  }
0x67: {  	_ =	shalt  }
0x68: {  	_ =	shalt  }
0x69: {  	_ =	shalt  }
0x6a: {  	_ =	shalt  }
0x6b: {  	_ =	shalt  }
0x6c: {  	_ =	shalt  }
0x6d: {  	_ =	shalt  }
0x6e: {  	_ =	shalt  }
0x6f: {  	_ =	shalt  }
0x70: {  	_ =	shalt  }
0x71: {  	_ =	shalt  }
0x72: {  	_ =	shalt  }
0x73: {  	_ =	shalt  }
0x74: {  	_ =	shalt  }
0x75: {  	_ =	shalt  }
0x76: {  	_ =	shalt  }
0x77: {  	_ =	shalt  }
0x78: {  	_ =	shalt  }
0x79: {  	_ =	shalt  }
0x7a: {  	_ =	shalt  }
0x7b: {  	_ =	shalt  }
0x7c: {  	_ =	shalt  }
0x7d: {  	_ =	shalt  }
0x7e: {  	_ =	shalt  }
0x7f: {  	_ =	shalt  }
0x80: {  	_ =	shalt  }
0x81: {  	_ =	shalt  }
0x82: {  	_ =	shalt  }
0x83: {  	_ =	shalt  }
0x84: {  	_ =	shalt  }
0x85: {  	_ =	shalt  }
0x86: {  	_ =	shalt  }
0x87: {  	_ =	shalt  }
.Lfunc_end0:
.L_simem_size_0:
called_computation.1_lowered:
.L_overlay_start_0:
0x88: {  	s2 =	sld [smem:$0x3FD9]  }
0x89: {  	s3 =	sld [smem:$0x3FFE];
	_ =	sdelay $0x1  }
0x8a: {  	s1 =	srdreg.scid  }
0x8b: {  	s0 =	sand.u32 $0x1, s1  }
0x8c: {  	s17 =	sshll.u32 s0, $0xA;
	s2 =	sadd.s32 s3, s2  }
0x8d: {  	s2 =	sadd.s32 s2, s17  }
0x8e: {  	[smem:$0x3FB9] =	sst s2  }
0x8f: {  	_ = 	snop  }
0x90: {  	s2 =	sld [smem:$0x3FC9]  }
0x91: {  	s18 =	sld [smem:$0x3FD0];
	(tm) =	ssettm $0x1  }
0x92: {  	s4 =	sld [smem:$0x3FFB];
	_ =	sdelay $0x3  }
0x93: {  	_ =	strace s4  }
0x94: {  	s4 =	sld [smem:$0x3FFC];
	_ =	sdelay $0x3  }
0x95: {  	_ =	strace s4  }
0x96: {  	s4 =	sld [smem:$0x3FFD];
	_ =	sdelay $0x3  }
0x97: {  	_ =	strace s4  }
0x98: {  	_ =	strace $0x8FFFFFFF  }
0x99: {  	s19 =	sld [smem:$0x3FDB];
	_ =	sdelay $0x1  }
0x9a: {  	s5 =	simm.s32 $_scs_section_size  }
0x9b: {  	s6 =	simm.s32 $_size__tile_overlayer_lowered;
	s7 =	simm.s32 $_tile_overlayer_lowered  }
0x9c: {  	s22 =	simm.s32 $0x1BFF;
	s21 =	sshll.u32 s7, $0x1;
	s4 =	sadd.s32 s5, s19  }
0x9d: {  	s8 =	simm.s32 $0x0;
	s20 =	sshll.u32 s6, $0x1;
	s6 =	sadd.s32 s21, s4  }
0x9e: {  	[timem:s8], [sflag:s22] =	dma.local [hbm:s6], s20  }
0x9f: {  	_ =	swait.ge [sflag:s22], s20  }
0xa0: {  	s5 =	ssub.s32 $0x0, s20;
	[sflag:s22] =	ssyncset.done $0x0  }
0xa1: {  	[sflag:s22] =	ssyncadd.s32 s5;
	_ =	sdelay $0x1  }
0xa2: {  	s23 =	simm.s32 $0x1B8B  }
0xa3: {  	_ =	swait.ge [sflag:s23], $0x1  }
0xa4: {  	[sflag:s23] =	ssyncset.done $0x0  }
0xa5: {  	s25 =	simm.s32 $0x1B8E;
	s24 =	sld [smem:$0x3FFE];
	[sflag:s23] =	ssyncadd.s32 $0xFFFFFFFF  }
0xa6: {  	s26 =	simm.s32 $execute0_lowered;
	[smem:$0x3FD2] =	sst s25  }
0xa7: {  	s6 =	sshll.u32 s26, $0x1;
	_ =	strace $0x80000046;
	[dreg:$0x1] =	wrdreg $0xFFFFFFFF  }
0xa8: {  	s28 =	simm.s32 $_size_execute0_lowered;
	s4 =	sadd.s32 s4, s6;
	[dreg:$0x0] =	wrdreg $0x0  }
0xa9: {  	s6 =	sshll.u32 s28, $0x1;
	[dreg:$0x2] =	wrdreg s4  }
0xaa: {  	[dreg:$0x3] =	wrdreg s6  }
0xab: {  	[dreg:$0x4] =	wrdreg $0xC0  }
0xac: {  	_ =	task [dreg:s8], $0x5FFFF  }
0xad: {  	[dreg:$0x1] =	wrdreg $0xFFFFFFFF  }
0xae: {  	[dreg:$0x0] =	wrdreg $0x60  }
0xaf: {  	[dreg:$0x2] =	wrdreg s2  }
0xb0: {  	[dreg:$0x3] =	wrdreg s18  }
0xb1: {  	[dreg:$0x4] =	wrdreg s24  }
0xb2: {  	[dreg:$0x5] =	wrdreg $0xA0000  }
0xb3: {  	[dreg:$0x6] =	wrdreg $0xA  }
0xb4: {  	_ =	task.clear_ibuf [dreg:s8], $0x7FFFF;
	_ =	strace $0x90000046  }
0xb5: {  	s29 =	simm.s32 $0xA;
	_ =	strace $0x80000048  }
0xb6: {  	_ =	swait.ge [sflag:s29], $0x1  }
0xb7: {  	[sflag:s29] =	ssyncadd.s32 $0xFFFFFFFF  }
0xb8: {  	_ =	strace $0x90000048  }
0xb9: {  	_ =	sfence  }
0xba: {  	s30 =	sld [smem:$0x0];
	_ =	sdelay $0x2  }
0xbb: {  	s31 =	sshll.u32 s1, $0xD;
	s1 =	sshrl.u32 s1, $0x2  }
0xbc: {  	s3 =	sand.u32 $0x4000, s31;
	s1 =	sadd.s32 s1, s30  }
0xbd: {  	s0 =	sor.u32 s3, s0;
	s1 =	sshll.u32 s1, $0x11  }
0xbe: {  	s0 =	sor.u32 s1, s0  }
0xbf: {  	s0 =	sadd.s32 $0x8F2B, s0  }
0xc0: {  	[sflag:s0] =	ssyncadd.remote.s32 $0x1  }
0xc1: {  	_ =	sfence.sel $0xFFFF  }
0xc2: {  	[dreg:$0x0] =	wrdreg $0xFFFFFFFF;
	(pc) =	sbr.abs _section_cstart, $3  }
0xc3: {  	[dreg:$0x1] =	wrdreg $0xFFFFFFFF  }
0xc4: {  	_ =	task.clear_ibuf [dreg:s8], $0x2FFFF;
	_ =	strace $0x9FFFFFFF  }
0xc5: {  	(tm) =	ssettm $0x7FFFFFFF  }
tec
execute0_lowered:
.L_overlay_start_1:
0x0: {  	(tag) =	ssettag $0x1  }
0x1: {  	s1 =	rddreg [dreg:$0x0]  }
0x2: {  	s5 =	rddreg [dreg:$0x1]  }
0x3: {  	s0 =	srdreg.scid;
	s7 =	rddreg [dreg:$0x2]  }
0x4: {  	s10 =	stileid.u32;
	s3 =	rddreg [dreg:$0x3]  }
0x5: {  	s4 =	simm.s32 $0x0;
	s11 =	simm.s32 $0x80;
	s12 =	simm.s32 $0x100  }
0x6: {  	s14 =	simm.s32 $0x180;
	s15 =	simm.s32 $0x880;
	s16 =	simm.s32 $0x200  }
0x7: {  	s17 =	simm.s32 $0x900;
	[smem:$0x7FF] =	sst s4;
	s24 =	sadd.s32 $0x11C00, s7  }
0x8: {  	s18 =	simm.s32 $0x280;
	_ =	strace $0x80000047;
	[dreg:$0x16] =	wrdreg s24  }
0x9: {  	s19 =	simm.s32 $0x980;
	s20 =	simm.s32 $0x300;
	[dreg:$0x7] =	wrdreg s11  }
0xa: {  	s21 =	simm.s32 $0xA00;
	s28 =	simm.s32 $0xD80;
	[dreg:$0x8] =	wrdreg s12  }
0xb: {  	s29 =	simm.s32 $0x700;
	s30 =	simm.s32 $0xE00;
	[dreg:$0x9] =	wrdreg s14  }
0xc: {  	s31 =	simm.s32 $0x780;
	s2 =	smul.u32 $0x7000, s10;
	[dreg:$0xa] =	wrdreg s15  }
0xd: {  	s0 =	sand.u32 $0x1, s0;
	s9 =	smul.u32 $0x13C00, s10;
	[dreg:$0xb] =	wrdreg s16  }
0xe: {  	s26 =	smul.u32 $0x4F000, s10;
	s13 =	sshll.u32 s10, $0x6;
	[dreg:$0xc] =	wrdreg s17  }
0xf: {  	s10 =	simm.s32 $0x4;
	s6 =	smul.u32 $0x3800, s0;
	[dreg:$0xd] =	wrdreg s18  }
0x10: {  	s8 =	smul.u32 $0x13C000, s0;
	s0 =	ssub.s32 $0x2, s0;
	[dreg:$0xe] =	wrdreg s19  }
0x11: {  	s11 =	simm.s32 $0x800;
	s12 =	simm.s32 $0x60;
	[dreg:$0xf] =	wrdreg s20  }
0x12: {  	[dreg:$0x10] =	wrdreg s21;
	s14 =	simm.s32 $0x4000;
	s15 =	simm.s32 $0x7000  }
0x13: {  	s24 =	simm.s32 $0x400;
	s16 =	simm.s32 $0x1;
	s17 =	simm.s32 $0x2  }
0x14: {  	s18 =	simm.s32 $0x3;
	s19 =	simm.s32 $0xB80;
	s20 =	simm.s32 $0x500  }
0x15: {  	s21 =	simm.s32 $0xC00;
	s25 =	sshrl.u32 s0, $0x1;
	[dreg:$0x13] =	wrdreg s24  }
0x16: {  	s24 =	simm.s32 $0x600;
	s2 =	sadd.s32 s6, s2;
	s22 =	sadd.s32 s9, s8  }
0x17: {  	s0 =	ssub.s32 s0, s25;
	s9 =	sshrl.u32 s26, $0x2;
	s25 =	simm.s32 $0xB00  }
0x18: {  	s26 =	simm.s32 $0x480;
	s2 =	sshrl.u32 s2, $0x3;
	s6 =	sshrl.u32 s22, $0x3  }
0x19: {  	s0 =	smax.u32 s0, $0x1;
	s22 =	simm.s32 $0x380;
	[dreg:$0x14] =	wrdreg s25  }
0x1a: {  	[dreg:$0x15] =	wrdreg s26;
	s25 =	simm.s32 $0xD00;
	s26 =	simm.s32 $0x680  }
0x1b: {  	s23 =	sadd.s32 s2, s7;
	s6 =	sadd.s32 s6, s7;
	[dreg:$0x19] =	wrdreg s0  }
0x1c: {  	s2 =	sadd.s32 s2, s5;
	s5 =	sadd.s32 s9, s3;
	[dreg:$0x11] =	wrdreg s22  }
0x1d: {  	s7 =	sor.u32 $0x1C04, s13;
	s13 =	simm.s32 $0x1000;
	[dreg:$0x6] =	wrdreg s2  }
0x1e: {  	s22 =	simm.s32 $0x580;
	s8 =	sadd.s32 $0x3C00, s23;
	[dreg:$0x17] =	wrdreg s7  }
0x1f: {  	s0 =	simm.s32 $0xF00;
	s6 =	sadd.s32 $0x14400, s6;
	[dreg:$0x5] =	wrdreg s8  }
0x20: {  	s9 =	simm.s32 $0x0;
	s23 =	simm.s32 $0xA80;
	[dreg:$0x18] =	wrdreg s6  }
0x21: {  	s2 =	simm.s32 $0xE80;
	s8 =	sshrl.u32 s5, $0x3;
	[dreg:$0x12] =	wrdreg s23  }
0x22: {  	s23 =	simm.s32 $0xC80;
	s5 =	simm.s32 $0xF80;
	[dreg:$0x1a] =	wrdreg s8  }
.LBB2_1:
0x23: {  	[dreg:$0x1b] =	wrdreg s9  }
0x24: {  	s6 =	rddreg [dreg:$0x16]  }
0x25: {  	[spmem:s8], [sflag:s7] =	dma.local [hbm:s6], $0x2780  }
0x26: {  	_ =	swait.ge [sflag:s10], $0x2780  }
0x27: {  	[sflag:s10] =	ssyncset.done $0x0  }
0x28: {  	[sflag:s10] =	ssyncadd.s32 $0xFFFFD880  }
0x29: {  	[bflag:$0x0] =	sbarrier.arrive $0xFFFF  }
0x2a: {  	s7 =	rddreg [dreg:$0x6]  }
0x2b: {  	s6 =	sadd.s32 $0x0, s7  }
0x2c: {  	[tilespmem:s4], [sflag:$0x4] =	stream.linear.gather [hbm4b:s6+s4], $0x800, $0x38;
	[tilespmem:$0x1DC00] =	vst v63  }
0x2d: {  	_ =	swait.ge [sflag:s10], $0x800  }
0x2e: {  	s8 =	rddreg [dreg:$0x5];
	[sflag:s10] =	ssyncset.done $0x0  }
0x2f: {  	[sflag:s10] =	ssyncadd.s32 $0xFFFFF800;
	s6 =	sadd.s32 $0x0, s8  }
0x30: {  	[tilespmem:s11], [sflag:$0x4] =	stream.linear.gather [hbm4b:s6+s4], $0x800, $0x38;
	[tilespmem:$0x1DC00] =	vst v63  }
0x31: {  	_ =	swait.ge [sflag:s10], $0x800  }
0x32: {  	[sflag:s10] =	ssyncset.done $0x0  }
0x33: {  	[sflag:s10] =	ssyncadd.s32 $0xFFFFF800  }
0x34: {  	[tilespmem:s13], [sflag:$0x1] =	stream.indirect.gather [hbm4b:s1+s12], $0x80, s4, s12, $0xb8;
	[tilespmem:$0x1DC00] =	vst v63  }
0x35: {  	s9 =	rddreg [dreg:$0x7]  }
0x36: {  	[tilespmem:s14], [sflag:$0x2] =	stream.indirect.gather [hbm4b:s1+s12], $0x80, s9, s12, $0xb8;
	[tilespmem:$0x1DC00] =	vst v63  }
0x37: {  	s7 =	rddreg [dreg:$0x8]  }
0x38: {  	[tilespmem:s15], [sflag:$0x3] =	stream.indirect.gather [hbm4b:s1+s12], $0x80, s7, s12, $0xb8;
	[tilespmem:$0x1DC00] =	vst v63  }
0x39: {  	_ =	swait.ge [sflag:s16], $0x3000  }
0x3a: {  	[sflag:s16] =	ssyncset.done $0x0  }
0x3b: {  	[sflag:s16] =	ssyncadd.s32 $0xFFFFD000  }
0x3c: {  	[spmem:s3] =	stream.indirect.scatter.add.f32 [tilespmem:s13], [sflag:$0x4], $0x80, s11, s12, $0xb8;
	[tilespmem:$0x1DC00] =	vst v63  }
0x3d: {  	_ =	swait.ge [sflag:s10], $0x3000  }
0x3e: {  	[sflag:s10] =	ssyncset.done $0x0  }
0x3f: {  	s9 =	rddreg [dreg:$0x9];
	[sflag:s10] =	ssyncadd.s32 $0xFFFFD000  }
0x40: {  	[tilespmem:s13], [sflag:$0x1] =	stream.indirect.gather [hbm4b:s1+s12], $0x80, s9, s12, $0xb8;
	[tilespmem:$0x1DC00] =	vst v63  }
0x41: {  	_ =	swait.ge [sflag:s17], $0x3000  }
0x42: {  	[sflag:s17] =	ssyncset.done $0x0  }
0x43: {  	s7 =	rddreg [dreg:$0xa];
	[sflag:s17] =	ssyncadd.s32 $0xFFFFD000  }
0x44: {  	[spmem:s3] =	stream.indirect.scatter.add.f32 [tilespmem:s14], [sflag:$0x4], $0x80, s7, s12, $0xb8;
	[tilespmem:$0x1DC00] =	vst v63  }
0x45: {  	_ =	swait.ge [sflag:s10], $0x3000  }
0x46: {  	[sflag:s10] =	ssyncset.done $0x0  }
0x47: {  	s8 =	rddreg [dreg:$0xb];
	[sflag:s10] =	ssyncadd.s32 $0xFFFFD000  }
0x48: {  	[tilespmem:s14], [sflag:$0x2] =	stream.indirect.gather [hbm4b:s1+s12], $0x80, s8, s12, $0xb8;
	[tilespmem:$0x1DC00] =	vst v63  }
0x49: {  	_ =	swait.ge [sflag:s18], $0x3000  }
0x4a: {  	[sflag:s18] =	ssyncset.done $0x0  }
0x4b: {  	s9 =	rddreg [dreg:$0xc];
	[sflag:s18] =	ssyncadd.s32 $0xFFFFD000  }
0x4c: {  	[spmem:s3] =	stream.indirect.scatter.add.f32 [tilespmem:s15], [sflag:$0x4], $0x80, s9, s12, $0xb8;
	[tilespmem:$0x1DC00] =	vst v63  }
0x4d: {  	_ =	swait.ge [sflag:s10], $0x3000  }
0x4e: {  	[sflag:s10] =	ssyncset.done $0x0  }
0x4f: {  	s7 =	rddreg [dreg:$0xd];
	[sflag:s10] =	ssyncadd.s32 $0xFFFFD000  }
0x50: {  	[tilespmem:s15], [sflag:$0x3] =	stream.indirect.gather [hbm4b:s1+s12], $0x80, s7, s12, $0xb8;
	[tilespmem:$0x1DC00] =	vst v63  }
0x51: {  	_ =	swait.ge [sflag:s16], $0x3000  }
0x52: {  	[sflag:s16] =	ssyncset.done $0x0  }
0x53: {  	s8 =	rddreg [dreg:$0xe];
	[sflag:s16] =	ssyncadd.s32 $0xFFFFD000  }
0x54: {  	[spmem:s3] =	stream.indirect.scatter.add.f32 [tilespmem:s13], [sflag:$0x4], $0x80, s8, s12, $0xb8;
	[tilespmem:$0x1DC00] =	vst v63  }
0x55: {  	_ =	swait.ge [sflag:s10], $0x3000  }
0x56: {  	[sflag:s10] =	ssyncset.done $0x0  }
0x57: {  	s9 =	rddreg [dreg:$0xf];
	[sflag:s10] =	ssyncadd.s32 $0xFFFFD000  }
0x58: {  	[tilespmem:s13], [sflag:$0x1] =	stream.indirect.gather [hbm4b:s1+s12], $0x80, s9, s12, $0xb8;
	[tilespmem:$0x1DC00] =	vst v63  }
0x59: {  	_ =	swait.ge [sflag:s17], $0x3000  }
0x5a: {  	[sflag:s17] =	ssyncset.done $0x0  }
0x5b: {  	s7 =	rddreg [dreg:$0x10];
	[sflag:s17] =	ssyncadd.s32 $0xFFFFD000  }
0x5c: {  	[spmem:s3] =	stream.indirect.scatter.add.f32 [tilespmem:s14], [sflag:$0x4], $0x80, s7, s12, $0xb8;
	[tilespmem:$0x1DC00] =	vst v63  }
0x5d: {  	_ =	swait.ge [sflag:s10], $0x3000  }
0x5e: {  	[sflag:s10] =	ssyncset.done $0x0  }
0x5f: {  	s8 =	rddreg [dreg:$0x11];
	[sflag:s10] =	ssyncadd.s32 $0xFFFFD000  }
0x60: {  	[tilespmem:s14], [sflag:$0x2] =	stream.indirect.gather [hbm4b:s1+s12], $0x80, s8, s12, $0xb8;
	[tilespmem:$0x1DC00] =	vst v63  }
0x61: {  	_ =	swait.ge [sflag:s18], $0x3000  }
0x62: {  	[sflag:s18] =	ssyncset.done $0x0  }
0x63: {  	s9 =	rddreg [dreg:$0x12];
	[sflag:s18] =	ssyncadd.s32 $0xFFFFD000  }
0x64: {  	[spmem:s3] =	stream.indirect.scatter.add.f32 [tilespmem:s15], [sflag:$0x4], $0x80, s9, s12, $0xb8;
	[tilespmem:$0x1DC00] =	vst v63  }
0x65: {  	_ =	swait.ge [sflag:s10], $0x3000  }
0x66: {  	[sflag:s10] =	ssyncset.done $0x0  }
0x67: {  	s7 =	rddreg [dreg:$0x13];
	[sflag:s10] =	ssyncadd.s32 $0xFFFFD000  }
0x68: {  	[tilespmem:s15], [sflag:$0x3] =	stream.indirect.gather [hbm4b:s1+s12], $0x80, s7, s12, $0xb8;
	[tilespmem:$0x1DC00] =	vst v63  }
0x69: {  	_ =	swait.ge [sflag:s16], $0x3000  }
0x6a: {  	[sflag:s16] =	ssyncset.done $0x0  }
0x6b: {  	s8 =	rddreg [dreg:$0x14];
	[sflag:s16] =	ssyncadd.s32 $0xFFFFD000  }
0x6c: {  	[spmem:s3] =	stream.indirect.scatter.add.f32 [tilespmem:s13], [sflag:$0x4], $0x80, s8, s12, $0xb8;
	[tilespmem:$0x1DC00] =	vst v63  }
0x6d: {  	_ =	swait.ge [sflag:s10], $0x3000  }
0x6e: {  	[sflag:s10] =	ssyncset.done $0x0  }
0x6f: {  	s9 =	rddreg [dreg:$0x15];
	[sflag:s10] =	ssyncadd.s32 $0xFFFFD000  }
0x70: {  	[tilespmem:s13], [sflag:$0x1] =	stream.indirect.gather [hbm4b:s1+s12], $0x80, s9, s12, $0xb8;
	[tilespmem:$0x1DC00] =	vst v63  }
0x71: {  	_ =	swait.ge [sflag:s17], $0x3000  }
0x72: {  	[sflag:s17] =	ssyncset.done $0x0  }
0x73: {  	[sflag:s17] =	ssyncadd.s32 $0xFFFFD000  }
0x74: {  	[spmem:s3] =	stream.indirect.scatter.add.f32 [tilespmem:s14], [sflag:$0x4], $0x80, s19, s12, $0xb8;
	[tilespmem:$0x1DC00] =	vst v63  }
0x75: {  	_ =	swait.ge [sflag:s10], $0x3000  }
0x76: {  	[sflag:s10] =	ssyncset.done $0x0  }
0x77: {  	[sflag:s10] =	ssyncadd.s32 $0xFFFFD000  }
0x78: {  	[tilespmem:s14], [sflag:$0x2] =	stream.indirect.gather [hbm4b:s1+s12], $0x80, s20, s12, $0xb8;
	[tilespmem:$0x1DC00] =	vst v63  }
0x79: {  	_ =	swait.ge [sflag:s18], $0x3000  }
0x7a: {  	[sflag:s18] =	ssyncset.done $0x0  }
0x7b: {  	[sflag:s18] =	ssyncadd.s32 $0xFFFFD000  }
0x7c: {  	[spmem:s3] =	stream.indirect.scatter.add.f32 [tilespmem:s15], [sflag:$0x4], $0x80, s21, s12, $0xb8;
	[tilespmem:$0x1DC00] =	vst v63  }
0x7d: {  	_ =	swait.ge [sflag:s10], $0x3000  }
0x7e: {  	[sflag:s10] =	ssyncset.done $0x0  }
0x7f: {  	[sflag:s10] =	ssyncadd.s32 $0xFFFFD000  }
0x80: {  	[tilespmem:s15], [sflag:$0x3] =	stream.indirect.gather [hbm4b:s1+s12], $0x80, s22, s12, $0xb8;
	[tilespmem:$0x1DC00] =	vst v63  }
0x81: {  	_ =	swait.ge [sflag:s16], $0x3000  }
0x82: {  	[sflag:s16] =	ssyncset.done $0x0  }
0x83: {  	[sflag:s16] =	ssyncadd.s32 $0xFFFFD000  }
0x84: {  	[spmem:s3] =	stream.indirect.scatter.add.f32 [tilespmem:s13], [sflag:$0x4], $0x80, s23, s12, $0xb8;
	[tilespmem:$0x1DC00] =	vst v63  }
0x85: {  	_ =	swait.ge [sflag:s10], $0x3000  }
0x86: {  	[sflag:s10] =	ssyncset.done $0x0  }
0x87: {  	[sflag:s10] =	ssyncadd.s32 $0xFFFFD000  }
0x88: {  	[tilespmem:s13], [sflag:$0x1] =	stream.indirect.gather [hbm4b:s1+s12], $0x80, s24, s12, $0xb8;
	[tilespmem:$0x1DC00] =	vst v63  }
0x89: {  	_ =	swait.ge [sflag:s17], $0x3000  }
0x8a: {  	[sflag:s17] =	ssyncset.done $0x0  }
0x8b: {  	[sflag:s17] =	ssyncadd.s32 $0xFFFFD000  }
0x8c: {  	[spmem:s3] =	stream.indirect.scatter.add.f32 [tilespmem:s14], [sflag:$0x4], $0x80, s25, s12, $0xb8;
	[tilespmem:$0x1DC00] =	vst v63  }
0x8d: {  	_ =	swait.ge [sflag:s10], $0x3000  }
0x8e: {  	[sflag:s10] =	ssyncset.done $0x0  }
0x8f: {  	[sflag:s10] =	ssyncadd.s32 $0xFFFFD000  }
0x90: {  	[tilespmem:s14], [sflag:$0x2] =	stream.indirect.gather [hbm4b:s1+s12], $0x80, s26, s12, $0xb8;
	[tilespmem:$0x1DC00] =	vst v63  }
0x91: {  	_ =	swait.ge [sflag:s18], $0x3000  }
0x92: {  	[sflag:s18] =	ssyncset.done $0x0  }
0x93: {  	[sflag:s18] =	ssyncadd.s32 $0xFFFFD000  }
0x94: {  	[spmem:s3] =	stream.indirect.scatter.add.f32 [tilespmem:s15], [sflag:$0x4], $0x80, s28, s12, $0xb8;
	[tilespmem:$0x1DC00] =	vst v63  }
0x95: {  	_ =	swait.ge [sflag:s10], $0x3000  }
0x96: {  	[sflag:s10] =	ssyncset.done $0x0  }
0x97: {  	[sflag:s10] =	ssyncadd.s32 $0xFFFFD000  }
0x98: {  	[tilespmem:s15], [sflag:$0x3] =	stream.indirect.gather [hbm4b:s1+s12], $0x80, s29, s12, $0xb8;
	[tilespmem:$0x1DC00] =	vst v63  }
0x99: {  	_ =	swait.ge [sflag:s16], $0x3000  }
0x9a: {  	[sflag:s16] =	ssyncset.done $0x0  }
0x9b: {  	[sflag:s16] =	ssyncadd.s32 $0xFFFFD000  }
0x9c: {  	[spmem:s3] =	stream.indirect.scatter.add.f32 [tilespmem:s13], [sflag:$0x4], $0x80, s30, s12, $0xb8;
	[tilespmem:$0x1DC00] =	vst v63  }
0x9d: {  	_ =	swait.ge [sflag:s10], $0x3000  }
0x9e: {  	[sflag:s10] =	ssyncset.done $0x0  }
0x9f: {  	[sflag:s10] =	ssyncadd.s32 $0xFFFFD000  }
0xa0: {  	[tilespmem:s13], [sflag:$0x1] =	stream.indirect.gather [hbm4b:s1+s12], $0x80, s31, s12, $0xb8;
	[tilespmem:$0x1DC00] =	vst v63  }
0xa1: {  	_ =	swait.ge [sflag:s17], $0x3000  }
0xa2: {  	[sflag:s17] =	ssyncset.done $0x0  }
0xa3: {  	[sflag:s17] =	ssyncadd.s32 $0xFFFFD000  }
0xa4: {  	[spmem:s3] =	stream.indirect.scatter.add.f32 [tilespmem:s14], [sflag:$0x4], $0x80, s2, s12, $0xb8;
	[tilespmem:$0x1DC00] =	vst v63  }
0xa5: {  	_ =	swait.ge [sflag:s10], $0x3000  }
0xa6: {  	[sflag:s10] =	ssyncset.done $0x0  }
0xa7: {  	[sflag:s10] =	ssyncadd.s32 $0xFFFFD000  }
0xa8: {  	_ =	swait.ge [sflag:s18], $0x3000  }
0xa9: {  	[sflag:s18] =	ssyncset.done $0x0  }
0xaa: {  	[sflag:s18] =	ssyncadd.s32 $0xFFFFD000  }
0xab: {  	[spmem:s3] =	stream.indirect.scatter.add.f32 [tilespmem:s15], [sflag:$0x4], $0x80, s0, s12, $0xb8;
	[tilespmem:$0x1DC00] =	vst v63  }
0xac: {  	_ =	swait.ge [sflag:s10], $0x3000  }
0xad: {  	[sflag:s10] =	ssyncset.done $0x0  }
0xae: {  	[sflag:s10] =	ssyncadd.s32 $0xFFFFD000  }
0xaf: {  	_ =	swait.ge [sflag:s16], $0x3000  }
0xb0: {  	[sflag:s16] =	ssyncset.done $0x0  }
0xb1: {  	[sflag:s16] =	ssyncadd.s32 $0xFFFFD000  }
0xb2: {  	[spmem:s3] =	stream.indirect.scatter.add.f32 [tilespmem:s13], [sflag:$0x4], $0x80, s5, s12, $0xb8;
	[tilespmem:$0x1DC00] =	vst v63  }
0xb3: {  	s6 =	simm.s32 $0x200;
	_ =	swait.ge [sflag:s10], $0x3000  }
0xb4: {  	s8 =	simm.s32 $0x100;
	s9 =	rddreg [dreg:$0x6];
	[sflag:s10] =	ssyncset.done $0x0  }
.LBB2_2:
0xb5: {  	[sflag:s10] =	ssyncadd.s32 $0xFFFFD000;
	s9 =	sadd.s32 s8, s9  }
0xb6: {  	[tilespmem:s4], [sflag:$0x4] =	stream.linear.gather [hbm4b:s9+s4], $0x800, $0x38;
	[tilespmem:$0x1DC00] =	vst v63  }
0xb7: {  	_ =	swait.ge [sflag:s10], $0x800  }
0xb8: {  	s9 =	rddreg [dreg:$0x5];
	[sflag:s10] =	ssyncset.done $0x0  }
0xb9: {  	[sflag:s10] =	ssyncadd.s32 $0xFFFFF800;
	s9 =	sadd.s32 s8, s9  }
0xba: {  	[tilespmem:s11], [sflag:$0x4] =	stream.linear.gather [hbm4b:s9+s4], $0x800, $0x38;
	[tilespmem:$0x1DC00] =	vst v63  }
0xbb: {  	_ =	swait.ge [sflag:s10], $0x800  }
0xbc: {  	[sflag:s10] =	ssyncset.done $0x0  }
0xbd: {  	s7 =	smov.u32 s6;
	[sflag:s10] =	ssyncadd.s32 $0xFFFFF800  }
0xbe: {  	[tilespmem:s13], [sflag:$0x1] =	stream.indirect.gather [hbm4b:s1+s12], $0x80, s4, s12, $0xb8;
	[tilespmem:$0x1DC00] =	vst v63  }
0xbf: {  	s8 =	smov.u32 s7;
	s7 =	rddreg [dreg:$0x7]  }
0xc0: {  	[tilespmem:s14], [sflag:$0x2] =	stream.indirect.gather [hbm4b:s1+s12], $0x80, s7, s12, $0xb8;
	[tilespmem:$0x1DC00] =	vst v63  }
0xc1: {  	s9 =	rddreg [dreg:$0x8]  }
0xc2: {  	[tilespmem:s15], [sflag:$0x3] =	stream.indirect.gather [hbm4b:s1+s12], $0x80, s9, s12, $0xb8;
	[tilespmem:$0x1DC00] =	vst v63  }
0xc3: {  	_ =	swait.ge [sflag:s16], $0x3000  }
0xc4: {  	[sflag:s16] =	ssyncset.done $0x0  }
0xc5: {  	[sflag:s16] =	ssyncadd.s32 $0xFFFFD000  }
0xc6: {  	[spmem:s3] =	stream.indirect.scatter.add.f32 [tilespmem:s13], [sflag:$0x4], $0x80, s11, s12, $0xb8;
	[tilespmem:$0x1DC00] =	vst v63  }
0xc7: {  	_ =	swait.ge [sflag:s10], $0x3000  }
0xc8: {  	[sflag:s10] =	ssyncset.done $0x0  }
0xc9: {  	s9 =	rddreg [dreg:$0x9];
	[sflag:s10] =	ssyncadd.s32 $0xFFFFD000  }
0xca: {  	[tilespmem:s13], [sflag:$0x1] =	stream.indirect.gather [hbm4b:s1+s12], $0x80, s9, s12, $0xb8;
	[tilespmem:$0x1DC00] =	vst v63  }
0xcb: {  	_ =	swait.ge [sflag:s17], $0x3000  }
0xcc: {  	[sflag:s17] =	ssyncset.done $0x0  }
0xcd: {  	s9 =	rddreg [dreg:$0xa];
	[sflag:s17] =	ssyncadd.s32 $0xFFFFD000  }
0xce: {  	[spmem:s3] =	stream.indirect.scatter.add.f32 [tilespmem:s14], [sflag:$0x4], $0x80, s9, s12, $0xb8;
	[tilespmem:$0x1DC00] =	vst v63  }
0xcf: {  	_ =	swait.ge [sflag:s10], $0x3000  }
0xd0: {  	[sflag:s10] =	ssyncset.done $0x0  }
0xd1: {  	s9 =	rddreg [dreg:$0xb];
	[sflag:s10] =	ssyncadd.s32 $0xFFFFD000  }
0xd2: {  	[tilespmem:s14], [sflag:$0x2] =	stream.indirect.gather [hbm4b:s1+s12], $0x80, s9, s12, $0xb8;
	[tilespmem:$0x1DC00] =	vst v63  }
0xd3: {  	_ =	swait.ge [sflag:s18], $0x3000  }
0xd4: {  	[sflag:s18] =	ssyncset.done $0x0  }
0xd5: {  	s9 =	rddreg [dreg:$0xc];
	[sflag:s18] =	ssyncadd.s32 $0xFFFFD000  }
0xd6: {  	[spmem:s3] =	stream.indirect.scatter.add.f32 [tilespmem:s15], [sflag:$0x4], $0x80, s9, s12, $0xb8;
	[tilespmem:$0x1DC00] =	vst v63  }
0xd7: {  	_ =	swait.ge [sflag:s10], $0x3000  }
0xd8: {  	[sflag:s10] =	ssyncset.done $0x0  }
0xd9: {  	s9 =	rddreg [dreg:$0xd];
	[sflag:s10] =	ssyncadd.s32 $0xFFFFD000  }
0xda: {  	[tilespmem:s15], [sflag:$0x3] =	stream.indirect.gather [hbm4b:s1+s12], $0x80, s9, s12, $0xb8;
	[tilespmem:$0x1DC00] =	vst v63  }
0xdb: {  	_ =	swait.ge [sflag:s16], $0x3000  }
0xdc: {  	[sflag:s16] =	ssyncset.done $0x0  }
0xdd: {  	s9 =	rddreg [dreg:$0xe];
	[sflag:s16] =	ssyncadd.s32 $0xFFFFD000  }
0xde: {  	[spmem:s3] =	stream.indirect.scatter.add.f32 [tilespmem:s13], [sflag:$0x4], $0x80, s9, s12, $0xb8;
	[tilespmem:$0x1DC00] =	vst v63  }
0xdf: {  	_ =	swait.ge [sflag:s10], $0x3000  }
0xe0: {  	[sflag:s10] =	ssyncset.done $0x0  }
0xe1: {  	s9 =	rddreg [dreg:$0xf];
	[sflag:s10] =	ssyncadd.s32 $0xFFFFD000  }
0xe2: {  	[tilespmem:s13], [sflag:$0x1] =	stream.indirect.gather [hbm4b:s1+s12], $0x80, s9, s12, $0xb8;
	[tilespmem:$0x1DC00] =	vst v63  }
0xe3: {  	_ =	swait.ge [sflag:s17], $0x3000  }
0xe4: {  	[sflag:s17] =	ssyncset.done $0x0  }
0xe5: {  	s9 =	rddreg [dreg:$0x10];
	[sflag:s17] =	ssyncadd.s32 $0xFFFFD000  }
0xe6: {  	[spmem:s3] =	stream.indirect.scatter.add.f32 [tilespmem:s14], [sflag:$0x4], $0x80, s9, s12, $0xb8;
	[tilespmem:$0x1DC00] =	vst v63  }
0xe7: {  	_ =	swait.ge [sflag:s10], $0x3000  }
0xe8: {  	[sflag:s10] =	ssyncset.done $0x0  }
0xe9: {  	s9 =	rddreg [dreg:$0x11];
	[sflag:s10] =	ssyncadd.s32 $0xFFFFD000  }
0xea: {  	[tilespmem:s14], [sflag:$0x2] =	stream.indirect.gather [hbm4b:s1+s12], $0x80, s9, s12, $0xb8;
	[tilespmem:$0x1DC00] =	vst v63  }
0xeb: {  	_ =	swait.ge [sflag:s18], $0x3000  }
0xec: {  	[sflag:s18] =	ssyncset.done $0x0  }
0xed: {  	s9 =	rddreg [dreg:$0x12];
	[sflag:s18] =	ssyncadd.s32 $0xFFFFD000  }
0xee: {  	[spmem:s3] =	stream.indirect.scatter.add.f32 [tilespmem:s15], [sflag:$0x4], $0x80, s9, s12, $0xb8;
	[tilespmem:$0x1DC00] =	vst v63  }
0xef: {  	_ =	swait.ge [sflag:s10], $0x3000  }
0xf0: {  	[sflag:s10] =	ssyncset.done $0x0  }
0xf1: {  	s9 =	rddreg [dreg:$0x13];
	[sflag:s10] =	ssyncadd.s32 $0xFFFFD000  }
0xf2: {  	[tilespmem:s15], [sflag:$0x3] =	stream.indirect.gather [hbm4b:s1+s12], $0x80, s9, s12, $0xb8;
	[tilespmem:$0x1DC00] =	vst v63  }
0xf3: {  	_ =	swait.ge [sflag:s16], $0x3000  }
0xf4: {  	[sflag:s16] =	ssyncset.done $0x0  }
0xf5: {  	s9 =	rddreg [dreg:$0x14];
	[sflag:s16] =	ssyncadd.s32 $0xFFFFD000  }
0xf6: {  	[spmem:s3] =	stream.indirect.scatter.add.f32 [tilespmem:s13], [sflag:$0x4], $0x80, s9, s12, $0xb8;
	[tilespmem:$0x1DC00] =	vst v63  }
0xf7: {  	_ =	swait.ge [sflag:s10], $0x3000  }
0xf8: {  	[sflag:s10] =	ssyncset.done $0x0  }
0xf9: {  	s9 =	rddreg [dreg:$0x15];
	[sflag:s10] =	ssyncadd.s32 $0xFFFFD000  }
0xfa: {  	[tilespmem:s13], [sflag:$0x1] =	stream.indirect.gather [hbm4b:s1+s12], $0x80, s9, s12, $0xb8;
	[tilespmem:$0x1DC00] =	vst v63  }
0xfb: {  	_ =	swait.ge [sflag:s17], $0x3000  }
0xfc: {  	[sflag:s17] =	ssyncset.done $0x0  }
0xfd: {  	[sflag:s17] =	ssyncadd.s32 $0xFFFFD000  }
0xfe: {  	[spmem:s3] =	stream.indirect.scatter.add.f32 [tilespmem:s14], [sflag:$0x4], $0x80, s19, s12, $0xb8;
	[tilespmem:$0x1DC00] =	vst v63  }
0xff: {  	_ =	swait.ge [sflag:s10], $0x3000  }
0x100: {  	[sflag:s10] =	ssyncset.done $0x0  }
0x101: {  	[sflag:s10] =	ssyncadd.s32 $0xFFFFD000  }
0x102: {  	[tilespmem:s14], [sflag:$0x2] =	stream.indirect.gather [hbm4b:s1+s12], $0x80, s20, s12, $0xb8;
	[tilespmem:$0x1DC00] =	vst v63  }
0x103: {  	_ =	swait.ge [sflag:s18], $0x3000  }
0x104: {  	[sflag:s18] =	ssyncset.done $0x0  }
0x105: {  	[sflag:s18] =	ssyncadd.s32 $0xFFFFD000  }
0x106: {  	[spmem:s3] =	stream.indirect.scatter.add.f32 [tilespmem:s15], [sflag:$0x4], $0x80, s21, s12, $0xb8;
	[tilespmem:$0x1DC00] =	vst v63  }
0x107: {  	_ =	swait.ge [sflag:s10], $0x3000  }
0x108: {  	[sflag:s10] =	ssyncset.done $0x0  }
0x109: {  	[sflag:s10] =	ssyncadd.s32 $0xFFFFD000  }
0x10a: {  	[tilespmem:s15], [sflag:$0x3] =	stream.indirect.gather [hbm4b:s1+s12], $0x80, s22, s12, $0xb8;
	[tilespmem:$0x1DC00] =	vst v63  }
0x10b: {  	_ =	swait.ge [sflag:s16], $0x3000  }
0x10c: {  	[sflag:s16] =	ssyncset.done $0x0  }
0x10d: {  	[sflag:s16] =	ssyncadd.s32 $0xFFFFD000  }
0x10e: {  	[spmem:s3] =	stream.indirect.scatter.add.f32 [tilespmem:s13], [sflag:$0x4], $0x80, s23, s12, $0xb8;
	[tilespmem:$0x1DC00] =	vst v63  }
0x10f: {  	_ =	swait.ge [sflag:s10], $0x3000  }
0x110: {  	[sflag:s10] =	ssyncset.done $0x0  }
0x111: {  	[sflag:s10] =	ssyncadd.s32 $0xFFFFD000  }
0x112: {  	[tilespmem:s13], [sflag:$0x1] =	stream.indirect.gather [hbm4b:s1+s12], $0x80, s24, s12, $0xb8;
	[tilespmem:$0x1DC00] =	vst v63  }
0x113: {  	_ =	swait.ge [sflag:s17], $0x3000  }
0x114: {  	[sflag:s17] =	ssyncset.done $0x0  }
0x115: {  	[sflag:s17] =	ssyncadd.s32 $0xFFFFD000  }
0x116: {  	[spmem:s3] =	stream.indirect.scatter.add.f32 [tilespmem:s14], [sflag:$0x4], $0x80, s25, s12, $0xb8;
	[tilespmem:$0x1DC00] =	vst v63  }
0x117: {  	_ =	swait.ge [sflag:s10], $0x3000  }
0x118: {  	[sflag:s10] =	ssyncset.done $0x0  }
0x119: {  	[sflag:s10] =	ssyncadd.s32 $0xFFFFD000  }
0x11a: {  	[tilespmem:s14], [sflag:$0x2] =	stream.indirect.gather [hbm4b:s1+s12], $0x80, s26, s12, $0xb8;
	[tilespmem:$0x1DC00] =	vst v63  }
0x11b: {  	_ =	swait.ge [sflag:s18], $0x3000  }
0x11c: {  	[sflag:s18] =	ssyncset.done $0x0  }
0x11d: {  	[sflag:s18] =	ssyncadd.s32 $0xFFFFD000  }
0x11e: {  	[spmem:s3] =	stream.indirect.scatter.add.f32 [tilespmem:s15], [sflag:$0x4], $0x80, s28, s12, $0xb8;
	[tilespmem:$0x1DC00] =	vst v63  }
0x11f: {  	_ =	swait.ge [sflag:s10], $0x3000  }
0x120: {  	[sflag:s10] =	ssyncset.done $0x0  }
0x121: {  	[sflag:s10] =	ssyncadd.s32 $0xFFFFD000  }
0x122: {  	[tilespmem:s15], [sflag:$0x3] =	stream.indirect.gather [hbm4b:s1+s12], $0x80, s29, s12, $0xb8;
	[tilespmem:$0x1DC00] =	vst v63  }
0x123: {  	_ =	swait.ge [sflag:s16], $0x3000  }
0x124: {  	[sflag:s16] =	ssyncset.done $0x0  }
0x125: {  	[sflag:s16] =	ssyncadd.s32 $0xFFFFD000  }
0x126: {  	[spmem:s3] =	stream.indirect.scatter.add.f32 [tilespmem:s13], [sflag:$0x4], $0x80, s30, s12, $0xb8;
	[tilespmem:$0x1DC00] =	vst v63  }
0x127: {  	_ =	swait.ge [sflag:s10], $0x3000  }
0x128: {  	[sflag:s10] =	ssyncset.done $0x0  }
0x129: {  	[sflag:s10] =	ssyncadd.s32 $0xFFFFD000  }
0x12a: {  	[tilespmem:s13], [sflag:$0x1] =	stream.indirect.gather [hbm4b:s1+s12], $0x80, s31, s12, $0xb8;
	[tilespmem:$0x1DC00] =	vst v63  }
0x12b: {  	_ =	swait.ge [sflag:s17], $0x3000  }
0x12c: {  	[sflag:s17] =	ssyncset.done $0x0  }
0x12d: {  	[sflag:s17] =	ssyncadd.s32 $0xFFFFD000  }
0x12e: {  	[spmem:s3] =	stream.indirect.scatter.add.f32 [tilespmem:s14], [sflag:$0x4], $0x80, s2, s12, $0xb8;
	[tilespmem:$0x1DC00] =	vst v63  }
0x12f: {  	_ =	swait.ge [sflag:s10], $0x3000  }
0x130: {  	[sflag:s10] =	ssyncset.done $0x0  }
0x131: {  	[sflag:s10] =	ssyncadd.s32 $0xFFFFD000  }
0x132: {  	_ =	swait.ge [sflag:s18], $0x3000  }
0x133: {  	[sflag:s18] =	ssyncset.done $0x0  }
0x134: {  	[sflag:s18] =	ssyncadd.s32 $0xFFFFD000  }
0x135: {  	[spmem:s3] =	stream.indirect.scatter.add.f32 [tilespmem:s15], [sflag:$0x4], $0x80, s0, s12, $0xb8;
	[tilespmem:$0x1DC00] =	vst v63  }
0x136: {  	_ =	swait.ge [sflag:s10], $0x3000  }
0x137: {  	[sflag:s10] =	ssyncset.done $0x0  }
0x138: {  	[sflag:s10] =	ssyncadd.s32 $0xFFFFD000  }
0x139: {  	p0 =	sne.s32 s6, $0x600;
	_ =	swait.ge [sflag:s16], $0x3000  }
.Ltmp0:
0x13a: {  	[sflag:s16] =	ssyncset.done $0x0;
	(pc) =	sbr.rel @p0 .LBB2_2-.Ltmp0, $4  }
0x13b: {  	[sflag:s16] =	ssyncadd.s32 $0xFFFFD000  }
0x13c: {  	[spmem:s3] =	stream.indirect.scatter.add.f32 [tilespmem:s13], [sflag:$0x4], $0x80, s5, s12, $0xb8;
	[tilespmem:$0x1DC00] =	vst v63  }
0x13d: {  	_ =	swait.ge [sflag:s10], $0x3000  }
0x13e: {  	s6 =	sadd.s32 $0x100, s6;
	s9 =	rddreg [dreg:$0x6];
	[sflag:s10] =	ssyncset.done $0x0  }
0x13f: {  	[sflag:s10] =	ssyncadd.s32 $0xFFFFD000;
	s6 =	sadd.s32 s8, s9  }
0x140: {  	[tilespmem:s4], [sflag:$0x4] =	stream.linear.gather [hbm4b:s6+s4], $0x800, $0x38;
	[tilespmem:$0x1DC00] =	vst v63  }
0x141: {  	_ =	swait.ge [sflag:s10], $0x800  }
0x142: {  	s7 =	rddreg [dreg:$0x5];
	[sflag:s10] =	ssyncset.done $0x0  }
0x143: {  	[sflag:s10] =	ssyncadd.s32 $0xFFFFF800;
	s6 =	sadd.s32 s8, s7  }
0x144: {  	[tilespmem:s11], [sflag:$0x4] =	stream.linear.gather [hbm4b:s6+s4], $0x800, $0x38;
	[tilespmem:$0x1DC00] =	vst v63  }
0x145: {  	_ =	swait.ge [sflag:s10], $0x800  }
0x146: {  	[sflag:s10] =	ssyncset.done $0x0  }
0x147: {  	[sflag:s10] =	ssyncadd.s32 $0xFFFFF800  }
0x148: {  	[tilespmem:s13], [sflag:$0x1] =	stream.indirect.gather [hbm4b:s1+s12], $0x80, s4, s12, $0xb8;
	[tilespmem:$0x1DC00] =	vst v63  }
0x149: {  	s9 =	rddreg [dreg:$0x7]  }
0x14a: {  	[tilespmem:s14], [sflag:$0x2] =	stream.indirect.gather [hbm4b:s1+s12], $0x80, s9, s12, $0xb8;
	[tilespmem:$0x1DC00] =	vst v63  }
0x14b: {  	s7 =	rddreg [dreg:$0x8]  }
0x14c: {  	[tilespmem:s15], [sflag:$0x3] =	stream.indirect.gather [hbm4b:s1+s12], $0x80, s7, s12, $0xb8;
	[tilespmem:$0x1DC00] =	vst v63  }
0x14d: {  	_ =	swait.ge [sflag:s16], $0x3000  }
0x14e: {  	[sflag:s16] =	ssyncset.done $0x0  }
0x14f: {  	[sflag:s16] =	ssyncadd.s32 $0xFFFFD000  }
0x150: {  	[spmem:s3] =	stream.indirect.scatter.add.f32 [tilespmem:s13], [sflag:$0x4], $0x80, s11, s12, $0xb8;
	[tilespmem:$0x1DC00] =	vst v63  }
0x151: {  	_ =	swait.ge [sflag:s10], $0x3000  }
0x152: {  	[sflag:s10] =	ssyncset.done $0x0  }
0x153: {  	s8 =	rddreg [dreg:$0x9];
	[sflag:s10] =	ssyncadd.s32 $0xFFFFD000  }
0x154: {  	[tilespmem:s13], [sflag:$0x1] =	stream.indirect.gather [hbm4b:s1+s12], $0x80, s8, s12, $0xb8;
	[tilespmem:$0x1DC00] =	vst v63  }
0x155: {  	_ =	swait.ge [sflag:s17], $0x3000  }
0x156: {  	[sflag:s17] =	ssyncset.done $0x0  }
0x157: {  	s9 =	rddreg [dreg:$0xa];
	[sflag:s17] =	ssyncadd.s32 $0xFFFFD000  }
0x158: {  	[spmem:s3] =	stream.indirect.scatter.add.f32 [tilespmem:s14], [sflag:$0x4], $0x80, s9, s12, $0xb8;
	[tilespmem:$0x1DC00] =	vst v63  }
0x159: {  	_ =	swait.ge [sflag:s10], $0x3000  }
0x15a: {  	[sflag:s10] =	ssyncset.done $0x0  }
0x15b: {  	s7 =	rddreg [dreg:$0xb];
	[sflag:s10] =	ssyncadd.s32 $0xFFFFD000  }
0x15c: {  	[tilespmem:s14], [sflag:$0x2] =	stream.indirect.gather [hbm4b:s1+s12], $0x80, s7, s12, $0xb8;
	[tilespmem:$0x1DC00] =	vst v63  }
0x15d: {  	_ =	swait.ge [sflag:s18], $0x3000  }
0x15e: {  	[sflag:s18] =	ssyncset.done $0x0  }
0x15f: {  	s8 =	rddreg [dreg:$0xc];
	[sflag:s18] =	ssyncadd.s32 $0xFFFFD000  }
0x160: {  	[spmem:s3] =	stream.indirect.scatter.add.f32 [tilespmem:s15], [sflag:$0x4], $0x80, s8, s12, $0xb8;
	[tilespmem:$0x1DC00] =	vst v63  }
0x161: {  	_ =	swait.ge [sflag:s10], $0x3000  }
0x162: {  	[sflag:s10] =	ssyncset.done $0x0  }
0x163: {  	s9 =	rddreg [dreg:$0xd];
	[sflag:s10] =	ssyncadd.s32 $0xFFFFD000  }
0x164: {  	[tilespmem:s15], [sflag:$0x3] =	stream.indirect.gather [hbm4b:s1+s12], $0x80, s9, s12, $0xb8;
	[tilespmem:$0x1DC00] =	vst v63  }
0x165: {  	_ =	swait.ge [sflag:s16], $0x3000  }
0x166: {  	[sflag:s16] =	ssyncset.done $0x0  }
0x167: {  	s7 =	rddreg [dreg:$0xe];
	[sflag:s16] =	ssyncadd.s32 $0xFFFFD000  }
0x168: {  	[spmem:s3] =	stream.indirect.scatter.add.f32 [tilespmem:s13], [sflag:$0x4], $0x80, s7, s12, $0xb8;
	[tilespmem:$0x1DC00] =	vst v63  }
0x169: {  	_ =	swait.ge [sflag:s10], $0x3000  }
0x16a: {  	[sflag:s10] =	ssyncset.done $0x0  }
0x16b: {  	s8 =	rddreg [dreg:$0xf];
	[sflag:s10] =	ssyncadd.s32 $0xFFFFD000  }
0x16c: {  	[tilespmem:s13], [sflag:$0x1] =	stream.indirect.gather [hbm4b:s1+s12], $0x80, s8, s12, $0xb8;
	[tilespmem:$0x1DC00] =	vst v63  }
0x16d: {  	_ =	swait.ge [sflag:s17], $0x3000  }
0x16e: {  	[sflag:s17] =	ssyncset.done $0x0  }
0x16f: {  	s9 =	rddreg [dreg:$0x10];
	[sflag:s17] =	ssyncadd.s32 $0xFFFFD000  }
0x170: {  	[spmem:s3] =	stream.indirect.scatter.add.f32 [tilespmem:s14], [sflag:$0x4], $0x80, s9, s12, $0xb8;
	[tilespmem:$0x1DC00] =	vst v63  }
0x171: {  	_ =	swait.ge [sflag:s10], $0x3000  }
0x172: {  	[sflag:s10] =	ssyncset.done $0x0  }
0x173: {  	s7 =	rddreg [dreg:$0x11];
	[sflag:s10] =	ssyncadd.s32 $0xFFFFD000  }
0x174: {  	[tilespmem:s14], [sflag:$0x2] =	stream.indirect.gather [hbm4b:s1+s12], $0x80, s7, s12, $0xb8;
	[tilespmem:$0x1DC00] =	vst v63  }
0x175: {  	_ =	swait.ge [sflag:s18], $0x3000  }
0x176: {  	[sflag:s18] =	ssyncset.done $0x0  }
0x177: {  	s8 =	rddreg [dreg:$0x12];
	[sflag:s18] =	ssyncadd.s32 $0xFFFFD000  }
0x178: {  	[spmem:s3] =	stream.indirect.scatter.add.f32 [tilespmem:s15], [sflag:$0x4], $0x80, s8, s12, $0xb8;
	[tilespmem:$0x1DC00] =	vst v63  }
0x179: {  	_ =	swait.ge [sflag:s10], $0x3000  }
0x17a: {  	[sflag:s10] =	ssyncset.done $0x0  }
0x17b: {  	s9 =	rddreg [dreg:$0x13];
	[sflag:s10] =	ssyncadd.s32 $0xFFFFD000  }
0x17c: {  	[tilespmem:s15], [sflag:$0x3] =	stream.indirect.gather [hbm4b:s1+s12], $0x80, s9, s12, $0xb8;
	[tilespmem:$0x1DC00] =	vst v63  }
0x17d: {  	_ =	swait.ge [sflag:s16], $0x3000  }
0x17e: {  	[sflag:s16] =	ssyncset.done $0x0  }
0x17f: {  	s7 =	rddreg [dreg:$0x14];
	[sflag:s16] =	ssyncadd.s32 $0xFFFFD000  }
0x180: {  	[spmem:s3] =	stream.indirect.scatter.add.f32 [tilespmem:s13], [sflag:$0x4], $0x80, s7, s12, $0xb8;
	[tilespmem:$0x1DC00] =	vst v63  }
0x181: {  	_ =	swait.ge [sflag:s10], $0x3000  }
0x182: {  	[sflag:s10] =	ssyncset.done $0x0  }
0x183: {  	s8 =	rddreg [dreg:$0x15];
	[sflag:s10] =	ssyncadd.s32 $0xFFFFD000  }
0x184: {  	[tilespmem:s13], [sflag:$0x1] =	stream.indirect.gather [hbm4b:s1+s12], $0x80, s8, s12, $0xb8;
	[tilespmem:$0x1DC00] =	vst v63  }
0x185: {  	_ =	swait.ge [sflag:s17], $0x3000  }
0x186: {  	[sflag:s17] =	ssyncset.done $0x0  }
0x187: {  	[sflag:s17] =	ssyncadd.s32 $0xFFFFD000  }
0x188: {  	[spmem:s3] =	stream.indirect.scatter.add.f32 [tilespmem:s14], [sflag:$0x4], $0x80, s19, s12, $0xb8;
	[tilespmem:$0x1DC00] =	vst v63  }
0x189: {  	_ =	swait.ge [sflag:s10], $0x3000  }
0x18a: {  	[sflag:s10] =	ssyncset.done $0x0  }
0x18b: {  	[sflag:s10] =	ssyncadd.s32 $0xFFFFD000  }
0x18c: {  	[tilespmem:s14], [sflag:$0x2] =	stream.indirect.gather [hbm4b:s1+s12], $0x80, s20, s12, $0xb8;
	[tilespmem:$0x1DC00] =	vst v63  }
0x18d: {  	_ =	swait.ge [sflag:s18], $0x3000  }
0x18e: {  	[sflag:s18] =	ssyncset.done $0x0  }
0x18f: {  	[sflag:s18] =	ssyncadd.s32 $0xFFFFD000  }
0x190: {  	[spmem:s3] =	stream.indirect.scatter.add.f32 [tilespmem:s15], [sflag:$0x4], $0x80, s21, s12, $0xb8;
	[tilespmem:$0x1DC00] =	vst v63  }
0x191: {  	_ =	swait.ge [sflag:s10], $0x3000  }
0x192: {  	[sflag:s10] =	ssyncset.done $0x0  }
0x193: {  	[sflag:s10] =	ssyncadd.s32 $0xFFFFD000  }
0x194: {  	[tilespmem:s15], [sflag:$0x3] =	stream.indirect.gather [hbm4b:s1+s12], $0x80, s22, s12, $0xb8;
	[tilespmem:$0x1DC00] =	vst v63  }
0x195: {  	_ =	swait.ge [sflag:s16], $0x3000  }
0x196: {  	[sflag:s16] =	ssyncset.done $0x0  }
0x197: {  	[sflag:s16] =	ssyncadd.s32 $0xFFFFD000  }
0x198: {  	[spmem:s3] =	stream.indirect.scatter.add.f32 [tilespmem:s13], [sflag:$0x4], $0x80, s23, s12, $0xb8;
	[tilespmem:$0x1DC00] =	vst v63  }
0x199: {  	_ =	swait.ge [sflag:s10], $0x3000  }
0x19a: {  	[sflag:s10] =	ssyncset.done $0x0  }
0x19b: {  	[sflag:s10] =	ssyncadd.s32 $0xFFFFD000  }
0x19c: {  	[tilespmem:s13], [sflag:$0x1] =	stream.indirect.gather [hbm4b:s1+s12], $0x80, s24, s12, $0xb8;
	[tilespmem:$0x1DC00] =	vst v63  }
0x19d: {  	_ =	swait.ge [sflag:s17], $0x3000  }
0x19e: {  	[sflag:s17] =	ssyncset.done $0x0  }
0x19f: {  	[sflag:s17] =	ssyncadd.s32 $0xFFFFD000  }
0x1a0: {  	[spmem:s3] =	stream.indirect.scatter.add.f32 [tilespmem:s14], [sflag:$0x4], $0x80, s25, s12, $0xb8;
	[tilespmem:$0x1DC00] =	vst v63  }
0x1a1: {  	_ =	swait.ge [sflag:s10], $0x3000  }
0x1a2: {  	[sflag:s10] =	ssyncset.done $0x0  }
0x1a3: {  	[sflag:s10] =	ssyncadd.s32 $0xFFFFD000  }
0x1a4: {  	[tilespmem:s14], [sflag:$0x2] =	stream.indirect.gather [hbm4b:s1+s12], $0x80, s26, s12, $0xb8;
	[tilespmem:$0x1DC00] =	vst v63  }
0x1a5: {  	_ =	swait.ge [sflag:s18], $0x3000  }
0x1a6: {  	[sflag:s18] =	ssyncset.done $0x0  }
0x1a7: {  	[sflag:s18] =	ssyncadd.s32 $0xFFFFD000  }
0x1a8: {  	[spmem:s3] =	stream.indirect.scatter.add.f32 [tilespmem:s15], [sflag:$0x4], $0x80, s28, s12, $0xb8;
	[tilespmem:$0x1DC00] =	vst v63  }
0x1a9: {  	_ =	swait.ge [sflag:s10], $0x3000  }
0x1aa: {  	[sflag:s10] =	ssyncset.done $0x0  }
0x1ab: {  	[sflag:s10] =	ssyncadd.s32 $0xFFFFD000  }
0x1ac: {  	[tilespmem:s15], [sflag:$0x3] =	stream.indirect.gather [hbm4b:s1+s12], $0x80, s29, s12, $0xb8;
	[tilespmem:$0x1DC00] =	vst v63  }
0x1ad: {  	_ =	swait.ge [sflag:s16], $0x3000  }
0x1ae: {  	[sflag:s16] =	ssyncset.done $0x0  }
0x1af: {  	[sflag:s16] =	ssyncadd.s32 $0xFFFFD000  }
0x1b0: {  	[spmem:s3] =	stream.indirect.scatter.add.f32 [tilespmem:s13], [sflag:$0x4], $0x80, s30, s12, $0xb8;
	[tilespmem:$0x1DC00] =	vst v63  }
0x1b1: {  	_ =	swait.ge [sflag:s10], $0x3000  }
0x1b2: {  	[sflag:s10] =	ssyncset.done $0x0  }
0x1b3: {  	[sflag:s10] =	ssyncadd.s32 $0xFFFFD000  }
0x1b4: {  	[tilespmem:s13], [sflag:$0x1] =	stream.indirect.gather [hbm4b:s1+s12], $0x80, s31, s12, $0xb8;
	[tilespmem:$0x1DC00] =	vst v63  }
0x1b5: {  	_ =	swait.ge [sflag:s17], $0x3000  }
0x1b6: {  	[sflag:s17] =	ssyncset.done $0x0  }
0x1b7: {  	[sflag:s17] =	ssyncadd.s32 $0xFFFFD000  }
0x1b8: {  	[spmem:s3] =	stream.indirect.scatter.add.f32 [tilespmem:s14], [sflag:$0x4], $0x80, s2, s12, $0xb8;
	[tilespmem:$0x1DC00] =	vst v63  }
0x1b9: {  	_ =	swait.ge [sflag:s10], $0x3000  }
0x1ba: {  	[sflag:s10] =	ssyncset.done $0x0  }
0x1bb: {  	[sflag:s10] =	ssyncadd.s32 $0xFFFFD000  }
0x1bc: {  	_ =	swait.ge [sflag:s18], $0x3000  }
0x1bd: {  	[sflag:s18] =	ssyncset.done $0x0  }
0x1be: {  	[sflag:s18] =	ssyncadd.s32 $0xFFFFD000  }
0x1bf: {  	[spmem:s3] =	stream.indirect.scatter.add.f32 [tilespmem:s15], [sflag:$0x4], $0x80, s0, s12, $0xb8;
	[tilespmem:$0x1DC00] =	vst v63  }
0x1c0: {  	_ =	swait.ge [sflag:s10], $0x3000  }
0x1c1: {  	[sflag:s10] =	ssyncset.done $0x0  }
0x1c2: {  	[sflag:s10] =	ssyncadd.s32 $0xFFFFD000  }
0x1c3: {  	_ =	swait.ge [sflag:s16], $0x3000  }
0x1c4: {  	[sflag:s16] =	ssyncset.done $0x0  }
0x1c5: {  	[sflag:s16] =	ssyncadd.s32 $0xFFFFD000  }
0x1c6: {  	[spmem:s3] =	stream.indirect.scatter.add.f32 [tilespmem:s13], [sflag:$0x4], $0x80, s5, s12, $0xb8;
	[tilespmem:$0x1DC00] =	vst v63  }
0x1c7: {  	_ =	swait.ge [sflag:s10], $0x3000  }
0x1c8: {  	[sflag:s10] =	ssyncset.done $0x0  }
0x1c9: {  	[sflag:s10] =	ssyncadd.s32 $0xFFFFD000  }
0x1ca: {  	[bflag:$0x0] =	sbarrier.arrive $0xFFFF  }
0x1cb: {  	s7 =	rddreg [dreg:$0x17]  }
0x1cc: {  	s9 =	rddreg [dreg:$0x18]  }
0x1cd: {  	s8 =	rddreg [dreg:$0x1a]  }
0x1ce: {  	[hbm:s9], [sflag:s7] =	dma.local [spmem:s8], $0x2780  }
0x1cf: {  	_ =	swait.ge [sflag:s10], $0x2780  }
0x1d0: {  	s6 =	rddreg [dreg:$0x1b]  }
0x1d1: {  	s9 =	sadd.s32 $0x1, s6;
	s6 =	rddreg [dreg:$0x19]  }
0x1d2: {  	p0 =	sne.s32 s9, s6  }
.Ltmp1:
0x1d3: {  	_ = 	snop;
	(pc) =	sbr.rel @p0 .LBB2_1-.Ltmp1, $3  }
0x1d4: {  	_ =	sdelay $0x1  }
0x1d5: {  	[sflag:s10] =	ssyncset.done $0x0  }
0x1d6: {  	[sflag:s10] =	ssyncadd.s32 $0xFFFFD880  }
0x1d7: {  	_ =	sfence.sel $0x180000  }
0x1d8: {  	[bflag:$0x0] =	sbarrier.arrive $0xFFFF  }
0x1d9: {  	_ =	strace $0x90000047  }
0x1da: {  	s0 =	stileid.u32;
	[bflag:$0x2] =	sbarrier.arrive $0xFFFF  }
0x1db: {  	p0 =	sne.s32 s0, $0x0;
	s0 =	rddreg [dreg:$0x4]  }
0x1dc: {  	s0 =	sadd.s32 @!p0 $0x100000, s0  }
0x1dd: {  	[sflag:s0] =	ssyncadd.tile.s32 @!p0 $0x1;
	_ =	shalt  }
.Lfunc_end2:
_tile_overlayer_lowered:
.L_overlay_start_2:
0x1de: {  	(tag) =	ssettag $0x2  }
0x1df: {  	s0 =	rddreg [dreg:$0x0];
	s2 =	stileid.u32  }
0x1e0: {  	s1 =	rddreg [dreg:$0x1];
	p0 =	sne.s32 s2, $0x0  }
0x1e1: {  	s3 =	rddreg [dreg:$0x2];
	[bflag:$0x3] =	sbarrier.arrive $0xFFFF;
	s2 =	simm.s32 @!p0 $0x1C04  }
0x1e2: {  	[timem:s3], [sflag:s2] =	dma.local @!p0 [hbm:s0], s1  }
0x1e3: {  	s0 =	simm.s32 @!p0 $0x4  }
0x1e4: {  	_ =	swait.ge @!p0 [sflag:s0], s1  }
0x1e5: {  	s1 =	ssub.s32 @!p0 $0x0, s1;
	[sflag:s0] =	ssyncset.done @!p0 $0x0  }
0x1e6: {  	[sflag:s0] =	ssyncadd.s32 @!p0 s1  }
0x1e7: {  	[bflag:$0x3] =	sbarrier.arrive $0xFFFF  }
0x1e8: {  	_ =	shalt  }

// kernel: kernel.15.cloned.1.call-start
scs
__scs_entry_jumppad:
0x0: {  	(pc) =	sbr.rel $0x88, $3  }
0x1: {  	(tag) =	ssettag $0x0;
	lr =	simm.s32 $0x1  }
0x2: {  	[smem:$0x3F92] =	sst lr;
	_ =	strace $0xD0000000  }
0x3: {  	_ = 	snop  }
0x4: {  	_ = 	snop  }
0x5: {  	_ = 	snop  }
0x6: {  	_ = 	snop  }
0x7: {  	_ = 	snop  }
__scs_overlays_trampoline_lowered:
0x8: {  	[smem:$0x3FA1] =	sst s0  }
0x9: {  	[smem:$0x3FA2] =	sst s1  }
0xa: {  	[smem:$0x3FA3] =	sst s2  }
0xb: {  	[smem:$0x3FA4] =	sst s3  }
0xc: {  	[smem:$0x3FA5] =	sst s4  }
0xd: {  	[smem:$0x3FA6] =	sst s5  }
0xe: {  	[smem:$0x3FA7] =	sst s6  }
0xf: {  	[smem:$0x3FA8] =	sst s7  }
0x10: {  	[smem:$0x3FA9] =	sst s8  }
0x11: {  	[smem:$0x3FAA] =	sst s9;
	s0 =	simm.s32 @!p0 $0x0  }
0x12: {  	s1 =	sld [smem:$0x3F90];
	s0 =	simm.s32 @p0 $0x1  }
0x13: {  	[smem:$0x3FAB] =	sst s0;
	s0 =	simm.s32 @!p1 $0x0  }
0x14: {  	s2 =	sld [smem:$0x3F8F];
	s0 =	simm.s32 @p1 $0x1  }
0x15: {  	[smem:$0x3FAC] =	sst s0;
	s0 =	simm.s32 @!p2 $0x0  }
0x16: {  	s3 =	sld [smem:$0x3FDB];
	s0 =	simm.s32 @p2 $0x1  }
0x17: {  	s4 =	simm.s32 $0x1BF5;
	[smem:$0x3FAE] =	sst s0  }
0x18: {  	s0 =	sld [smem:$0x3F91];
	_ =	swait.ge [sflag:s4], $0x0  }
0x19: {  	s7 =	sld [smem:$0x3F92]  }
0x1a: {  	s8 =	sadd.s32 $0xFFFFE003, lr  }
0x1b: {  	s9 =	sadd.s32 $0xFFFFFEF7, lr;
	s5 =	simm.s32 $0xFFFFFFFF;
	p2 =	slt.u32 s8, $0xFFFFF086  }
0x1c: {  	p1 =	slt.u32 s9, $0xF7A;
	s5 =	simm.s32 @!p2 $0x0  }
0x1d: {  	s5 =	simm.s32 @p1 $0x1;
	p0 =	seq.s32 s7, s2  }
0x1e: {  	s7 =	smul.u32 @!p0 $0xF7A, s2;
	p2 =	seq.s32 @!p0 s5, $0x0  }
0x1f: {  	s9 =	smul.u32 $0xF7A, s1;
	s8 =	simm.s32 @!p0 $0x1BF5;
	p2 =	por !p2, p0  }
0x20: {  	[sflag:s8] =	ssyncset.s32 @!p0 $0xFFFFF086;
	s6 =	sadd.s32 @!p0 s3, s7;
	s7 =	simm.s32 @!p0 $0x108  }
0x21: {  	s3 =	sadd.s32 s3, s9;
	s6 =	sadd.s32 @!p0 $0x88, s6;
	s7 =	simm.s32 @p2 $0x1082  }
0x22: {  	[simem:s7], [sflag:s8] =	dma.local @!p0 [hbm:s6], $0xF7A  }
0x23: {  	s9 =	sor.u32 $0xD0000000, s2;
	s6 =	simm.s32 $0x108;
	_ =	swait.ge @!p0 [sflag:s8], $0x0  }
0x24: {  	s3 =	sadd.s32 $0x88, s3;
	s6 =	simm.s32 @!p1 $0x1082;
	[sflag:s4] =	ssyncset.s32 $0xFFFFF086  }
0x25: {  	[simem:s6], [sflag:s4] =	dma.local [hbm:s3], $0xF7A  }
0x26: {  	[smem:$0x3F92] =	sst s1;
	(tag) =	ssettag s2;
	_ =	strace s9  }
0x27: {  	s1 =	sld [smem:$0x3FA2]  }
0x28: {  	s2 =	sld [smem:$0x3FA3]  }
0x29: {  	s4 =	sld [smem:$0x3FA5]  }
0x2a: {  	p0 =	seq.s32 s5, $0x0;
	s5 =	sld [smem:$0x3FA6]  }
0x2b: {  	s6 =	sld [smem:$0x3FA7]  }
0x2c: {  	s7 =	sld [smem:$0x3FA8]  }
0x2d: {  	s3 =	simm.s32 $0x108;
	s8 =	sld [smem:$0x3FA9]  }
0x2e: {  	s3 =	simm.s32 @!p0 $0x1082;
	s9 =	sld [smem:$0x3FAA]  }
0x2f: {  	lr =	sadd.s32 s0, s3;
	s0 =	sld [smem:$0x3FA1]  }
0x30: {  	s3 =	sld [smem:$0x3FA4]  }
0x31: {  	[smem:$0x3FAD] =	sst s10  }
0x32: {  	s10 =	sld [smem:$0x3FAB];
	_ =	sdelay $0x3  }
0x33: {  	p0 =	seq.s32 s10, $0x1;
	s10 =	sld [smem:$0x3FAD];
	_ =	sdelay $0x3  }
0x34: {  	[smem:$0x3FAD] =	sst s10  }
0x35: {  	s10 =	sld [smem:$0x3FAC];
	_ =	sdelay $0x3  }
0x36: {  	p1 =	seq.s32 s10, $0x1;
	s10 =	sld [smem:$0x3FAD];
	_ =	sdelay $0x3  }
0x37: {  	[smem:$0x3FAD] =	sst s10  }
0x38: {  	s10 =	sld [smem:$0x3FAE]  }
0x39: {  	_ = 	snop;
	(pc) =	sbr.ind lr, $3  }
0x3a: {  	_ = 	snop  }
0x3b: {  	_ = 	snop  }
0x3c: {  	p2 =	seq.s32 s10, $0x1;
	s10 =	sld [smem:$0x3FAD]  }
0x3d: {  	_ =	shalt  }
0x3e: {  	_ =	shalt  }
0x3f: {  	_ =	shalt  }
0x40: {  	_ =	shalt  }
0x41: {  	_ =	shalt  }
0x42: {  	_ =	shalt  }
0x43: {  	_ =	shalt  }
0x44: {  	_ =	shalt  }
0x45: {  	_ =	shalt  }
0x46: {  	_ =	shalt  }
0x47: {  	_ =	shalt  }
0x48: {  	_ =	shalt  }
0x49: {  	_ =	shalt  }
0x4a: {  	_ =	shalt  }
0x4b: {  	_ =	shalt  }
0x4c: {  	_ =	shalt  }
0x4d: {  	_ =	shalt  }
0x4e: {  	_ =	shalt  }
0x4f: {  	_ =	shalt  }
0x50: {  	_ =	shalt  }
0x51: {  	_ =	shalt  }
0x52: {  	_ =	shalt  }
0x53: {  	_ =	shalt  }
0x54: {  	_ =	shalt  }
0x55: {  	_ =	shalt  }
0x56: {  	_ =	shalt  }
0x57: {  	_ =	shalt  }
0x58: {  	_ =	shalt  }
0x59: {  	_ =	shalt  }
0x5a: {  	_ =	shalt  }
0x5b: {  	_ =	shalt  }
0x5c: {  	_ =	shalt  }
0x5d: {  	_ =	shalt  }
0x5e: {  	_ =	shalt  }
0x5f: {  	_ =	shalt  }
0x60: {  	_ =	shalt  }
0x61: {  	_ =	shalt  }
0x62: {  	_ =	shalt  }
0x63: {  	_ =	shalt  }
0x64: {  	_ =	shalt  }
0x65: {  	_ =	shalt  }
0x66: {  	_ =	shalt  }
0x67: {  	_ =	shalt  }
0x68: {  	_ =	shalt  }
0x69: {  	_ =	shalt  }
0x6a: {  	_ =	shalt  }
0x6b: {  	_ =	shalt  }
0x6c: {  	_ =	shalt  }
0x6d: {  	_ =	shalt  }
0x6e: {  	_ =	shalt  }
0x6f: {  	_ =	shalt  }
0x70: {  	_ =	shalt  }
0x71: {  	_ =	shalt  }
0x72: {  	_ =	shalt  }
0x73: {  	_ =	shalt  }
0x74: {  	_ =	shalt  }
0x75: {  	_ =	shalt  }
0x76: {  	_ =	shalt  }
0x77: {  	_ =	shalt  }
0x78: {  	_ =	shalt  }
0x79: {  	_ =	shalt  }
0x7a: {  	_ =	shalt  }
0x7b: {  	_ =	shalt  }
0x7c: {  	_ =	shalt  }
0x7d: {  	_ =	shalt  }
0x7e: {  	_ =	shalt  }
0x7f: {  	_ =	shalt  }
0x80: {  	_ =	shalt  }
0x81: {  	_ =	shalt  }
0x82: {  	_ =	shalt  }
0x83: {  	_ =	shalt  }
0x84: {  	_ =	shalt  }
0x85: {  	_ =	shalt  }
0x86: {  	_ =	shalt  }
0x87: {  	_ =	shalt  }
.Lfunc_end0:
.L_simem_size_0:
called_computation.2_lowered:
.L_overlay_start_0:
0x88: {  	s2 =	sld [smem:$0x3FD9]  }
0x89: {  	s3 =	sld [smem:$0x3FFE];
	_ =	sdelay $0x1  }
0x8a: {  	s1 =	srdreg.scid  }
0x8b: {  	s0 =	sand.u32 $0x1, s1  }
0x8c: {  	s17 =	sshll.u32 s0, $0xA;
	s2 =	sadd.s32 s3, s2  }
0x8d: {  	s2 =	sadd.s32 s2, s17  }
0x8e: {  	[smem:$0x3FB9] =	sst s2  }
0x8f: {  	_ = 	snop  }
0x90: {  	s2 =	sld [smem:$0x3FD0];
	(tm) =	ssettm $0x1  }
0x91: {  	s18 =	sld [smem:$0x3FFB];
	_ =	sdelay $0x3  }
0x92: {  	_ =	strace s18  }
0x93: {  	s3 =	sld [smem:$0x3FFC];
	_ =	sdelay $0x3  }
0x94: {  	_ =	strace s3  }
0x95: {  	s3 =	sld [smem:$0x3FFD];
	_ =	sdelay $0x3  }
0x96: {  	_ =	strace s3  }
0x97: {  	_ =	strace $0x8FFFFFFF  }
0x98: {  	s19 =	sld [smem:$0x3FDB];
	_ =	sdelay $0x1  }
0x99: {  	s4 =	simm.s32 $_scs_section_size  }
0x9a: {  	s5 =	simm.s32 $_size__tile_overlayer_lowered;
	s6 =	simm.s32 $_tile_overlayer_lowered  }
0x9b: {  	s22 =	simm.s32 $0x1BFF;
	s21 =	sshll.u32 s6, $0x1;
	s3 =	sadd.s32 s4, s19  }
0x9c: {  	s7 =	simm.s32 $0x0;
	s20 =	sshll.u32 s5, $0x1;
	s5 =	sadd.s32 s21, s3  }
0x9d: {  	[timem:s7], [sflag:s22] =	dma.local [hbm:s5], s20  }
0x9e: {  	_ =	swait.ge [sflag:s22], s20  }
0x9f: {  	s4 =	ssub.s32 $0x0, s20;
	[sflag:s22] =	ssyncset.done $0x0  }
0xa0: {  	[sflag:s22] =	ssyncadd.s32 s4;
	_ =	sdelay $0x1  }
0xa1: {  	s23 =	simm.s32 $0x1B8B  }
0xa2: {  	_ =	swait.ge [sflag:s23], $0x1  }
0xa3: {  	[sflag:s23] =	ssyncset.done $0x0  }
0xa4: {  	s25 =	simm.s32 $0x1B8E;
	s24 =	sld [smem:$0x3FFE];
	[sflag:s23] =	ssyncadd.s32 $0xFFFFFFFF  }
0xa5: {  	s26 =	simm.s32 $execute0_lowered;
	[smem:$0x3FD2] =	sst s25  }
0xa6: {  	s5 =	sshll.u32 s26, $0x1;
	_ =	strace $0x8000004C;
	[dreg:$0x1] =	wrdreg $0xFFFFFFFF  }
0xa7: {  	s28 =	simm.s32 $_size_execute0_lowered;
	s3 =	sadd.s32 s3, s5;
	[dreg:$0x0] =	wrdreg $0x0  }
0xa8: {  	s5 =	sshll.u32 s28, $0x1;
	[dreg:$0x2] =	wrdreg s3  }
0xa9: {  	[dreg:$0x3] =	wrdreg s5  }
0xaa: {  	[dreg:$0x4] =	wrdreg $0xC0  }
0xab: {  	_ =	task [dreg:s7], $0x5FFFF  }
0xac: {  	[dreg:$0x1] =	wrdreg $0xFFFFFFFF  }
0xad: {  	[dreg:$0x0] =	wrdreg $0x60  }
0xae: {  	[dreg:$0x2] =	wrdreg s24  }
0xaf: {  	[dreg:$0x3] =	wrdreg s2  }
0xb0: {  	[dreg:$0x4] =	wrdreg $0xA0000  }
0xb1: {  	[dreg:$0x5] =	wrdreg $0x9  }
0xb2: {  	_ =	task.clear_ibuf [dreg:s7], $0x6FFFF;
	_ =	strace $0x9000004C  }
0xb3: {  	s29 =	simm.s32 $0x9;
	_ =	strace $0x8000004E  }
0xb4: {  	_ =	swait.ge [sflag:s29], $0x1  }
0xb5: {  	[sflag:s29] =	ssyncadd.s32 $0xFFFFFFFF  }
0xb6: {  	_ =	strace $0x9000004E  }
0xb7: {  	_ =	sfence  }
0xb8: {  	s30 =	sld [smem:$0x0];
	_ =	sdelay $0x2  }
0xb9: {  	s31 =	sshll.u32 s1, $0xD;
	s1 =	sshrl.u32 s1, $0x2  }
0xba: {  	s3 =	sand.u32 $0x4000, s31;
	s1 =	sadd.s32 s1, s30  }
0xbb: {  	s0 =	sor.u32 s3, s0;
	s1 =	sshll.u32 s1, $0x11  }
0xbc: {  	s0 =	sor.u32 s1, s0  }
0xbd: {  	s0 =	sadd.s32 $0x8F2B, s0  }
0xbe: {  	[sflag:s0] =	ssyncadd.remote.s32 $0x1  }
0xbf: {  	_ =	sfence.sel $0xFFFF  }
0xc0: {  	[dreg:$0x0] =	wrdreg $0xFFFFFFFF;
	(pc) =	sbr.abs _section_cstart, $3  }
0xc1: {  	[dreg:$0x1] =	wrdreg $0xFFFFFFFF  }
0xc2: {  	_ =	task.clear_ibuf [dreg:s7], $0x2FFFF;
	_ =	strace $0x9FFFFFFF  }
0xc3: {  	(tm) =	ssettm $0x7FFFFFFF  }
tec
execute0_lowered:
.L_overlay_start_1:
0x0: {  	(tag) =	ssettag $0x1  }
0x1: {  	s1 =	rddreg [dreg:$0x0]  }
0x2: {  	s0 =	srdreg.scid;
	s5 =	rddreg [dreg:$0x1]  }
0x3: {  	s10 =	stileid.u32;
	s2 =	rddreg [dreg:$0x2];
	s3 =	simm.s32 $0x0  }
0x4: {  	s11 =	simm.s32 $0x80;
	s12 =	simm.s32 $0x100;
	s14 =	simm.s32 $0x180  }
0x5: {  	s15 =	simm.s32 $0x880;
	[smem:$0x7FF] =	sst s3;
	s9 =	sadd.s32 $0x11C00, s1  }
0x6: {  	s16 =	simm.s32 $0x200;
	_ =	strace $0x8000004D;
	[dreg:$0x15] =	wrdreg s9  }
0x7: {  	s17 =	simm.s32 $0x900;
	s18 =	simm.s32 $0x280;
	[dreg:$0x6] =	wrdreg s11  }
0x8: {  	s19 =	simm.s32 $0x980;
	s20 =	simm.s32 $0x300;
	[dreg:$0x7] =	wrdreg s12  }
0x9: {  	s21 =	simm.s32 $0xA00;
	s22 =	simm.s32 $0x380;
	[dreg:$0x8] =	wrdreg s14  }
0xa: {  	s23 =	simm.s32 $0xA80;
	s28 =	simm.s32 $0xD80;
	[dreg:$0x9] =	wrdreg s15  }
0xb: {  	s29 =	simm.s32 $0x700;
	s30 =	simm.s32 $0xE00;
	[dreg:$0xa] =	wrdreg s16  }
0xc: {  	s31 =	simm.s32 $0x780;
	s4 =	smul.u32 $0x7000, s10;
	[dreg:$0xb] =	wrdreg s17  }
0xd: {  	s0 =	sand.u32 $0x1, s0;
	s8 =	smul.u32 $0x13C00, s10;
	[dreg:$0xc] =	wrdreg s18  }
0xe: {  	s26 =	smul.u32 $0x4F000, s10;
	s13 =	sshll.u32 s10, $0x6;
	[dreg:$0xd] =	wrdreg s19  }
0xf: {  	s10 =	simm.s32 $0x4;
	s6 =	smul.u32 $0x3800, s0;
	[dreg:$0xe] =	wrdreg s20  }
0x10: {  	s7 =	smul.u32 $0x13C000, s0;
	s0 =	ssub.s32 $0x2, s0;
	[dreg:$0xf] =	wrdreg s21  }
0x11: {  	s11 =	simm.s32 $0x800;
	s12 =	simm.s32 $0x60;
	[dreg:$0x10] =	wrdreg s22  }
0x12: {  	s14 =	simm.s32 $0x4000;
	s15 =	simm.s32 $0x7000;
	[dreg:$0x11] =	wrdreg s23  }
0x13: {  	s16 =	simm.s32 $0x1;
	s17 =	simm.s32 $0x2;
	s18 =	simm.s32 $0x3  }
0x14: {  	s19 =	simm.s32 $0xB80;
	s20 =	simm.s32 $0x500;
	s21 =	simm.s32 $0xC00  }
0x15: {  	s22 =	simm.s32 $0x580;
	s23 =	simm.s32 $0xC80;
	s25 =	sshrl.u32 s0, $0x1  }
0x16: {  	s9 =	sshrl.u32 s26, $0x2;
	s26 =	simm.s32 $0x480;
	s4 =	sadd.s32 s6, s4  }
0x17: {  	s7 =	sadd.s32 s8, s7;
	s0 =	ssub.s32 s0, s25;
	s25 =	simm.s32 $0xB00  }
0x18: {  	[dreg:$0x14] =	wrdreg s26;
	s26 =	simm.s32 $0x680;
	s6 =	sshrl.u32 s4, $0x3  }
0x19: {  	s4 =	sadd.s32 $0x14400, s1;
	s7 =	sshrl.u32 s7, $0x3;
	s0 =	smax.u32 s0, $0x1  }
0x1a: {  	[dreg:$0x13] =	wrdreg s25;
	s25 =	simm.s32 $0xD00;
	s24 =	sadd.s32 s6, s1  }
0x1b: {  	s1 =	sadd.s32 s7, s1;
	s5 =	sadd.s32 s6, s5;
	[dreg:$0x18] =	wrdreg s0  }
0x1c: {  	s6 =	sadd.s32 s9, s2;
	s7 =	sor.u32 $0x1C04, s13;
	[dreg:$0x5] =	wrdreg s5  }
0x1d: {  	s13 =	simm.s32 $0x1000;
	s8 =	sadd.s32 $0x3C00, s24;
	[dreg:$0x16] =	wrdreg s7  }
0x1e: {  	s0 =	simm.s32 $0xF00;
	s1 =	sadd.s32 $0x3B600, s1;
	[dreg:$0x4] =	wrdreg s8  }
0x1f: {  	s9 =	simm.s32 $0x0;
	s24 =	simm.s32 $0x400;
	[dreg:$0x17] =	wrdreg s1  }
0x20: {  	s5 =	simm.s32 $0xF80;
	s8 =	sshrl.u32 s6, $0x3;
	[dreg:$0x12] =	wrdreg s24  }
0x21: {  	s24 =	simm.s32 $0x600;
	s1 =	simm.s32 $0xE80;
	[dreg:$0x19] =	wrdreg s8  }
.LBB2_1:
0x22: {  	[dreg:$0x1a] =	wrdreg s9  }
0x23: {  	s6 =	rddreg [dreg:$0x15]  }
0x24: {  	[spmem:s8], [sflag:s7] =	dma.local [hbm:s6], $0x2780  }
0x25: {  	_ =	swait.ge [sflag:s10], $0x2780  }
0x26: {  	[sflag:s10] =	ssyncset.done $0x0  }
0x27: {  	[sflag:s10] =	ssyncadd.s32 $0xFFFFD880  }
0x28: {  	[bflag:$0x0] =	sbarrier.arrive $0xFFFF  }
0x29: {  	s7 =	rddreg [dreg:$0x5]  }
0x2a: {  	s6 =	sadd.s32 $0x0, s7  }
0x2b: {  	[tilespmem:s3], [sflag:$0x4] =	stream.linear.gather [hbm4b:s6+s3], $0x800, $0x38;
	[tilespmem:$0x1DC00] =	vst v63  }
0x2c: {  	_ =	swait.ge [sflag:s10], $0x800  }
0x2d: {  	s8 =	rddreg [dreg:$0x4];
	[sflag:s10] =	ssyncset.done $0x0  }
0x2e: {  	[sflag:s10] =	ssyncadd.s32 $0xFFFFF800;
	s6 =	sadd.s32 $0x0, s8  }
0x2f: {  	[tilespmem:s11], [sflag:$0x4] =	stream.linear.gather [hbm4b:s6+s3], $0x800, $0x38;
	[tilespmem:$0x1DC00] =	vst v63  }
0x30: {  	_ =	swait.ge [sflag:s10], $0x800  }
0x31: {  	[sflag:s10] =	ssyncset.done $0x0  }
0x32: {  	[sflag:s10] =	ssyncadd.s32 $0xFFFFF800  }
0x33: {  	[tilespmem:s13], [sflag:$0x1] =	stream.indirect.gather [hbm4b:s4+s12], $0x80, s3, s12, $0xb8;
	[tilespmem:$0x1DC00] =	vst v63  }
0x34: {  	s9 =	rddreg [dreg:$0x6]  }
0x35: {  	[tilespmem:s14], [sflag:$0x2] =	stream.indirect.gather [hbm4b:s4+s12], $0x80, s9, s12, $0xb8;
	[tilespmem:$0x1DC00] =	vst v63  }
0x36: {  	s7 =	rddreg [dreg:$0x7]  }
0x37: {  	[tilespmem:s15], [sflag:$0x3] =	stream.indirect.gather [hbm4b:s4+s12], $0x80, s7, s12, $0xb8;
	[tilespmem:$0x1DC00] =	vst v63  }
0x38: {  	_ =	swait.ge [sflag:s16], $0x3000  }
0x39: {  	[sflag:s16] =	ssyncset.done $0x0  }
0x3a: {  	[sflag:s16] =	ssyncadd.s32 $0xFFFFD000  }
0x3b: {  	[spmem:s2] =	stream.indirect.scatter.add.f32 [tilespmem:s13], [sflag:$0x4], $0x80, s11, s12, $0xb8;
	[tilespmem:$0x1DC00] =	vst v63  }
0x3c: {  	_ =	swait.ge [sflag:s10], $0x3000  }
0x3d: {  	[sflag:s10] =	ssyncset.done $0x0  }
0x3e: {  	s9 =	rddreg [dreg:$0x8];
	[sflag:s10] =	ssyncadd.s32 $0xFFFFD000  }
0x3f: {  	[tilespmem:s13], [sflag:$0x1] =	stream.indirect.gather [hbm4b:s4+s12], $0x80, s9, s12, $0xb8;
	[tilespmem:$0x1DC00] =	vst v63  }
0x40: {  	_ =	swait.ge [sflag:s17], $0x3000  }
0x41: {  	[sflag:s17] =	ssyncset.done $0x0  }
0x42: {  	s7 =	rddreg [dreg:$0x9];
	[sflag:s17] =	ssyncadd.s32 $0xFFFFD000  }
0x43: {  	[spmem:s2] =	stream.indirect.scatter.add.f32 [tilespmem:s14], [sflag:$0x4], $0x80, s7, s12, $0xb8;
	[tilespmem:$0x1DC00] =	vst v63  }
0x44: {  	_ =	swait.ge [sflag:s10], $0x3000  }
0x45: {  	[sflag:s10] =	ssyncset.done $0x0  }
0x46: {  	s8 =	rddreg [dreg:$0xa];
	[sflag:s10] =	ssyncadd.s32 $0xFFFFD000  }
0x47: {  	[tilespmem:s14], [sflag:$0x2] =	stream.indirect.gather [hbm4b:s4+s12], $0x80, s8, s12, $0xb8;
	[tilespmem:$0x1DC00] =	vst v63  }
0x48: {  	_ =	swait.ge [sflag:s18], $0x3000  }
0x49: {  	[sflag:s18] =	ssyncset.done $0x0  }
0x4a: {  	s9 =	rddreg [dreg:$0xb];
	[sflag:s18] =	ssyncadd.s32 $0xFFFFD000  }
0x4b: {  	[spmem:s2] =	stream.indirect.scatter.add.f32 [tilespmem:s15], [sflag:$0x4], $0x80, s9, s12, $0xb8;
	[tilespmem:$0x1DC00] =	vst v63  }
0x4c: {  	_ =	swait.ge [sflag:s10], $0x3000  }
0x4d: {  	[sflag:s10] =	ssyncset.done $0x0  }
0x4e: {  	s7 =	rddreg [dreg:$0xc];
	[sflag:s10] =	ssyncadd.s32 $0xFFFFD000  }
0x4f: {  	[tilespmem:s15], [sflag:$0x3] =	stream.indirect.gather [hbm4b:s4+s12], $0x80, s7, s12, $0xb8;
	[tilespmem:$0x1DC00] =	vst v63  }
0x50: {  	_ =	swait.ge [sflag:s16], $0x3000  }
0x51: {  	[sflag:s16] =	ssyncset.done $0x0  }
0x52: {  	s8 =	rddreg [dreg:$0xd];
	[sflag:s16] =	ssyncadd.s32 $0xFFFFD000  }
0x53: {  	[spmem:s2] =	stream.indirect.scatter.add.f32 [tilespmem:s13], [sflag:$0x4], $0x80, s8, s12, $0xb8;
	[tilespmem:$0x1DC00] =	vst v63  }
0x54: {  	_ =	swait.ge [sflag:s10], $0x3000  }
0x55: {  	[sflag:s10] =	ssyncset.done $0x0  }
0x56: {  	s9 =	rddreg [dreg:$0xe];
	[sflag:s10] =	ssyncadd.s32 $0xFFFFD000  }
0x57: {  	[tilespmem:s13], [sflag:$0x1] =	stream.indirect.gather [hbm4b:s4+s12], $0x80, s9, s12, $0xb8;
	[tilespmem:$0x1DC00] =	vst v63  }
0x58: {  	_ =	swait.ge [sflag:s17], $0x3000  }
0x59: {  	[sflag:s17] =	ssyncset.done $0x0  }
0x5a: {  	s7 =	rddreg [dreg:$0xf];
	[sflag:s17] =	ssyncadd.s32 $0xFFFFD000  }
0x5b: {  	[spmem:s2] =	stream.indirect.scatter.add.f32 [tilespmem:s14], [sflag:$0x4], $0x80, s7, s12, $0xb8;
	[tilespmem:$0x1DC00] =	vst v63  }
0x5c: {  	_ =	swait.ge [sflag:s10], $0x3000  }
0x5d: {  	[sflag:s10] =	ssyncset.done $0x0  }
0x5e: {  	s8 =	rddreg [dreg:$0x10];
	[sflag:s10] =	ssyncadd.s32 $0xFFFFD000  }
0x5f: {  	[tilespmem:s14], [sflag:$0x2] =	stream.indirect.gather [hbm4b:s4+s12], $0x80, s8, s12, $0xb8;
	[tilespmem:$0x1DC00] =	vst v63  }
0x60: {  	_ =	swait.ge [sflag:s18], $0x3000  }
0x61: {  	[sflag:s18] =	ssyncset.done $0x0  }
0x62: {  	s9 =	rddreg [dreg:$0x11];
	[sflag:s18] =	ssyncadd.s32 $0xFFFFD000  }
0x63: {  	[spmem:s2] =	stream.indirect.scatter.add.f32 [tilespmem:s15], [sflag:$0x4], $0x80, s9, s12, $0xb8;
	[tilespmem:$0x1DC00] =	vst v63  }
0x64: {  	_ =	swait.ge [sflag:s10], $0x3000  }
0x65: {  	[sflag:s10] =	ssyncset.done $0x0  }
0x66: {  	s7 =	rddreg [dreg:$0x12];
	[sflag:s10] =	ssyncadd.s32 $0xFFFFD000  }
0x67: {  	[tilespmem:s15], [sflag:$0x3] =	stream.indirect.gather [hbm4b:s4+s12], $0x80, s7, s12, $0xb8;
	[tilespmem:$0x1DC00] =	vst v63  }
0x68: {  	_ =	swait.ge [sflag:s16], $0x3000  }
0x69: {  	[sflag:s16] =	ssyncset.done $0x0  }
0x6a: {  	s8 =	rddreg [dreg:$0x13];
	[sflag:s16] =	ssyncadd.s32 $0xFFFFD000  }
0x6b: {  	[spmem:s2] =	stream.indirect.scatter.add.f32 [tilespmem:s13], [sflag:$0x4], $0x80, s8, s12, $0xb8;
	[tilespmem:$0x1DC00] =	vst v63  }
0x6c: {  	_ =	swait.ge [sflag:s10], $0x3000  }
0x6d: {  	[sflag:s10] =	ssyncset.done $0x0  }
0x6e: {  	s9 =	rddreg [dreg:$0x14];
	[sflag:s10] =	ssyncadd.s32 $0xFFFFD000  }
0x6f: {  	[tilespmem:s13], [sflag:$0x1] =	stream.indirect.gather [hbm4b:s4+s12], $0x80, s9, s12, $0xb8;
	[tilespmem:$0x1DC00] =	vst v63  }
0x70: {  	_ =	swait.ge [sflag:s17], $0x3000  }
0x71: {  	[sflag:s17] =	ssyncset.done $0x0  }
0x72: {  	[sflag:s17] =	ssyncadd.s32 $0xFFFFD000  }
0x73: {  	[spmem:s2] =	stream.indirect.scatter.add.f32 [tilespmem:s14], [sflag:$0x4], $0x80, s19, s12, $0xb8;
	[tilespmem:$0x1DC00] =	vst v63  }
0x74: {  	_ =	swait.ge [sflag:s10], $0x3000  }
0x75: {  	[sflag:s10] =	ssyncset.done $0x0  }
0x76: {  	[sflag:s10] =	ssyncadd.s32 $0xFFFFD000  }
0x77: {  	[tilespmem:s14], [sflag:$0x2] =	stream.indirect.gather [hbm4b:s4+s12], $0x80, s20, s12, $0xb8;
	[tilespmem:$0x1DC00] =	vst v63  }
0x78: {  	_ =	swait.ge [sflag:s18], $0x3000  }
0x79: {  	[sflag:s18] =	ssyncset.done $0x0  }
0x7a: {  	[sflag:s18] =	ssyncadd.s32 $0xFFFFD000  }
0x7b: {  	[spmem:s2] =	stream.indirect.scatter.add.f32 [tilespmem:s15], [sflag:$0x4], $0x80, s21, s12, $0xb8;
	[tilespmem:$0x1DC00] =	vst v63  }
0x7c: {  	_ =	swait.ge [sflag:s10], $0x3000  }
0x7d: {  	[sflag:s10] =	ssyncset.done $0x0  }
0x7e: {  	[sflag:s10] =	ssyncadd.s32 $0xFFFFD000  }
0x7f: {  	[tilespmem:s15], [sflag:$0x3] =	stream.indirect.gather [hbm4b:s4+s12], $0x80, s22, s12, $0xb8;
	[tilespmem:$0x1DC00] =	vst v63  }
0x80: {  	_ =	swait.ge [sflag:s16], $0x3000  }
0x81: {  	[sflag:s16] =	ssyncset.done $0x0  }
0x82: {  	[sflag:s16] =	ssyncadd.s32 $0xFFFFD000  }
0x83: {  	[spmem:s2] =	stream.indirect.scatter.add.f32 [tilespmem:s13], [sflag:$0x4], $0x80, s23, s12, $0xb8;
	[tilespmem:$0x1DC00] =	vst v63  }
0x84: {  	_ =	swait.ge [sflag:s10], $0x3000  }
0x85: {  	[sflag:s10] =	ssyncset.done $0x0  }
0x86: {  	[sflag:s10] =	ssyncadd.s32 $0xFFFFD000  }
0x87: {  	[tilespmem:s13], [sflag:$0x1] =	stream.indirect.gather [hbm4b:s4+s12], $0x80, s24, s12, $0xb8;
	[tilespmem:$0x1DC00] =	vst v63  }
0x88: {  	_ =	swait.ge [sflag:s17], $0x3000  }
0x89: {  	[sflag:s17] =	ssyncset.done $0x0  }
0x8a: {  	[sflag:s17] =	ssyncadd.s32 $0xFFFFD000  }
0x8b: {  	[spmem:s2] =	stream.indirect.scatter.add.f32 [tilespmem:s14], [sflag:$0x4], $0x80, s25, s12, $0xb8;
	[tilespmem:$0x1DC00] =	vst v63  }
0x8c: {  	_ =	swait.ge [sflag:s10], $0x3000  }
0x8d: {  	[sflag:s10] =	ssyncset.done $0x0  }
0x8e: {  	[sflag:s10] =	ssyncadd.s32 $0xFFFFD000  }
0x8f: {  	[tilespmem:s14], [sflag:$0x2] =	stream.indirect.gather [hbm4b:s4+s12], $0x80, s26, s12, $0xb8;
	[tilespmem:$0x1DC00] =	vst v63  }
0x90: {  	_ =	swait.ge [sflag:s18], $0x3000  }
0x91: {  	[sflag:s18] =	ssyncset.done $0x0  }
0x92: {  	[sflag:s18] =	ssyncadd.s32 $0xFFFFD000  }
0x93: {  	[spmem:s2] =	stream.indirect.scatter.add.f32 [tilespmem:s15], [sflag:$0x4], $0x80, s28, s12, $0xb8;
	[tilespmem:$0x1DC00] =	vst v63  }
0x94: {  	_ =	swait.ge [sflag:s10], $0x3000  }
0x95: {  	[sflag:s10] =	ssyncset.done $0x0  }
0x96: {  	[sflag:s10] =	ssyncadd.s32 $0xFFFFD000  }
0x97: {  	[tilespmem:s15], [sflag:$0x3] =	stream.indirect.gather [hbm4b:s4+s12], $0x80, s29, s12, $0xb8;
	[tilespmem:$0x1DC00] =	vst v63  }
0x98: {  	_ =	swait.ge [sflag:s16], $0x3000  }
0x99: {  	[sflag:s16] =	ssyncset.done $0x0  }
0x9a: {  	[sflag:s16] =	ssyncadd.s32 $0xFFFFD000  }
0x9b: {  	[spmem:s2] =	stream.indirect.scatter.add.f32 [tilespmem:s13], [sflag:$0x4], $0x80, s30, s12, $0xb8;
	[tilespmem:$0x1DC00] =	vst v63  }
0x9c: {  	_ =	swait.ge [sflag:s10], $0x3000  }
0x9d: {  	[sflag:s10] =	ssyncset.done $0x0  }
0x9e: {  	[sflag:s10] =	ssyncadd.s32 $0xFFFFD000  }
0x9f: {  	[tilespmem:s13], [sflag:$0x1] =	stream.indirect.gather [hbm4b:s4+s12], $0x80, s31, s12, $0xb8;
	[tilespmem:$0x1DC00] =	vst v63  }
0xa0: {  	_ =	swait.ge [sflag:s17], $0x3000  }
0xa1: {  	[sflag:s17] =	ssyncset.done $0x0  }
0xa2: {  	[sflag:s17] =	ssyncadd.s32 $0xFFFFD000  }
0xa3: {  	[spmem:s2] =	stream.indirect.scatter.add.f32 [tilespmem:s14], [sflag:$0x4], $0x80, s1, s12, $0xb8;
	[tilespmem:$0x1DC00] =	vst v63  }
0xa4: {  	_ =	swait.ge [sflag:s10], $0x3000  }
0xa5: {  	[sflag:s10] =	ssyncset.done $0x0  }
0xa6: {  	[sflag:s10] =	ssyncadd.s32 $0xFFFFD000  }
0xa7: {  	_ =	swait.ge [sflag:s18], $0x3000  }
0xa8: {  	[sflag:s18] =	ssyncset.done $0x0  }
0xa9: {  	[sflag:s18] =	ssyncadd.s32 $0xFFFFD000  }
0xaa: {  	[spmem:s2] =	stream.indirect.scatter.add.f32 [tilespmem:s15], [sflag:$0x4], $0x80, s0, s12, $0xb8;
	[tilespmem:$0x1DC00] =	vst v63  }
0xab: {  	_ =	swait.ge [sflag:s10], $0x3000  }
0xac: {  	[sflag:s10] =	ssyncset.done $0x0  }
0xad: {  	[sflag:s10] =	ssyncadd.s32 $0xFFFFD000  }
0xae: {  	_ =	swait.ge [sflag:s16], $0x3000  }
0xaf: {  	[sflag:s16] =	ssyncset.done $0x0  }
0xb0: {  	[sflag:s16] =	ssyncadd.s32 $0xFFFFD000  }
0xb1: {  	[spmem:s2] =	stream.indirect.scatter.add.f32 [tilespmem:s13], [sflag:$0x4], $0x80, s5, s12, $0xb8;
	[tilespmem:$0x1DC00] =	vst v63  }
0xb2: {  	s6 =	simm.s32 $0x200;
	_ =	swait.ge [sflag:s10], $0x3000  }
0xb3: {  	s8 =	simm.s32 $0x100;
	s9 =	rddreg [dreg:$0x5];
	[sflag:s10] =	ssyncset.done $0x0  }
.LBB2_2:
0xb4: {  	[sflag:s10] =	ssyncadd.s32 $0xFFFFD000;
	s9 =	sadd.s32 s8, s9  }
0xb5: {  	[tilespmem:s3], [sflag:$0x4] =	stream.linear.gather [hbm4b:s9+s3], $0x800, $0x38;
	[tilespmem:$0x1DC00] =	vst v63  }
0xb6: {  	_ =	swait.ge [sflag:s10], $0x800  }
0xb7: {  	s9 =	rddreg [dreg:$0x4];
	[sflag:s10] =	ssyncset.done $0x0  }
0xb8: {  	[sflag:s10] =	ssyncadd.s32 $0xFFFFF800;
	s9 =	sadd.s32 s8, s9  }
0xb9: {  	[tilespmem:s11], [sflag:$0x4] =	stream.linear.gather [hbm4b:s9+s3], $0x800, $0x38;
	[tilespmem:$0x1DC00] =	vst v63  }
0xba: {  	_ =	swait.ge [sflag:s10], $0x800  }
0xbb: {  	[sflag:s10] =	ssyncset.done $0x0  }
0xbc: {  	s7 =	smov.u32 s6;
	[sflag:s10] =	ssyncadd.s32 $0xFFFFF800  }
0xbd: {  	[tilespmem:s13], [sflag:$0x1] =	stream.indirect.gather [hbm4b:s4+s12], $0x80, s3, s12, $0xb8;
	[tilespmem:$0x1DC00] =	vst v63  }
0xbe: {  	s8 =	smov.u32 s7;
	s7 =	rddreg [dreg:$0x6]  }
0xbf: {  	[tilespmem:s14], [sflag:$0x2] =	stream.indirect.gather [hbm4b:s4+s12], $0x80, s7, s12, $0xb8;
	[tilespmem:$0x1DC00] =	vst v63  }
0xc0: {  	s9 =	rddreg [dreg:$0x7]  }
0xc1: {  	[tilespmem:s15], [sflag:$0x3] =	stream.indirect.gather [hbm4b:s4+s12], $0x80, s9, s12, $0xb8;
	[tilespmem:$0x1DC00] =	vst v63  }
0xc2: {  	_ =	swait.ge [sflag:s16], $0x3000  }
0xc3: {  	[sflag:s16] =	ssyncset.done $0x0  }
0xc4: {  	[sflag:s16] =	ssyncadd.s32 $0xFFFFD000  }
0xc5: {  	[spmem:s2] =	stream.indirect.scatter.add.f32 [tilespmem:s13], [sflag:$0x4], $0x80, s11, s12, $0xb8;
	[tilespmem:$0x1DC00] =	vst v63  }
0xc6: {  	_ =	swait.ge [sflag:s10], $0x3000  }
0xc7: {  	[sflag:s10] =	ssyncset.done $0x0  }
0xc8: {  	s9 =	rddreg [dreg:$0x8];
	[sflag:s10] =	ssyncadd.s32 $0xFFFFD000  }
0xc9: {  	[tilespmem:s13], [sflag:$0x1] =	stream.indirect.gather [hbm4b:s4+s12], $0x80, s9, s12, $0xb8;
	[tilespmem:$0x1DC00] =	vst v63  }
0xca: {  	_ =	swait.ge [sflag:s17], $0x3000  }
0xcb: {  	[sflag:s17] =	ssyncset.done $0x0  }
0xcc: {  	s9 =	rddreg [dreg:$0x9];
	[sflag:s17] =	ssyncadd.s32 $0xFFFFD000  }
0xcd: {  	[spmem:s2] =	stream.indirect.scatter.add.f32 [tilespmem:s14], [sflag:$0x4], $0x80, s9, s12, $0xb8;
	[tilespmem:$0x1DC00] =	vst v63  }
0xce: {  	_ =	swait.ge [sflag:s10], $0x3000  }
0xcf: {  	[sflag:s10] =	ssyncset.done $0x0  }
0xd0: {  	s9 =	rddreg [dreg:$0xa];
	[sflag:s10] =	ssyncadd.s32 $0xFFFFD000  }
0xd1: {  	[tilespmem:s14], [sflag:$0x2] =	stream.indirect.gather [hbm4b:s4+s12], $0x80, s9, s12, $0xb8;
	[tilespmem:$0x1DC00] =	vst v63  }
0xd2: {  	_ =	swait.ge [sflag:s18], $0x3000  }
0xd3: {  	[sflag:s18] =	ssyncset.done $0x0  }
0xd4: {  	s9 =	rddreg [dreg:$0xb];
	[sflag:s18] =	ssyncadd.s32 $0xFFFFD000  }
0xd5: {  	[spmem:s2] =	stream.indirect.scatter.add.f32 [tilespmem:s15], [sflag:$0x4], $0x80, s9, s12, $0xb8;
	[tilespmem:$0x1DC00] =	vst v63  }
0xd6: {  	_ =	swait.ge [sflag:s10], $0x3000  }
0xd7: {  	[sflag:s10] =	ssyncset.done $0x0  }
0xd8: {  	s9 =	rddreg [dreg:$0xc];
	[sflag:s10] =	ssyncadd.s32 $0xFFFFD000  }
0xd9: {  	[tilespmem:s15], [sflag:$0x3] =	stream.indirect.gather [hbm4b:s4+s12], $0x80, s9, s12, $0xb8;
	[tilespmem:$0x1DC00] =	vst v63  }
0xda: {  	_ =	swait.ge [sflag:s16], $0x3000  }
0xdb: {  	[sflag:s16] =	ssyncset.done $0x0  }
0xdc: {  	s9 =	rddreg [dreg:$0xd];
	[sflag:s16] =	ssyncadd.s32 $0xFFFFD000  }
0xdd: {  	[spmem:s2] =	stream.indirect.scatter.add.f32 [tilespmem:s13], [sflag:$0x4], $0x80, s9, s12, $0xb8;
	[tilespmem:$0x1DC00] =	vst v63  }
0xde: {  	_ =	swait.ge [sflag:s10], $0x3000  }
0xdf: {  	[sflag:s10] =	ssyncset.done $0x0  }
0xe0: {  	s9 =	rddreg [dreg:$0xe];
	[sflag:s10] =	ssyncadd.s32 $0xFFFFD000  }
0xe1: {  	[tilespmem:s13], [sflag:$0x1] =	stream.indirect.gather [hbm4b:s4+s12], $0x80, s9, s12, $0xb8;
	[tilespmem:$0x1DC00] =	vst v63  }
0xe2: {  	_ =	swait.ge [sflag:s17], $0x3000  }
0xe3: {  	[sflag:s17] =	ssyncset.done $0x0  }
0xe4: {  	s9 =	rddreg [dreg:$0xf];
	[sflag:s17] =	ssyncadd.s32 $0xFFFFD000  }
0xe5: {  	[spmem:s2] =	stream.indirect.scatter.add.f32 [tilespmem:s14], [sflag:$0x4], $0x80, s9, s12, $0xb8;
	[tilespmem:$0x1DC00] =	vst v63  }
0xe6: {  	_ =	swait.ge [sflag:s10], $0x3000  }
0xe7: {  	[sflag:s10] =	ssyncset.done $0x0  }
0xe8: {  	s9 =	rddreg [dreg:$0x10];
	[sflag:s10] =	ssyncadd.s32 $0xFFFFD000  }
0xe9: {  	[tilespmem:s14], [sflag:$0x2] =	stream.indirect.gather [hbm4b:s4+s12], $0x80, s9, s12, $0xb8;
	[tilespmem:$0x1DC00] =	vst v63  }
0xea: {  	_ =	swait.ge [sflag:s18], $0x3000  }
0xeb: {  	[sflag:s18] =	ssyncset.done $0x0  }
0xec: {  	s9 =	rddreg [dreg:$0x11];
	[sflag:s18] =	ssyncadd.s32 $0xFFFFD000  }
0xed: {  	[spmem:s2] =	stream.indirect.scatter.add.f32 [tilespmem:s15], [sflag:$0x4], $0x80, s9, s12, $0xb8;
	[tilespmem:$0x1DC00] =	vst v63  }
0xee: {  	_ =	swait.ge [sflag:s10], $0x3000  }
0xef: {  	[sflag:s10] =	ssyncset.done $0x0  }
0xf0: {  	s9 =	rddreg [dreg:$0x12];
	[sflag:s10] =	ssyncadd.s32 $0xFFFFD000  }
0xf1: {  	[tilespmem:s15], [sflag:$0x3] =	stream.indirect.gather [hbm4b:s4+s12], $0x80, s9, s12, $0xb8;
	[tilespmem:$0x1DC00] =	vst v63  }
0xf2: {  	_ =	swait.ge [sflag:s16], $0x3000  }
0xf3: {  	[sflag:s16] =	ssyncset.done $0x0  }
0xf4: {  	s9 =	rddreg [dreg:$0x13];
	[sflag:s16] =	ssyncadd.s32 $0xFFFFD000  }
0xf5: {  	[spmem:s2] =	stream.indirect.scatter.add.f32 [tilespmem:s13], [sflag:$0x4], $0x80, s9, s12, $0xb8;
	[tilespmem:$0x1DC00] =	vst v63  }
0xf6: {  	_ =	swait.ge [sflag:s10], $0x3000  }
0xf7: {  	[sflag:s10] =	ssyncset.done $0x0  }
0xf8: {  	s9 =	rddreg [dreg:$0x14];
	[sflag:s10] =	ssyncadd.s32 $0xFFFFD000  }
0xf9: {  	[tilespmem:s13], [sflag:$0x1] =	stream.indirect.gather [hbm4b:s4+s12], $0x80, s9, s12, $0xb8;
	[tilespmem:$0x1DC00] =	vst v63  }
0xfa: {  	_ =	swait.ge [sflag:s17], $0x3000  }
0xfb: {  	[sflag:s17] =	ssyncset.done $0x0  }
0xfc: {  	[sflag:s17] =	ssyncadd.s32 $0xFFFFD000  }
0xfd: {  	[spmem:s2] =	stream.indirect.scatter.add.f32 [tilespmem:s14], [sflag:$0x4], $0x80, s19, s12, $0xb8;
	[tilespmem:$0x1DC00] =	vst v63  }
0xfe: {  	_ =	swait.ge [sflag:s10], $0x3000  }
0xff: {  	[sflag:s10] =	ssyncset.done $0x0  }
0x100: {  	[sflag:s10] =	ssyncadd.s32 $0xFFFFD000  }
0x101: {  	[tilespmem:s14], [sflag:$0x2] =	stream.indirect.gather [hbm4b:s4+s12], $0x80, s20, s12, $0xb8;
	[tilespmem:$0x1DC00] =	vst v63  }
0x102: {  	_ =	swait.ge [sflag:s18], $0x3000  }
0x103: {  	[sflag:s18] =	ssyncset.done $0x0  }
0x104: {  	[sflag:s18] =	ssyncadd.s32 $0xFFFFD000  }
0x105: {  	[spmem:s2] =	stream.indirect.scatter.add.f32 [tilespmem:s15], [sflag:$0x4], $0x80, s21, s12, $0xb8;
	[tilespmem:$0x1DC00] =	vst v63  }
0x106: {  	_ =	swait.ge [sflag:s10], $0x3000  }
0x107: {  	[sflag:s10] =	ssyncset.done $0x0  }
0x108: {  	[sflag:s10] =	ssyncadd.s32 $0xFFFFD000  }
0x109: {  	[tilespmem:s15], [sflag:$0x3] =	stream.indirect.gather [hbm4b:s4+s12], $0x80, s22, s12, $0xb8;
	[tilespmem:$0x1DC00] =	vst v63  }
0x10a: {  	_ =	swait.ge [sflag:s16], $0x3000  }
0x10b: {  	[sflag:s16] =	ssyncset.done $0x0  }
0x10c: {  	[sflag:s16] =	ssyncadd.s32 $0xFFFFD000  }
0x10d: {  	[spmem:s2] =	stream.indirect.scatter.add.f32 [tilespmem:s13], [sflag:$0x4], $0x80, s23, s12, $0xb8;
	[tilespmem:$0x1DC00] =	vst v63  }
0x10e: {  	_ =	swait.ge [sflag:s10], $0x3000  }
0x10f: {  	[sflag:s10] =	ssyncset.done $0x0  }
0x110: {  	[sflag:s10] =	ssyncadd.s32 $0xFFFFD000  }
0x111: {  	[tilespmem:s13], [sflag:$0x1] =	stream.indirect.gather [hbm4b:s4+s12], $0x80, s24, s12, $0xb8;
	[tilespmem:$0x1DC00] =	vst v63  }
0x112: {  	_ =	swait.ge [sflag:s17], $0x3000  }
0x113: {  	[sflag:s17] =	ssyncset.done $0x0  }
0x114: {  	[sflag:s17] =	ssyncadd.s32 $0xFFFFD000  }
0x115: {  	[spmem:s2] =	stream.indirect.scatter.add.f32 [tilespmem:s14], [sflag:$0x4], $0x80, s25, s12, $0xb8;
	[tilespmem:$0x1DC00] =	vst v63  }
0x116: {  	_ =	swait.ge [sflag:s10], $0x3000  }
0x117: {  	[sflag:s10] =	ssyncset.done $0x0  }
0x118: {  	[sflag:s10] =	ssyncadd.s32 $0xFFFFD000  }
0x119: {  	[tilespmem:s14], [sflag:$0x2] =	stream.indirect.gather [hbm4b:s4+s12], $0x80, s26, s12, $0xb8;
	[tilespmem:$0x1DC00] =	vst v63  }
0x11a: {  	_ =	swait.ge [sflag:s18], $0x3000  }
0x11b: {  	[sflag:s18] =	ssyncset.done $0x0  }
0x11c: {  	[sflag:s18] =	ssyncadd.s32 $0xFFFFD000  }
0x11d: {  	[spmem:s2] =	stream.indirect.scatter.add.f32 [tilespmem:s15], [sflag:$0x4], $0x80, s28, s12, $0xb8;
	[tilespmem:$0x1DC00] =	vst v63  }
0x11e: {  	_ =	swait.ge [sflag:s10], $0x3000  }
0x11f: {  	[sflag:s10] =	ssyncset.done $0x0  }
0x120: {  	[sflag:s10] =	ssyncadd.s32 $0xFFFFD000  }
0x121: {  	[tilespmem:s15], [sflag:$0x3] =	stream.indirect.gather [hbm4b:s4+s12], $0x80, s29, s12, $0xb8;
	[tilespmem:$0x1DC00] =	vst v63  }
0x122: {  	_ =	swait.ge [sflag:s16], $0x3000  }
0x123: {  	[sflag:s16] =	ssyncset.done $0x0  }
0x124: {  	[sflag:s16] =	ssyncadd.s32 $0xFFFFD000  }
0x125: {  	[spmem:s2] =	stream.indirect.scatter.add.f32 [tilespmem:s13], [sflag:$0x4], $0x80, s30, s12, $0xb8;
	[tilespmem:$0x1DC00] =	vst v63  }
0x126: {  	_ =	swait.ge [sflag:s10], $0x3000  }
0x127: {  	[sflag:s10] =	ssyncset.done $0x0  }
0x128: {  	[sflag:s10] =	ssyncadd.s32 $0xFFFFD000  }
0x129: {  	[tilespmem:s13], [sflag:$0x1] =	stream.indirect.gather [hbm4b:s4+s12], $0x80, s31, s12, $0xb8;
	[tilespmem:$0x1DC00] =	vst v63  }
0x12a: {  	_ =	swait.ge [sflag:s17], $0x3000  }
0x12b: {  	[sflag:s17] =	ssyncset.done $0x0  }
0x12c: {  	[sflag:s17] =	ssyncadd.s32 $0xFFFFD000  }
0x12d: {  	[spmem:s2] =	stream.indirect.scatter.add.f32 [tilespmem:s14], [sflag:$0x4], $0x80, s1, s12, $0xb8;
	[tilespmem:$0x1DC00] =	vst v63  }
0x12e: {  	_ =	swait.ge [sflag:s10], $0x3000  }
0x12f: {  	[sflag:s10] =	ssyncset.done $0x0  }
0x130: {  	[sflag:s10] =	ssyncadd.s32 $0xFFFFD000  }
0x131: {  	_ =	swait.ge [sflag:s18], $0x3000  }
0x132: {  	[sflag:s18] =	ssyncset.done $0x0  }
0x133: {  	[sflag:s18] =	ssyncadd.s32 $0xFFFFD000  }
0x134: {  	[spmem:s2] =	stream.indirect.scatter.add.f32 [tilespmem:s15], [sflag:$0x4], $0x80, s0, s12, $0xb8;
	[tilespmem:$0x1DC00] =	vst v63  }
0x135: {  	_ =	swait.ge [sflag:s10], $0x3000  }
0x136: {  	[sflag:s10] =	ssyncset.done $0x0  }
0x137: {  	[sflag:s10] =	ssyncadd.s32 $0xFFFFD000  }
0x138: {  	p0 =	sne.s32 s6, $0x600;
	_ =	swait.ge [sflag:s16], $0x3000  }
.Ltmp0:
0x139: {  	[sflag:s16] =	ssyncset.done $0x0;
	(pc) =	sbr.rel @p0 .LBB2_2-.Ltmp0, $4  }
0x13a: {  	[sflag:s16] =	ssyncadd.s32 $0xFFFFD000  }
0x13b: {  	[spmem:s2] =	stream.indirect.scatter.add.f32 [tilespmem:s13], [sflag:$0x4], $0x80, s5, s12, $0xb8;
	[tilespmem:$0x1DC00] =	vst v63  }
0x13c: {  	_ =	swait.ge [sflag:s10], $0x3000  }
0x13d: {  	s6 =	sadd.s32 $0x100, s6;
	s9 =	rddreg [dreg:$0x5];
	[sflag:s10] =	ssyncset.done $0x0  }
0x13e: {  	[sflag:s10] =	ssyncadd.s32 $0xFFFFD000;
	s6 =	sadd.s32 s8, s9  }
0x13f: {  	[tilespmem:s3], [sflag:$0x4] =	stream.linear.gather [hbm4b:s6+s3], $0x800, $0x38;
	[tilespmem:$0x1DC00] =	vst v63  }
0x140: {  	_ =	swait.ge [sflag:s10], $0x800  }
0x141: {  	s7 =	rddreg [dreg:$0x4];
	[sflag:s10] =	ssyncset.done $0x0  }
0x142: {  	[sflag:s10] =	ssyncadd.s32 $0xFFFFF800;
	s6 =	sadd.s32 s8, s7  }
0x143: {  	[tilespmem:s11], [sflag:$0x4] =	stream.linear.gather [hbm4b:s6+s3], $0x800, $0x38;
	[tilespmem:$0x1DC00] =	vst v63  }
0x144: {  	_ =	swait.ge [sflag:s10], $0x800  }
0x145: {  	[sflag:s10] =	ssyncset.done $0x0  }
0x146: {  	[sflag:s10] =	ssyncadd.s32 $0xFFFFF800  }
0x147: {  	[tilespmem:s13], [sflag:$0x1] =	stream.indirect.gather [hbm4b:s4+s12], $0x80, s3, s12, $0xb8;
	[tilespmem:$0x1DC00] =	vst v63  }
0x148: {  	s9 =	rddreg [dreg:$0x6]  }
0x149: {  	[tilespmem:s14], [sflag:$0x2] =	stream.indirect.gather [hbm4b:s4+s12], $0x80, s9, s12, $0xb8;
	[tilespmem:$0x1DC00] =	vst v63  }
0x14a: {  	s7 =	rddreg [dreg:$0x7]  }
0x14b: {  	[tilespmem:s15], [sflag:$0x3] =	stream.indirect.gather [hbm4b:s4+s12], $0x80, s7, s12, $0xb8;
	[tilespmem:$0x1DC00] =	vst v63  }
0x14c: {  	_ =	swait.ge [sflag:s16], $0x3000  }
0x14d: {  	[sflag:s16] =	ssyncset.done $0x0  }
0x14e: {  	[sflag:s16] =	ssyncadd.s32 $0xFFFFD000  }
0x14f: {  	[spmem:s2] =	stream.indirect.scatter.add.f32 [tilespmem:s13], [sflag:$0x4], $0x80, s11, s12, $0xb8;
	[tilespmem:$0x1DC00] =	vst v63  }
0x150: {  	_ =	swait.ge [sflag:s10], $0x3000  }
0x151: {  	[sflag:s10] =	ssyncset.done $0x0  }
0x152: {  	s8 =	rddreg [dreg:$0x8];
	[sflag:s10] =	ssyncadd.s32 $0xFFFFD000  }
0x153: {  	[tilespmem:s13], [sflag:$0x1] =	stream.indirect.gather [hbm4b:s4+s12], $0x80, s8, s12, $0xb8;
	[tilespmem:$0x1DC00] =	vst v63  }
0x154: {  	_ =	swait.ge [sflag:s17], $0x3000  }
0x155: {  	[sflag:s17] =	ssyncset.done $0x0  }
0x156: {  	s9 =	rddreg [dreg:$0x9];
	[sflag:s17] =	ssyncadd.s32 $0xFFFFD000  }
0x157: {  	[spmem:s2] =	stream.indirect.scatter.add.f32 [tilespmem:s14], [sflag:$0x4], $0x80, s9, s12, $0xb8;
	[tilespmem:$0x1DC00] =	vst v63  }
0x158: {  	_ =	swait.ge [sflag:s10], $0x3000  }
0x159: {  	[sflag:s10] =	ssyncset.done $0x0  }
0x15a: {  	s7 =	rddreg [dreg:$0xa];
	[sflag:s10] =	ssyncadd.s32 $0xFFFFD000  }
0x15b: {  	[tilespmem:s14], [sflag:$0x2] =	stream.indirect.gather [hbm4b:s4+s12], $0x80, s7, s12, $0xb8;
	[tilespmem:$0x1DC00] =	vst v63  }
0x15c: {  	_ =	swait.ge [sflag:s18], $0x3000  }
0x15d: {  	[sflag:s18] =	ssyncset.done $0x0  }
0x15e: {  	s8 =	rddreg [dreg:$0xb];
	[sflag:s18] =	ssyncadd.s32 $0xFFFFD000  }
0x15f: {  	[spmem:s2] =	stream.indirect.scatter.add.f32 [tilespmem:s15], [sflag:$0x4], $0x80, s8, s12, $0xb8;
	[tilespmem:$0x1DC00] =	vst v63  }
0x160: {  	_ =	swait.ge [sflag:s10], $0x3000  }
0x161: {  	[sflag:s10] =	ssyncset.done $0x0  }
0x162: {  	s9 =	rddreg [dreg:$0xc];
	[sflag:s10] =	ssyncadd.s32 $0xFFFFD000  }
0x163: {  	[tilespmem:s15], [sflag:$0x3] =	stream.indirect.gather [hbm4b:s4+s12], $0x80, s9, s12, $0xb8;
	[tilespmem:$0x1DC00] =	vst v63  }
0x164: {  	_ =	swait.ge [sflag:s16], $0x3000  }
0x165: {  	[sflag:s16] =	ssyncset.done $0x0  }
0x166: {  	s7 =	rddreg [dreg:$0xd];
	[sflag:s16] =	ssyncadd.s32 $0xFFFFD000  }
0x167: {  	[spmem:s2] =	stream.indirect.scatter.add.f32 [tilespmem:s13], [sflag:$0x4], $0x80, s7, s12, $0xb8;
	[tilespmem:$0x1DC00] =	vst v63  }
0x168: {  	_ =	swait.ge [sflag:s10], $0x3000  }
0x169: {  	[sflag:s10] =	ssyncset.done $0x0  }
0x16a: {  	s8 =	rddreg [dreg:$0xe];
	[sflag:s10] =	ssyncadd.s32 $0xFFFFD000  }
0x16b: {  	[tilespmem:s13], [sflag:$0x1] =	stream.indirect.gather [hbm4b:s4+s12], $0x80, s8, s12, $0xb8;
	[tilespmem:$0x1DC00] =	vst v63  }
0x16c: {  	_ =	swait.ge [sflag:s17], $0x3000  }
0x16d: {  	[sflag:s17] =	ssyncset.done $0x0  }
0x16e: {  	s9 =	rddreg [dreg:$0xf];
	[sflag:s17] =	ssyncadd.s32 $0xFFFFD000  }
0x16f: {  	[spmem:s2] =	stream.indirect.scatter.add.f32 [tilespmem:s14], [sflag:$0x4], $0x80, s9, s12, $0xb8;
	[tilespmem:$0x1DC00] =	vst v63  }
0x170: {  	_ =	swait.ge [sflag:s10], $0x3000  }
0x171: {  	[sflag:s10] =	ssyncset.done $0x0  }
0x172: {  	s7 =	rddreg [dreg:$0x10];
	[sflag:s10] =	ssyncadd.s32 $0xFFFFD000  }
0x173: {  	[tilespmem:s14], [sflag:$0x2] =	stream.indirect.gather [hbm4b:s4+s12], $0x80, s7, s12, $0xb8;
	[tilespmem:$0x1DC00] =	vst v63  }
0x174: {  	_ =	swait.ge [sflag:s18], $0x3000  }
0x175: {  	[sflag:s18] =	ssyncset.done $0x0  }
0x176: {  	s8 =	rddreg [dreg:$0x11];
	[sflag:s18] =	ssyncadd.s32 $0xFFFFD000  }
0x177: {  	[spmem:s2] =	stream.indirect.scatter.add.f32 [tilespmem:s15], [sflag:$0x4], $0x80, s8, s12, $0xb8;
	[tilespmem:$0x1DC00] =	vst v63  }
0x178: {  	_ =	swait.ge [sflag:s10], $0x3000  }
0x179: {  	[sflag:s10] =	ssyncset.done $0x0  }
0x17a: {  	s9 =	rddreg [dreg:$0x12];
	[sflag:s10] =	ssyncadd.s32 $0xFFFFD000  }
0x17b: {  	[tilespmem:s15], [sflag:$0x3] =	stream.indirect.gather [hbm4b:s4+s12], $0x80, s9, s12, $0xb8;
	[tilespmem:$0x1DC00] =	vst v63  }
0x17c: {  	_ =	swait.ge [sflag:s16], $0x3000  }
0x17d: {  	[sflag:s16] =	ssyncset.done $0x0  }
0x17e: {  	s7 =	rddreg [dreg:$0x13];
	[sflag:s16] =	ssyncadd.s32 $0xFFFFD000  }
0x17f: {  	[spmem:s2] =	stream.indirect.scatter.add.f32 [tilespmem:s13], [sflag:$0x4], $0x80, s7, s12, $0xb8;
	[tilespmem:$0x1DC00] =	vst v63  }
0x180: {  	_ =	swait.ge [sflag:s10], $0x3000  }
0x181: {  	[sflag:s10] =	ssyncset.done $0x0  }
0x182: {  	s8 =	rddreg [dreg:$0x14];
	[sflag:s10] =	ssyncadd.s32 $0xFFFFD000  }
0x183: {  	[tilespmem:s13], [sflag:$0x1] =	stream.indirect.gather [hbm4b:s4+s12], $0x80, s8, s12, $0xb8;
	[tilespmem:$0x1DC00] =	vst v63  }
0x184: {  	_ =	swait.ge [sflag:s17], $0x3000  }
0x185: {  	[sflag:s17] =	ssyncset.done $0x0  }
0x186: {  	[sflag:s17] =	ssyncadd.s32 $0xFFFFD000  }
0x187: {  	[spmem:s2] =	stream.indirect.scatter.add.f32 [tilespmem:s14], [sflag:$0x4], $0x80, s19, s12, $0xb8;
	[tilespmem:$0x1DC00] =	vst v63  }
0x188: {  	_ =	swait.ge [sflag:s10], $0x3000  }
0x189: {  	[sflag:s10] =	ssyncset.done $0x0  }
0x18a: {  	[sflag:s10] =	ssyncadd.s32 $0xFFFFD000  }
0x18b: {  	[tilespmem:s14], [sflag:$0x2] =	stream.indirect.gather [hbm4b:s4+s12], $0x80, s20, s12, $0xb8;
	[tilespmem:$0x1DC00] =	vst v63  }
0x18c: {  	_ =	swait.ge [sflag:s18], $0x3000  }
0x18d: {  	[sflag:s18] =	ssyncset.done $0x0  }
0x18e: {  	[sflag:s18] =	ssyncadd.s32 $0xFFFFD000  }
0x18f: {  	[spmem:s2] =	stream.indirect.scatter.add.f32 [tilespmem:s15], [sflag:$0x4], $0x80, s21, s12, $0xb8;
	[tilespmem:$0x1DC00] =	vst v63  }
0x190: {  	_ =	swait.ge [sflag:s10], $0x3000  }
0x191: {  	[sflag:s10] =	ssyncset.done $0x0  }
0x192: {  	[sflag:s10] =	ssyncadd.s32 $0xFFFFD000  }
0x193: {  	[tilespmem:s15], [sflag:$0x3] =	stream.indirect.gather [hbm4b:s4+s12], $0x80, s22, s12, $0xb8;
	[tilespmem:$0x1DC00] =	vst v63  }
0x194: {  	_ =	swait.ge [sflag:s16], $0x3000  }
0x195: {  	[sflag:s16] =	ssyncset.done $0x0  }
0x196: {  	[sflag:s16] =	ssyncadd.s32 $0xFFFFD000  }
0x197: {  	[spmem:s2] =	stream.indirect.scatter.add.f32 [tilespmem:s13], [sflag:$0x4], $0x80, s23, s12, $0xb8;
	[tilespmem:$0x1DC00] =	vst v63  }
0x198: {  	_ =	swait.ge [sflag:s10], $0x3000  }
0x199: {  	[sflag:s10] =	ssyncset.done $0x0  }
0x19a: {  	[sflag:s10] =	ssyncadd.s32 $0xFFFFD000  }
0x19b: {  	[tilespmem:s13], [sflag:$0x1] =	stream.indirect.gather [hbm4b:s4+s12], $0x80, s24, s12, $0xb8;
	[tilespmem:$0x1DC00] =	vst v63  }
0x19c: {  	_ =	swait.ge [sflag:s17], $0x3000  }
0x19d: {  	[sflag:s17] =	ssyncset.done $0x0  }
0x19e: {  	[sflag:s17] =	ssyncadd.s32 $0xFFFFD000  }
0x19f: {  	[spmem:s2] =	stream.indirect.scatter.add.f32 [tilespmem:s14], [sflag:$0x4], $0x80, s25, s12, $0xb8;
	[tilespmem:$0x1DC00] =	vst v63  }
0x1a0: {  	_ =	swait.ge [sflag:s10], $0x3000  }
0x1a1: {  	[sflag:s10] =	ssyncset.done $0x0  }
0x1a2: {  	[sflag:s10] =	ssyncadd.s32 $0xFFFFD000  }
0x1a3: {  	[tilespmem:s14], [sflag:$0x2] =	stream.indirect.gather [hbm4b:s4+s12], $0x80, s26, s12, $0xb8;
	[tilespmem:$0x1DC00] =	vst v63  }
0x1a4: {  	_ =	swait.ge [sflag:s18], $0x3000  }
0x1a5: {  	[sflag:s18] =	ssyncset.done $0x0  }
0x1a6: {  	[sflag:s18] =	ssyncadd.s32 $0xFFFFD000  }
0x1a7: {  	[spmem:s2] =	stream.indirect.scatter.add.f32 [tilespmem:s15], [sflag:$0x4], $0x80, s28, s12, $0xb8;
	[tilespmem:$0x1DC00] =	vst v63  }
0x1a8: {  	_ =	swait.ge [sflag:s10], $0x3000  }
0x1a9: {  	[sflag:s10] =	ssyncset.done $0x0  }
0x1aa: {  	[sflag:s10] =	ssyncadd.s32 $0xFFFFD000  }
0x1ab: {  	[tilespmem:s15], [sflag:$0x3] =	stream.indirect.gather [hbm4b:s4+s12], $0x80, s29, s12, $0xb8;
	[tilespmem:$0x1DC00] =	vst v63  }
0x1ac: {  	_ =	swait.ge [sflag:s16], $0x3000  }
0x1ad: {  	[sflag:s16] =	ssyncset.done $0x0  }
0x1ae: {  	[sflag:s16] =	ssyncadd.s32 $0xFFFFD000  }
0x1af: {  	[spmem:s2] =	stream.indirect.scatter.add.f32 [tilespmem:s13], [sflag:$0x4], $0x80, s30, s12, $0xb8;
	[tilespmem:$0x1DC00] =	vst v63  }
0x1b0: {  	_ =	swait.ge [sflag:s10], $0x3000  }
0x1b1: {  	[sflag:s10] =	ssyncset.done $0x0  }
0x1b2: {  	[sflag:s10] =	ssyncadd.s32 $0xFFFFD000  }
0x1b3: {  	[tilespmem:s13], [sflag:$0x1] =	stream.indirect.gather [hbm4b:s4+s12], $0x80, s31, s12, $0xb8;
	[tilespmem:$0x1DC00] =	vst v63  }
0x1b4: {  	_ =	swait.ge [sflag:s17], $0x3000  }
0x1b5: {  	[sflag:s17] =	ssyncset.done $0x0  }
0x1b6: {  	[sflag:s17] =	ssyncadd.s32 $0xFFFFD000  }
0x1b7: {  	[spmem:s2] =	stream.indirect.scatter.add.f32 [tilespmem:s14], [sflag:$0x4], $0x80, s1, s12, $0xb8;
	[tilespmem:$0x1DC00] =	vst v63  }
0x1b8: {  	_ =	swait.ge [sflag:s10], $0x3000  }
0x1b9: {  	[sflag:s10] =	ssyncset.done $0x0  }
0x1ba: {  	[sflag:s10] =	ssyncadd.s32 $0xFFFFD000  }
0x1bb: {  	_ =	swait.ge [sflag:s18], $0x3000  }
0x1bc: {  	[sflag:s18] =	ssyncset.done $0x0  }
0x1bd: {  	[sflag:s18] =	ssyncadd.s32 $0xFFFFD000  }
0x1be: {  	[spmem:s2] =	stream.indirect.scatter.add.f32 [tilespmem:s15], [sflag:$0x4], $0x80, s0, s12, $0xb8;
	[tilespmem:$0x1DC00] =	vst v63  }
0x1bf: {  	_ =	swait.ge [sflag:s10], $0x3000  }
0x1c0: {  	[sflag:s10] =	ssyncset.done $0x0  }
0x1c1: {  	[sflag:s10] =	ssyncadd.s32 $0xFFFFD000  }
0x1c2: {  	_ =	swait.ge [sflag:s16], $0x3000  }
0x1c3: {  	[sflag:s16] =	ssyncset.done $0x0  }
0x1c4: {  	[sflag:s16] =	ssyncadd.s32 $0xFFFFD000  }
0x1c5: {  	[spmem:s2] =	stream.indirect.scatter.add.f32 [tilespmem:s13], [sflag:$0x4], $0x80, s5, s12, $0xb8;
	[tilespmem:$0x1DC00] =	vst v63  }
0x1c6: {  	_ =	swait.ge [sflag:s10], $0x3000  }
0x1c7: {  	[sflag:s10] =	ssyncset.done $0x0  }
0x1c8: {  	[sflag:s10] =	ssyncadd.s32 $0xFFFFD000  }
0x1c9: {  	[bflag:$0x0] =	sbarrier.arrive $0xFFFF  }
0x1ca: {  	s7 =	rddreg [dreg:$0x16]  }
0x1cb: {  	s9 =	rddreg [dreg:$0x17]  }
0x1cc: {  	s8 =	rddreg [dreg:$0x19]  }
0x1cd: {  	[hbm:s9], [sflag:s7] =	dma.local [spmem:s8], $0x2780  }
0x1ce: {  	_ =	swait.ge [sflag:s10], $0x2780  }
0x1cf: {  	s6 =	rddreg [dreg:$0x1a]  }
0x1d0: {  	s9 =	sadd.s32 $0x1, s6;
	s6 =	rddreg [dreg:$0x18]  }
0x1d1: {  	p0 =	sne.s32 s9, s6  }
.Ltmp1:
0x1d2: {  	_ = 	snop;
	(pc) =	sbr.rel @p0 .LBB2_1-.Ltmp1, $3  }
0x1d3: {  	_ =	sdelay $0x1  }
0x1d4: {  	[sflag:s10] =	ssyncset.done $0x0  }
0x1d5: {  	[sflag:s10] =	ssyncadd.s32 $0xFFFFD880  }
0x1d6: {  	_ =	sfence.sel $0x180000  }
0x1d7: {  	[bflag:$0x0] =	sbarrier.arrive $0xFFFF  }
0x1d8: {  	_ =	strace $0x9000004D  }
0x1d9: {  	s0 =	stileid.u32;
	[bflag:$0x2] =	sbarrier.arrive $0xFFFF  }
0x1da: {  	p0 =	sne.s32 s0, $0x0;
	s0 =	rddreg [dreg:$0x3]  }
0x1db: {  	s0 =	sadd.s32 @!p0 $0x100000, s0  }
0x1dc: {  	[sflag:s0] =	ssyncadd.tile.s32 @!p0 $0x1;
	_ =	shalt  }
.Lfunc_end2:
_tile_overlayer_lowered:
.L_overlay_start_2:
0x1dd: {  	(tag) =	ssettag $0x2  }
0x1de: {  	s0 =	rddreg [dreg:$0x0];
	s2 =	stileid.u32  }
0x1df: {  	s1 =	rddreg [dreg:$0x1];
	p0 =	sne.s32 s2, $0x0  }
0x1e0: {  	s3 =	rddreg [dreg:$0x2];
	[bflag:$0x3] =	sbarrier.arrive $0xFFFF;
	s2 =	simm.s32 @!p0 $0x1C04  }
0x1e1: {  	[timem:s3], [sflag:s2] =	dma.local @!p0 [hbm:s0], s1  }
0x1e2: {  	s0 =	simm.s32 @!p0 $0x4  }
0x1e3: {  	_ =	swait.ge @!p0 [sflag:s0], s1  }
0x1e4: {  	s1 =	ssub.s32 @!p0 $0x0, s1;
	[sflag:s0] =	ssyncset.done @!p0 $0x0  }
0x1e5: {  	[sflag:s0] =	ssyncadd.s32 @!p0 s1  }
0x1e6: {  	[bflag:$0x3] =	sbarrier.arrive $0xFFFF  }
0x1e7: {  	_ =	shalt  }

// kernel: kernel.18.cloned.1.call-start
scs
__scs_entry_jumppad:
0x0: {  	(pc) =	sbr.rel $0x88, $3  }
0x1: {  	(tag) =	ssettag $0x0;
	lr =	simm.s32 $0x1  }
0x2: {  	[smem:$0x3F92] =	sst lr;
	_ =	strace $0xD0000000  }
0x3: {  	_ = 	snop  }
0x4: {  	_ = 	snop  }
0x5: {  	_ = 	snop  }
0x6: {  	_ = 	snop  }
0x7: {  	_ = 	snop  }
__scs_overlays_trampoline_lowered:
0x8: {  	[smem:$0x3FA1] =	sst s0  }
0x9: {  	[smem:$0x3FA2] =	sst s1  }
0xa: {  	[smem:$0x3FA3] =	sst s2  }
0xb: {  	[smem:$0x3FA4] =	sst s3  }
0xc: {  	[smem:$0x3FA5] =	sst s4  }
0xd: {  	[smem:$0x3FA6] =	sst s5  }
0xe: {  	[smem:$0x3FA7] =	sst s6  }
0xf: {  	[smem:$0x3FA8] =	sst s7  }
0x10: {  	[smem:$0x3FA9] =	sst s8  }
0x11: {  	[smem:$0x3FAA] =	sst s9;
	s0 =	simm.s32 @!p0 $0x0  }
0x12: {  	s1 =	sld [smem:$0x3F90];
	s0 =	simm.s32 @p0 $0x1  }
0x13: {  	[smem:$0x3FAB] =	sst s0;
	s0 =	simm.s32 @!p1 $0x0  }
0x14: {  	s2 =	sld [smem:$0x3F8F];
	s0 =	simm.s32 @p1 $0x1  }
0x15: {  	[smem:$0x3FAC] =	sst s0;
	s0 =	simm.s32 @!p2 $0x0  }
0x16: {  	s3 =	sld [smem:$0x3FDB];
	s0 =	simm.s32 @p2 $0x1  }
0x17: {  	s4 =	simm.s32 $0x1BF5;
	[smem:$0x3FAE] =	sst s0  }
0x18: {  	s0 =	sld [smem:$0x3F91];
	_ =	swait.ge [sflag:s4], $0x0  }
0x19: {  	s7 =	sld [smem:$0x3F92]  }
0x1a: {  	s8 =	sadd.s32 $0xFFFFE003, lr  }
0x1b: {  	s9 =	sadd.s32 $0xFFFFFEF7, lr;
	s5 =	simm.s32 $0xFFFFFFFF;
	p2 =	slt.u32 s8, $0xFFFFF086  }
0x1c: {  	p1 =	slt.u32 s9, $0xF7A;
	s5 =	simm.s32 @!p2 $0x0  }
0x1d: {  	s5 =	simm.s32 @p1 $0x1;
	p0 =	seq.s32 s7, s2  }
0x1e: {  	s7 =	smul.u32 @!p0 $0xF7A, s2;
	p2 =	seq.s32 @!p0 s5, $0x0  }
0x1f: {  	s9 =	smul.u32 $0xF7A, s1;
	s8 =	simm.s32 @!p0 $0x1BF5;
	p2 =	por !p2, p0  }
0x20: {  	[sflag:s8] =	ssyncset.s32 @!p0 $0xFFFFF086;
	s6 =	sadd.s32 @!p0 s3, s7;
	s7 =	simm.s32 @!p0 $0x108  }
0x21: {  	s3 =	sadd.s32 s3, s9;
	s6 =	sadd.s32 @!p0 $0x88, s6;
	s7 =	simm.s32 @p2 $0x1082  }
0x22: {  	[simem:s7], [sflag:s8] =	dma.local @!p0 [hbm:s6], $0xF7A  }
0x23: {  	s9 =	sor.u32 $0xD0000000, s2;
	s6 =	simm.s32 $0x108;
	_ =	swait.ge @!p0 [sflag:s8], $0x0  }
0x24: {  	s3 =	sadd.s32 $0x88, s3;
	s6 =	simm.s32 @!p1 $0x1082;
	[sflag:s4] =	ssyncset.s32 $0xFFFFF086  }
0x25: {  	[simem:s6], [sflag:s4] =	dma.local [hbm:s3], $0xF7A  }
0x26: {  	[smem:$0x3F92] =	sst s1;
	(tag) =	ssettag s2;
	_ =	strace s9  }
0x27: {  	s1 =	sld [smem:$0x3FA2]  }
0x28: {  	s2 =	sld [smem:$0x3FA3]  }
0x29: {  	s4 =	sld [smem:$0x3FA5]  }
0x2a: {  	p0 =	seq.s32 s5, $0x0;
	s5 =	sld [smem:$0x3FA6]  }
0x2b: {  	s6 =	sld [smem:$0x3FA7]  }
0x2c: {  	s7 =	sld [smem:$0x3FA8]  }
0x2d: {  	s3 =	simm.s32 $0x108;
	s8 =	sld [smem:$0x3FA9]  }
0x2e: {  	s3 =	simm.s32 @!p0 $0x1082;
	s9 =	sld [smem:$0x3FAA]  }
0x2f: {  	lr =	sadd.s32 s0, s3;
	s0 =	sld [smem:$0x3FA1]  }
0x30: {  	s3 =	sld [smem:$0x3FA4]  }
0x31: {  	[smem:$0x3FAD] =	sst s10  }
0x32: {  	s10 =	sld [smem:$0x3FAB];
	_ =	sdelay $0x3  }
0x33: {  	p0 =	seq.s32 s10, $0x1;
	s10 =	sld [smem:$0x3FAD];
	_ =	sdelay $0x3  }
0x34: {  	[smem:$0x3FAD] =	sst s10  }
0x35: {  	s10 =	sld [smem:$0x3FAC];
	_ =	sdelay $0x3  }
0x36: {  	p1 =	seq.s32 s10, $0x1;
	s10 =	sld [smem:$0x3FAD];
	_ =	sdelay $0x3  }
0x37: {  	[smem:$0x3FAD] =	sst s10  }
0x38: {  	s10 =	sld [smem:$0x3FAE]  }
0x39: {  	_ = 	snop;
	(pc) =	sbr.ind lr, $3  }
0x3a: {  	_ = 	snop  }
0x3b: {  	_ = 	snop  }
0x3c: {  	p2 =	seq.s32 s10, $0x1;
	s10 =	sld [smem:$0x3FAD]  }
0x3d: {  	_ =	shalt  }
0x3e: {  	_ =	shalt  }
0x3f: {  	_ =	shalt  }
0x40: {  	_ =	shalt  }
0x41: {  	_ =	shalt  }
0x42: {  	_ =	shalt  }
0x43: {  	_ =	shalt  }
0x44: {  	_ =	shalt  }
0x45: {  	_ =	shalt  }
0x46: {  	_ =	shalt  }
0x47: {  	_ =	shalt  }
0x48: {  	_ =	shalt  }
0x49: {  	_ =	shalt  }
0x4a: {  	_ =	shalt  }
0x4b: {  	_ =	shalt  }
0x4c: {  	_ =	shalt  }
0x4d: {  	_ =	shalt  }
0x4e: {  	_ =	shalt  }
0x4f: {  	_ =	shalt  }
0x50: {  	_ =	shalt  }
0x51: {  	_ =	shalt  }
0x52: {  	_ =	shalt  }
0x53: {  	_ =	shalt  }
0x54: {  	_ =	shalt  }
0x55: {  	_ =	shalt  }
0x56: {  	_ =	shalt  }
0x57: {  	_ =	shalt  }
0x58: {  	_ =	shalt  }
0x59: {  	_ =	shalt  }
0x5a: {  	_ =	shalt  }
0x5b: {  	_ =	shalt  }
0x5c: {  	_ =	shalt  }
0x5d: {  	_ =	shalt  }
0x5e: {  	_ =	shalt  }
0x5f: {  	_ =	shalt  }
0x60: {  	_ =	shalt  }
0x61: {  	_ =	shalt  }
0x62: {  	_ =	shalt  }
0x63: {  	_ =	shalt  }
0x64: {  	_ =	shalt  }
0x65: {  	_ =	shalt  }
0x66: {  	_ =	shalt  }
0x67: {  	_ =	shalt  }
0x68: {  	_ =	shalt  }
0x69: {  	_ =	shalt  }
0x6a: {  	_ =	shalt  }
0x6b: {  	_ =	shalt  }
0x6c: {  	_ =	shalt  }
0x6d: {  	_ =	shalt  }
0x6e: {  	_ =	shalt  }
0x6f: {  	_ =	shalt  }
0x70: {  	_ =	shalt  }
0x71: {  	_ =	shalt  }
0x72: {  	_ =	shalt  }
0x73: {  	_ =	shalt  }
0x74: {  	_ =	shalt  }
0x75: {  	_ =	shalt  }
0x76: {  	_ =	shalt  }
0x77: {  	_ =	shalt  }
0x78: {  	_ =	shalt  }
0x79: {  	_ =	shalt  }
0x7a: {  	_ =	shalt  }
0x7b: {  	_ =	shalt  }
0x7c: {  	_ =	shalt  }
0x7d: {  	_ =	shalt  }
0x7e: {  	_ =	shalt  }
0x7f: {  	_ =	shalt  }
0x80: {  	_ =	shalt  }
0x81: {  	_ =	shalt  }
0x82: {  	_ =	shalt  }
0x83: {  	_ =	shalt  }
0x84: {  	_ =	shalt  }
0x85: {  	_ =	shalt  }
0x86: {  	_ =	shalt  }
0x87: {  	_ =	shalt  }
.Lfunc_end0:
.L_simem_size_0:
called_computation.3_lowered:
.L_overlay_start_0:
0x88: {  	s2 =	sld [smem:$0x3FD9]  }
0x89: {  	s3 =	sld [smem:$0x3FFE];
	_ =	sdelay $0x1  }
0x8a: {  	s1 =	srdreg.scid  }
0x8b: {  	s0 =	sand.u32 $0x1, s1  }
0x8c: {  	s17 =	sshll.u32 s0, $0xA;
	s2 =	sadd.s32 s3, s2  }
0x8d: {  	s2 =	sadd.s32 s2, s17  }
0x8e: {  	[smem:$0x3FB9] =	sst s2  }
0x8f: {  	_ = 	snop  }
0x90: {  	s2 =	sld [smem:$0x3FD0];
	(tm) =	ssettm $0x1  }
0x91: {  	s18 =	sld [smem:$0x3FFB];
	_ =	sdelay $0x3  }
0x92: {  	_ =	strace s18  }
0x93: {  	s3 =	sld [smem:$0x3FFC];
	_ =	sdelay $0x3  }
0x94: {  	_ =	strace s3  }
0x95: {  	s3 =	sld [smem:$0x3FFD];
	_ =	sdelay $0x3  }
0x96: {  	_ =	strace s3  }
0x97: {  	_ =	strace $0x8FFFFFFF  }
0x98: {  	s19 =	sld [smem:$0x3FDB];
	_ =	sdelay $0x1  }
0x99: {  	s4 =	simm.s32 $_scs_section_size  }
0x9a: {  	s5 =	simm.s32 $_size__tile_overlayer_lowered;
	s6 =	simm.s32 $_tile_overlayer_lowered  }
0x9b: {  	s22 =	simm.s32 $0x1BFF;
	s21 =	sshll.u32 s6, $0x1;
	s3 =	sadd.s32 s4, s19  }
0x9c: {  	s7 =	simm.s32 $0x0;
	s20 =	sshll.u32 s5, $0x1;
	s5 =	sadd.s32 s21, s3  }
0x9d: {  	[timem:s7], [sflag:s22] =	dma.local [hbm:s5], s20  }
0x9e: {  	_ =	swait.ge [sflag:s22], s20  }
0x9f: {  	s4 =	ssub.s32 $0x0, s20;
	[sflag:s22] =	ssyncset.done $0x0  }
0xa0: {  	[sflag:s22] =	ssyncadd.s32 s4;
	_ =	sdelay $0x1  }
0xa1: {  	s23 =	simm.s32 $0x1B8B  }
0xa2: {  	_ =	swait.ge [sflag:s23], $0x1  }
0xa3: {  	[sflag:s23] =	ssyncset.done $0x0  }
0xa4: {  	s25 =	simm.s32 $0x1B8E;
	s24 =	sld [smem:$0x3FFE];
	[sflag:s23] =	ssyncadd.s32 $0xFFFFFFFF  }
0xa5: {  	s26 =	simm.s32 $execute0_lowered;
	[smem:$0x3FD2] =	sst s25  }
0xa6: {  	s5 =	sshll.u32 s26, $0x1;
	_ =	strace $0x8000004F;
	[dreg:$0x1] =	wrdreg $0xFFFFFFFF  }
0xa7: {  	s28 =	simm.s32 $_size_execute0_lowered;
	s3 =	sadd.s32 s3, s5;
	[dreg:$0x0] =	wrdreg $0x0  }
0xa8: {  	s5 =	sshll.u32 s28, $0x1;
	[dreg:$0x2] =	wrdreg s3  }
0xa9: {  	[dreg:$0x3] =	wrdreg s5  }
0xaa: {  	[dreg:$0x4] =	wrdreg $0xC0  }
0xab: {  	_ =	task [dreg:s7], $0x5FFFF  }
0xac: {  	[dreg:$0x1] =	wrdreg $0xFFFFFFFF  }
0xad: {  	[dreg:$0x0] =	wrdreg $0x60  }
0xae: {  	[dreg:$0x2] =	wrdreg s24  }
0xaf: {  	[dreg:$0x3] =	wrdreg s2  }
0xb0: {  	[dreg:$0x4] =	wrdreg $0xA0000  }
0xb1: {  	[dreg:$0x5] =	wrdreg $0x9  }
0xb2: {  	_ =	task.clear_ibuf [dreg:s7], $0x6FFFF;
	_ =	strace $0x9000004F  }
0xb3: {  	s29 =	simm.s32 $0x9;
	_ =	strace $0x80000051  }
0xb4: {  	_ =	swait.ge [sflag:s29], $0x1  }
0xb5: {  	[sflag:s29] =	ssyncadd.s32 $0xFFFFFFFF  }
0xb6: {  	_ =	strace $0x90000051  }
0xb7: {  	_ =	sfence  }
0xb8: {  	s30 =	sld [smem:$0x0];
	_ =	sdelay $0x2  }
0xb9: {  	s31 =	sshll.u32 s1, $0xD;
	s1 =	sshrl.u32 s1, $0x2  }
0xba: {  	s3 =	sand.u32 $0x4000, s31;
	s1 =	sadd.s32 s1, s30  }
0xbb: {  	s0 =	sor.u32 s3, s0;
	s1 =	sshll.u32 s1, $0x11  }
0xbc: {  	s0 =	sor.u32 s1, s0  }
0xbd: {  	s0 =	sadd.s32 $0x8F2B, s0  }
0xbe: {  	[sflag:s0] =	ssyncadd.remote.s32 $0x1  }
0xbf: {  	_ =	sfence.sel $0xFFFF  }
0xc0: {  	[dreg:$0x0] =	wrdreg $0xFFFFFFFF;
	(pc) =	sbr.abs _section_cstart, $3  }
0xc1: {  	[dreg:$0x1] =	wrdreg $0xFFFFFFFF  }
0xc2: {  	_ =	task.clear_ibuf [dreg:s7], $0x2FFFF;
	_ =	strace $0x9FFFFFFF  }
0xc3: {  	(tm) =	ssettm $0x7FFFFFFF  }
tec
execute0_lowered:
.L_overlay_start_1:
0x0: {  	(tag) =	ssettag $0x1  }
0x1: {  	s1 =	rddreg [dreg:$0x0]  }
0x2: {  	s0 =	srdreg.scid;
	s5 =	rddreg [dreg:$0x1]  }
0x3: {  	s10 =	stileid.u32;
	s2 =	rddreg [dreg:$0x2];
	s3 =	simm.s32 $0x0  }
0x4: {  	s11 =	simm.s32 $0x80;
	s12 =	simm.s32 $0x100;
	s14 =	simm.s32 $0x180  }
0x5: {  	s15 =	simm.s32 $0x880;
	[smem:$0x7FF] =	sst s3;
	s9 =	sadd.s32 $0x11C00, s1  }
0x6: {  	s16 =	simm.s32 $0x200;
	_ =	strace $0x80000050;
	[dreg:$0x15] =	wrdreg s9  }
0x7: {  	s17 =	simm.s32 $0x900;
	s18 =	simm.s32 $0x280;
	[dreg:$0x6] =	wrdreg s11  }
0x8: {  	s19 =	simm.s32 $0x980;
	s20 =	simm.s32 $0x300;
	[dreg:$0x7] =	wrdreg s12  }
0x9: {  	s21 =	simm.s32 $0xA00;
	s22 =	simm.s32 $0x380;
	[dreg:$0x8] =	wrdreg s14  }
0xa: {  	s23 =	simm.s32 $0xA80;
	s28 =	simm.s32 $0xD80;
	[dreg:$0x9] =	wrdreg s15  }
0xb: {  	s29 =	simm.s32 $0x700;
	s30 =	simm.s32 $0xE00;
	[dreg:$0xa] =	wrdreg s16  }
0xc: {  	s31 =	simm.s32 $0x780;
	s4 =	smul.u32 $0x7000, s10;
	[dreg:$0xb] =	wrdreg s17  }
0xd: {  	s0 =	sand.u32 $0x1, s0;
	s8 =	smul.u32 $0x13C00, s10;
	[dreg:$0xc] =	wrdreg s18  }
0xe: {  	s26 =	smul.u32 $0x4F000, s10;
	s13 =	sshll.u32 s10, $0x6;
	[dreg:$0xd] =	wrdreg s19  }
0xf: {  	s10 =	simm.s32 $0x4;
	s6 =	smul.u32 $0x3800, s0;
	[dreg:$0xe] =	wrdreg s20  }
0x10: {  	s7 =	smul.u32 $0x13C000, s0;
	s0 =	ssub.s32 $0x2, s0;
	[dreg:$0xf] =	wrdreg s21  }
0x11: {  	s11 =	simm.s32 $0x800;
	s12 =	simm.s32 $0x60;
	[dreg:$0x10] =	wrdreg s22  }
0x12: {  	s14 =	simm.s32 $0x4000;
	s15 =	simm.s32 $0x7000;
	[dreg:$0x11] =	wrdreg s23  }
0x13: {  	s16 =	simm.s32 $0x1;
	s17 =	simm.s32 $0x2;
	s18 =	simm.s32 $0x3  }
0x14: {  	s19 =	simm.s32 $0xB80;
	s20 =	simm.s32 $0x500;
	s21 =	simm.s32 $0xC00  }
0x15: {  	s22 =	simm.s32 $0x580;
	s23 =	simm.s32 $0xC80;
	s25 =	sshrl.u32 s0, $0x1  }
0x16: {  	s9 =	sshrl.u32 s26, $0x2;
	s26 =	simm.s32 $0x480;
	s4 =	sadd.s32 s6, s4  }
0x17: {  	s7 =	sadd.s32 s8, s7;
	s0 =	ssub.s32 s0, s25;
	s25 =	simm.s32 $0xB00  }
0x18: {  	[dreg:$0x14] =	wrdreg s26;
	s26 =	simm.s32 $0x680;
	s6 =	sshrl.u32 s4, $0x3  }
0x19: {  	s4 =	sadd.s32 $0x14400, s1;
	s7 =	sshrl.u32 s7, $0x3;
	s0 =	smax.u32 s0, $0x1  }
0x1a: {  	[dreg:$0x13] =	wrdreg s25;
	s25 =	simm.s32 $0xD00;
	s24 =	sadd.s32 s6, s1  }
0x1b: {  	s1 =	sadd.s32 s7, s1;
	s5 =	sadd.s32 s6, s5;
	[dreg:$0x18] =	wrdreg s0  }
0x1c: {  	s6 =	sadd.s32 s9, s2;
	s7 =	sor.u32 $0x1C04, s13;
	[dreg:$0x5] =	wrdreg s5  }
0x1d: {  	s13 =	simm.s32 $0x1000;
	s8 =	sadd.s32 $0x3C00, s24;
	[dreg:$0x16] =	wrdreg s7  }
0x1e: {  	s0 =	simm.s32 $0xF00;
	s1 =	sadd.s32 $0x3B600, s1;
	[dreg:$0x4] =	wrdreg s8  }
0x1f: {  	s9 =	simm.s32 $0x0;
	s24 =	simm.s32 $0x400;
	[dreg:$0x17] =	wrdreg s1  }
0x20: {  	s5 =	simm.s32 $0xF80;
	s8 =	sshrl.u32 s6, $0x3;
	[dreg:$0x12] =	wrdreg s24  }
0x21: {  	s24 =	simm.s32 $0x600;
	s1 =	simm.s32 $0xE80;
	[dreg:$0x19] =	wrdreg s8  }
.LBB2_1:
0x22: {  	[dreg:$0x1a] =	wrdreg s9  }
0x23: {  	s6 =	rddreg [dreg:$0x15]  }
0x24: {  	[spmem:s8], [sflag:s7] =	dma.local [hbm:s6], $0x2780  }
0x25: {  	_ =	swait.ge [sflag:s10], $0x2780  }
0x26: {  	[sflag:s10] =	ssyncset.done $0x0  }
0x27: {  	[sflag:s10] =	ssyncadd.s32 $0xFFFFD880  }
0x28: {  	[bflag:$0x0] =	sbarrier.arrive $0xFFFF  }
0x29: {  	s7 =	rddreg [dreg:$0x5]  }
0x2a: {  	s6 =	sadd.s32 $0x0, s7  }
0x2b: {  	[tilespmem:s3], [sflag:$0x4] =	stream.linear.gather [hbm4b:s6+s3], $0x800, $0x38;
	[tilespmem:$0x1DC00] =	vst v63  }
0x2c: {  	_ =	swait.ge [sflag:s10], $0x800  }
0x2d: {  	s8 =	rddreg [dreg:$0x4];
	[sflag:s10] =	ssyncset.done $0x0  }
0x2e: {  	[sflag:s10] =	ssyncadd.s32 $0xFFFFF800;
	s6 =	sadd.s32 $0x0, s8  }
0x2f: {  	[tilespmem:s11], [sflag:$0x4] =	stream.linear.gather [hbm4b:s6+s3], $0x800, $0x38;
	[tilespmem:$0x1DC00] =	vst v63  }
0x30: {  	_ =	swait.ge [sflag:s10], $0x800  }
0x31: {  	[sflag:s10] =	ssyncset.done $0x0  }
0x32: {  	[sflag:s10] =	ssyncadd.s32 $0xFFFFF800  }
0x33: {  	[tilespmem:s13], [sflag:$0x1] =	stream.indirect.gather [hbm4b:s4+s12], $0x80, s3, s12, $0xb8;
	[tilespmem:$0x1DC00] =	vst v63  }
0x34: {  	s9 =	rddreg [dreg:$0x6]  }
0x35: {  	[tilespmem:s14], [sflag:$0x2] =	stream.indirect.gather [hbm4b:s4+s12], $0x80, s9, s12, $0xb8;
	[tilespmem:$0x1DC00] =	vst v63  }
0x36: {  	s7 =	rddreg [dreg:$0x7]  }
0x37: {  	[tilespmem:s15], [sflag:$0x3] =	stream.indirect.gather [hbm4b:s4+s12], $0x80, s7, s12, $0xb8;
	[tilespmem:$0x1DC00] =	vst v63  }
0x38: {  	_ =	swait.ge [sflag:s16], $0x3000  }
0x39: {  	[sflag:s16] =	ssyncset.done $0x0  }
0x3a: {  	[sflag:s16] =	ssyncadd.s32 $0xFFFFD000  }
0x3b: {  	[spmem:s2] =	stream.indirect.scatter.add.f32 [tilespmem:s13], [sflag:$0x4], $0x80, s11, s12, $0xb8;
	[tilespmem:$0x1DC00] =	vst v63  }
0x3c: {  	_ =	swait.ge [sflag:s10], $0x3000  }
0x3d: {  	[sflag:s10] =	ssyncset.done $0x0  }
0x3e: {  	s9 =	rddreg [dreg:$0x8];
	[sflag:s10] =	ssyncadd.s32 $0xFFFFD000  }
0x3f: {  	[tilespmem:s13], [sflag:$0x1] =	stream.indirect.gather [hbm4b:s4+s12], $0x80, s9, s12, $0xb8;
	[tilespmem:$0x1DC00] =	vst v63  }
0x40: {  	_ =	swait.ge [sflag:s17], $0x3000  }
0x41: {  	[sflag:s17] =	ssyncset.done $0x0  }
0x42: {  	s7 =	rddreg [dreg:$0x9];
	[sflag:s17] =	ssyncadd.s32 $0xFFFFD000  }
0x43: {  	[spmem:s2] =	stream.indirect.scatter.add.f32 [tilespmem:s14], [sflag:$0x4], $0x80, s7, s12, $0xb8;
	[tilespmem:$0x1DC00] =	vst v63  }
0x44: {  	_ =	swait.ge [sflag:s10], $0x3000  }
0x45: {  	[sflag:s10] =	ssyncset.done $0x0  }
0x46: {  	s8 =	rddreg [dreg:$0xa];
	[sflag:s10] =	ssyncadd.s32 $0xFFFFD000  }
0x47: {  	[tilespmem:s14], [sflag:$0x2] =	stream.indirect.gather [hbm4b:s4+s12], $0x80, s8, s12, $0xb8;
	[tilespmem:$0x1DC00] =	vst v63  }
0x48: {  	_ =	swait.ge [sflag:s18], $0x3000  }
0x49: {  	[sflag:s18] =	ssyncset.done $0x0  }
0x4a: {  	s9 =	rddreg [dreg:$0xb];
	[sflag:s18] =	ssyncadd.s32 $0xFFFFD000  }
0x4b: {  	[spmem:s2] =	stream.indirect.scatter.add.f32 [tilespmem:s15], [sflag:$0x4], $0x80, s9, s12, $0xb8;
	[tilespmem:$0x1DC00] =	vst v63  }
0x4c: {  	_ =	swait.ge [sflag:s10], $0x3000  }
0x4d: {  	[sflag:s10] =	ssyncset.done $0x0  }
0x4e: {  	s7 =	rddreg [dreg:$0xc];
	[sflag:s10] =	ssyncadd.s32 $0xFFFFD000  }
0x4f: {  	[tilespmem:s15], [sflag:$0x3] =	stream.indirect.gather [hbm4b:s4+s12], $0x80, s7, s12, $0xb8;
	[tilespmem:$0x1DC00] =	vst v63  }
0x50: {  	_ =	swait.ge [sflag:s16], $0x3000  }
0x51: {  	[sflag:s16] =	ssyncset.done $0x0  }
0x52: {  	s8 =	rddreg [dreg:$0xd];
	[sflag:s16] =	ssyncadd.s32 $0xFFFFD000  }
0x53: {  	[spmem:s2] =	stream.indirect.scatter.add.f32 [tilespmem:s13], [sflag:$0x4], $0x80, s8, s12, $0xb8;
	[tilespmem:$0x1DC00] =	vst v63  }
0x54: {  	_ =	swait.ge [sflag:s10], $0x3000  }
0x55: {  	[sflag:s10] =	ssyncset.done $0x0  }
0x56: {  	s9 =	rddreg [dreg:$0xe];
	[sflag:s10] =	ssyncadd.s32 $0xFFFFD000  }
0x57: {  	[tilespmem:s13], [sflag:$0x1] =	stream.indirect.gather [hbm4b:s4+s12], $0x80, s9, s12, $0xb8;
	[tilespmem:$0x1DC00] =	vst v63  }
0x58: {  	_ =	swait.ge [sflag:s17], $0x3000  }
0x59: {  	[sflag:s17] =	ssyncset.done $0x0  }
0x5a: {  	s7 =	rddreg [dreg:$0xf];
	[sflag:s17] =	ssyncadd.s32 $0xFFFFD000  }
0x5b: {  	[spmem:s2] =	stream.indirect.scatter.add.f32 [tilespmem:s14], [sflag:$0x4], $0x80, s7, s12, $0xb8;
	[tilespmem:$0x1DC00] =	vst v63  }
0x5c: {  	_ =	swait.ge [sflag:s10], $0x3000  }
0x5d: {  	[sflag:s10] =	ssyncset.done $0x0  }
0x5e: {  	s8 =	rddreg [dreg:$0x10];
	[sflag:s10] =	ssyncadd.s32 $0xFFFFD000  }
0x5f: {  	[tilespmem:s14], [sflag:$0x2] =	stream.indirect.gather [hbm4b:s4+s12], $0x80, s8, s12, $0xb8;
	[tilespmem:$0x1DC00] =	vst v63  }
0x60: {  	_ =	swait.ge [sflag:s18], $0x3000  }
0x61: {  	[sflag:s18] =	ssyncset.done $0x0  }
0x62: {  	s9 =	rddreg [dreg:$0x11];
	[sflag:s18] =	ssyncadd.s32 $0xFFFFD000  }
0x63: {  	[spmem:s2] =	stream.indirect.scatter.add.f32 [tilespmem:s15], [sflag:$0x4], $0x80, s9, s12, $0xb8;
	[tilespmem:$0x1DC00] =	vst v63  }
0x64: {  	_ =	swait.ge [sflag:s10], $0x3000  }
0x65: {  	[sflag:s10] =	ssyncset.done $0x0  }
0x66: {  	s7 =	rddreg [dreg:$0x12];
	[sflag:s10] =	ssyncadd.s32 $0xFFFFD000  }
0x67: {  	[tilespmem:s15], [sflag:$0x3] =	stream.indirect.gather [hbm4b:s4+s12], $0x80, s7, s12, $0xb8;
	[tilespmem:$0x1DC00] =	vst v63  }
0x68: {  	_ =	swait.ge [sflag:s16], $0x3000  }
0x69: {  	[sflag:s16] =	ssyncset.done $0x0  }
0x6a: {  	s8 =	rddreg [dreg:$0x13];
	[sflag:s16] =	ssyncadd.s32 $0xFFFFD000  }
0x6b: {  	[spmem:s2] =	stream.indirect.scatter.add.f32 [tilespmem:s13], [sflag:$0x4], $0x80, s8, s12, $0xb8;
	[tilespmem:$0x1DC00] =	vst v63  }
0x6c: {  	_ =	swait.ge [sflag:s10], $0x3000  }
0x6d: {  	[sflag:s10] =	ssyncset.done $0x0  }
0x6e: {  	s9 =	rddreg [dreg:$0x14];
	[sflag:s10] =	ssyncadd.s32 $0xFFFFD000  }
0x6f: {  	[tilespmem:s13], [sflag:$0x1] =	stream.indirect.gather [hbm4b:s4+s12], $0x80, s9, s12, $0xb8;
	[tilespmem:$0x1DC00] =	vst v63  }
0x70: {  	_ =	swait.ge [sflag:s17], $0x3000  }
0x71: {  	[sflag:s17] =	ssyncset.done $0x0  }
0x72: {  	[sflag:s17] =	ssyncadd.s32 $0xFFFFD000  }
0x73: {  	[spmem:s2] =	stream.indirect.scatter.add.f32 [tilespmem:s14], [sflag:$0x4], $0x80, s19, s12, $0xb8;
	[tilespmem:$0x1DC00] =	vst v63  }
0x74: {  	_ =	swait.ge [sflag:s10], $0x3000  }
0x75: {  	[sflag:s10] =	ssyncset.done $0x0  }
0x76: {  	[sflag:s10] =	ssyncadd.s32 $0xFFFFD000  }
0x77: {  	[tilespmem:s14], [sflag:$0x2] =	stream.indirect.gather [hbm4b:s4+s12], $0x80, s20, s12, $0xb8;
	[tilespmem:$0x1DC00] =	vst v63  }
0x78: {  	_ =	swait.ge [sflag:s18], $0x3000  }
0x79: {  	[sflag:s18] =	ssyncset.done $0x0  }
0x7a: {  	[sflag:s18] =	ssyncadd.s32 $0xFFFFD000  }
0x7b: {  	[spmem:s2] =	stream.indirect.scatter.add.f32 [tilespmem:s15], [sflag:$0x4], $0x80, s21, s12, $0xb8;
	[tilespmem:$0x1DC00] =	vst v63  }
0x7c: {  	_ =	swait.ge [sflag:s10], $0x3000  }
0x7d: {  	[sflag:s10] =	ssyncset.done $0x0  }
0x7e: {  	[sflag:s10] =	ssyncadd.s32 $0xFFFFD000  }
0x7f: {  	[tilespmem:s15], [sflag:$0x3] =	stream.indirect.gather [hbm4b:s4+s12], $0x80, s22, s12, $0xb8;
	[tilespmem:$0x1DC00] =	vst v63  }
0x80: {  	_ =	swait.ge [sflag:s16], $0x3000  }
0x81: {  	[sflag:s16] =	ssyncset.done $0x0  }
0x82: {  	[sflag:s16] =	ssyncadd.s32 $0xFFFFD000  }
0x83: {  	[spmem:s2] =	stream.indirect.scatter.add.f32 [tilespmem:s13], [sflag:$0x4], $0x80, s23, s12, $0xb8;
	[tilespmem:$0x1DC00] =	vst v63  }
0x84: {  	_ =	swait.ge [sflag:s10], $0x3000  }
0x85: {  	[sflag:s10] =	ssyncset.done $0x0  }
0x86: {  	[sflag:s10] =	ssyncadd.s32 $0xFFFFD000  }
0x87: {  	[tilespmem:s13], [sflag:$0x1] =	stream.indirect.gather [hbm4b:s4+s12], $0x80, s24, s12, $0xb8;
	[tilespmem:$0x1DC00] =	vst v63  }
0x88: {  	_ =	swait.ge [sflag:s17], $0x3000  }
0x89: {  	[sflag:s17] =	ssyncset.done $0x0  }
0x8a: {  	[sflag:s17] =	ssyncadd.s32 $0xFFFFD000  }
0x8b: {  	[spmem:s2] =	stream.indirect.scatter.add.f32 [tilespmem:s14], [sflag:$0x4], $0x80, s25, s12, $0xb8;
	[tilespmem:$0x1DC00] =	vst v63  }
0x8c: {  	_ =	swait.ge [sflag:s10], $0x3000  }
0x8d: {  	[sflag:s10] =	ssyncset.done $0x0  }
0x8e: {  	[sflag:s10] =	ssyncadd.s32 $0xFFFFD000  }
0x8f: {  	[tilespmem:s14], [sflag:$0x2] =	stream.indirect.gather [hbm4b:s4+s12], $0x80, s26, s12, $0xb8;
	[tilespmem:$0x1DC00] =	vst v63  }
0x90: {  	_ =	swait.ge [sflag:s18], $0x3000  }
0x91: {  	[sflag:s18] =	ssyncset.done $0x0  }
0x92: {  	[sflag:s18] =	ssyncadd.s32 $0xFFFFD000  }
0x93: {  	[spmem:s2] =	stream.indirect.scatter.add.f32 [tilespmem:s15], [sflag:$0x4], $0x80, s28, s12, $0xb8;
	[tilespmem:$0x1DC00] =	vst v63  }
0x94: {  	_ =	swait.ge [sflag:s10], $0x3000  }
0x95: {  	[sflag:s10] =	ssyncset.done $0x0  }
0x96: {  	[sflag:s10] =	ssyncadd.s32 $0xFFFFD000  }
0x97: {  	[tilespmem:s15], [sflag:$0x3] =	stream.indirect.gather [hbm4b:s4+s12], $0x80, s29, s12, $0xb8;
	[tilespmem:$0x1DC00] =	vst v63  }
0x98: {  	_ =	swait.ge [sflag:s16], $0x3000  }
0x99: {  	[sflag:s16] =	ssyncset.done $0x0  }
0x9a: {  	[sflag:s16] =	ssyncadd.s32 $0xFFFFD000  }
0x9b: {  	[spmem:s2] =	stream.indirect.scatter.add.f32 [tilespmem:s13], [sflag:$0x4], $0x80, s30, s12, $0xb8;
	[tilespmem:$0x1DC00] =	vst v63  }
0x9c: {  	_ =	swait.ge [sflag:s10], $0x3000  }
0x9d: {  	[sflag:s10] =	ssyncset.done $0x0  }
0x9e: {  	[sflag:s10] =	ssyncadd.s32 $0xFFFFD000  }
0x9f: {  	[tilespmem:s13], [sflag:$0x1] =	stream.indirect.gather [hbm4b:s4+s12], $0x80, s31, s12, $0xb8;
	[tilespmem:$0x1DC00] =	vst v63  }
0xa0: {  	_ =	swait.ge [sflag:s17], $0x3000  }
0xa1: {  	[sflag:s17] =	ssyncset.done $0x0  }
0xa2: {  	[sflag:s17] =	ssyncadd.s32 $0xFFFFD000  }
0xa3: {  	[spmem:s2] =	stream.indirect.scatter.add.f32 [tilespmem:s14], [sflag:$0x4], $0x80, s1, s12, $0xb8;
	[tilespmem:$0x1DC00] =	vst v63  }
0xa4: {  	_ =	swait.ge [sflag:s10], $0x3000  }
0xa5: {  	[sflag:s10] =	ssyncset.done $0x0  }
0xa6: {  	[sflag:s10] =	ssyncadd.s32 $0xFFFFD000  }
0xa7: {  	_ =	swait.ge [sflag:s18], $0x3000  }
0xa8: {  	[sflag:s18] =	ssyncset.done $0x0  }
0xa9: {  	[sflag:s18] =	ssyncadd.s32 $0xFFFFD000  }
0xaa: {  	[spmem:s2] =	stream.indirect.scatter.add.f32 [tilespmem:s15], [sflag:$0x4], $0x80, s0, s12, $0xb8;
	[tilespmem:$0x1DC00] =	vst v63  }
0xab: {  	_ =	swait.ge [sflag:s10], $0x3000  }
0xac: {  	[sflag:s10] =	ssyncset.done $0x0  }
0xad: {  	[sflag:s10] =	ssyncadd.s32 $0xFFFFD000  }
0xae: {  	_ =	swait.ge [sflag:s16], $0x3000  }
0xaf: {  	[sflag:s16] =	ssyncset.done $0x0  }
0xb0: {  	[sflag:s16] =	ssyncadd.s32 $0xFFFFD000  }
0xb1: {  	[spmem:s2] =	stream.indirect.scatter.add.f32 [tilespmem:s13], [sflag:$0x4], $0x80, s5, s12, $0xb8;
	[tilespmem:$0x1DC00] =	vst v63  }
0xb2: {  	s6 =	simm.s32 $0x200;
	_ =	swait.ge [sflag:s10], $0x3000  }
0xb3: {  	s8 =	simm.s32 $0x100;
	s9 =	rddreg [dreg:$0x5];
	[sflag:s10] =	ssyncset.done $0x0  }
.LBB2_2:
0xb4: {  	[sflag:s10] =	ssyncadd.s32 $0xFFFFD000;
	s9 =	sadd.s32 s8, s9  }
0xb5: {  	[tilespmem:s3], [sflag:$0x4] =	stream.linear.gather [hbm4b:s9+s3], $0x800, $0x38;
	[tilespmem:$0x1DC00] =	vst v63  }
0xb6: {  	_ =	swait.ge [sflag:s10], $0x800  }
0xb7: {  	s9 =	rddreg [dreg:$0x4];
	[sflag:s10] =	ssyncset.done $0x0  }
0xb8: {  	[sflag:s10] =	ssyncadd.s32 $0xFFFFF800;
	s9 =	sadd.s32 s8, s9  }
0xb9: {  	[tilespmem:s11], [sflag:$0x4] =	stream.linear.gather [hbm4b:s9+s3], $0x800, $0x38;
	[tilespmem:$0x1DC00] =	vst v63  }
0xba: {  	_ =	swait.ge [sflag:s10], $0x800  }
0xbb: {  	[sflag:s10] =	ssyncset.done $0x0  }
0xbc: {  	s7 =	smov.u32 s6;
	[sflag:s10] =	ssyncadd.s32 $0xFFFFF800  }
0xbd: {  	[tilespmem:s13], [sflag:$0x1] =	stream.indirect.gather [hbm4b:s4+s12], $0x80, s3, s12, $0xb8;
	[tilespmem:$0x1DC00] =	vst v63  }
0xbe: {  	s8 =	smov.u32 s7;
	s7 =	rddreg [dreg:$0x6]  }
0xbf: {  	[tilespmem:s14], [sflag:$0x2] =	stream.indirect.gather [hbm4b:s4+s12], $0x80, s7, s12, $0xb8;
	[tilespmem:$0x1DC00] =	vst v63  }
0xc0: {  	s9 =	rddreg [dreg:$0x7]  }
0xc1: {  	[tilespmem:s15], [sflag:$0x3] =	stream.indirect.gather [hbm4b:s4+s12], $0x80, s9, s12, $0xb8;
	[tilespmem:$0x1DC00] =	vst v63  }
0xc2: {  	_ =	swait.ge [sflag:s16], $0x3000  }
0xc3: {  	[sflag:s16] =	ssyncset.done $0x0  }
0xc4: {  	[sflag:s16] =	ssyncadd.s32 $0xFFFFD000  }
0xc5: {  	[spmem:s2] =	stream.indirect.scatter.add.f32 [tilespmem:s13], [sflag:$0x4], $0x80, s11, s12, $0xb8;
	[tilespmem:$0x1DC00] =	vst v63  }
0xc6: {  	_ =	swait.ge [sflag:s10], $0x3000  }
0xc7: {  	[sflag:s10] =	ssyncset.done $0x0  }
0xc8: {  	s9 =	rddreg [dreg:$0x8];
	[sflag:s10] =	ssyncadd.s32 $0xFFFFD000  }
0xc9: {  	[tilespmem:s13], [sflag:$0x1] =	stream.indirect.gather [hbm4b:s4+s12], $0x80, s9, s12, $0xb8;
	[tilespmem:$0x1DC00] =	vst v63  }
0xca: {  	_ =	swait.ge [sflag:s17], $0x3000  }
0xcb: {  	[sflag:s17] =	ssyncset.done $0x0  }
0xcc: {  	s9 =	rddreg [dreg:$0x9];
	[sflag:s17] =	ssyncadd.s32 $0xFFFFD000  }
0xcd: {  	[spmem:s2] =	stream.indirect.scatter.add.f32 [tilespmem:s14], [sflag:$0x4], $0x80, s9, s12, $0xb8;
	[tilespmem:$0x1DC00] =	vst v63  }
0xce: {  	_ =	swait.ge [sflag:s10], $0x3000  }
0xcf: {  	[sflag:s10] =	ssyncset.done $0x0  }
0xd0: {  	s9 =	rddreg [dreg:$0xa];
	[sflag:s10] =	ssyncadd.s32 $0xFFFFD000  }
0xd1: {  	[tilespmem:s14], [sflag:$0x2] =	stream.indirect.gather [hbm4b:s4+s12], $0x80, s9, s12, $0xb8;
	[tilespmem:$0x1DC00] =	vst v63  }
0xd2: {  	_ =	swait.ge [sflag:s18], $0x3000  }
0xd3: {  	[sflag:s18] =	ssyncset.done $0x0  }
0xd4: {  	s9 =	rddreg [dreg:$0xb];
	[sflag:s18] =	ssyncadd.s32 $0xFFFFD000  }
0xd5: {  	[spmem:s2] =	stream.indirect.scatter.add.f32 [tilespmem:s15], [sflag:$0x4], $0x80, s9, s12, $0xb8;
	[tilespmem:$0x1DC00] =	vst v63  }
0xd6: {  	_ =	swait.ge [sflag:s10], $0x3000  }
0xd7: {  	[sflag:s10] =	ssyncset.done $0x0  }
0xd8: {  	s9 =	rddreg [dreg:$0xc];
	[sflag:s10] =	ssyncadd.s32 $0xFFFFD000  }
0xd9: {  	[tilespmem:s15], [sflag:$0x3] =	stream.indirect.gather [hbm4b:s4+s12], $0x80, s9, s12, $0xb8;
	[tilespmem:$0x1DC00] =	vst v63  }
0xda: {  	_ =	swait.ge [sflag:s16], $0x3000  }
0xdb: {  	[sflag:s16] =	ssyncset.done $0x0  }
0xdc: {  	s9 =	rddreg [dreg:$0xd];
	[sflag:s16] =	ssyncadd.s32 $0xFFFFD000  }
0xdd: {  	[spmem:s2] =	stream.indirect.scatter.add.f32 [tilespmem:s13], [sflag:$0x4], $0x80, s9, s12, $0xb8;
	[tilespmem:$0x1DC00] =	vst v63  }
0xde: {  	_ =	swait.ge [sflag:s10], $0x3000  }
0xdf: {  	[sflag:s10] =	ssyncset.done $0x0  }
0xe0: {  	s9 =	rddreg [dreg:$0xe];
	[sflag:s10] =	ssyncadd.s32 $0xFFFFD000  }
0xe1: {  	[tilespmem:s13], [sflag:$0x1] =	stream.indirect.gather [hbm4b:s4+s12], $0x80, s9, s12, $0xb8;
	[tilespmem:$0x1DC00] =	vst v63  }
0xe2: {  	_ =	swait.ge [sflag:s17], $0x3000  }
0xe3: {  	[sflag:s17] =	ssyncset.done $0x0  }
0xe4: {  	s9 =	rddreg [dreg:$0xf];
	[sflag:s17] =	ssyncadd.s32 $0xFFFFD000  }
0xe5: {  	[spmem:s2] =	stream.indirect.scatter.add.f32 [tilespmem:s14], [sflag:$0x4], $0x80, s9, s12, $0xb8;
	[tilespmem:$0x1DC00] =	vst v63  }
0xe6: {  	_ =	swait.ge [sflag:s10], $0x3000  }
0xe7: {  	[sflag:s10] =	ssyncset.done $0x0  }
0xe8: {  	s9 =	rddreg [dreg:$0x10];
	[sflag:s10] =	ssyncadd.s32 $0xFFFFD000  }
0xe9: {  	[tilespmem:s14], [sflag:$0x2] =	stream.indirect.gather [hbm4b:s4+s12], $0x80, s9, s12, $0xb8;
	[tilespmem:$0x1DC00] =	vst v63  }
0xea: {  	_ =	swait.ge [sflag:s18], $0x3000  }
0xeb: {  	[sflag:s18] =	ssyncset.done $0x0  }
0xec: {  	s9 =	rddreg [dreg:$0x11];
	[sflag:s18] =	ssyncadd.s32 $0xFFFFD000  }
0xed: {  	[spmem:s2] =	stream.indirect.scatter.add.f32 [tilespmem:s15], [sflag:$0x4], $0x80, s9, s12, $0xb8;
	[tilespmem:$0x1DC00] =	vst v63  }
0xee: {  	_ =	swait.ge [sflag:s10], $0x3000  }
0xef: {  	[sflag:s10] =	ssyncset.done $0x0  }
0xf0: {  	s9 =	rddreg [dreg:$0x12];
	[sflag:s10] =	ssyncadd.s32 $0xFFFFD000  }
0xf1: {  	[tilespmem:s15], [sflag:$0x3] =	stream.indirect.gather [hbm4b:s4+s12], $0x80, s9, s12, $0xb8;
	[tilespmem:$0x1DC00] =	vst v63  }
0xf2: {  	_ =	swait.ge [sflag:s16], $0x3000  }
0xf3: {  	[sflag:s16] =	ssyncset.done $0x0  }
0xf4: {  	s9 =	rddreg [dreg:$0x13];
	[sflag:s16] =	ssyncadd.s32 $0xFFFFD000  }
0xf5: {  	[spmem:s2] =	stream.indirect.scatter.add.f32 [tilespmem:s13], [sflag:$0x4], $0x80, s9, s12, $0xb8;
	[tilespmem:$0x1DC00] =	vst v63  }
0xf6: {  	_ =	swait.ge [sflag:s10], $0x3000  }
0xf7: {  	[sflag:s10] =	ssyncset.done $0x0  }
0xf8: {  	s9 =	rddreg [dreg:$0x14];
	[sflag:s10] =	ssyncadd.s32 $0xFFFFD000  }
0xf9: {  	[tilespmem:s13], [sflag:$0x1] =	stream.indirect.gather [hbm4b:s4+s12], $0x80, s9, s12, $0xb8;
	[tilespmem:$0x1DC00] =	vst v63  }
0xfa: {  	_ =	swait.ge [sflag:s17], $0x3000  }
0xfb: {  	[sflag:s17] =	ssyncset.done $0x0  }
0xfc: {  	[sflag:s17] =	ssyncadd.s32 $0xFFFFD000  }
0xfd: {  	[spmem:s2] =	stream.indirect.scatter.add.f32 [tilespmem:s14], [sflag:$0x4], $0x80, s19, s12, $0xb8;
	[tilespmem:$0x1DC00] =	vst v63  }
0xfe: {  	_ =	swait.ge [sflag:s10], $0x3000  }
0xff: {  	[sflag:s10] =	ssyncset.done $0x0  }
0x100: {  	[sflag:s10] =	ssyncadd.s32 $0xFFFFD000  }
0x101: {  	[tilespmem:s14], [sflag:$0x2] =	stream.indirect.gather [hbm4b:s4+s12], $0x80, s20, s12, $0xb8;
	[tilespmem:$0x1DC00] =	vst v63  }
0x102: {  	_ =	swait.ge [sflag:s18], $0x3000  }
0x103: {  	[sflag:s18] =	ssyncset.done $0x0  }
0x104: {  	[sflag:s18] =	ssyncadd.s32 $0xFFFFD000  }
0x105: {  	[spmem:s2] =	stream.indirect.scatter.add.f32 [tilespmem:s15], [sflag:$0x4], $0x80, s21, s12, $0xb8;
	[tilespmem:$0x1DC00] =	vst v63  }
0x106: {  	_ =	swait.ge [sflag:s10], $0x3000  }
0x107: {  	[sflag:s10] =	ssyncset.done $0x0  }
0x108: {  	[sflag:s10] =	ssyncadd.s32 $0xFFFFD000  }
0x109: {  	[tilespmem:s15], [sflag:$0x3] =	stream.indirect.gather [hbm4b:s4+s12], $0x80, s22, s12, $0xb8;
	[tilespmem:$0x1DC00] =	vst v63  }
0x10a: {  	_ =	swait.ge [sflag:s16], $0x3000  }
0x10b: {  	[sflag:s16] =	ssyncset.done $0x0  }
0x10c: {  	[sflag:s16] =	ssyncadd.s32 $0xFFFFD000  }
0x10d: {  	[spmem:s2] =	stream.indirect.scatter.add.f32 [tilespmem:s13], [sflag:$0x4], $0x80, s23, s12, $0xb8;
	[tilespmem:$0x1DC00] =	vst v63  }
0x10e: {  	_ =	swait.ge [sflag:s10], $0x3000  }
0x10f: {  	[sflag:s10] =	ssyncset.done $0x0  }
0x110: {  	[sflag:s10] =	ssyncadd.s32 $0xFFFFD000  }
0x111: {  	[tilespmem:s13], [sflag:$0x1] =	stream.indirect.gather [hbm4b:s4+s12], $0x80, s24, s12, $0xb8;
	[tilespmem:$0x1DC00] =	vst v63  }
0x112: {  	_ =	swait.ge [sflag:s17], $0x3000  }
0x113: {  	[sflag:s17] =	ssyncset.done $0x0  }
0x114: {  	[sflag:s17] =	ssyncadd.s32 $0xFFFFD000  }
0x115: {  	[spmem:s2] =	stream.indirect.scatter.add.f32 [tilespmem:s14], [sflag:$0x4], $0x80, s25, s12, $0xb8;
	[tilespmem:$0x1DC00] =	vst v63  }
0x116: {  	_ =	swait.ge [sflag:s10], $0x3000  }
0x117: {  	[sflag:s10] =	ssyncset.done $0x0  }
0x118: {  	[sflag:s10] =	ssyncadd.s32 $0xFFFFD000  }
0x119: {  	[tilespmem:s14], [sflag:$0x2] =	stream.indirect.gather [hbm4b:s4+s12], $0x80, s26, s12, $0xb8;
	[tilespmem:$0x1DC00] =	vst v63  }
0x11a: {  	_ =	swait.ge [sflag:s18], $0x3000  }
0x11b: {  	[sflag:s18] =	ssyncset.done $0x0  }
0x11c: {  	[sflag:s18] =	ssyncadd.s32 $0xFFFFD000  }
0x11d: {  	[spmem:s2] =	stream.indirect.scatter.add.f32 [tilespmem:s15], [sflag:$0x4], $0x80, s28, s12, $0xb8;
	[tilespmem:$0x1DC00] =	vst v63  }
0x11e: {  	_ =	swait.ge [sflag:s10], $0x3000  }
0x11f: {  	[sflag:s10] =	ssyncset.done $0x0  }
0x120: {  	[sflag:s10] =	ssyncadd.s32 $0xFFFFD000  }
0x121: {  	[tilespmem:s15], [sflag:$0x3] =	stream.indirect.gather [hbm4b:s4+s12], $0x80, s29, s12, $0xb8;
	[tilespmem:$0x1DC00] =	vst v63  }
0x122: {  	_ =	swait.ge [sflag:s16], $0x3000  }
0x123: {  	[sflag:s16] =	ssyncset.done $0x0  }
0x124: {  	[sflag:s16] =	ssyncadd.s32 $0xFFFFD000  }
0x125: {  	[spmem:s2] =	stream.indirect.scatter.add.f32 [tilespmem:s13], [sflag:$0x4], $0x80, s30, s12, $0xb8;
	[tilespmem:$0x1DC00] =	vst v63  }
0x126: {  	_ =	swait.ge [sflag:s10], $0x3000  }
0x127: {  	[sflag:s10] =	ssyncset.done $0x0  }
0x128: {  	[sflag:s10] =	ssyncadd.s32 $0xFFFFD000  }
0x129: {  	[tilespmem:s13], [sflag:$0x1] =	stream.indirect.gather [hbm4b:s4+s12], $0x80, s31, s12, $0xb8;
	[tilespmem:$0x1DC00] =	vst v63  }
0x12a: {  	_ =	swait.ge [sflag:s17], $0x3000  }
0x12b: {  	[sflag:s17] =	ssyncset.done $0x0  }
0x12c: {  	[sflag:s17] =	ssyncadd.s32 $0xFFFFD000  }
0x12d: {  	[spmem:s2] =	stream.indirect.scatter.add.f32 [tilespmem:s14], [sflag:$0x4], $0x80, s1, s12, $0xb8;
	[tilespmem:$0x1DC00] =	vst v63  }
0x12e: {  	_ =	swait.ge [sflag:s10], $0x3000  }
0x12f: {  	[sflag:s10] =	ssyncset.done $0x0  }
0x130: {  	[sflag:s10] =	ssyncadd.s32 $0xFFFFD000  }
0x131: {  	_ =	swait.ge [sflag:s18], $0x3000  }
0x132: {  	[sflag:s18] =	ssyncset.done $0x0  }
0x133: {  	[sflag:s18] =	ssyncadd.s32 $0xFFFFD000  }
0x134: {  	[spmem:s2] =	stream.indirect.scatter.add.f32 [tilespmem:s15], [sflag:$0x4], $0x80, s0, s12, $0xb8;
	[tilespmem:$0x1DC00] =	vst v63  }
0x135: {  	_ =	swait.ge [sflag:s10], $0x3000  }
0x136: {  	[sflag:s10] =	ssyncset.done $0x0  }
0x137: {  	[sflag:s10] =	ssyncadd.s32 $0xFFFFD000  }
0x138: {  	p0 =	sne.s32 s6, $0x600;
	_ =	swait.ge [sflag:s16], $0x3000  }
.Ltmp0:
0x139: {  	[sflag:s16] =	ssyncset.done $0x0;
	(pc) =	sbr.rel @p0 .LBB2_2-.Ltmp0, $4  }
0x13a: {  	[sflag:s16] =	ssyncadd.s32 $0xFFFFD000  }
0x13b: {  	[spmem:s2] =	stream.indirect.scatter.add.f32 [tilespmem:s13], [sflag:$0x4], $0x80, s5, s12, $0xb8;
	[tilespmem:$0x1DC00] =	vst v63  }
0x13c: {  	_ =	swait.ge [sflag:s10], $0x3000  }
0x13d: {  	s6 =	sadd.s32 $0x100, s6;
	s9 =	rddreg [dreg:$0x5];
	[sflag:s10] =	ssyncset.done $0x0  }
0x13e: {  	[sflag:s10] =	ssyncadd.s32 $0xFFFFD000;
	s6 =	sadd.s32 s8, s9  }
0x13f: {  	[tilespmem:s3], [sflag:$0x4] =	stream.linear.gather [hbm4b:s6+s3], $0x800, $0x38;
	[tilespmem:$0x1DC00] =	vst v63  }
0x140: {  	_ =	swait.ge [sflag:s10], $0x800  }
0x141: {  	s7 =	rddreg [dreg:$0x4];
	[sflag:s10] =	ssyncset.done $0x0  }
0x142: {  	[sflag:s10] =	ssyncadd.s32 $0xFFFFF800;
	s6 =	sadd.s32 s8, s7  }
0x143: {  	[tilespmem:s11], [sflag:$0x4] =	stream.linear.gather [hbm4b:s6+s3], $0x800, $0x38;
	[tilespmem:$0x1DC00] =	vst v63  }
0x144: {  	_ =	swait.ge [sflag:s10], $0x800  }
0x145: {  	[sflag:s10] =	ssyncset.done $0x0  }
0x146: {  	[sflag:s10] =	ssyncadd.s32 $0xFFFFF800  }
0x147: {  	[tilespmem:s13], [sflag:$0x1] =	stream.indirect.gather [hbm4b:s4+s12], $0x80, s3, s12, $0xb8;
	[tilespmem:$0x1DC00] =	vst v63  }
0x148: {  	s9 =	rddreg [dreg:$0x6]  }
0x149: {  	[tilespmem:s14], [sflag:$0x2] =	stream.indirect.gather [hbm4b:s4+s12], $0x80, s9, s12, $0xb8;
	[tilespmem:$0x1DC00] =	vst v63  }
0x14a: {  	s7 =	rddreg [dreg:$0x7]  }
0x14b: {  	[tilespmem:s15], [sflag:$0x3] =	stream.indirect.gather [hbm4b:s4+s12], $0x80, s7, s12, $0xb8;
	[tilespmem:$0x1DC00] =	vst v63  }
0x14c: {  	_ =	swait.ge [sflag:s16], $0x3000  }
0x14d: {  	[sflag:s16] =	ssyncset.done $0x0  }
0x14e: {  	[sflag:s16] =	ssyncadd.s32 $0xFFFFD000  }
0x14f: {  	[spmem:s2] =	stream.indirect.scatter.add.f32 [tilespmem:s13], [sflag:$0x4], $0x80, s11, s12, $0xb8;
	[tilespmem:$0x1DC00] =	vst v63  }
0x150: {  	_ =	swait.ge [sflag:s10], $0x3000  }
0x151: {  	[sflag:s10] =	ssyncset.done $0x0  }
0x152: {  	s8 =	rddreg [dreg:$0x8];
	[sflag:s10] =	ssyncadd.s32 $0xFFFFD000  }
0x153: {  	[tilespmem:s13], [sflag:$0x1] =	stream.indirect.gather [hbm4b:s4+s12], $0x80, s8, s12, $0xb8;
	[tilespmem:$0x1DC00] =	vst v63  }
0x154: {  	_ =	swait.ge [sflag:s17], $0x3000  }
0x155: {  	[sflag:s17] =	ssyncset.done $0x0  }
0x156: {  	s9 =	rddreg [dreg:$0x9];
	[sflag:s17] =	ssyncadd.s32 $0xFFFFD000  }
0x157: {  	[spmem:s2] =	stream.indirect.scatter.add.f32 [tilespmem:s14], [sflag:$0x4], $0x80, s9, s12, $0xb8;
	[tilespmem:$0x1DC00] =	vst v63  }
0x158: {  	_ =	swait.ge [sflag:s10], $0x3000  }
0x159: {  	[sflag:s10] =	ssyncset.done $0x0  }
0x15a: {  	s7 =	rddreg [dreg:$0xa];
	[sflag:s10] =	ssyncadd.s32 $0xFFFFD000  }
0x15b: {  	[tilespmem:s14], [sflag:$0x2] =	stream.indirect.gather [hbm4b:s4+s12], $0x80, s7, s12, $0xb8;
	[tilespmem:$0x1DC00] =	vst v63  }
0x15c: {  	_ =	swait.ge [sflag:s18], $0x3000  }
0x15d: {  	[sflag:s18] =	ssyncset.done $0x0  }
0x15e: {  	s8 =	rddreg [dreg:$0xb];
	[sflag:s18] =	ssyncadd.s32 $0xFFFFD000  }
0x15f: {  	[spmem:s2] =	stream.indirect.scatter.add.f32 [tilespmem:s15], [sflag:$0x4], $0x80, s8, s12, $0xb8;
	[tilespmem:$0x1DC00] =	vst v63  }
0x160: {  	_ =	swait.ge [sflag:s10], $0x3000  }
0x161: {  	[sflag:s10] =	ssyncset.done $0x0  }
0x162: {  	s9 =	rddreg [dreg:$0xc];
	[sflag:s10] =	ssyncadd.s32 $0xFFFFD000  }
0x163: {  	[tilespmem:s15], [sflag:$0x3] =	stream.indirect.gather [hbm4b:s4+s12], $0x80, s9, s12, $0xb8;
	[tilespmem:$0x1DC00] =	vst v63  }
0x164: {  	_ =	swait.ge [sflag:s16], $0x3000  }
0x165: {  	[sflag:s16] =	ssyncset.done $0x0  }
0x166: {  	s7 =	rddreg [dreg:$0xd];
	[sflag:s16] =	ssyncadd.s32 $0xFFFFD000  }
0x167: {  	[spmem:s2] =	stream.indirect.scatter.add.f32 [tilespmem:s13], [sflag:$0x4], $0x80, s7, s12, $0xb8;
	[tilespmem:$0x1DC00] =	vst v63  }
0x168: {  	_ =	swait.ge [sflag:s10], $0x3000  }
0x169: {  	[sflag:s10] =	ssyncset.done $0x0  }
0x16a: {  	s8 =	rddreg [dreg:$0xe];
	[sflag:s10] =	ssyncadd.s32 $0xFFFFD000  }
0x16b: {  	[tilespmem:s13], [sflag:$0x1] =	stream.indirect.gather [hbm4b:s4+s12], $0x80, s8, s12, $0xb8;
	[tilespmem:$0x1DC00] =	vst v63  }
0x16c: {  	_ =	swait.ge [sflag:s17], $0x3000  }
0x16d: {  	[sflag:s17] =	ssyncset.done $0x0  }
0x16e: {  	s9 =	rddreg [dreg:$0xf];
	[sflag:s17] =	ssyncadd.s32 $0xFFFFD000  }
0x16f: {  	[spmem:s2] =	stream.indirect.scatter.add.f32 [tilespmem:s14], [sflag:$0x4], $0x80, s9, s12, $0xb8;
	[tilespmem:$0x1DC00] =	vst v63  }
0x170: {  	_ =	swait.ge [sflag:s10], $0x3000  }
0x171: {  	[sflag:s10] =	ssyncset.done $0x0  }
0x172: {  	s7 =	rddreg [dreg:$0x10];
	[sflag:s10] =	ssyncadd.s32 $0xFFFFD000  }
0x173: {  	[tilespmem:s14], [sflag:$0x2] =	stream.indirect.gather [hbm4b:s4+s12], $0x80, s7, s12, $0xb8;
	[tilespmem:$0x1DC00] =	vst v63  }
0x174: {  	_ =	swait.ge [sflag:s18], $0x3000  }
0x175: {  	[sflag:s18] =	ssyncset.done $0x0  }
0x176: {  	s8 =	rddreg [dreg:$0x11];
	[sflag:s18] =	ssyncadd.s32 $0xFFFFD000  }
0x177: {  	[spmem:s2] =	stream.indirect.scatter.add.f32 [tilespmem:s15], [sflag:$0x4], $0x80, s8, s12, $0xb8;
	[tilespmem:$0x1DC00] =	vst v63  }
0x178: {  	_ =	swait.ge [sflag:s10], $0x3000  }
0x179: {  	[sflag:s10] =	ssyncset.done $0x0  }
0x17a: {  	s9 =	rddreg [dreg:$0x12];
	[sflag:s10] =	ssyncadd.s32 $0xFFFFD000  }
0x17b: {  	[tilespmem:s15], [sflag:$0x3] =	stream.indirect.gather [hbm4b:s4+s12], $0x80, s9, s12, $0xb8;
	[tilespmem:$0x1DC00] =	vst v63  }
0x17c: {  	_ =	swait.ge [sflag:s16], $0x3000  }
0x17d: {  	[sflag:s16] =	ssyncset.done $0x0  }
0x17e: {  	s7 =	rddreg [dreg:$0x13];
	[sflag:s16] =	ssyncadd.s32 $0xFFFFD000  }
0x17f: {  	[spmem:s2] =	stream.indirect.scatter.add.f32 [tilespmem:s13], [sflag:$0x4], $0x80, s7, s12, $0xb8;
	[tilespmem:$0x1DC00] =	vst v63  }
0x180: {  	_ =	swait.ge [sflag:s10], $0x3000  }
0x181: {  	[sflag:s10] =	ssyncset.done $0x0  }
0x182: {  	s8 =	rddreg [dreg:$0x14];
	[sflag:s10] =	ssyncadd.s32 $0xFFFFD000  }
0x183: {  	[tilespmem:s13], [sflag:$0x1] =	stream.indirect.gather [hbm4b:s4+s12], $0x80, s8, s12, $0xb8;
	[tilespmem:$0x1DC00] =	vst v63  }
0x184: {  	_ =	swait.ge [sflag:s17], $0x3000  }
0x185: {  	[sflag:s17] =	ssyncset.done $0x0  }
0x186: {  	[sflag:s17] =	ssyncadd.s32 $0xFFFFD000  }
0x187: {  	[spmem:s2] =	stream.indirect.scatter.add.f32 [tilespmem:s14], [sflag:$0x4], $0x80, s19, s12, $0xb8;
	[tilespmem:$0x1DC00] =	vst v63  }
0x188: {  	_ =	swait.ge [sflag:s10], $0x3000  }
0x189: {  	[sflag:s10] =	ssyncset.done $0x0  }
0x18a: {  	[sflag:s10] =	ssyncadd.s32 $0xFFFFD000  }
0x18b: {  	[tilespmem:s14], [sflag:$0x2] =	stream.indirect.gather [hbm4b:s4+s12], $0x80, s20, s12, $0xb8;
	[tilespmem:$0x1DC00] =	vst v63  }
0x18c: {  	_ =	swait.ge [sflag:s18], $0x3000  }
0x18d: {  	[sflag:s18] =	ssyncset.done $0x0  }
0x18e: {  	[sflag:s18] =	ssyncadd.s32 $0xFFFFD000  }
0x18f: {  	[spmem:s2] =	stream.indirect.scatter.add.f32 [tilespmem:s15], [sflag:$0x4], $0x80, s21, s12, $0xb8;
	[tilespmem:$0x1DC00] =	vst v63  }
0x190: {  	_ =	swait.ge [sflag:s10], $0x3000  }
0x191: {  	[sflag:s10] =	ssyncset.done $0x0  }
0x192: {  	[sflag:s10] =	ssyncadd.s32 $0xFFFFD000  }
0x193: {  	[tilespmem:s15], [sflag:$0x3] =	stream.indirect.gather [hbm4b:s4+s12], $0x80, s22, s12, $0xb8;
	[tilespmem:$0x1DC00] =	vst v63  }
0x194: {  	_ =	swait.ge [sflag:s16], $0x3000  }
0x195: {  	[sflag:s16] =	ssyncset.done $0x0  }
0x196: {  	[sflag:s16] =	ssyncadd.s32 $0xFFFFD000  }
0x197: {  	[spmem:s2] =	stream.indirect.scatter.add.f32 [tilespmem:s13], [sflag:$0x4], $0x80, s23, s12, $0xb8;
	[tilespmem:$0x1DC00] =	vst v63  }
0x198: {  	_ =	swait.ge [sflag:s10], $0x3000  }
0x199: {  	[sflag:s10] =	ssyncset.done $0x0  }
0x19a: {  	[sflag:s10] =	ssyncadd.s32 $0xFFFFD000  }
0x19b: {  	[tilespmem:s13], [sflag:$0x1] =	stream.indirect.gather [hbm4b:s4+s12], $0x80, s24, s12, $0xb8;
	[tilespmem:$0x1DC00] =	vst v63  }
0x19c: {  	_ =	swait.ge [sflag:s17], $0x3000  }
0x19d: {  	[sflag:s17] =	ssyncset.done $0x0  }
0x19e: {  	[sflag:s17] =	ssyncadd.s32 $0xFFFFD000  }
0x19f: {  	[spmem:s2] =	stream.indirect.scatter.add.f32 [tilespmem:s14], [sflag:$0x4], $0x80, s25, s12, $0xb8;
	[tilespmem:$0x1DC00] =	vst v63  }
0x1a0: {  	_ =	swait.ge [sflag:s10], $0x3000  }
0x1a1: {  	[sflag:s10] =	ssyncset.done $0x0  }
0x1a2: {  	[sflag:s10] =	ssyncadd.s32 $0xFFFFD000  }
0x1a3: {  	[tilespmem:s14], [sflag:$0x2] =	stream.indirect.gather [hbm4b:s4+s12], $0x80, s26, s12, $0xb8;
	[tilespmem:$0x1DC00] =	vst v63  }
0x1a4: {  	_ =	swait.ge [sflag:s18], $0x3000  }
0x1a5: {  	[sflag:s18] =	ssyncset.done $0x0  }
0x1a6: {  	[sflag:s18] =	ssyncadd.s32 $0xFFFFD000  }
0x1a7: {  	[spmem:s2] =	stream.indirect.scatter.add.f32 [tilespmem:s15], [sflag:$0x4], $0x80, s28, s12, $0xb8;
	[tilespmem:$0x1DC00] =	vst v63  }
0x1a8: {  	_ =	swait.ge [sflag:s10], $0x3000  }
0x1a9: {  	[sflag:s10] =	ssyncset.done $0x0  }
0x1aa: {  	[sflag:s10] =	ssyncadd.s32 $0xFFFFD000  }
0x1ab: {  	[tilespmem:s15], [sflag:$0x3] =	stream.indirect.gather [hbm4b:s4+s12], $0x80, s29, s12, $0xb8;
	[tilespmem:$0x1DC00] =	vst v63  }
0x1ac: {  	_ =	swait.ge [sflag:s16], $0x3000  }
0x1ad: {  	[sflag:s16] =	ssyncset.done $0x0  }
0x1ae: {  	[sflag:s16] =	ssyncadd.s32 $0xFFFFD000  }
0x1af: {  	[spmem:s2] =	stream.indirect.scatter.add.f32 [tilespmem:s13], [sflag:$0x4], $0x80, s30, s12, $0xb8;
	[tilespmem:$0x1DC00] =	vst v63  }
0x1b0: {  	_ =	swait.ge [sflag:s10], $0x3000  }
0x1b1: {  	[sflag:s10] =	ssyncset.done $0x0  }
0x1b2: {  	[sflag:s10] =	ssyncadd.s32 $0xFFFFD000  }
0x1b3: {  	[tilespmem:s13], [sflag:$0x1] =	stream.indirect.gather [hbm4b:s4+s12], $0x80, s31, s12, $0xb8;
	[tilespmem:$0x1DC00] =	vst v63  }
0x1b4: {  	_ =	swait.ge [sflag:s17], $0x3000  }
0x1b5: {  	[sflag:s17] =	ssyncset.done $0x0  }
0x1b6: {  	[sflag:s17] =	ssyncadd.s32 $0xFFFFD000  }
0x1b7: {  	[spmem:s2] =	stream.indirect.scatter.add.f32 [tilespmem:s14], [sflag:$0x4], $0x80, s1, s12, $0xb8;
	[tilespmem:$0x1DC00] =	vst v63  }
0x1b8: {  	_ =	swait.ge [sflag:s10], $0x3000  }
0x1b9: {  	[sflag:s10] =	ssyncset.done $0x0  }
0x1ba: {  	[sflag:s10] =	ssyncadd.s32 $0xFFFFD000  }
0x1bb: {  	_ =	swait.ge [sflag:s18], $0x3000  }
0x1bc: {  	[sflag:s18] =	ssyncset.done $0x0  }
0x1bd: {  	[sflag:s18] =	ssyncadd.s32 $0xFFFFD000  }
0x1be: {  	[spmem:s2] =	stream.indirect.scatter.add.f32 [tilespmem:s15], [sflag:$0x4], $0x80, s0, s12, $0xb8;
	[tilespmem:$0x1DC00] =	vst v63  }
0x1bf: {  	_ =	swait.ge [sflag:s10], $0x3000  }
0x1c0: {  	[sflag:s10] =	ssyncset.done $0x0  }
0x1c1: {  	[sflag:s10] =	ssyncadd.s32 $0xFFFFD000  }
0x1c2: {  	_ =	swait.ge [sflag:s16], $0x3000  }
0x1c3: {  	[sflag:s16] =	ssyncset.done $0x0  }
0x1c4: {  	[sflag:s16] =	ssyncadd.s32 $0xFFFFD000  }
0x1c5: {  	[spmem:s2] =	stream.indirect.scatter.add.f32 [tilespmem:s13], [sflag:$0x4], $0x80, s5, s12, $0xb8;
	[tilespmem:$0x1DC00] =	vst v63  }
0x1c6: {  	_ =	swait.ge [sflag:s10], $0x3000  }
0x1c7: {  	[sflag:s10] =	ssyncset.done $0x0  }
0x1c8: {  	[sflag:s10] =	ssyncadd.s32 $0xFFFFD000  }
0x1c9: {  	[bflag:$0x0] =	sbarrier.arrive $0xFFFF  }
0x1ca: {  	s7 =	rddreg [dreg:$0x16]  }
0x1cb: {  	s9 =	rddreg [dreg:$0x17]  }
0x1cc: {  	s8 =	rddreg [dreg:$0x19]  }
0x1cd: {  	[hbm:s9], [sflag:s7] =	dma.local [spmem:s8], $0x2780  }
0x1ce: {  	_ =	swait.ge [sflag:s10], $0x2780  }
0x1cf: {  	s6 =	rddreg [dreg:$0x1a]  }
0x1d0: {  	s9 =	sadd.s32 $0x1, s6;
	s6 =	rddreg [dreg:$0x18]  }
0x1d1: {  	p0 =	sne.s32 s9, s6  }
.Ltmp1:
0x1d2: {  	_ = 	snop;
	(pc) =	sbr.rel @p0 .LBB2_1-.Ltmp1, $3  }
0x1d3: {  	_ =	sdelay $0x1  }
0x1d4: {  	[sflag:s10] =	ssyncset.done $0x0  }
0x1d5: {  	[sflag:s10] =	ssyncadd.s32 $0xFFFFD880  }
0x1d6: {  	_ =	sfence.sel $0x180000  }
0x1d7: {  	[bflag:$0x0] =	sbarrier.arrive $0xFFFF  }
0x1d8: {  	_ =	strace $0x90000050  }
0x1d9: {  	s0 =	stileid.u32;
	[bflag:$0x2] =	sbarrier.arrive $0xFFFF  }
0x1da: {  	p0 =	sne.s32 s0, $0x0;
	s0 =	rddreg [dreg:$0x3]  }
0x1db: {  	s0 =	sadd.s32 @!p0 $0x100000, s0  }
0x1dc: {  	[sflag:s0] =	ssyncadd.tile.s32 @!p0 $0x1;
	_ =	shalt  }
.Lfunc_end2:
_tile_overlayer_lowered:
.L_overlay_start_2:
0x1dd: {  	(tag) =	ssettag $0x2  }
0x1de: {  	s0 =	rddreg [dreg:$0x0];
	s2 =	stileid.u32  }
0x1df: {  	s1 =	rddreg [dreg:$0x1];
	p0 =	sne.s32 s2, $0x0  }
0x1e0: {  	s3 =	rddreg [dreg:$0x2];
	[bflag:$0x3] =	sbarrier.arrive $0xFFFF;
	s2 =	simm.s32 @!p0 $0x1C04  }
0x1e1: {  	[timem:s3], [sflag:s2] =	dma.local @!p0 [hbm:s0], s1  }
0x1e2: {  	s0 =	simm.s32 @!p0 $0x4  }
0x1e3: {  	_ =	swait.ge @!p0 [sflag:s0], s1  }
0x1e4: {  	s1 =	ssub.s32 @!p0 $0x0, s1;
	[sflag:s0] =	ssyncset.done @!p0 $0x0  }
0x1e5: {  	[sflag:s0] =	ssyncadd.s32 @!p0 s1  }
0x1e6: {  	[bflag:$0x3] =	sbarrier.arrive $0xFFFF  }
0x1e7: {  	_ =	shalt  }

// kernel: kernel.9.cloned.1.call-start
scs
__scs_entry_jumppad:
0x0: {  	(pc) =	sbr.rel $0x88, $3  }
0x1: {  	(tag) =	ssettag $0x0;
	lr =	simm.s32 $0x1  }
0x2: {  	[smem:$0x3F92] =	sst lr;
	_ =	strace $0xD0000000  }
0x3: {  	_ = 	snop  }
0x4: {  	_ = 	snop  }
0x5: {  	_ = 	snop  }
0x6: {  	_ = 	snop  }
0x7: {  	_ = 	snop  }
__scs_overlays_trampoline_lowered:
0x8: {  	[smem:$0x3FA1] =	sst s0  }
0x9: {  	[smem:$0x3FA2] =	sst s1  }
0xa: {  	[smem:$0x3FA3] =	sst s2  }
0xb: {  	[smem:$0x3FA4] =	sst s3  }
0xc: {  	[smem:$0x3FA5] =	sst s4  }
0xd: {  	[smem:$0x3FA6] =	sst s5  }
0xe: {  	[smem:$0x3FA7] =	sst s6  }
0xf: {  	[smem:$0x3FA8] =	sst s7  }
0x10: {  	[smem:$0x3FA9] =	sst s8  }
0x11: {  	[smem:$0x3FAA] =	sst s9;
	s0 =	simm.s32 @!p0 $0x0  }
0x12: {  	s1 =	sld [smem:$0x3F90];
	s0 =	simm.s32 @p0 $0x1  }
0x13: {  	[smem:$0x3FAB] =	sst s0;
	s0 =	simm.s32 @!p1 $0x0  }
0x14: {  	s2 =	sld [smem:$0x3F8F];
	s0 =	simm.s32 @p1 $0x1  }
0x15: {  	[smem:$0x3FAC] =	sst s0;
	s0 =	simm.s32 @!p2 $0x0  }
0x16: {  	s3 =	sld [smem:$0x3FDB];
	s0 =	simm.s32 @p2 $0x1  }
0x17: {  	s4 =	simm.s32 $0x1BF5;
	[smem:$0x3FAE] =	sst s0  }
0x18: {  	s0 =	sld [smem:$0x3F91];
	_ =	swait.ge [sflag:s4], $0x0  }
0x19: {  	s7 =	sld [smem:$0x3F92]  }
0x1a: {  	s8 =	sadd.s32 $0xFFFFE003, lr  }
0x1b: {  	s9 =	sadd.s32 $0xFFFFFEF7, lr;
	s5 =	simm.s32 $0xFFFFFFFF;
	p2 =	slt.u32 s8, $0xFFFFF086  }
0x1c: {  	p1 =	slt.u32 s9, $0xF7A;
	s5 =	simm.s32 @!p2 $0x0  }
0x1d: {  	s5 =	simm.s32 @p1 $0x1;
	p0 =	seq.s32 s7, s2  }
0x1e: {  	s7 =	smul.u32 @!p0 $0xF7A, s2;
	p2 =	seq.s32 @!p0 s5, $0x0  }
0x1f: {  	s9 =	smul.u32 $0xF7A, s1;
	s8 =	simm.s32 @!p0 $0x1BF5;
	p2 =	por !p2, p0  }
0x20: {  	[sflag:s8] =	ssyncset.s32 @!p0 $0xFFFFF086;
	s6 =	sadd.s32 @!p0 s3, s7;
	s7 =	simm.s32 @!p0 $0x108  }
0x21: {  	s3 =	sadd.s32 s3, s9;
	s6 =	sadd.s32 @!p0 $0x88, s6;
	s7 =	simm.s32 @p2 $0x1082  }
0x22: {  	[simem:s7], [sflag:s8] =	dma.local @!p0 [hbm:s6], $0xF7A  }
0x23: {  	s9 =	sor.u32 $0xD0000000, s2;
	s6 =	simm.s32 $0x108;
	_ =	swait.ge @!p0 [sflag:s8], $0x0  }
0x24: {  	s3 =	sadd.s32 $0x88, s3;
	s6 =	simm.s32 @!p1 $0x1082;
	[sflag:s4] =	ssyncset.s32 $0xFFFFF086  }
0x25: {  	[simem:s6], [sflag:s4] =	dma.local [hbm:s3], $0xF7A  }
0x26: {  	[smem:$0x3F92] =	sst s1;
	(tag) =	ssettag s2;
	_ =	strace s9  }
0x27: {  	s1 =	sld [smem:$0x3FA2]  }
0x28: {  	s2 =	sld [smem:$0x3FA3]  }
0x29: {  	s4 =	sld [smem:$0x3FA5]  }
0x2a: {  	p0 =	seq.s32 s5, $0x0;
	s5 =	sld [smem:$0x3FA6]  }
0x2b: {  	s6 =	sld [smem:$0x3FA7]  }
0x2c: {  	s7 =	sld [smem:$0x3FA8]  }
0x2d: {  	s3 =	simm.s32 $0x108;
	s8 =	sld [smem:$0x3FA9]  }
0x2e: {  	s3 =	simm.s32 @!p0 $0x1082;
	s9 =	sld [smem:$0x3FAA]  }
0x2f: {  	lr =	sadd.s32 s0, s3;
	s0 =	sld [smem:$0x3FA1]  }
0x30: {  	s3 =	sld [smem:$0x3FA4]  }
0x31: {  	[smem:$0x3FAD] =	sst s10  }
0x32: {  	s10 =	sld [smem:$0x3FAB];
	_ =	sdelay $0x3  }
0x33: {  	p0 =	seq.s32 s10, $0x1;
	s10 =	sld [smem:$0x3FAD];
	_ =	sdelay $0x3  }
0x34: {  	[smem:$0x3FAD] =	sst s10  }
0x35: {  	s10 =	sld [smem:$0x3FAC];
	_ =	sdelay $0x3  }
0x36: {  	p1 =	seq.s32 s10, $0x1;
	s10 =	sld [smem:$0x3FAD];
	_ =	sdelay $0x3  }
0x37: {  	[smem:$0x3FAD] =	sst s10  }
0x38: {  	s10 =	sld [smem:$0x3FAE]  }
0x39: {  	_ = 	snop;
	(pc) =	sbr.ind lr, $3  }
0x3a: {  	_ = 	snop  }
0x3b: {  	_ = 	snop  }
0x3c: {  	p2 =	seq.s32 s10, $0x1;
	s10 =	sld [smem:$0x3FAD]  }
0x3d: {  	_ =	shalt  }
0x3e: {  	_ =	shalt  }
0x3f: {  	_ =	shalt  }
0x40: {  	_ =	shalt  }
0x41: {  	_ =	shalt  }
0x42: {  	_ =	shalt  }
0x43: {  	_ =	shalt  }
0x44: {  	_ =	shalt  }
0x45: {  	_ =	shalt  }
0x46: {  	_ =	shalt  }
0x47: {  	_ =	shalt  }
0x48: {  	_ =	shalt  }
0x49: {  	_ =	shalt  }
0x4a: {  	_ =	shalt  }
0x4b: {  	_ =	shalt  }
0x4c: {  	_ =	shalt  }
0x4d: {  	_ =	shalt  }
0x4e: {  	_ =	shalt  }
0x4f: {  	_ =	shalt  }
0x50: {  	_ =	shalt  }
0x51: {  	_ =	shalt  }
0x52: {  	_ =	shalt  }
0x53: {  	_ =	shalt  }
0x54: {  	_ =	shalt  }
0x55: {  	_ =	shalt  }
0x56: {  	_ =	shalt  }
0x57: {  	_ =	shalt  }
0x58: {  	_ =	shalt  }
0x59: {  	_ =	shalt  }
0x5a: {  	_ =	shalt  }
0x5b: {  	_ =	shalt  }
0x5c: {  	_ =	shalt  }
0x5d: {  	_ =	shalt  }
0x5e: {  	_ =	shalt  }
0x5f: {  	_ =	shalt  }
0x60: {  	_ =	shalt  }
0x61: {  	_ =	shalt  }
0x62: {  	_ =	shalt  }
0x63: {  	_ =	shalt  }
0x64: {  	_ =	shalt  }
0x65: {  	_ =	shalt  }
0x66: {  	_ =	shalt  }
0x67: {  	_ =	shalt  }
0x68: {  	_ =	shalt  }
0x69: {  	_ =	shalt  }
0x6a: {  	_ =	shalt  }
0x6b: {  	_ =	shalt  }
0x6c: {  	_ =	shalt  }
0x6d: {  	_ =	shalt  }
0x6e: {  	_ =	shalt  }
0x6f: {  	_ =	shalt  }
0x70: {  	_ =	shalt  }
0x71: {  	_ =	shalt  }
0x72: {  	_ =	shalt  }
0x73: {  	_ =	shalt  }
0x74: {  	_ =	shalt  }
0x75: {  	_ =	shalt  }
0x76: {  	_ =	shalt  }
0x77: {  	_ =	shalt  }
0x78: {  	_ =	shalt  }
0x79: {  	_ =	shalt  }
0x7a: {  	_ =	shalt  }
0x7b: {  	_ =	shalt  }
0x7c: {  	_ =	shalt  }
0x7d: {  	_ =	shalt  }
0x7e: {  	_ =	shalt  }
0x7f: {  	_ =	shalt  }
0x80: {  	_ =	shalt  }
0x81: {  	_ =	shalt  }
0x82: {  	_ =	shalt  }
0x83: {  	_ =	shalt  }
0x84: {  	_ =	shalt  }
0x85: {  	_ =	shalt  }
0x86: {  	_ =	shalt  }
0x87: {  	_ =	shalt  }
.Lfunc_end0:
.L_simem_size_0:
called_computation_lowered:
.L_overlay_start_0:
0x88: {  	s2 =	sld [smem:$0x3FD9]  }
0x89: {  	s3 =	sld [smem:$0x3FFE];
	_ =	sdelay $0x1  }
0x8a: {  	s1 =	srdreg.scid  }
0x8b: {  	s0 =	sand.u32 $0x1, s1  }
0x8c: {  	s17 =	sshll.u32 s0, $0xA;
	s2 =	sadd.s32 s3, s2  }
0x8d: {  	s2 =	sadd.s32 s2, s17  }
0x8e: {  	[smem:$0x3FB9] =	sst s2  }
0x8f: {  	_ = 	snop  }
0x90: {  	(tm) =	ssettm $0x1  }
0x91: {  	s18 =	sld [smem:$0x3FFB];
	_ =	sdelay $0x3  }
0x92: {  	_ =	strace s18  }
0x93: {  	s2 =	sld [smem:$0x3FFC];
	_ =	sdelay $0x3  }
0x94: {  	_ =	strace s2  }
0x95: {  	s2 =	sld [smem:$0x3FFD];
	_ =	sdelay $0x3  }
0x96: {  	_ =	strace s2  }
0x97: {  	_ =	strace $0x8FFFFFFF  }
0x98: {  	s19 =	sld [smem:$0x3FDB];
	_ =	sdelay $0x1  }
0x99: {  	s20 =	simm.s32 $_scs_section_size  }
0x9a: {  	s4 =	simm.s32 $_size__tile_overlayer_lowered;
	s5 =	simm.s32 $_tile_overlayer_lowered  }
0x9b: {  	s6 =	simm.s32 $0x1BFF;
	s21 =	sshll.u32 s5, $0x1;
	s3 =	sadd.s32 s20, s19  }
0x9c: {  	s22 =	simm.s32 $0x0;
	s4 =	sshll.u32 s4, $0x1;
	s5 =	sadd.s32 s21, s3  }
0x9d: {  	[timem:s22], [sflag:s6] =	dma.local [hbm:s5], s4  }
0x9e: {  	_ =	swait.ge [sflag:s6], s4  }
0x9f: {  	s4 =	ssub.s32 $0x0, s4;
	[sflag:s6] =	ssyncset.done $0x0  }
0xa0: {  	[sflag:s6] =	ssyncadd.s32 s4;
	_ =	sdelay $0x1  }
0xa1: {  	s23 =	simm.s32 $0x1B8B  }
0xa2: {  	_ =	swait.ge [sflag:s23], $0x1  }
0xa3: {  	[sflag:s23] =	ssyncset.done $0x0  }
0xa4: {  	[sflag:s23] =	ssyncadd.s32 $0xFFFFFFFF  }
0xa5: {  	s4 =	sld [smem:$0x0]  }
0xa6: {  	s5 =	sand.u32 $0xFFFFFFFE, s1  }
0xa7: {  	p0 =	sne.s32 s1, s5  }
0xa8: {  	s5 =	sshll.u32 @p0 s5, $0xE  }
0xa9: {  	s5 =	sadd.s32 @p0 $0x11B8D, s5;
	s6 =	sshll.u32 @p0 s4, $0x11  }
0xaa: {  	s5 =	sor.u32 @p0 s6, s5  }
0xab: {  	[sflag:s5] =	ssyncadd.remote.s32 @p0 $0x1;
	_ =	sdelay $0x1  }
0xac: {  	s5 =	simm.s32 @p0 $0x1B8D  }
0xad: {  	_ =	swait.eq @p0 [sflag:s5], $0x1  }
0xae: {  	[sflag:s5] =	ssyncadd.s32 @p0 $0xFFFFFFFF  }
0xaf: {  	s6 =	sshll.u32 @!p0 s1, $0xE  }
0xb0: {  	s6 =	sor.u32 @!p0 $0x4000, s6;
	s5 =	simm.s32 @!p0 $0x1B8D  }
0xb1: {  	s4 =	sshll.u32 @!p0 s4, $0x11;
	s6 =	sadd.s32 @!p0 $0x11B8D, s6;
	_ =	swait.eq @!p0 [sflag:s5], $0x1  }
0xb2: {  	s4 =	sor.u32 @!p0 s4, s6;
	[sflag:s5] =	ssyncadd.s32 @!p0 $0xFFFFFFFF  }
0xb3: {  	s25 =	simm.s32 $0x1B8E;
	s24 =	sld [smem:$0x3FFE];
	[sflag:s4] =	ssyncadd.remote.s32 @!p0 $0x1  }
0xb4: {  	s26 =	simm.s32 $execute0_lowered;
	[smem:$0x3FD2] =	sst s25  }
0xb5: {  	s5 =	sshll.u32 s26, $0x1;
	_ =	strace $0x80000049;
	[dreg:$0x1] =	wrdreg $0xFFFFFFFF  }
0xb6: {  	s28 =	simm.s32 $_size_execute0_lowered;
	s3 =	sadd.s32 s3, s5;
	[dreg:$0x0] =	wrdreg $0x0  }
0xb7: {  	s5 =	sshll.u32 s28, $0x1;
	[dreg:$0x2] =	wrdreg s3  }
0xb8: {  	[dreg:$0x3] =	wrdreg s5  }
0xb9: {  	[dreg:$0x4] =	wrdreg $0xC0  }
0xba: {  	_ =	task [dreg:s22], $0x5FFFF  }
0xbb: {  	[dreg:$0x1] =	wrdreg $0xFFFFFFFF  }
0xbc: {  	[dreg:$0x0] =	wrdreg $0x60  }
0xbd: {  	[dreg:$0x2] =	wrdreg s24  }
0xbe: {  	[dreg:$0x3] =	wrdreg $0x68000  }
0xbf: {  	[dreg:$0x4] =	wrdreg $0x9  }
0xc0: {  	_ =	task.clear_ibuf [dreg:s22], $0x5FFFF;
	_ =	strace $0x90000049  }
0xc1: {  	s29 =	simm.s32 $0x9;
	_ =	strace $0x8000004B  }
0xc2: {  	_ =	swait.ge [sflag:s29], $0x1  }
0xc3: {  	[sflag:s29] =	ssyncadd.s32 $0xFFFFFFFF  }
0xc4: {  	_ =	strace $0x9000004B  }
0xc5: {  	_ =	sfence  }
0xc6: {  	s30 =	sld [smem:$0x0];
	_ =	sdelay $0x2  }
0xc7: {  	s31 =	sshll.u32 s1, $0xD;
	s1 =	sshrl.u32 s1, $0x2  }
0xc8: {  	s4 =	sand.u32 $0x4000, s31;
	s1 =	sadd.s32 s1, s30  }
0xc9: {  	s0 =	sor.u32 s4, s0;
	s1 =	sshll.u32 s1, $0x11  }
0xca: {  	s0 =	sor.u32 s1, s0  }
0xcb: {  	s0 =	sadd.s32 $0x8F2B, s0  }
0xcc: {  	[sflag:s0] =	ssyncadd.remote.s32 $0x1  }
0xcd: {  	_ =	sfence.sel $0xFFFF  }
0xce: {  	[dreg:$0x0] =	wrdreg $0xFFFFFFFF;
	(pc) =	sbr.abs _section_cstart, $3  }
0xcf: {  	[dreg:$0x1] =	wrdreg $0xFFFFFFFF  }
0xd0: {  	_ =	task.clear_ibuf [dreg:s22], $0x2FFFF;
	_ =	strace $0x9FFFFFFF  }
0xd1: {  	(tm) =	ssettm $0x7FFFFFFF  }
tec
execute0_lowered:
.L_overlay_start_1:
0x0: {  	(tag) =	ssettag $0x1  }
0x1: {  	s1 =	srdreg.scid  }
0x2: {  	s0 =	stileid.u32;
	s7 =	rddreg [dreg:$0x0]  }
0x3: {  	s2 =	rddreg [dreg:$0x1];
	s3 =	simm.s32 $0x0;
	s13 =	simm.s32 $0x60  }
0x4: {  	s14 =	simm.s32 $0x0;
	s6 =	sand.u32 $0x1, s1;
	s9 =	smul.u32 $0x13C00, s0  }
0x5: {  	s28 =	sshll.u32 s0, $0x1;
	[smem:$0x7FF] =	sst s3;
	s29 =	smul.u32 $0x4F000, s0  }
0x6: {  	s4 =	sadd.s32 $0x63400, s7;
	s1 =	sor.u32 s6, s28;
	s8 =	smul.u32 $0x13C000, s6  }
0x7: {  	s31 =	sshll.u32 s0, $0x6;
	s6 =	ssub.s32 $0x2, s6;
	s5 =	smul.u32 $0x700, s1  }
0x8: {  	s1 =	rddreg [dreg:$0x2];
	_ =	strace $0x8000004A;
	s30 =	sshrl.u32 s6, $0x1  }
0x9: {  	s8 =	sadd.s32 s9, s8;
	s9 =	sshrl.u32 s29, $0x2;
	s11 =	ssub.s32 s6, s30  }
0xa: {  	s6 =	sor.u32 $0x1C01, s31;
	s10 =	sadd.s32 s5, s7;
	s5 =	sadd.s32 $0x11C00, s7  }
0xb: {  	s8 =	sshrl.u32 s8, $0x3;
	s12 =	sadd.s32 s9, s2;
	s9 =	smax.u32 s11, $0x1  }
0xc: {  	s11 =	simm.s32 $0x1;
	s8 =	sadd.s32 s8, s7;
	s7 =	sadd.s32 $0x3C00, s10  }
0xd: {  	s10 =	sshrl.u32 s12, $0x3;
	s12 =	simm.s32 $0x3000;
	s8 =	sadd.s32 $0x63A00, s8  }
.LBB2_1:
0xe: {  	[spmem:s10], [sflag:s6] =	dma.local [hbm:s5], $0x2780  }
0xf: {  	_ =	swait.ge [sflag:s11], $0x2780  }
0x10: {  	[sflag:s11] =	ssyncset.done $0x0  }
0x11: {  	[sflag:s11] =	ssyncadd.s32 $0xFFFFD880  }
0x12: {  	[tilespmem:s3], [sflag:$0x1] =	stream.linear.gather [hbm4b:s4+s3], $0x3000, $0x38;
	[tilespmem:$0x1A400] =	vst v63  }
0x13: {  	_ =	swait.ge [sflag:s11], $0x3000  }
0x14: {  	[sflag:s11] =	ssyncset.done $0x0  }
0x15: {  	[sflag:s11] =	ssyncadd.s32 $0xFFFFD000  }
0x16: {  	[tilespmem:s12], [sflag:$0x1] =	stream.linear.gather [hbm4b:s7+s3], $0x3800, $0x38;
	[tilespmem:$0x1A400] =	vst v63  }
0x17: {  	_ =	swait.ge [sflag:s11], $0x3800  }
0x18: {  	[sflag:s11] =	ssyncset.done $0x0  }
0x19: {  	[sflag:s11] =	ssyncadd.s32 $0xFFFFC800  }
0x1a: {  	s15 =	simm.s32 $0x3000;
	[bflag:$0x0] =	sbarrier.arrive $0xFFFF  }
0x1b: {  	[spmem:s2] =	stream.indirect.scatter.add.f32 [tilespmem:s3], [sflag:$0x1], $0x80, s15, s13, $0xb8;
	[tilespmem:$0x1A400] =	vst v63  }
0x1c: {  	s15 =	simm.s32 $0x200;
	_ =	swait.ge [sflag:s11], $0x3000  }
.LBB2_2:
0x1d: {  	s16 =	sshra.s32 s15, $0x2;
	[sflag:s11] =	ssyncset.done $0x0;
	p0 =	sne.s32 s15, $0xDE00  }
.Ltmp0:
0x1e: {  	s16 =	sadd.s32 $0x3000, s16;
	[sflag:s11] =	ssyncadd.s32 $0xFFFFD000;
	(pc) =	sbr.rel @p0 .LBB2_2-.Ltmp0, $3  }
0x1f: {  	[spmem:s2] =	stream.indirect.scatter.add.f32 [tilespmem:s3], [sflag:$0x1], $0x80, s16, s13, $0xb8;
	[tilespmem:$0x1A400] =	vst v63  }
0x20: {  	s15 =	sadd.s32 $0x200, s15;
	_ =	sdelay $0x1  }
0x21: {  	_ =	swait.ge [sflag:s11], $0x3000  }
0x22: {  	[sflag:s11] =	ssyncset.done $0x0;
	s14 =	sadd.s32 $0x1, s14  }
0x23: {  	[sflag:s11] =	ssyncadd.s32 $0xFFFFD000;
	p0 =	sne.s32 s14, s9  }
.Ltmp1:
0x24: {  	[bflag:$0x0] =	sbarrier.arrive $0xFFFF;
	(pc) =	sbr.rel @p0 .LBB2_1-.Ltmp1, $4  }
0x25: {  	[hbm:s8], [sflag:s6] =	dma.local [spmem:s10], $0x2780  }
0x26: {  	_ =	swait.ge [sflag:s11], $0x2780  }
0x27: {  	[sflag:s11] =	ssyncset.done $0x0  }
0x28: {  	[sflag:s11] =	ssyncadd.s32 $0xFFFFD880  }
0x29: {  	_ =	sfence.sel $0x180000  }
0x2a: {  	[bflag:$0x0] =	sbarrier.arrive $0xFFFF  }
0x2b: {  	p0 =	sne.s32 s0, $0x0;
	_ =	strace $0x9000004A  }
0x2c: {  	s0 =	sadd.s32 @!p0 $0x100000, s1;
	[bflag:$0x2] =	sbarrier.arrive $0xFFFF  }
0x2d: {  	[sflag:s0] =	ssyncadd.tile.s32 @!p0 $0x1;
	_ =	shalt  }
.Lfunc_end2:
_tile_overlayer_lowered:
.L_overlay_start_2:
0x2e: {  	(tag) =	ssettag $0x2  }
0x2f: {  	s0 =	rddreg [dreg:$0x0];
	s2 =	stileid.u32  }
0x30: {  	s1 =	rddreg [dreg:$0x1];
	p0 =	sne.s32 s2, $0x0  }
0x31: {  	s3 =	rddreg [dreg:$0x2];
	[bflag:$0x3] =	sbarrier.arrive $0xFFFF;
	s2 =	simm.s32 @!p0 $0x1C01  }
0x32: {  	[timem:s3], [sflag:s2] =	dma.local @!p0 [hbm:s0], s1  }
0x33: {  	s0 =	simm.s32 @!p0 $0x1  }
0x34: {  	_ =	swait.ge @!p0 [sflag:s0], s1  }
0x35: {  	s1 =	ssub.s32 @!p0 $0x0, s1;
	[sflag:s0] =	ssyncset.done @!p0 $0x0  }
0x36: {  	[sflag:s0] =	ssyncadd.s32 @!p0 s1  }
0x37: {  	[bflag:$0x3] =	sbarrier.arrive $0xFFFF  }
0x38: {  	_ =	shalt  }

</sc_bundles>
